<compile_context>
chip_gen: v7x
topology: tpu7x:2x2x1
jax: 0.10.2.dev20260603
libtpu: 0.0.44.dev20260713+nightly
codegen_flags: <defaults>
</compile_context>

<pallas_src>
import functools

import jax
import jax.numpy as jnp
from jax import lax
from jax.experimental import pallas as pl
from jax.experimental.pallas import tpu as pltpu
from jax.experimental.pallas import tpu_sc as plsc

N, P2, W2, CK, TOPK = 8, 49, 64, 192, 8
ROWS = N * P2 * TOPK
NW = 32
RPW = ROWS // NW
PAD = 128
LANES = 16
NBUF = 7
LOOK = NBUF - 2


def _sc_body(idx_hbm, w_hbm, k_hbm, out_hbm, idx_v, w_v, *scratch):
  bufs = scratch[:NBUF]
  gsems = scratch[NBUF:2 * NBUF]
  ssems = scratch[2 * NBUF:3 * NBUF]

  wid = lax.axis_index("s") * 2 + lax.axis_index("c")
  base = wid * RPW
  boff = (wid // 4) * P2

  pltpu.sync_copy(idx_hbm.at[pl.ds(wid, 1)], idx_v)
  pltpu.sync_copy(w_hbm.at[pl.ds(wid, 1)], w_v)

  def row_of(c):
    return idx_v[0, pl.ds(c, LANES)][0] + boff

  def start_gather(c, p):
    pltpu.make_async_copy(
        k_hbm.at[pl.ds(row_of(c), 1)], bufs[p], gsems[p]).start()

  def wait_gather(c, p):
    pltpu.make_async_copy(
        k_hbm.at[pl.ds(row_of(c), 1)], bufs[p], gsems[p]).wait()

  def start_scatter(c, p):
    pltpu.make_async_copy(
        bufs[p], out_hbm.at[pl.ds(base + c, 1)], ssems[p]).start()

  def wait_scatter(c, p):
    pltpu.make_async_copy(
        bufs[p], out_hbm.at[pl.ds(base + c, 1)], ssems[p]).wait()

  def do_mult(c, p):
    wvec = jnp.full((LANES,), w_v[0, pl.ds(c, LANES)][0], jnp.float32)
    buf = bufs[p]

    def mb(r, carry):
      for t in range(CK // LANES):
        sl = pl.ds(t * LANES, LANES)
        buf[0, r, sl] = buf[0, r, sl] * wvec
      return carry

    lax.fori_loop(0, W2, mb, 0)

  for c in range(LOOK):
    start_gather(c, c % NBUF)

  M = (RPW - LOOK) // NBUF

  def outer(o, carry):
    for par in range(NBUF):
      c = o * NBUF + par
      p = par
      q = (par + LOOK) % NBUF
      wait_gather(c, p)
      do_mult(c, p)
      start_scatter(c, p)

      @pl.when(c >= NBUF - LOOK)
      def _():
        wait_scatter(c - (NBUF - LOOK), q)

      start_gather(c + LOOK, q)
    return carry

  lax.fori_loop(0, M, outer, 0)

  for c in range(M * NBUF, RPW):
    p = c % NBUF
    wait_gather(c, p)
    do_mult(c, p)
    start_scatter(c, p)
    nxt = c + LOOK
    if nxt < RPW:
      q = nxt % NBUF
      wait_scatter(nxt - NBUF, q)
      start_gather(nxt, q)

  for c in range(RPW - NBUF, RPW):
    wait_scatter(c, c % NBUF)


_mesh = plsc.VectorSubcoreMesh(core_axis_name="c", subcore_axis_name="s")

_sc_call = functools.partial(
    pl.kernel,
    out_type=jax.ShapeDtypeStruct((ROWS, W2, CK), jnp.float32),
    mesh=_mesh,
    scratch_types=[
        pltpu.VMEM((1, PAD), jnp.int32),
        pltpu.VMEM((1, PAD), jnp.float32),
    ] + [pltpu.VMEM((1, W2, CK), jnp.float32)] * NBUF
      + [pltpu.SemaphoreType.DMA] * (2 * NBUF),
    compiler_params=pltpu.CompilerParams(use_tc_tiling_on_sc=True),
)(_sc_body)


def kernel(r_idx, r_weight, k):
  n, p2, w2, c_k = k.shape
  topk = r_idx.shape[-1]
  table = k.reshape(n * p2, w2, c_k)
  idx = jnp.pad(r_idx.reshape(NW, RPW), ((0, 0), (0, PAD - RPW)))
  wgt = jnp.pad(r_weight.reshape(NW, RPW), ((0, 0), (0, PAD - RPW)))
  out = _sc_call(idx, wgt, table)
  return out.reshape(n, p2, topk, w2, c_k)

# --- scband reference (transcript-rebuilt; emitter-appended) ---
"""Pipeline reference for scband-kgather-4088808866303 (READ-ONLY COPY).

The authoritative reference and input builder live on the scoring server;
editing this copy changes nothing except your own understanding.
"""

import jax, jax.numpy as jnp
import numpy as np


def setup_inputs(seed: int = 0) -> dict:
    key = jax.random.key(seed)
    k1, k2, k3 = jax.random.split(key, 3)
    n, p2, w2, c_k, topk = 8, 49, 64, 192, 8
    r_idx = jax.random.randint(k1, (n, p2, topk), 0, p2, dtype=jnp.int32)
    r_weight = jax.random.uniform(k2, (n, p2, topk), dtype=jnp.float32)
    k = jax.random.normal(k3, (n, p2, w2, c_k), dtype=jnp.float32)
    return {"r_idx": r_idx, "r_weight": r_weight, "k": k}


def reference(r_idx, r_weight, k):
    # k: (n, p2, w2, c_k); r_idx, r_weight: (n, p2, topk)
    # torch.gather over region axis: topk_k[b, i, j, w, c] = k[b, r_idx[b, i, j], w, c]
    n, p2, w2, c_k = k.shape
    bidx = jnp.arange(n)[:, None, None]            # (n, 1, 1)
    topk_k = k[bidx, r_idx]                         # (n, p2, topk, w2, c_k)
    # mul_weight == 'soft'
    topk_k = r_weight[:, :, :, None, None] * topk_k
    return topk_k

if __name__ == "__main__":
    import jax
    _d = setup_inputs()
    print(jax.jit(kernel)(*tuple(_d.values())))

</pallas_src>

<mosaic_0001>
#map = affine_map<(d0, d1) -> (0, 0)>
#map1 = affine_map<(d0, d1) -> (0, 0, 0)>
module attributes {stable_mosaic.version = 14 : i64} {
  func.func @_sc_body(%arg0: i32, %arg1: i32, %arg2: memref<32x128xi32, #tpu.memory_space<hbm>>, %arg3: memref<32x128xf32, #tpu.memory_space<hbm>>, %arg4: memref<392x64x192xf32, #tpu.memory_space<hbm>>, %arg5: memref<3136x64x192xf32, #tpu.memory_space<hbm>>, %arg6: memref<1x128xi32, #tpu.memory_space<vmem>>, %arg7: memref<1x128xf32, #tpu.memory_space<vmem>>, %arg8: memref<1x64x192xf32, #tpu.memory_space<vmem>>, %arg9: memref<1x64x192xf32, #tpu.memory_space<vmem>>, %arg10: memref<1x64x192xf32, #tpu.memory_space<vmem>>, %arg11: memref<1x64x192xf32, #tpu.memory_space<vmem>>, %arg12: memref<1x64x192xf32, #tpu.memory_space<vmem>>, %arg13: memref<1x64x192xf32, #tpu.memory_space<vmem>>, %arg14: memref<1x64x192xf32, #tpu.memory_space<vmem>>, %arg15: memref<!tpu.dma_semaphore, #tpu.memory_space<semaphore_mem>>, %arg16: memref<!tpu.dma_semaphore, #tpu.memory_space<semaphore_mem>>, %arg17: memref<!tpu.dma_semaphore, #tpu.memory_space<semaphore_mem>>, %arg18: memref<!tpu.dma_semaphore, #tpu.memory_space<semaphore_mem>>, %arg19: memref<!tpu.dma_semaphore, #tpu.memory_space<semaphore_mem>>, %arg20: memref<!tpu.dma_semaphore, #tpu.memory_space<semaphore_mem>>, %arg21: memref<!tpu.dma_semaphore, #tpu.memory_space<semaphore_mem>>, %arg22: memref<!tpu.dma_semaphore, #tpu.memory_space<semaphore_mem>>, %arg23: memref<!tpu.dma_semaphore, #tpu.memory_space<semaphore_mem>>, %arg24: memref<!tpu.dma_semaphore, #tpu.memory_space<semaphore_mem>>, %arg25: memref<!tpu.dma_semaphore, #tpu.memory_space<semaphore_mem>>, %arg26: memref<!tpu.dma_semaphore, #tpu.memory_space<semaphore_mem>>, %arg27: memref<!tpu.dma_semaphore, #tpu.memory_space<semaphore_mem>>, %arg28: memref<!tpu.dma_semaphore, #tpu.memory_space<semaphore_mem>>) attributes {dimension_semantics = [#tpu.dimension_semantics<core_parallel>, #tpu.dimension_semantics<subcore_parallel>], iteration_bounds = array<i64: 2, 16>, scalar_prefetch = 0 : i64, scratch_operands = 23 : i64, tpu.core_type = #tpu.core_type<sc_vector_subcore>, window_params = [{transform_indices = #map}, {transform_indices = #map}, {transform_indices = #map1}, {transform_indices = #map1}]} {
    %mul3A = arith.constant 2 : i32
    %mul3A_0 = arith.muli %arg1, %mul3A : i32
    %add3A = arith.addi %mul3A_0, %arg0 : i32
    %mul3A_1 = arith.constant 98 : i32
    %mul3A_2 = arith.muli %add3A, %mul3A_1 : i32
    %jit3A = arith.constant 4 : i32
    %div3A = arith.divsi %add3A, %jit3A : i32
    %sign3A = arith.constant 0 : i32
    %sign3A_3 = arith.cmpi sgt, %add3A, %sign3A : i32
    %sign3A_4 = arith.extui %sign3A_3 : i1 to i32
    %sign3A_5 = arith.constant 0 : i32
    %sign3A_6 = arith.cmpi slt, %add3A, %sign3A_5 : i32
    %sign3A_7 = arith.extui %sign3A_6 : i1 to i32
    %sign3A_8 = arith.subi %sign3A_4, %sign3A_7 : i32
    %sign3A_9 = arith.constant 0 : i32
    %sign3A_10 = arith.cmpi sgt, %jit3A, %sign3A_9 : i32
    %sign3A_11 = arith.extui %sign3A_10 : i1 to i32
    %sign3A_12 = arith.constant 0 : i32
    %sign3A_13 = arith.cmpi slt, %jit3A, %sign3A_12 : i32
    %sign3A_14 = arith.extui %sign3A_13 : i1 to i32
    %sign3A_15 = arith.subi %sign3A_11, %sign3A_14 : i32
    %ne3A = arith.cmpi ne, %sign3A_8, %sign3A_15 : i32
    %rem3A = arith.remsi %add3A, %jit3A : i32
    %ne3A_16 = arith.constant 0 : i32
    %ne3A_17 = arith.cmpi ne, %rem3A, %ne3A_16 : i32
    %and3A = arith.andi %ne3A, %ne3A_17 : i1
    %sub3A = arith.constant 1 : i32
    %sub3A_18 = arith.subi %div3A, %sub3A : i32
    %select_n3A = arith.select %and3A, %sub3A_18, %div3A : i32
    %mul3A_19 = arith.constant 49 : i32
    %mul3A_20 = arith.muli %select_n3A, %mul3A_19 : i32
    "tpu.region"() ({
      %run_scoped3A = tpu.sem_alloc : memref<!tpu.dma_semaphore, #tpu.memory_space<semaphore_mem>>
      %dma_start3A_442 = arith.constant 0 : i32
      %dma_start3A_443 = tpu.memref_slice %arg2[%add3A, %dma_start3A_442] : memref<32x128xi32, #tpu.memory_space<hbm>> -> memref<1x128xi32, #tpu.memory_space<hbm>>
      %dma_start3A_444 = arith.constant 0 : i32
      %dma_start3A_445 = tpu.memref_slice %arg2[%add3A, %dma_start3A_444] : memref<32x128xi32, #tpu.memory_space<hbm>> -> memref<1x128xi32, #tpu.memory_space<hbm>>
      tpu.enqueue_dma source(%dma_start3A_445 : memref<1x128xi32, #tpu.memory_space<hbm>>) target(%arg6 : memref<1x128xi32, #tpu.memory_space<vmem>>) target_semaphore(%run_scoped3A : memref<!tpu.dma_semaphore, #tpu.memory_space<semaphore_mem>>)
      %dma_wait3A_446 = arith.constant 0 : i32
      %dma_wait3A_447 = tpu.memref_slice %arg2[%add3A, %dma_wait3A_446] : memref<32x128xi32, #tpu.memory_space<hbm>> -> memref<1x128xi32, #tpu.memory_space<hbm>>
      %dma_wait3A_448 = arith.constant 0 : i32
      %dma_wait3A_449 = tpu.memref_slice %arg2[%add3A, %dma_wait3A_448] : memref<32x128xi32, #tpu.memory_space<hbm>> -> memref<1x128xi32, #tpu.memory_space<hbm>>
      tpu.wait_dma2 semaphore(%run_scoped3A : memref<!tpu.dma_semaphore, #tpu.memory_space<semaphore_mem>>) src(%dma_wait3A_449 : memref<1x128xi32, #tpu.memory_space<hbm>>) dst(%arg6 : memref<1x128xi32, #tpu.memory_space<vmem>>)
      tpu.yield
    }) : () -> ()
    "tpu.region"() ({
      %run_scoped3A = tpu.sem_alloc : memref<!tpu.dma_semaphore, #tpu.memory_space<semaphore_mem>>
      %dma_start3A_442 = arith.constant 0 : i32
      %dma_start3A_443 = tpu.memref_slice %arg3[%add3A, %dma_start3A_442] : memref<32x128xf32, #tpu.memory_space<hbm>> -> memref<1x128xf32, #tpu.memory_space<hbm>>
      %dma_start3A_444 = arith.constant 0 : i32
      %dma_start3A_445 = tpu.memref_slice %arg3[%add3A, %dma_start3A_444] : memref<32x128xf32, #tpu.memory_space<hbm>> -> memref<1x128xf32, #tpu.memory_space<hbm>>
      tpu.enqueue_dma source(%dma_start3A_445 : memref<1x128xf32, #tpu.memory_space<hbm>>) target(%arg7 : memref<1x128xf32, #tpu.memory_space<vmem>>) target_semaphore(%run_scoped3A : memref<!tpu.dma_semaphore, #tpu.memory_space<semaphore_mem>>)
      %dma_wait3A_446 = arith.constant 0 : i32
      %dma_wait3A_447 = tpu.memref_slice %arg3[%add3A, %dma_wait3A_446] : memref<32x128xf32, #tpu.memory_space<hbm>> -> memref<1x128xf32, #tpu.memory_space<hbm>>
      %dma_wait3A_448 = arith.constant 0 : i32
      %dma_wait3A_449 = tpu.memref_slice %arg3[%add3A, %dma_wait3A_448] : memref<32x128xf32, #tpu.memory_space<hbm>> -> memref<1x128xf32, #tpu.memory_space<hbm>>
      tpu.wait_dma2 semaphore(%run_scoped3A : memref<!tpu.dma_semaphore, #tpu.memory_space<semaphore_mem>>) src(%dma_wait3A_449 : memref<1x128xf32, #tpu.memory_space<hbm>>) dst(%arg7 : memref<1x128xf32, #tpu.memory_space<vmem>>)
      tpu.yield
    }) : () -> ()
    %get3A = arith.constant 0 : i32
    %get3A_21 = arith.index_cast %get3A : i32 to index
    %get3A_22 = arith.constant 0 : index
    %get3A_23 = tpu.vector_load %arg6[%get3A_21, %get3A_22] {strides = array<i32>} : memref<1x128xi32, #tpu.memory_space<vmem>>, vector<1x16xi32>,
    %get3A_24 = vector.shape_cast %get3A_23 : vector<1x16xi32> to vector<16xi32>
    %slice3A = vector.extract_strided_slice %get3A_24 {offsets = [0], sizes = [1], strides = [1]} : vector<16xi32> to vector<1xi32>
    %squeeze3A = vector.extract %slice3A[0] : i32 from vector<1xi32>
    %add3A_25 = arith.addi %squeeze3A, %mul3A_20 : i32
    %dma_start3A = arith.constant 0 : i32
    %dma_start3A_26 = arith.constant 0 : i32
    %dma_start3A_27 = tpu.memref_slice %arg4[%add3A_25, %dma_start3A, %dma_start3A_26] : memref<392x64x192xf32, #tpu.memory_space<hbm>> -> memref<1x64x192xf32, #tpu.memory_space<hbm>>
    %dma_start3A_28 = arith.constant 0 : i32
    %dma_start3A_29 = arith.constant 0 : i32
    %dma_start3A_30 = tpu.memref_slice %arg4[%add3A_25, %dma_start3A_28, %dma_start3A_29] : memref<392x64x192xf32, #tpu.memory_space<hbm>> -> memref<1x64x192xf32, #tpu.memory_space<hbm>>
    tpu.enqueue_dma source(%dma_start3A_30 : memref<1x64x192xf32, #tpu.memory_space<hbm>>) target(%arg8 : memref<1x64x192xf32, #tpu.memory_space<vmem>>) target_semaphore(%arg15 : memref<!tpu.dma_semaphore, #tpu.memory_space<semaphore_mem>>)
    %get3A_31 = arith.constant 0 : i32
    %get3A_32 = arith.index_cast %get3A_31 : i32 to index
    %get3A_33 = arith.constant 1 : index
    %get3A_34 = tpu.vector_load %arg6[%get3A_32, %get3A_33] {strides = array<i32>} : memref<1x128xi32, #tpu.memory_space<vmem>>, vector<1x16xi32>,
    %get3A_35 = vector.shape_cast %get3A_34 : vector<1x16xi32> to vector<16xi32>
    %slice3A_36 = vector.extract_strided_slice %get3A_35 {offsets = [0], sizes = [1], strides = [1]} : vector<16xi32> to vector<1xi32>
    %squeeze3A_37 = vector.extract %slice3A_36[0] : i32 from vector<1xi32>
    %add3A_38 = arith.addi %squeeze3A_37, %mul3A_20 : i32
    %dma_start3A_39 = arith.constant 0 : i32
    %dma_start3A_40 = arith.constant 0 : i32
    %dma_start3A_41 = tpu.memref_slice %arg4[%add3A_38, %dma_start3A_39, %dma_start3A_40] : memref<392x64x192xf32, #tpu.memory_space<hbm>> -> memref<1x64x192xf32, #tpu.memory_space<hbm>>
    %dma_start3A_42 = arith.constant 0 : i32
    %dma_start3A_43 = arith.constant 0 : i32
    %dma_start3A_44 = tpu.memref_slice %arg4[%add3A_38, %dma_start3A_42, %dma_start3A_43] : memref<392x64x192xf32, #tpu.memory_space<hbm>> -> memref<1x64x192xf32, #tpu.memory_space<hbm>>
    tpu.enqueue_dma source(%dma_start3A_44 : memref<1x64x192xf32, #tpu.memory_space<hbm>>) target(%arg9 : memref<1x64x192xf32, #tpu.memory_space<vmem>>) target_semaphore(%arg16 : memref<!tpu.dma_semaphore, #tpu.memory_space<semaphore_mem>>)
    %get3A_45 = arith.constant 0 : i32
    %get3A_46 = arith.index_cast %get3A_45 : i32 to index
    %get3A_47 = arith.constant 2 : index
    %get3A_48 = tpu.vector_load %arg6[%get3A_46, %get3A_47] {strides = array<i32>} : memref<1x128xi32, #tpu.memory_space<vmem>>, vector<1x16xi32>,
    %get3A_49 = vector.shape_cast %get3A_48 : vector<1x16xi32> to vector<16xi32>
    %slice3A_50 = vector.extract_strided_slice %get3A_49 {offsets = [0], sizes = [1], strides = [1]} : vector<16xi32> to vector<1xi32>
    %squeeze3A_51 = vector.extract %slice3A_50[0] : i32 from vector<1xi32>
    %add3A_52 = arith.addi %squeeze3A_51, %mul3A_20 : i32
    %dma_start3A_53 = arith.constant 0 : i32
    %dma_start3A_54 = arith.constant 0 : i32
    %dma_start3A_55 = tpu.memref_slice %arg4[%add3A_52, %dma_start3A_53, %dma_start3A_54] : memref<392x64x192xf32, #tpu.memory_space<hbm>> -> memref<1x64x192xf32, #tpu.memory_space<hbm>>
    %dma_start3A_56 = arith.constant 0 : i32
    %dma_start3A_57 = arith.constant 0 : i32
    %dma_start3A_58 = tpu.memref_slice %arg4[%add3A_52, %dma_start3A_56, %dma_start3A_57] : memref<392x64x192xf32, #tpu.memory_space<hbm>> -> memref<1x64x192xf32, #tpu.memory_space<hbm>>
    tpu.enqueue_dma source(%dma_start3A_58 : memref<1x64x192xf32, #tpu.memory_space<hbm>>) target(%arg10 : memref<1x64x192xf32, #tpu.memory_space<vmem>>) target_semaphore(%arg17 : memref<!tpu.dma_semaphore, #tpu.memory_space<semaphore_mem>>)
    %get3A_59 = arith.constant 0 : i32
    %get3A_60 = arith.index_cast %get3A_59 : i32 to index
    %get3A_61 = arith.constant 3 : index
    %get3A_62 = tpu.vector_load %arg6[%get3A_60, %get3A_61] {strides = array<i32>} : memref<1x128xi32, #tpu.memory_space<vmem>>, vector<1x16xi32>,
    %get3A_63 = vector.shape_cast %get3A_62 : vector<1x16xi32> to vector<16xi32>
    %slice3A_64 = vector.extract_strided_slice %get3A_63 {offsets = [0], sizes = [1], strides = [1]} : vector<16xi32> to vector<1xi32>
    %squeeze3A_65 = vector.extract %slice3A_64[0] : i32 from vector<1xi32>
    %add3A_66 = arith.addi %squeeze3A_65, %mul3A_20 : i32
    %dma_start3A_67 = arith.constant 0 : i32
    %dma_start3A_68 = arith.constant 0 : i32
    %dma_start3A_69 = tpu.memref_slice %arg4[%add3A_66, %dma_start3A_67, %dma_start3A_68] : memref<392x64x192xf32, #tpu.memory_space<hbm>> -> memref<1x64x192xf32, #tpu.memory_space<hbm>>
    %dma_start3A_70 = arith.constant 0 : i32
    %dma_start3A_71 = arith.constant 0 : i32
    %dma_start3A_72 = tpu.memref_slice %arg4[%add3A_66, %dma_start3A_70, %dma_start3A_71] : memref<392x64x192xf32, #tpu.memory_space<hbm>> -> memref<1x64x192xf32, #tpu.memory_space<hbm>>
    tpu.enqueue_dma source(%dma_start3A_72 : memref<1x64x192xf32, #tpu.memory_space<hbm>>) target(%arg11 : memref<1x64x192xf32, #tpu.memory_space<vmem>>) target_semaphore(%arg18 : memref<!tpu.dma_semaphore, #tpu.memory_space<semaphore_mem>>)
    %get3A_73 = arith.constant 0 : i32
    %get3A_74 = arith.index_cast %get3A_73 : i32 to index
    %get3A_75 = arith.constant 4 : index
    %get3A_76 = tpu.vector_load %arg6[%get3A_74, %get3A_75] {strides = array<i32>} : memref<1x128xi32, #tpu.memory_space<vmem>>, vector<1x16xi32>,
    %get3A_77 = vector.shape_cast %get3A_76 : vector<1x16xi32> to vector<16xi32>
    %slice3A_78 = vector.extract_strided_slice %get3A_77 {offsets = [0], sizes = [1], strides = [1]} : vector<16xi32> to vector<1xi32>
    %squeeze3A_79 = vector.extract %slice3A_78[0] : i32 from vector<1xi32>
    %add3A_80 = arith.addi %squeeze3A_79, %mul3A_20 : i32
    %dma_start3A_81 = arith.constant 0 : i32
    %dma_start3A_82 = arith.constant 0 : i32
    %dma_start3A_83 = tpu.memref_slice %arg4[%add3A_80, %dma_start3A_81, %dma_start3A_82] : memref<392x64x192xf32, #tpu.memory_space<hbm>> -> memref<1x64x192xf32, #tpu.memory_space<hbm>>
    %dma_start3A_84 = arith.constant 0 : i32
    %dma_start3A_85 = arith.constant 0 : i32
    %dma_start3A_86 = tpu.memref_slice %arg4[%add3A_80, %dma_start3A_84, %dma_start3A_85] : memref<392x64x192xf32, #tpu.memory_space<hbm>> -> memref<1x64x192xf32, #tpu.memory_space<hbm>>
    tpu.enqueue_dma source(%dma_start3A_86 : memref<1x64x192xf32, #tpu.memory_space<hbm>>) target(%arg12 : memref<1x64x192xf32, #tpu.memory_space<vmem>>) target_semaphore(%arg19 : memref<!tpu.dma_semaphore, #tpu.memory_space<semaphore_mem>>)
    %scan3A = arith.constant 0 : i32
    %scan3A_87 = arith.constant 0 : i32
    %scan3A_88 = arith.constant 13 : i32
    %scan3A_89 = arith.addi %scan3A_87, %scan3A_88 : i32
    %scan3A_90 = arith.constant 1 : i32
    scf.for %scan3A_442 = %scan3A_87 to %scan3A_89 step %scan3A_90  : i32 {
      %mul3A_443 = arith.constant 7 : i32
      %mul3A_444 = arith.muli %scan3A_442, %mul3A_443 : i32
      %add3A_445 = arith.constant 0 : i32
      %add3A_446 = arith.addi %mul3A_444, %add3A_445 : i32
      %get3A_447 = arith.constant 0 : i32
      %get3A_448 = arith.index_cast %get3A_447 : i32 to index
      %get3A_449 = arith.index_cast %add3A_446 : i32 to index
      %get3A_450 = tpu.vector_load %arg6[%get3A_448, %get3A_449] {strides = array<i32>} : memref<1x128xi32, #tpu.memory_space<vmem>>, vector<1x16xi32>,
      %get3A_451 = vector.shape_cast %get3A_450 : vector<1x16xi32> to vector<16xi32>
      %slice3A_452 = vector.extract_strided_slice %get3A_451 {offsets = [0], sizes = [1], strides = [1]} : vector<16xi32> to vector<1xi32>
      %squeeze3A_453 = vector.extract %slice3A_452[0] : i32 from vector<1xi32>
      %add3A_454 = arith.addi %squeeze3A_453, %mul3A_20 : i32
      %dma_wait3A_455 = arith.constant 0 : i32
      %dma_wait3A_456 = arith.constant 0 : i32
      %dma_wait3A_457 = tpu.memref_slice %arg4[%add3A_454, %dma_wait3A_455, %dma_wait3A_456] : memref<392x64x192xf32, #tpu.memory_space<hbm>> -> memref<1x64x192xf32, #tpu.memory_space<hbm>>
      %dma_wait3A_458 = arith.constant 0 : i32
      %dma_wait3A_459 = arith.constant 0 : i32
      %dma_wait3A_460 = tpu.memref_slice %arg4[%add3A_454, %dma_wait3A_458, %dma_wait3A_459] : memref<392x64x192xf32, #tpu.memory_space<hbm>> -> memref<1x64x192xf32, #tpu.memory_space<hbm>>
      tpu.wait_dma2 semaphore(%arg15 : memref<!tpu.dma_semaphore, #tpu.memory_space<semaphore_mem>>) src(%dma_wait3A_460 : memref<1x64x192xf32, #tpu.memory_space<hbm>>) dst(%arg8 : memref<1x64x192xf32, #tpu.memory_space<vmem>>)
      %get3A_461 = arith.constant 0 : i32
      %get3A_462 = arith.index_cast %get3A_461 : i32 to index
      %get3A_463 = arith.index_cast %add3A_446 : i32 to index
      %get3A_464 = tpu.vector_load %arg7[%get3A_462, %get3A_463] {strides = array<i32>} : memref<1x128xf32, #tpu.memory_space<vmem>>, vector<1x16xf32>,
      %get3A_465 = vector.shape_cast %get3A_464 : vector<1x16xf32> to vector<16xf32>
      %slice3A_466 = vector.extract_strided_slice %get3A_465 {offsets = [0], sizes = [1], strides = [1]} : vector<16xf32> to vector<1xf32>
      %squeeze3A_467 = vector.extract %slice3A_466[0] : f32 from vector<1xf32>
      %broadcast_in_dim3A_468 = vector.broadcast %squeeze3A_467 : f32 to vector<16xf32>
      %scan3A_469 = arith.constant 0 : i32
      %scan3A_470 = arith.constant 0 : i32
      %scan3A_471 = arith.constant 64 : i32
      %scan3A_472 = arith.addi %scan3A_470, %scan3A_471 : i32
      %scan3A_473 = arith.constant 1 : i32
      scf.for %scan3A_860 = %scan3A_470 to %scan3A_472 step %scan3A_473  : i32 {
        %get3A_861 = arith.constant 0 : i32
        %get3A_862 = arith.index_cast %get3A_861 : i32 to index
        %get3A_863 = arith.index_cast %scan3A_860 : i32 to index
        %get3A_864 = arith.constant 0 : index
        %get3A_865 = tpu.vector_load %arg8[%get3A_862, %get3A_863, %get3A_864] {strides = array<i32>} : memref<1x64x192xf32, #tpu.memory_space<vmem>>, vector<1x1x16xf32>,
        %get3A_866 = vector.shape_cast %get3A_865 : vector<1x1x16xf32> to vector<16xf32>
        %mul3A_867 = arith.mulf %get3A_866, %broadcast_in_dim3A_468 : vector<16xf32>
        %swap3A = arith.constant 0 : i32
        %swap3A_868 = arith.index_cast %swap3A : i32 to index
        %swap3A_869 = arith.index_cast %scan3A_860 : i32 to index
        %swap3A_870 = arith.constant 0 : index
        %swap3A_871 = tpu.vector_load %arg8[%swap3A_868, %swap3A_869, %swap3A_870] {strides = array<i32>} : memref<1x64x192xf32, #tpu.memory_space<vmem>>, vector<1x1x16xf32>,
        %swap3A_872 = vector.shape_cast %swap3A_871 : vector<1x1x16xf32> to vector<16xf32>
        %swap3A_873 = vector.shape_cast %mul3A_867 : vector<16xf32> to vector<1x1x16xf32>
        tpu.vector_store %arg8[%swap3A_868, %swap3A_869, %swap3A_870], %swap3A_873 {strides = array<i32>} : memref<1x64x192xf32, #tpu.memory_space<vmem>>, vector<1x1x16xf32>,
        %get3A_874 = arith.constant 0 : i32
        %get3A_875 = arith.index_cast %get3A_874 : i32 to index
        %get3A_876 = arith.index_cast %scan3A_860 : i32 to index
        %get3A_877 = arith.constant 16 : index
        %get3A_878 = tpu.vector_load %arg8[%get3A_875, %get3A_876, %get3A_877] {strides = array<i32>} : memref<1x64x192xf32, #tpu.memory_space<vmem>>, vector<1x1x16xf32>,
        %get3A_879 = vector.shape_cast %get3A_878 : vector<1x1x16xf32> to vector<16xf32>
        %mul3A_880 = arith.mulf %get3A_879, %broadcast_in_dim3A_468 : vector<16xf32>
        %swap3A_881 = arith.constant 0 : i32
        %swap3A_882 = arith.index_cast %swap3A_881 : i32 to index
        %swap3A_883 = arith.index_cast %scan3A_860 : i32 to index
        %swap3A_884 = arith.constant 16 : index
        %swap3A_885 = tpu.vector_load %arg8[%swap3A_882, %swap3A_883, %swap3A_884] {strides = array<i32>} : memref<1x64x192xf32, #tpu.memory_space<vmem>>, vector<1x1x16xf32>,
        %swap3A_886 = vector.shape_cast %swap3A_885 : vector<1x1x16xf32> to vector<16xf32>
        %swap3A_887 = vector.shape_cast %mul3A_880 : vector<16xf32> to vector<1x1x16xf32>
        tpu.vector_store %arg8[%swap3A_882, %swap3A_883, %swap3A_884], %swap3A_887 {strides = array<i32>} : memref<1x64x192xf32, #tpu.memory_space<vmem>>, vector<1x1x16xf32>,
        %get3A_888 = arith.constant 0 : i32
        %get3A_889 = arith.index_cast %get3A_888 : i32 to index
        %get3A_890 = arith.index_cast %scan3A_860 : i32 to index
        %get3A_891 = arith.constant 32 : index
        %get3A_892 = tpu.vector_load %arg8[%get3A_889, %get3A_890, %get3A_891] {strides = array<i32>} : memref<1x64x192xf32, #tpu.memory_space<vmem>>, vector<1x1x16xf32>,
        %get3A_893 = vector.shape_cast %get3A_892 : vector<1x1x16xf32> to vector<16xf32>
        %mul3A_894 = arith.mulf %get3A_893, %broadcast_in_dim3A_468 : vector<16xf32>
        %swap3A_895 = arith.constant 0 : i32
        %swap3A_896 = arith.index_cast %swap3A_895 : i32 to index
        %swap3A_897 = arith.index_cast %scan3A_860 : i32 to index
        %swap3A_898 = arith.constant 32 : index
        %swap3A_899 = tpu.vector_load %arg8[%swap3A_896, %swap3A_897, %swap3A_898] {strides = array<i32>} : memref<1x64x192xf32, #tpu.memory_space<vmem>>, vector<1x1x16xf32>,
        %swap3A_900 = vector.shape_cast %swap3A_899 : vector<1x1x16xf32> to vector<16xf32>
        %swap3A_901 = vector.shape_cast %mul3A_894 : vector<16xf32> to vector<1x1x16xf32>
        tpu.vector_store %arg8[%swap3A_896, %swap3A_897, %swap3A_898], %swap3A_901 {strides = array<i32>} : memref<1x64x192xf32, #tpu.memory_space<vmem>>, vector<1x1x16xf32>,
        %get3A_902 = arith.constant 0 : i32
        %get3A_903 = arith.index_cast %get3A_902 : i32 to index
        %get3A_904 = arith.index_cast %scan3A_860 : i32 to index
        %get3A_905 = arith.constant 48 : index
        %get3A_906 = tpu.vector_load %arg8[%get3A_903, %get3A_904, %get3A_905] {strides = array<i32>} : memref<1x64x192xf32, #tpu.memory_space<vmem>>, vector<1x1x16xf32>,
        %get3A_907 = vector.shape_cast %get3A_906 : vector<1x1x16xf32> to vector<16xf32>
        %mul3A_908 = arith.mulf %get3A_907, %broadcast_in_dim3A_468 : vector<16xf32>
        %swap3A_909 = arith.constant 0 : i32
        %swap3A_910 = arith.index_cast %swap3A_909 : i32 to index
        %swap3A_911 = arith.index_cast %scan3A_860 : i32 to index
        %swap3A_912 = arith.constant 48 : index
        %swap3A_913 = tpu.vector_load %arg8[%swap3A_910, %swap3A_911, %swap3A_912] {strides = array<i32>} : memref<1x64x192xf32, #tpu.memory_space<vmem>>, vector<1x1x16xf32>,
        %swap3A_914 = vector.shape_cast %swap3A_913 : vector<1x1x16xf32> to vector<16xf32>
        %swap3A_915 = vector.shape_cast %mul3A_908 : vector<16xf32> to vector<1x1x16xf32>
        tpu.vector_store %arg8[%swap3A_910, %swap3A_911, %swap3A_912], %swap3A_915 {strides = array<i32>} : memref<1x64x192xf32, #tpu.memory_space<vmem>>, vector<1x1x16xf32>,
        %get3A_916 = arith.constant 0 : i32
        %get3A_917 = arith.index_cast %get3A_916 : i32 to index
        %get3A_918 = arith.index_cast %scan3A_860 : i32 to index
        %get3A_919 = arith.constant 64 : index
        %get3A_920 = tpu.vector_load %arg8[%get3A_917, %get3A_918, %get3A_919] {strides = array<i32>} : memref<1x64x192xf32, #tpu.memory_space<vmem>>, vector<1x1x16xf32>,
        %get3A_921 = vector.shape_cast %get3A_920 : vector<1x1x16xf32> to vector<16xf32>
        %mul3A_922 = arith.mulf %get3A_921, %broadcast_in_dim3A_468 : vector<16xf32>
        %swap3A_923 = arith.constant 0 : i32
        %swap3A_924 = arith.index_cast %swap3A_923 : i32 to index
        %swap3A_925 = arith.index_cast %scan3A_860 : i32 to index
        %swap3A_926 = arith.constant 64 : index
        %swap3A_927 = tpu.vector_load %arg8[%swap3A_924, %swap3A_925, %swap3A_926] {strides = array<i32>} : memref<1x64x192xf32, #tpu.memory_space<vmem>>, vector<1x1x16xf32>,
        %swap3A_928 = vector.shape_cast %swap3A_927 : vector<1x1x16xf32> to vector<16xf32>
        %swap3A_929 = vector.shape_cast %mul3A_922 : vector<16xf32> to vector<1x1x16xf32>
        tpu.vector_store %arg8[%swap3A_924, %swap3A_925, %swap3A_926], %swap3A_929 {strides = array<i32>} : memref<1x64x192xf32, #tpu.memory_space<vmem>>, vector<1x1x16xf32>,
        %get3A_930 = arith.constant 0 : i32
        %get3A_931 = arith.index_cast %get3A_930 : i32 to index
        %get3A_932 = arith.index_cast %scan3A_860 : i32 to index
        %get3A_933 = arith.constant 80 : index
        %get3A_934 = tpu.vector_load %arg8[%get3A_931, %get3A_932, %get3A_933] {strides = array<i32>} : memref<1x64x192xf32, #tpu.memory_space<vmem>>, vector<1x1x16xf32>,
        %get3A_935 = vector.shape_cast %get3A_934 : vector<1x1x16xf32> to vector<16xf32>
        %mul3A_936 = arith.mulf %get3A_935, %broadcast_in_dim3A_468 : vector<16xf32>
        %swap3A_937 = arith.constant 0 : i32
        %swap3A_938 = arith.index_cast %swap3A_937 : i32 to index
        %swap3A_939 = arith.index_cast %scan3A_860 : i32 to index
        %swap3A_940 = arith.constant 80 : index
        %swap3A_941 = tpu.vector_load %arg8[%swap3A_938, %swap3A_939, %swap3A_940] {strides = array<i32>} : memref<1x64x192xf32, #tpu.memory_space<vmem>>, vector<1x1x16xf32>,
        %swap3A_942 = vector.shape_cast %swap3A_941 : vector<1x1x16xf32> to vector<16xf32>
        %swap3A_943 = vector.shape_cast %mul3A_936 : vector<16xf32> to vector<1x1x16xf32>
        tpu.vector_store %arg8[%swap3A_938, %swap3A_939, %swap3A_940], %swap3A_943 {strides = array<i32>} : memref<1x64x192xf32, #tpu.memory_space<vmem>>, vector<1x1x16xf32>,
        %get3A_944 = arith.constant 0 : i32
        %get3A_945 = arith.index_cast %get3A_944 : i32 to index
        %get3A_946 = arith.index_cast %scan3A_860 : i32 to index
        %get3A_947 = arith.constant 96 : index
        %get3A_948 = tpu.vector_load %arg8[%get3A_945, %get3A_946, %get3A_947] {strides = array<i32>} : memref<1x64x192xf32, #tpu.memory_space<vmem>>, vector<1x1x16xf32>,
        %get3A_949 = vector.shape_cast %get3A_948 : vector<1x1x16xf32> to vector<16xf32>
        %mul3A_950 = arith.mulf %get3A_949, %broadcast_in_dim3A_468 : vector<16xf32>
        %swap3A_951 = arith.constant 0 : i32
        %swap3A_952 = arith.index_cast %swap3A_951 : i32 to index
        %swap3A_953 = arith.index_cast %scan3A_860 : i32 to index
        %swap3A_954 = arith.constant 96 : index
        %swap3A_955 = tpu.vector_load %arg8[%swap3A_952, %swap3A_953, %swap3A_954] {strides = array<i32>} : memref<1x64x192xf32, #tpu.memory_space<vmem>>, vector<1x1x16xf32>,
        %swap3A_956 = vector.shape_cast %swap3A_955 : vector<1x1x16xf32> to vector<16xf32>
        %swap3A_957 = vector.shape_cast %mul3A_950 : vector<16xf32> to vector<1x1x16xf32>
        tpu.vector_store %arg8[%swap3A_952, %swap3A_953, %swap3A_954], %swap3A_957 {strides = array<i32>} : memref<1x64x192xf32, #tpu.memory_space<vmem>>, vector<1x1x16xf32>,
        %get3A_958 = arith.constant 0 : i32
        %get3A_959 = arith.index_cast %get3A_958 : i32 to index
        %get3A_960 = arith.index_cast %scan3A_860 : i32 to index
        %get3A_961 = arith.constant 112 : index
        %get3A_962 = tpu.vector_load %arg8[%get3A_959, %get3A_960, %get3A_961] {strides = array<i32>} : memref<1x64x192xf32, #tpu.memory_space<vmem>>, vector<1x1x16xf32>,
        %get3A_963 = vector.shape_cast %get3A_962 : vector<1x1x16xf32> to vector<16xf32>
        %mul3A_964 = arith.mulf %get3A_963, %broadcast_in_dim3A_468 : vector<16xf32>
        %swap3A_965 = arith.constant 0 : i32
        %swap3A_966 = arith.index_cast %swap3A_965 : i32 to index
        %swap3A_967 = arith.index_cast %scan3A_860 : i32 to index
        %swap3A_968 = arith.constant 112 : index
        %swap3A_969 = tpu.vector_load %arg8[%swap3A_966, %swap3A_967, %swap3A_968] {strides = array<i32>} : memref<1x64x192xf32, #tpu.memory_space<vmem>>, vector<1x1x16xf32>,
        %swap3A_970 = vector.shape_cast %swap3A_969 : vector<1x1x16xf32> to vector<16xf32>
        %swap3A_971 = vector.shape_cast %mul3A_964 : vector<16xf32> to vector<1x1x16xf32>
        tpu.vector_store %arg8[%swap3A_966, %swap3A_967, %swap3A_968], %swap3A_971 {strides = array<i32>} : memref<1x64x192xf32, #tpu.memory_space<vmem>>, vector<1x1x16xf32>,
        %get3A_972 = arith.constant 0 : i32
        %get3A_973 = arith.index_cast %get3A_972 : i32 to index
        %get3A_974 = arith.index_cast %scan3A_860 : i32 to index
        %get3A_975 = arith.constant 128 : index
        %get3A_976 = tpu.vector_load %arg8[%get3A_973, %get3A_974, %get3A_975] {strides = array<i32>} : memref<1x64x192xf32, #tpu.memory_space<vmem>>, vector<1x1x16xf32>,
        %get3A_977 = vector.shape_cast %get3A_976 : vector<1x1x16xf32> to vector<16xf32>
        %mul3A_978 = arith.mulf %get3A_977, %broadcast_in_dim3A_468 : vector<16xf32>
        %swap3A_979 = arith.constant 0 : i32
        %swap3A_980 = arith.index_cast %swap3A_979 : i32 to index
        %swap3A_981 = arith.index_cast %scan3A_860 : i32 to index
        %swap3A_982 = arith.constant 128 : index
        %swap3A_983 = tpu.vector_load %arg8[%swap3A_980, %swap3A_981, %swap3A_982] {strides = array<i32>} : memref<1x64x192xf32, #tpu.memory_space<vmem>>, vector<1x1x16xf32>,
        %swap3A_984 = vector.shape_cast %swap3A_983 : vector<1x1x16xf32> to vector<16xf32>
        %swap3A_985 = vector.shape_cast %mul3A_978 : vector<16xf32> to vector<1x1x16xf32>
        tpu.vector_store %arg8[%swap3A_980, %swap3A_981, %swap3A_982], %swap3A_985 {strides = array<i32>} : memref<1x64x192xf32, #tpu.memory_space<vmem>>, vector<1x1x16xf32>,
        %get3A_986 = arith.constant 0 : i32
        %get3A_987 = arith.index_cast %get3A_986 : i32 to index
        %get3A_988 = arith.index_cast %scan3A_860 : i32 to index
        %get3A_989 = arith.constant 144 : index
        %get3A_990 = tpu.vector_load %arg8[%get3A_987, %get3A_988, %get3A_989] {strides = array<i32>} : memref<1x64x192xf32, #tpu.memory_space<vmem>>, vector<1x1x16xf32>,
        %get3A_991 = vector.shape_cast %get3A_990 : vector<1x1x16xf32> to vector<16xf32>
        %mul3A_992 = arith.mulf %get3A_991, %broadcast_in_dim3A_468 : vector<16xf32>
        %swap3A_993 = arith.constant 0 : i32
        %swap3A_994 = arith.index_cast %swap3A_993 : i32 to index
        %swap3A_995 = arith.index_cast %scan3A_860 : i32 to index
        %swap3A_996 = arith.constant 144 : index
        %swap3A_997 = tpu.vector_load %arg8[%swap3A_994, %swap3A_995, %swap3A_996] {strides = array<i32>} : memref<1x64x192xf32, #tpu.memory_space<vmem>>, vector<1x1x16xf32>,
        %swap3A_998 = vector.shape_cast %swap3A_997 : vector<1x1x16xf32> to vector<16xf32>
        %swap3A_999 = vector.shape_cast %mul3A_992 : vector<16xf32> to vector<1x1x16xf32>
        tpu.vector_store %arg8[%swap3A_994, %swap3A_995, %swap3A_996], %swap3A_999 {strides = array<i32>} : memref<1x64x192xf32, #tpu.memory_space<vmem>>, vector<1x1x16xf32>,
        %get3A_1000 = arith.constant 0 : i32
        %get3A_1001 = arith.index_cast %get3A_1000 : i32 to index
        %get3A_1002 = arith.index_cast %scan3A_860 : i32 to index
        %get3A_1003 = arith.constant 160 : index
        %get3A_1004 = tpu.vector_load %arg8[%get3A_1001, %get3A_1002, %get3A_1003] {strides = array<i32>} : memref<1x64x192xf32, #tpu.memory_space<vmem>>, vector<1x1x16xf32>,
        %get3A_1005 = vector.shape_cast %get3A_1004 : vector<1x1x16xf32> to vector<16xf32>
        %mul3A_1006 = arith.mulf %get3A_1005, %broadcast_in_dim3A_468 : vector<16xf32>
        %swap3A_1007 = arith.constant 0 : i32
        %swap3A_1008 = arith.index_cast %swap3A_1007 : i32 to index
        %swap3A_1009 = arith.index_cast %scan3A_860 : i32 to index
        %swap3A_1010 = arith.constant 160 : index
        %swap3A_1011 = tpu.vector_load %arg8[%swap3A_1008, %swap3A_1009, %swap3A_1010] {strides = array<i32>} : memref<1x64x192xf32, #tpu.memory_space<vmem>>, vector<1x1x16xf32>,
        %swap3A_1012 = vector.shape_cast %swap3A_1011 : vector<1x1x16xf32> to vector<16xf32>
        %swap3A_1013 = vector.shape_cast %mul3A_1006 : vector<16xf32> to vector<1x1x16xf32>
        tpu.vector_store %arg8[%swap3A_1008, %swap3A_1009, %swap3A_1010], %swap3A_1013 {strides = array<i32>} : memref<1x64x192xf32, #tpu.memory_space<vmem>>, vector<1x1x16xf32>,
        %get3A_1014 = arith.constant 0 : i32
        %get3A_1015 = arith.index_cast %get3A_1014 : i32 to index
        %get3A_1016 = arith.index_cast %scan3A_860 : i32 to index
        %get3A_1017 = arith.constant 176 : index
        %get3A_1018 = tpu.vector_load %arg8[%get3A_1015, %get3A_1016, %get3A_1017] {strides = array<i32>} : memref<1x64x192xf32, #tpu.memory_space<vmem>>, vector<1x1x16xf32>,
        %get3A_1019 = vector.shape_cast %get3A_1018 : vector<1x1x16xf32> to vector<16xf32>
        %mul3A_1020 = arith.mulf %get3A_1019, %broadcast_in_dim3A_468 : vector<16xf32>
        %swap3A_1021 = arith.constant 0 : i32
        %swap3A_1022 = arith.index_cast %swap3A_1021 : i32 to index
        %swap3A_1023 = arith.index_cast %scan3A_860 : i32 to index
        %swap3A_1024 = arith.constant 176 : index
        %swap3A_1025 = tpu.vector_load %arg8[%swap3A_1022, %swap3A_1023, %swap3A_1024] {strides = array<i32>} : memref<1x64x192xf32, #tpu.memory_space<vmem>>, vector<1x1x16xf32>,
        %swap3A_1026 = vector.shape_cast %swap3A_1025 : vector<1x1x16xf32> to vector<16xf32>
        %swap3A_1027 = vector.shape_cast %mul3A_1020 : vector<16xf32> to vector<1x1x16xf32>
        tpu.vector_store %arg8[%swap3A_1022, %swap3A_1023, %swap3A_1024], %swap3A_1027 {strides = array<i32>} : memref<1x64x192xf32, #tpu.memory_space<vmem>>, vector<1x1x16xf32>,
      }
      %scan3A_474 = arith.constant 64 : i32
      %add3A_475 = arith.addi %mul3A_2, %add3A_446 : i32
      %dma_start3A_476 = arith.constant 0 : i32
      %dma_start3A_477 = arith.constant 0 : i32
      %dma_start3A_478 = tpu.memref_slice %arg5[%add3A_475, %dma_start3A_476, %dma_start3A_477] : memref<3136x64x192xf32, #tpu.memory_space<hbm>> -> memref<1x64x192xf32, #tpu.memory_space<hbm>>
      %dma_start3A_479 = arith.constant 0 : i32
      %dma_start3A_480 = arith.constant 0 : i32
      %dma_start3A_481 = tpu.memref_slice %arg5[%add3A_475, %dma_start3A_479, %dma_start3A_480] : memref<3136x64x192xf32, #tpu.memory_space<hbm>> -> memref<1x64x192xf32, #tpu.memory_space<hbm>>
      tpu.enqueue_dma source(%arg8 : memref<1x64x192xf32, #tpu.memory_space<vmem>>) target(%dma_start3A_481 : memref<1x64x192xf32, #tpu.memory_space<hbm>>) target_semaphore(%arg22 : memref<!tpu.dma_semaphore, #tpu.memory_space<semaphore_mem>>)
      %ge3A = arith.constant 2 : i32
      %ge3A_482 = arith.cmpi sge, %add3A_446, %ge3A : i32
      %convert_element_type3A = arith.extui %ge3A_482 : i1 to i32
      %cond3A = arith.constant 0 : i32
      %cond3A_483 = arith.cmpi ne, %convert_element_type3A, %cond3A : i32
      scf.if %cond3A_483 {
        %sub3A_860 = arith.constant 2 : i32
        %sub3A_861 = arith.subi %add3A_446, %sub3A_860 : i32
        %add3A_862 = arith.addi %mul3A_2, %sub3A_861 : i32
        %dma_wait3A_863 = arith.constant 0 : i32
        %dma_wait3A_864 = arith.constant 0 : i32
        %dma_wait3A_865 = tpu.memref_slice %arg5[%add3A_862, %dma_wait3A_863, %dma_wait3A_864] : memref<3136x64x192xf32, #tpu.memory_space<hbm>> -> memref<1x64x192xf32, #tpu.memory_space<hbm>>
        %dma_wait3A_866 = arith.constant 0 : i32
        %dma_wait3A_867 = arith.constant 0 : i32
        %dma_wait3A_868 = tpu.memref_slice %arg5[%add3A_862, %dma_wait3A_866, %dma_wait3A_867] : memref<3136x64x192xf32, #tpu.memory_space<hbm>> -> memref<1x64x192xf32, #tpu.memory_space<hbm>>
        tpu.wait_dma2 semaphore(%arg27 : memref<!tpu.dma_semaphore, #tpu.memory_space<semaphore_mem>>) src(%arg13 : memref<1x64x192xf32, #tpu.memory_space<vmem>>) dst(%dma_wait3A_868 : memref<1x64x192xf32, #tpu.memory_space<hbm>>)
      } else {
      }
      %add3A_484 = arith.constant 5 : i32
      %add3A_485 = arith.addi %add3A_446, %add3A_484 : i32
      %get3A_486 = arith.constant 0 : i32
      %get3A_487 = arith.index_cast %get3A_486 : i32 to index
      %get3A_488 = arith.index_cast %add3A_485 : i32 to index
      %get3A_489 = tpu.vector_load %arg6[%get3A_487, %get3A_488] {strides = array<i32>} : memref<1x128xi32, #tpu.memory_space<vmem>>, vector<1x16xi32>,
      %get3A_490 = vector.shape_cast %get3A_489 : vector<1x16xi32> to vector<16xi32>
      %slice3A_491 = vector.extract_strided_slice %get3A_490 {offsets = [0], sizes = [1], strides = [1]} : vector<16xi32> to vector<1xi32>
      %squeeze3A_492 = vector.extract %slice3A_491[0] : i32 from vector<1xi32>
      %add3A_493 = arith.addi %squeeze3A_492, %mul3A_20 : i32
      %dma_start3A_494 = arith.constant 0 : i32
      %dma_start3A_495 = arith.constant 0 : i32
      %dma_start3A_496 = tpu.memref_slice %arg4[%add3A_493, %dma_start3A_494, %dma_start3A_495] : memref<392x64x192xf32, #tpu.memory_space<hbm>> -> memref<1x64x192xf32, #tpu.memory_space<hbm>>
      %dma_start3A_497 = arith.constant 0 : i32
      %dma_start3A_498 = arith.constant 0 : i32
      %dma_start3A_499 = tpu.memref_slice %arg4[%add3A_493, %dma_start3A_497, %dma_start3A_498] : memref<392x64x192xf32, #tpu.memory_space<hbm>> -> memref<1x64x192xf32, #tpu.memory_space<hbm>>
      tpu.enqueue_dma source(%dma_start3A_499 : memref<1x64x192xf32, #tpu.memory_space<hbm>>) target(%arg13 : memref<1x64x192xf32, #tpu.memory_space<vmem>>) target_semaphore(%arg20 : memref<!tpu.dma_semaphore, #tpu.memory_space<semaphore_mem>>)
      %mul3A_500 = arith.constant 7 : i32
      %mul3A_501 = arith.muli %scan3A_442, %mul3A_500 : i32
      %add3A_502 = arith.constant 1 : i32
      %add3A_503 = arith.addi %mul3A_501, %add3A_502 : i32
      %get3A_504 = arith.constant 0 : i32
      %get3A_505 = arith.index_cast %get3A_504 : i32 to index
      %get3A_506 = arith.index_cast %add3A_503 : i32 to index
      %get3A_507 = tpu.vector_load %arg6[%get3A_505, %get3A_506] {strides = array<i32>} : memref<1x128xi32, #tpu.memory_space<vmem>>, vector<1x16xi32>,
      %get3A_508 = vector.shape_cast %get3A_507 : vector<1x16xi32> to vector<16xi32>
      %slice3A_509 = vector.extract_strided_slice %get3A_508 {offsets = [0], sizes = [1], strides = [1]} : vector<16xi32> to vector<1xi32>
      %squeeze3A_510 = vector.extract %slice3A_509[0] : i32 from vector<1xi32>
      %add3A_511 = arith.addi %squeeze3A_510, %mul3A_20 : i32
      %dma_wait3A_512 = arith.constant 0 : i32
      %dma_wait3A_513 = arith.constant 0 : i32
      %dma_wait3A_514 = tpu.memref_slice %arg4[%add3A_511, %dma_wait3A_512, %dma_wait3A_513] : memref<392x64x192xf32, #tpu.memory_space<hbm>> -> memref<1x64x192xf32, #tpu.memory_space<hbm>>
      %dma_wait3A_515 = arith.constant 0 : i32
      %dma_wait3A_516 = arith.constant 0 : i32
      %dma_wait3A_517 = tpu.memref_slice %arg4[%add3A_511, %dma_wait3A_515, %dma_wait3A_516] : memref<392x64x192xf32, #tpu.memory_space<hbm>> -> memref<1x64x192xf32, #tpu.memory_space<hbm>>
      tpu.wait_dma2 semaphore(%arg16 : memref<!tpu.dma_semaphore, #tpu.memory_space<semaphore_mem>>) src(%dma_wait3A_517 : memref<1x64x192xf32, #tpu.memory_space<hbm>>) dst(%arg9 : memref<1x64x192xf32, #tpu.memory_space<vmem>>)
      %get3A_518 = arith.constant 0 : i32
      %get3A_519 = arith.index_cast %get3A_518 : i32 to index
      %get3A_520 = arith.index_cast %add3A_503 : i32 to index
      %get3A_521 = tpu.vector_load %arg7[%get3A_519, %get3A_520] {strides = array<i32>} : memref<1x128xf32, #tpu.memory_space<vmem>>, vector<1x16xf32>,
      %get3A_522 = vector.shape_cast %get3A_521 : vector<1x16xf32> to vector<16xf32>
      %slice3A_523 = vector.extract_strided_slice %get3A_522 {offsets = [0], sizes = [1], strides = [1]} : vector<16xf32> to vector<1xf32>
      %squeeze3A_524 = vector.extract %slice3A_523[0] : f32 from vector<1xf32>
      %broadcast_in_dim3A_525 = vector.broadcast %squeeze3A_524 : f32 to vector<16xf32>
      %scan3A_526 = arith.constant 0 : i32
      %scan3A_527 = arith.constant 0 : i32
      %scan3A_528 = arith.constant 64 : i32
      %scan3A_529 = arith.addi %scan3A_527, %scan3A_528 : i32
      %scan3A_530 = arith.constant 1 : i32
      scf.for %scan3A_860 = %scan3A_527 to %scan3A_529 step %scan3A_530  : i32 {
        %get3A_861 = arith.constant 0 : i32
        %get3A_862 = arith.index_cast %get3A_861 : i32 to index
        %get3A_863 = arith.index_cast %scan3A_860 : i32 to index
        %get3A_864 = arith.constant 0 : index
        %get3A_865 = tpu.vector_load %arg9[%get3A_862, %get3A_863, %get3A_864] {strides = array<i32>} : memref<1x64x192xf32, #tpu.memory_space<vmem>>, vector<1x1x16xf32>,
        %get3A_866 = vector.shape_cast %get3A_865 : vector<1x1x16xf32> to vector<16xf32>
        %mul3A_867 = arith.mulf %get3A_866, %broadcast_in_dim3A_525 : vector<16xf32>
        %swap3A = arith.constant 0 : i32
        %swap3A_868 = arith.index_cast %swap3A : i32 to index
        %swap3A_869 = arith.index_cast %scan3A_860 : i32 to index
        %swap3A_870 = arith.constant 0 : index
        %swap3A_871 = tpu.vector_load %arg9[%swap3A_868, %swap3A_869, %swap3A_870] {strides = array<i32>} : memref<1x64x192xf32, #tpu.memory_space<vmem>>, vector<1x1x16xf32>,
        %swap3A_872 = vector.shape_cast %swap3A_871 : vector<1x1x16xf32> to vector<16xf32>
        %swap3A_873 = vector.shape_cast %mul3A_867 : vector<16xf32> to vector<1x1x16xf32>
        tpu.vector_store %arg9[%swap3A_868, %swap3A_869, %swap3A_870], %swap3A_873 {strides = array<i32>} : memref<1x64x192xf32, #tpu.memory_space<vmem>>, vector<1x1x16xf32>,
        %get3A_874 = arith.constant 0 : i32
        %get3A_875 = arith.index_cast %get3A_874 : i32 to index
        %get3A_876 = arith.index_cast %scan3A_860 : i32 to index
        %get3A_877 = arith.constant 16 : index
        %get3A_878 = tpu.vector_load %arg9[%get3A_875, %get3A_876, %get3A_877] {strides = array<i32>} : memref<1x64x192xf32, #tpu.memory_space<vmem>>, vector<1x1x16xf32>,
        %get3A_879 = vector.shape_cast %get3A_878 : vector<1x1x16xf32> to vector<16xf32>
        %mul3A_880 = arith.mulf %get3A_879, %broadcast_in_dim3A_525 : vector<16xf32>
        %swap3A_881 = arith.constant 0 : i32
        %swap3A_882 = arith.index_cast %swap3A_881 : i32 to index
        %swap3A_883 = arith.index_cast %scan3A_860 : i32 to index
        %swap3A_884 = arith.constant 16 : index
        %swap3A_885 = tpu.vector_load %arg9[%swap3A_882, %swap3A_883, %swap3A_884] {strides = array<i32>} : memref<1x64x192xf32, #tpu.memory_space<vmem>>, vector<1x1x16xf32>,
        %swap3A_886 = vector.shape_cast %swap3A_885 : vector<1x1x16xf32> to vector<16xf32>
        %swap3A_887 = vector.shape_cast %mul3A_880 : vector<16xf32> to vector<1x1x16xf32>
        tpu.vector_store %arg9[%swap3A_882, %swap3A_883, %swap3A_884], %swap3A_887 {strides = array<i32>} : memref<1x64x192xf32, #tpu.memory_space<vmem>>, vector<1x1x16xf32>,
        %get3A_888 = arith.constant 0 : i32
        %get3A_889 = arith.index_cast %get3A_888 : i32 to index
        %get3A_890 = arith.index_cast %scan3A_860 : i32 to index
        %get3A_891 = arith.constant 32 : index
        %get3A_892 = tpu.vector_load %arg9[%get3A_889, %get3A_890, %get3A_891] {strides = array<i32>} : memref<1x64x192xf32, #tpu.memory_space<vmem>>, vector<1x1x16xf32>,
        %get3A_893 = vector.shape_cast %get3A_892 : vector<1x1x16xf32> to vector<16xf32>
        %mul3A_894 = arith.mulf %get3A_893, %broadcast_in_dim3A_525 : vector<16xf32>
        %swap3A_895 = arith.constant 0 : i32
        %swap3A_896 = arith.index_cast %swap3A_895 : i32 to index
        %swap3A_897 = arith.index_cast %scan3A_860 : i32 to index
        %swap3A_898 = arith.constant 32 : index
        %swap3A_899 = tpu.vector_load %arg9[%swap3A_896, %swap3A_897, %swap3A_898] {strides = array<i32>} : memref<1x64x192xf32, #tpu.memory_space<vmem>>, vector<1x1x16xf32>,
        %swap3A_900 = vector.shape_cast %swap3A_899 : vector<1x1x16xf32> to vector<16xf32>
        %swap3A_901 = vector.shape_cast %mul3A_894 : vector<16xf32> to vector<1x1x16xf32>
        tpu.vector_store %arg9[%swap3A_896, %swap3A_897, %swap3A_898], %swap3A_901 {strides = array<i32>} : memref<1x64x192xf32, #tpu.memory_space<vmem>>, vector<1x1x16xf32>,
        %get3A_902 = arith.constant 0 : i32
        %get3A_903 = arith.index_cast %get3A_902 : i32 to index
        %get3A_904 = arith.index_cast %scan3A_860 : i32 to index
        %get3A_905 = arith.constant 48 : index
        %get3A_906 = tpu.vector_load %arg9[%get3A_903, %get3A_904, %get3A_905] {strides = array<i32>} : memref<1x64x192xf32, #tpu.memory_space<vmem>>, vector<1x1x16xf32>,
        %get3A_907 = vector.shape_cast %get3A_906 : vector<1x1x16xf32> to vector<16xf32>
        %mul3A_908 = arith.mulf %get3A_907, %broadcast_in_dim3A_525 : vector<16xf32>
        %swap3A_909 = arith.constant 0 : i32
        %swap3A_910 = arith.index_cast %swap3A_909 : i32 to index
        %swap3A_911 = arith.index_cast %scan3A_860 : i32 to index
        %swap3A_912 = arith.constant 48 : index
        %swap3A_913 = tpu.vector_load %arg9[%swap3A_910, %swap3A_911, %swap3A_912] {strides = array<i32>} : memref<1x64x192xf32, #tpu.memory_space<vmem>>, vector<1x1x16xf32>,
        %swap3A_914 = vector.shape_cast %swap3A_913 : vector<1x1x16xf32> to vector<16xf32>
        %swap3A_915 = vector.shape_cast %mul3A_908 : vector<16xf32> to vector<1x1x16xf32>
        tpu.vector_store %arg9[%swap3A_910, %swap3A_911, %swap3A_912], %swap3A_915 {strides = array<i32>} : memref<1x64x192xf32, #tpu.memory_space<vmem>>, vector<1x1x16xf32>,
        %get3A_916 = arith.constant 0 : i32
        %get3A_917 = arith.index_cast %get3A_916 : i32 to index
        %get3A_918 = arith.index_cast %scan3A_860 : i32 to index
        %get3A_919 = arith.constant 64 : index
        %get3A_920 = tpu.vector_load %arg9[%get3A_917, %get3A_918, %get3A_919] {strides = array<i32>} : memref<1x64x192xf32, #tpu.memory_space<vmem>>, vector<1x1x16xf32>,
        %get3A_921 = vector.shape_cast %get3A_920 : vector<1x1x16xf32> to vector<16xf32>
        %mul3A_922 = arith.mulf %get3A_921, %broadcast_in_dim3A_525 : vector<16xf32>
        %swap3A_923 = arith.constant 0 : i32
        %swap3A_924 = arith.index_cast %swap3A_923 : i32 to index
        %swap3A_925 = arith.index_cast %scan3A_860 : i32 to index
        %swap3A_926 = arith.constant 64 : index
        %swap3A_927 = tpu.vector_load %arg9[%swap3A_924, %swap3A_925, %swap3A_926] {strides = array<i32>} : memref<1x64x192xf32, #tpu.memory_space<vmem>>, vector<1x1x16xf32>,
        %swap3A_928 = vector.shape_cast %swap3A_927 : vector<1x1x16xf32> to vector<16xf32>
        %swap3A_929 = vector.shape_cast %mul3A_922 : vector<16xf32> to vector<1x1x16xf32>
        tpu.vector_store %arg9[%swap3A_924, %swap3A_925, %swap3A_926], %swap3A_929 {strides = array<i32>} : memref<1x64x192xf32, #tpu.memory_space<vmem>>, vector<1x1x16xf32>,
        %get3A_930 = arith.constant 0 : i32
        %get3A_931 = arith.index_cast %get3A_930 : i32 to index
        %get3A_932 = arith.index_cast %scan3A_860 : i32 to index
        %get3A_933 = arith.constant 80 : index
        %get3A_934 = tpu.vector_load %arg9[%get3A_931, %get3A_932, %get3A_933] {strides = array<i32>} : memref<1x64x192xf32, #tpu.memory_space<vmem>>, vector<1x1x16xf32>,
        %get3A_935 = vector.shape_cast %get3A_934 : vector<1x1x16xf32> to vector<16xf32>
        %mul3A_936 = arith.mulf %get3A_935, %broadcast_in_dim3A_525 : vector<16xf32>
        %swap3A_937 = arith.constant 0 : i32
        %swap3A_938 = arith.index_cast %swap3A_937 : i32 to index
        %swap3A_939 = arith.index_cast %scan3A_860 : i32 to index
        %swap3A_940 = arith.constant 80 : index
        %swap3A_941 = tpu.vector_load %arg9[%swap3A_938, %swap3A_939, %swap3A_940] {strides = array<i32>} : memref<1x64x192xf32, #tpu.memory_space<vmem>>, vector<1x1x16xf32>,
        %swap3A_942 = vector.shape_cast %swap3A_941 : vector<1x1x16xf32> to vector<16xf32>
        %swap3A_943 = vector.shape_cast %mul3A_936 : vector<16xf32> to vector<1x1x16xf32>
        tpu.vector_store %arg9[%swap3A_938, %swap3A_939, %swap3A_940], %swap3A_943 {strides = array<i32>} : memref<1x64x192xf32, #tpu.memory_space<vmem>>, vector<1x1x16xf32>,
        %get3A_944 = arith.constant 0 : i32
        %get3A_945 = arith.index_cast %get3A_944 : i32 to index
        %get3A_946 = arith.index_cast %scan3A_860 : i32 to index
        %get3A_947 = arith.constant 96 : index
        %get3A_948 = tpu.vector_load %arg9[%get3A_945, %get3A_946, %get3A_947] {strides = array<i32>} : memref<1x64x192xf32, #tpu.memory_space<vmem>>, vector<1x1x16xf32>,
        %get3A_949 = vector.shape_cast %get3A_948 : vector<1x1x16xf32> to vector<16xf32>
        %mul3A_950 = arith.mulf %get3A_949, %broadcast_in_dim3A_525 : vector<16xf32>
        %swap3A_951 = arith.constant 0 : i32
        %swap3A_952 = arith.index_cast %swap3A_951 : i32 to index
        %swap3A_953 = arith.index_cast %scan3A_860 : i32 to index
        %swap3A_954 = arith.constant 96 : index
        %swap3A_955 = tpu.vector_load %arg9[%swap3A_952, %swap3A_953, %swap3A_954] {strides = array<i32>} : memref<1x64x192xf32, #tpu.memory_space<vmem>>, vector<1x1x16xf32>,
        %swap3A_956 = vector.shape_cast %swap3A_955 : vector<1x1x16xf32> to vector<16xf32>
        %swap3A_957 = vector.shape_cast %mul3A_950 : vector<16xf32> to vector<1x1x16xf32>
        tpu.vector_store %arg9[%swap3A_952, %swap3A_953, %swap3A_954], %swap3A_957 {strides = array<i32>} : memref<1x64x192xf32, #tpu.memory_space<vmem>>, vector<1x1x16xf32>,
        %get3A_958 = arith.constant 0 : i32
        %get3A_959 = arith.index_cast %get3A_958 : i32 to index
        %get3A_960 = arith.index_cast %scan3A_860 : i32 to index
        %get3A_961 = arith.constant 112 : index
        %get3A_962 = tpu.vector_load %arg9[%get3A_959, %get3A_960, %get3A_961] {strides = array<i32>} : memref<1x64x192xf32, #tpu.memory_space<vmem>>, vector<1x1x16xf32>,
        %get3A_963 = vector.shape_cast %get3A_962 : vector<1x1x16xf32> to vector<16xf32>
        %mul3A_964 = arith.mulf %get3A_963, %broadcast_in_dim3A_525 : vector<16xf32>
        %swap3A_965 = arith.constant 0 : i32
        %swap3A_966 = arith.index_cast %swap3A_965 : i32 to index
        %swap3A_967 = arith.index_cast %scan3A_860 : i32 to index
        %swap3A_968 = arith.constant 112 : index
        %swap3A_969 = tpu.vector_load %arg9[%swap3A_966, %swap3A_967, %swap3A_968] {strides = array<i32>} : memref<1x64x192xf32, #tpu.memory_space<vmem>>, vector<1x1x16xf32>,
        %swap3A_970 = vector.shape_cast %swap3A_969 : vector<1x1x16xf32> to vector<16xf32>
        %swap3A_971 = vector.shape_cast %mul3A_964 : vector<16xf32> to vector<1x1x16xf32>
        tpu.vector_store %arg9[%swap3A_966, %swap3A_967, %swap3A_968], %swap3A_971 {strides = array<i32>} : memref<1x64x192xf32, #tpu.memory_space<vmem>>, vector<1x1x16xf32>,
        %get3A_972 = arith.constant 0 : i32
        %get3A_973 = arith.index_cast %get3A_972 : i32 to index
        %get3A_974 = arith.index_cast %scan3A_860 : i32 to index
        %get3A_975 = arith.constant 128 : index
        %get3A_976 = tpu.vector_load %arg9[%get3A_973, %get3A_974, %get3A_975] {strides = array<i32>} : memref<1x64x192xf32, #tpu.memory_space<vmem>>, vector<1x1x16xf32>,
        %get3A_977 = vector.shape_cast %get3A_976 : vector<1x1x16xf32> to vector<16xf32>
        %mul3A_978 = arith.mulf %get3A_977, %broadcast_in_dim3A_525 : vector<16xf32>
        %swap3A_979 = arith.constant 0 : i32
        %swap3A_980 = arith.index_cast %swap3A_979 : i32 to index
        %swap3A_981 = arith.index_cast %scan3A_860 : i32 to index
        %swap3A_982 = arith.constant 128 : index
        %swap3A_983 = tpu.vector_load %arg9[%swap3A_980, %swap3A_981, %swap3A_982] {strides = array<i32>} : memref<1x64x192xf32, #tpu.memory_space<vmem>>, vector<1x1x16xf32>,
        %swap3A_984 = vector.shape_cast %swap3A_983 : vector<1x1x16xf32> to vector<16xf32>
        %swap3A_985 = vector.shape_cast %mul3A_978 : vector<16xf32> to vector<1x1x16xf32>
        tpu.vector_store %arg9[%swap3A_980, %swap3A_981, %swap3A_982], %swap3A_985 {strides = array<i32>} : memref<1x64x192xf32, #tpu.memory_space<vmem>>, vector<1x1x16xf32>,
        %get3A_986 = arith.constant 0 : i32
        %get3A_987 = arith.index_cast %get3A_986 : i32 to index
        %get3A_988 = arith.index_cast %scan3A_860 : i32 to index
        %get3A_989 = arith.constant 144 : index
        %get3A_990 = tpu.vector_load %arg9[%get3A_987, %get3A_988, %get3A_989] {strides = array<i32>} : memref<1x64x192xf32, #tpu.memory_space<vmem>>, vector<1x1x16xf32>,
        %get3A_991 = vector.shape_cast %get3A_990 : vector<1x1x16xf32> to vector<16xf32>
        %mul3A_992 = arith.mulf %get3A_991, %broadcast_in_dim3A_525 : vector<16xf32>
        %swap3A_993 = arith.constant 0 : i32
        %swap3A_994 = arith.index_cast %swap3A_993 : i32 to index
        %swap3A_995 = arith.index_cast %scan3A_860 : i32 to index
        %swap3A_996 = arith.constant 144 : index
        %swap3A_997 = tpu.vector_load %arg9[%swap3A_994, %swap3A_995, %swap3A_996] {strides = array<i32>} : memref<1x64x192xf32, #tpu.memory_space<vmem>>, vector<1x1x16xf32>,
        %swap3A_998 = vector.shape_cast %swap3A_997 : vector<1x1x16xf32> to vector<16xf32>
        %swap3A_999 = vector.shape_cast %mul3A_992 : vector<16xf32> to vector<1x1x16xf32>
        tpu.vector_store %arg9[%swap3A_994, %swap3A_995, %swap3A_996], %swap3A_999 {strides = array<i32>} : memref<1x64x192xf32, #tpu.memory_space<vmem>>, vector<1x1x16xf32>,
        %get3A_1000 = arith.constant 0 : i32
        %get3A_1001 = arith.index_cast %get3A_1000 : i32 to index
        %get3A_1002 = arith.index_cast %scan3A_860 : i32 to index
        %get3A_1003 = arith.constant 160 : index
        %get3A_1004 = tpu.vector_load %arg9[%get3A_1001, %get3A_1002, %get3A_1003] {strides = array<i32>} : memref<1x64x192xf32, #tpu.memory_space<vmem>>, vector<1x1x16xf32>,
        %get3A_1005 = vector.shape_cast %get3A_1004 : vector<1x1x16xf32> to vector<16xf32>
        %mul3A_1006 = arith.mulf %get3A_1005, %broadcast_in_dim3A_525 : vector<16xf32>
        %swap3A_1007 = arith.constant 0 : i32
        %swap3A_1008 = arith.index_cast %swap3A_1007 : i32 to index
        %swap3A_1009 = arith.index_cast %scan3A_860 : i32 to index
        %swap3A_1010 = arith.constant 160 : index
        %swap3A_1011 = tpu.vector_load %arg9[%swap3A_1008, %swap3A_1009, %swap3A_1010] {strides = array<i32>} : memref<1x64x192xf32, #tpu.memory_space<vmem>>, vector<1x1x16xf32>,
        %swap3A_1012 = vector.shape_cast %swap3A_1011 : vector<1x1x16xf32> to vector<16xf32>
        %swap3A_1013 = vector.shape_cast %mul3A_1006 : vector<16xf32> to vector<1x1x16xf32>
        tpu.vector_store %arg9[%swap3A_1008, %swap3A_1009, %swap3A_1010], %swap3A_1013 {strides = array<i32>} : memref<1x64x192xf32, #tpu.memory_space<vmem>>, vector<1x1x16xf32>,
        %get3A_1014 = arith.constant 0 : i32
        %get3A_1015 = arith.index_cast %get3A_1014 : i32 to index
        %get3A_1016 = arith.index_cast %scan3A_860 : i32 to index
        %get3A_1017 = arith.constant 176 : index
        %get3A_1018 = tpu.vector_load %arg9[%get3A_1015, %get3A_1016, %get3A_1017] {strides = array<i32>} : memref<1x64x192xf32, #tpu.memory_space<vmem>>, vector<1x1x16xf32>,
        %get3A_1019 = vector.shape_cast %get3A_1018 : vector<1x1x16xf32> to vector<16xf32>
        %mul3A_1020 = arith.mulf %get3A_1019, %broadcast_in_dim3A_525 : vector<16xf32>
        %swap3A_1021 = arith.constant 0 : i32
        %swap3A_1022 = arith.index_cast %swap3A_1021 : i32 to index
        %swap3A_1023 = arith.index_cast %scan3A_860 : i32 to index
        %swap3A_1024 = arith.constant 176 : index
        %swap3A_1025 = tpu.vector_load %arg9[%swap3A_1022, %swap3A_1023, %swap3A_1024] {strides = array<i32>} : memref<1x64x192xf32, #tpu.memory_space<vmem>>, vector<1x1x16xf32>,
        %swap3A_1026 = vector.shape_cast %swap3A_1025 : vector<1x1x16xf32> to vector<16xf32>
        %swap3A_1027 = vector.shape_cast %mul3A_1020 : vector<16xf32> to vector<1x1x16xf32>
        tpu.vector_store %arg9[%swap3A_1022, %swap3A_1023, %swap3A_1024], %swap3A_1027 {strides = array<i32>} : memref<1x64x192xf32, #tpu.memory_space<vmem>>, vector<1x1x16xf32>,
      }
      %scan3A_531 = arith.constant 64 : i32
      %add3A_532 = arith.addi %mul3A_2, %add3A_503 : i32
      %dma_start3A_533 = arith.constant 0 : i32
      %dma_start3A_534 = arith.constant 0 : i32
      %dma_start3A_535 = tpu.memref_slice %arg5[%add3A_532, %dma_start3A_533, %dma_start3A_534] : memref<3136x64x192xf32, #tpu.memory_space<hbm>> -> memref<1x64x192xf32, #tpu.memory_space<hbm>>
      %dma_start3A_536 = arith.constant 0 : i32
      %dma_start3A_537 = arith.constant 0 : i32
      %dma_start3A_538 = tpu.memref_slice %arg5[%add3A_532, %dma_start3A_536, %dma_start3A_537] : memref<3136x64x192xf32, #tpu.memory_space<hbm>> -> memref<1x64x192xf32, #tpu.memory_space<hbm>>
      tpu.enqueue_dma source(%arg9 : memref<1x64x192xf32, #tpu.memory_space<vmem>>) target(%dma_start3A_538 : memref<1x64x192xf32, #tpu.memory_space<hbm>>) target_semaphore(%arg23 : memref<!tpu.dma_semaphore, #tpu.memory_space<semaphore_mem>>)
      %ge3A_539 = arith.constant 2 : i32
      %ge3A_540 = arith.cmpi sge, %add3A_503, %ge3A_539 : i32
      %convert_element_type3A_541 = arith.extui %ge3A_540 : i1 to i32
      %cond3A_542 = arith.constant 0 : i32
      %cond3A_543 = arith.cmpi ne, %convert_element_type3A_541, %cond3A_542 : i32
      scf.if %cond3A_543 {
        %sub3A_860 = arith.constant 2 : i32
        %sub3A_861 = arith.subi %add3A_503, %sub3A_860 : i32
        %add3A_862 = arith.addi %mul3A_2, %sub3A_861 : i32
        %dma_wait3A_863 = arith.constant 0 : i32
        %dma_wait3A_864 = arith.constant 0 : i32
        %dma_wait3A_865 = tpu.memref_slice %arg5[%add3A_862, %dma_wait3A_863, %dma_wait3A_864] : memref<3136x64x192xf32, #tpu.memory_space<hbm>> -> memref<1x64x192xf32, #tpu.memory_space<hbm>>
        %dma_wait3A_866 = arith.constant 0 : i32
        %dma_wait3A_867 = arith.constant 0 : i32
        %dma_wait3A_868 = tpu.memref_slice %arg5[%add3A_862, %dma_wait3A_866, %dma_wait3A_867] : memref<3136x64x192xf32, #tpu.memory_space<hbm>> -> memref<1x64x192xf32, #tpu.memory_space<hbm>>
        tpu.wait_dma2 semaphore(%arg28 : memref<!tpu.dma_semaphore, #tpu.memory_space<semaphore_mem>>) src(%arg14 : memref<1x64x192xf32, #tpu.memory_space<vmem>>) dst(%dma_wait3A_868 : memref<1x64x192xf32, #tpu.memory_space<hbm>>)
      } else {
      }
      %add3A_544 = arith.constant 5 : i32
      %add3A_545 = arith.addi %add3A_503, %add3A_544 : i32
      %get3A_546 = arith.constant 0 : i32
      %get3A_547 = arith.index_cast %get3A_546 : i32 to index
      %get3A_548 = arith.index_cast %add3A_545 : i32 to index
      %get3A_549 = tpu.vector_load %arg6[%get3A_547, %get3A_548] {strides = array<i32>} : memref<1x128xi32, #tpu.memory_space<vmem>>, vector<1x16xi32>,
      %get3A_550 = vector.shape_cast %get3A_549 : vector<1x16xi32> to vector<16xi32>
      %slice3A_551 = vector.extract_strided_slice %get3A_550 {offsets = [0], sizes = [1], strides = [1]} : vector<16xi32> to vector<1xi32>
      %squeeze3A_552 = vector.extract %slice3A_551[0] : i32 from vector<1xi32>
      %add3A_553 = arith.addi %squeeze3A_552, %mul3A_20 : i32
      %dma_start3A_554 = arith.constant 0 : i32
      %dma_start3A_555 = arith.constant 0 : i32
      %dma_start3A_556 = tpu.memref_slice %arg4[%add3A_553, %dma_start3A_554, %dma_start3A_555] : memref<392x64x192xf32, #tpu.memory_space<hbm>> -> memref<1x64x192xf32, #tpu.memory_space<hbm>>
      %dma_start3A_557 = arith.constant 0 : i32
      %dma_start3A_558 = arith.constant 0 : i32
      %dma_start3A_559 = tpu.memref_slice %arg4[%add3A_553, %dma_start3A_557, %dma_start3A_558] : memref<392x64x192xf32, #tpu.memory_space<hbm>> -> memref<1x64x192xf32, #tpu.memory_space<hbm>>
      tpu.enqueue_dma source(%dma_start3A_559 : memref<1x64x192xf32, #tpu.memory_space<hbm>>) target(%arg14 : memref<1x64x192xf32, #tpu.memory_space<vmem>>) target_semaphore(%arg21 : memref<!tpu.dma_semaphore, #tpu.memory_space<semaphore_mem>>)
      %mul3A_560 = arith.constant 7 : i32
      %mul3A_561 = arith.muli %scan3A_442, %mul3A_560 : i32
      %add3A_562 = arith.constant 2 : i32
      %add3A_563 = arith.addi %mul3A_561, %add3A_562 : i32
      %get3A_564 = arith.constant 0 : i32
      %get3A_565 = arith.index_cast %get3A_564 : i32 to index
      %get3A_566 = arith.index_cast %add3A_563 : i32 to index
      %get3A_567 = tpu.vector_load %arg6[%get3A_565, %get3A_566] {strides = array<i32>} : memref<1x128xi32, #tpu.memory_space<vmem>>, vector<1x16xi32>,
      %get3A_568 = vector.shape_cast %get3A_567 : vector<1x16xi32> to vector<16xi32>
      %slice3A_569 = vector.extract_strided_slice %get3A_568 {offsets = [0], sizes = [1], strides = [1]} : vector<16xi32> to vector<1xi32>
      %squeeze3A_570 = vector.extract %slice3A_569[0] : i32 from vector<1xi32>
      %add3A_571 = arith.addi %squeeze3A_570, %mul3A_20 : i32
      %dma_wait3A_572 = arith.constant 0 : i32
      %dma_wait3A_573 = arith.constant 0 : i32
      %dma_wait3A_574 = tpu.memref_slice %arg4[%add3A_571, %dma_wait3A_572, %dma_wait3A_573] : memref<392x64x192xf32, #tpu.memory_space<hbm>> -> memref<1x64x192xf32, #tpu.memory_space<hbm>>
      %dma_wait3A_575 = arith.constant 0 : i32
      %dma_wait3A_576 = arith.constant 0 : i32
      %dma_wait3A_577 = tpu.memref_slice %arg4[%add3A_571, %dma_wait3A_575, %dma_wait3A_576] : memref<392x64x192xf32, #tpu.memory_space<hbm>> -> memref<1x64x192xf32, #tpu.memory_space<hbm>>
      tpu.wait_dma2 semaphore(%arg17 : memref<!tpu.dma_semaphore, #tpu.memory_space<semaphore_mem>>) src(%dma_wait3A_577 : memref<1x64x192xf32, #tpu.memory_space<hbm>>) dst(%arg10 : memref<1x64x192xf32, #tpu.memory_space<vmem>>)
      %get3A_578 = arith.constant 0 : i32
      %get3A_579 = arith.index_cast %get3A_578 : i32 to index
      %get3A_580 = arith.index_cast %add3A_563 : i32 to index
      %get3A_581 = tpu.vector_load %arg7[%get3A_579, %get3A_580] {strides = array<i32>} : memref<1x128xf32, #tpu.memory_space<vmem>>, vector<1x16xf32>,
      %get3A_582 = vector.shape_cast %get3A_581 : vector<1x16xf32> to vector<16xf32>
      %slice3A_583 = vector.extract_strided_slice %get3A_582 {offsets = [0], sizes = [1], strides = [1]} : vector<16xf32> to vector<1xf32>
      %squeeze3A_584 = vector.extract %slice3A_583[0] : f32 from vector<1xf32>
      %broadcast_in_dim3A_585 = vector.broadcast %squeeze3A_584 : f32 to vector<16xf32>
      %scan3A_586 = arith.constant 0 : i32
      %scan3A_587 = arith.constant 0 : i32
      %scan3A_588 = arith.constant 64 : i32
      %scan3A_589 = arith.addi %scan3A_587, %scan3A_588 : i32
      %scan3A_590 = arith.constant 1 : i32
      scf.for %scan3A_860 = %scan3A_587 to %scan3A_589 step %scan3A_590  : i32 {
        %get3A_861 = arith.constant 0 : i32
        %get3A_862 = arith.index_cast %get3A_861 : i32 to index
        %get3A_863 = arith.index_cast %scan3A_860 : i32 to index
        %get3A_864 = arith.constant 0 : index
        %get3A_865 = tpu.vector_load %arg10[%get3A_862, %get3A_863, %get3A_864] {strides = array<i32>} : memref<1x64x192xf32, #tpu.memory_space<vmem>>, vector<1x1x16xf32>,
        %get3A_866 = vector.shape_cast %get3A_865 : vector<1x1x16xf32> to vector<16xf32>
        %mul3A_867 = arith.mulf %get3A_866, %broadcast_in_dim3A_585 : vector<16xf32>
        %swap3A = arith.constant 0 : i32
        %swap3A_868 = arith.index_cast %swap3A : i32 to index
        %swap3A_869 = arith.index_cast %scan3A_860 : i32 to index
        %swap3A_870 = arith.constant 0 : index
        %swap3A_871 = tpu.vector_load %arg10[%swap3A_868, %swap3A_869, %swap3A_870] {strides = array<i32>} : memref<1x64x192xf32, #tpu.memory_space<vmem>>, vector<1x1x16xf32>,
        %swap3A_872 = vector.shape_cast %swap3A_871 : vector<1x1x16xf32> to vector<16xf32>
        %swap3A_873 = vector.shape_cast %mul3A_867 : vector<16xf32> to vector<1x1x16xf32>
        tpu.vector_store %arg10[%swap3A_868, %swap3A_869, %swap3A_870], %swap3A_873 {strides = array<i32>} : memref<1x64x192xf32, #tpu.memory_space<vmem>>, vector<1x1x16xf32>,
        %get3A_874 = arith.constant 0 : i32
        %get3A_875 = arith.index_cast %get3A_874 : i32 to index
        %get3A_876 = arith.index_cast %scan3A_860 : i32 to index
        %get3A_877 = arith.constant 16 : index
        %get3A_878 = tpu.vector_load %arg10[%get3A_875, %get3A_876, %get3A_877] {strides = array<i32>} : memref<1x64x192xf32, #tpu.memory_space<vmem>>, vector<1x1x16xf32>,
        %get3A_879 = vector.shape_cast %get3A_878 : vector<1x1x16xf32> to vector<16xf32>
        %mul3A_880 = arith.mulf %get3A_879, %broadcast_in_dim3A_585 : vector<16xf32>
        %swap3A_881 = arith.constant 0 : i32
        %swap3A_882 = arith.index_cast %swap3A_881 : i32 to index
        %swap3A_883 = arith.index_cast %scan3A_860 : i32 to index
        %swap3A_884 = arith.constant 16 : index
        %swap3A_885 = tpu.vector_load %arg10[%swap3A_882, %swap3A_883, %swap3A_884] {strides = array<i32>} : memref<1x64x192xf32, #tpu.memory_space<vmem>>, vector<1x1x16xf32>,
        %swap3A_886 = vector.shape_cast %swap3A_885 : vector<1x1x16xf32> to vector<16xf32>
        %swap3A_887 = vector.shape_cast %mul3A_880 : vector<16xf32> to vector<1x1x16xf32>
        tpu.vector_store %arg10[%swap3A_882, %swap3A_883, %swap3A_884], %swap3A_887 {strides = array<i32>} : memref<1x64x192xf32, #tpu.memory_space<vmem>>, vector<1x1x16xf32>,
        %get3A_888 = arith.constant 0 : i32
        %get3A_889 = arith.index_cast %get3A_888 : i32 to index
        %get3A_890 = arith.index_cast %scan3A_860 : i32 to index
        %get3A_891 = arith.constant 32 : index
        %get3A_892 = tpu.vector_load %arg10[%get3A_889, %get3A_890, %get3A_891] {strides = array<i32>} : memref<1x64x192xf32, #tpu.memory_space<vmem>>, vector<1x1x16xf32>,
        %get3A_893 = vector.shape_cast %get3A_892 : vector<1x1x16xf32> to vector<16xf32>
        %mul3A_894 = arith.mulf %get3A_893, %broadcast_in_dim3A_585 : vector<16xf32>
        %swap3A_895 = arith.constant 0 : i32
        %swap3A_896 = arith.index_cast %swap3A_895 : i32 to index
        %swap3A_897 = arith.index_cast %scan3A_860 : i32 to index
        %swap3A_898 = arith.constant 32 : index
        %swap3A_899 = tpu.vector_load %arg10[%swap3A_896, %swap3A_897, %swap3A_898] {strides = array<i32>} : memref<1x64x192xf32, #tpu.memory_space<vmem>>, vector<1x1x16xf32>,
        %swap3A_900 = vector.shape_cast %swap3A_899 : vector<1x1x16xf32> to vector<16xf32>
        %swap3A_901 = vector.shape_cast %mul3A_894 : vector<16xf32> to vector<1x1x16xf32>
        tpu.vector_store %arg10[%swap3A_896, %swap3A_897, %swap3A_898], %swap3A_901 {strides = array<i32>} : memref<1x64x192xf32, #tpu.memory_space<vmem>>, vector<1x1x16xf32>,
        %get3A_902 = arith.constant 0 : i32
        %get3A_903 = arith.index_cast %get3A_902 : i32 to index
        %get3A_904 = arith.index_cast %scan3A_860 : i32 to index
        %get3A_905 = arith.constant 48 : index
        %get3A_906 = tpu.vector_load %arg10[%get3A_903, %get3A_904, %get3A_905] {strides = array<i32>} : memref<1x64x192xf32, #tpu.memory_space<vmem>>, vector<1x1x16xf32>,
        %get3A_907 = vector.shape_cast %get3A_906 : vector<1x1x16xf32> to vector<16xf32>
        %mul3A_908 = arith.mulf %get3A_907, %broadcast_in_dim3A_585 : vector<16xf32>
        %swap3A_909 = arith.constant 0 : i32
        %swap3A_910 = arith.index_cast %swap3A_909 : i32 to index
        %swap3A_911 = arith.index_cast %scan3A_860 : i32 to index
        %swap3A_912 = arith.constant 48 : index
        %swap3A_913 = tpu.vector_load %arg10[%swap3A_910, %swap3A_911, %swap3A_912] {strides = array<i32>} : memref<1x64x192xf32, #tpu.memory_space<vmem>>, vector<1x1x16xf32>,
        %swap3A_914 = vector.shape_cast %swap3A_913 : vector<1x1x16xf32> to vector<16xf32>
        %swap3A_915 = vector.shape_cast %mul3A_908 : vector<16xf32> to vector<1x1x16xf32>
        tpu.vector_store %arg10[%swap3A_910, %swap3A_911, %swap3A_912], %swap3A_915 {strides = array<i32>} : memref<1x64x192xf32, #tpu.memory_space<vmem>>, vector<1x1x16xf32>,
        %get3A_916 = arith.constant 0 : i32
        %get3A_917 = arith.index_cast %get3A_916 : i32 to index
        %get3A_918 = arith.index_cast %scan3A_860 : i32 to index
        %get3A_919 = arith.constant 64 : index
        %get3A_920 = tpu.vector_load %arg10[%get3A_917, %get3A_918, %get3A_919] {strides = array<i32>} : memref<1x64x192xf32, #tpu.memory_space<vmem>>, vector<1x1x16xf32>,
        %get3A_921 = vector.shape_cast %get3A_920 : vector<1x1x16xf32> to vector<16xf32>
        %mul3A_922 = arith.mulf %get3A_921, %broadcast_in_dim3A_585 : vector<16xf32>
        %swap3A_923 = arith.constant 0 : i32
        %swap3A_924 = arith.index_cast %swap3A_923 : i32 to index
        %swap3A_925 = arith.index_cast %scan3A_860 : i32 to index
        %swap3A_926 = arith.constant 64 : index
        %swap3A_927 = tpu.vector_load %arg10[%swap3A_924, %swap3A_925, %swap3A_926] {strides = array<i32>} : memref<1x64x192xf32, #tpu.memory_space<vmem>>, vector<1x1x16xf32>,
        %swap3A_928 = vector.shape_cast %swap3A_927 : vector<1x1x16xf32> to vector<16xf32>
        %swap3A_929 = vector.shape_cast %mul3A_922 : vector<16xf32> to vector<1x1x16xf32>
        tpu.vector_store %arg10[%swap3A_924, %swap3A_925, %swap3A_926], %swap3A_929 {strides = array<i32>} : memref<1x64x192xf32, #tpu.memory_space<vmem>>, vector<1x1x16xf32>,
        %get3A_930 = arith.constant 0 : i32
        %get3A_931 = arith.index_cast %get3A_930 : i32 to index
        %get3A_932 = arith.index_cast %scan3A_860 : i32 to index
        %get3A_933 = arith.constant 80 : index
        %get3A_934 = tpu.vector_load %arg10[%get3A_931, %get3A_932, %get3A_933] {strides = array<i32>} : memref<1x64x192xf32, #tpu.memory_space<vmem>>, vector<1x1x16xf32>,
        %get3A_935 = vector.shape_cast %get3A_934 : vector<1x1x16xf32> to vector<16xf32>
        %mul3A_936 = arith.mulf %get3A_935, %broadcast_in_dim3A_585 : vector<16xf32>
        %swap3A_937 = arith.constant 0 : i32
        %swap3A_938 = arith.index_cast %swap3A_937 : i32 to index
        %swap3A_939 = arith.index_cast %scan3A_860 : i32 to index
        %swap3A_940 = arith.constant 80 : index
        %swap3A_941 = tpu.vector_load %arg10[%swap3A_938, %swap3A_939, %swap3A_940] {strides = array<i32>} : memref<1x64x192xf32, #tpu.memory_space<vmem>>, vector<1x1x16xf32>,
        %swap3A_942 = vector.shape_cast %swap3A_941 : vector<1x1x16xf32> to vector<16xf32>
        %swap3A_943 = vector.shape_cast %mul3A_936 : vector<16xf32> to vector<1x1x16xf32>
        tpu.vector_store %arg10[%swap3A_938, %swap3A_939, %swap3A_940], %swap3A_943 {strides = array<i32>} : memref<1x64x192xf32, #tpu.memory_space<vmem>>, vector<1x1x16xf32>,
        %get3A_944 = arith.constant 0 : i32
        %get3A_945 = arith.index_cast %get3A_944 : i32 to index
        %get3A_946 = arith.index_cast %scan3A_860 : i32 to index
        %get3A_947 = arith.constant 96 : index
        %get3A_948 = tpu.vector_load %arg10[%get3A_945, %get3A_946, %get3A_947] {strides = array<i32>} : memref<1x64x192xf32, #tpu.memory_space<vmem>>, vector<1x1x16xf32>,
        %get3A_949 = vector.shape_cast %get3A_948 : vector<1x1x16xf32> to vector<16xf32>
        %mul3A_950 = arith.mulf %get3A_949, %broadcast_in_dim3A_585 : vector<16xf32>
        %swap3A_951 = arith.constant 0 : i32
        %swap3A_952 = arith.index_cast %swap3A_951 : i32 to index
        %swap3A_953 = arith.index_cast %scan3A_860 : i32 to index
        %swap3A_954 = arith.constant 96 : index
        %swap3A_955 = tpu.vector_load %arg10[%swap3A_952, %swap3A_953, %swap3A_954] {strides = array<i32>} : memref<1x64x192xf32, #tpu.memory_space<vmem>>, vector<1x1x16xf32>,
        %swap3A_956 = vector.shape_cast %swap3A_955 : vector<1x1x16xf32> to vector<16xf32>
        %swap3A_957 = vector.shape_cast %mul3A_950 : vector<16xf32> to vector<1x1x16xf32>
        tpu.vector_store %arg10[%swap3A_952, %swap3A_953, %swap3A_954], %swap3A_957 {strides = array<i32>} : memref<1x64x192xf32, #tpu.memory_space<vmem>>, vector<1x1x16xf32>,
        %get3A_958 = arith.constant 0 : i32
        %get3A_959 = arith.index_cast %get3A_958 : i32 to index
        %get3A_960 = arith.index_cast %scan3A_860 : i32 to index
        %get3A_961 = arith.constant 112 : index
        %get3A_962 = tpu.vector_load %arg10[%get3A_959, %get3A_960, %get3A_961] {strides = array<i32>} : memref<1x64x192xf32, #tpu.memory_space<vmem>>, vector<1x1x16xf32>,
        %get3A_963 = vector.shape_cast %get3A_962 : vector<1x1x16xf32> to vector<16xf32>
        %mul3A_964 = arith.mulf %get3A_963, %broadcast_in_dim3A_585 : vector<16xf32>
        %swap3A_965 = arith.constant 0 : i32
        %swap3A_966 = arith.index_cast %swap3A_965 : i32 to index
        %swap3A_967 = arith.index_cast %scan3A_860 : i32 to index
        %swap3A_968 = arith.constant 112 : index
        %swap3A_969 = tpu.vector_load %arg10[%swap3A_966, %swap3A_967, %swap3A_968] {strides = array<i32>} : memref<1x64x192xf32, #tpu.memory_space<vmem>>, vector<1x1x16xf32>,
        %swap3A_970 = vector.shape_cast %swap3A_969 : vector<1x1x16xf32> to vector<16xf32>
        %swap3A_971 = vector.shape_cast %mul3A_964 : vector<16xf32> to vector<1x1x16xf32>
        tpu.vector_store %arg10[%swap3A_966, %swap3A_967, %swap3A_968], %swap3A_971 {strides = array<i32>} : memref<1x64x192xf32, #tpu.memory_space<vmem>>, vector<1x1x16xf32>,
        %get3A_972 = arith.constant 0 : i32
        %get3A_973 = arith.index_cast %get3A_972 : i32 to index
        %get3A_974 = arith.index_cast %scan3A_860 : i32 to index
        %get3A_975 = arith.constant 128 : index
        %get3A_976 = tpu.vector_load %arg10[%get3A_973, %get3A_974, %get3A_975] {strides = array<i32>} : memref<1x64x192xf32, #tpu.memory_space<vmem>>, vector<1x1x16xf32>,
        %get3A_977 = vector.shape_cast %get3A_976 : vector<1x1x16xf32> to vector<16xf32>
        %mul3A_978 = arith.mulf %get3A_977, %broadcast_in_dim3A_585 : vector<16xf32>
        %swap3A_979 = arith.constant 0 : i32
        %swap3A_980 = arith.index_cast %swap3A_979 : i32 to index
        %swap3A_981 = arith.index_cast %scan3A_860 : i32 to index
        %swap3A_982 = arith.constant 128 : index
        %swap3A_983 = tpu.vector_load %arg10[%swap3A_980, %swap3A_981, %swap3A_982] {strides = array<i32>} : memref<1x64x192xf32, #tpu.memory_space<vmem>>, vector<1x1x16xf32>,
        %swap3A_984 = vector.shape_cast %swap3A_983 : vector<1x1x16xf32> to vector<16xf32>
        %swap3A_985 = vector.shape_cast %mul3A_978 : vector<16xf32> to vector<1x1x16xf32>
        tpu.vector_store %arg10[%swap3A_980, %swap3A_981, %swap3A_982], %swap3A_985 {strides = array<i32>} : memref<1x64x192xf32, #tpu.memory_space<vmem>>, vector<1x1x16xf32>,
        %get3A_986 = arith.constant 0 : i32
        %get3A_987 = arith.index_cast %get3A_986 : i32 to index
        %get3A_988 = arith.index_cast %scan3A_860 : i32 to index
        %get3A_989 = arith.constant 144 : index
        %get3A_990 = tpu.vector_load %arg10[%get3A_987, %get3A_988, %get3A_989] {strides = array<i32>} : memref<1x64x192xf32, #tpu.memory_space<vmem>>, vector<1x1x16xf32>,
        %get3A_991 = vector.shape_cast %get3A_990 : vector<1x1x16xf32> to vector<16xf32>
        %mul3A_992 = arith.mulf %get3A_991, %broadcast_in_dim3A_585 : vector<16xf32>
        %swap3A_993 = arith.constant 0 : i32
        %swap3A_994 = arith.index_cast %swap3A_993 : i32 to index
        %swap3A_995 = arith.index_cast %scan3A_860 : i32 to index
        %swap3A_996 = arith.constant 144 : index
        %swap3A_997 = tpu.vector_load %arg10[%swap3A_994, %swap3A_995, %swap3A_996] {strides = array<i32>} : memref<1x64x192xf32, #tpu.memory_space<vmem>>, vector<1x1x16xf32>,
        %swap3A_998 = vector.shape_cast %swap3A_997 : vector<1x1x16xf32> to vector<16xf32>
        %swap3A_999 = vector.shape_cast %mul3A_992 : vector<16xf32> to vector<1x1x16xf32>
        tpu.vector_store %arg10[%swap3A_994, %swap3A_995, %swap3A_996], %swap3A_999 {strides = array<i32>} : memref<1x64x192xf32, #tpu.memory_space<vmem>>, vector<1x1x16xf32>,
        %get3A_1000 = arith.constant 0 : i32
        %get3A_1001 = arith.index_cast %get3A_1000 : i32 to index
        %get3A_1002 = arith.index_cast %scan3A_860 : i32 to index
        %get3A_1003 = arith.constant 160 : index
        %get3A_1004 = tpu.vector_load %arg10[%get3A_1001, %get3A_1002, %get3A_1003] {strides = array<i32>} : memref<1x64x192xf32, #tpu.memory_space<vmem>>, vector<1x1x16xf32>,
        %get3A_1005 = vector.shape_cast %get3A_1004 : vector<1x1x16xf32> to vector<16xf32>
        %mul3A_1006 = arith.mulf %get3A_1005, %broadcast_in_dim3A_585 : vector<16xf32>
        %swap3A_1007 = arith.constant 0 : i32
        %swap3A_1008 = arith.index_cast %swap3A_1007 : i32 to index
        %swap3A_1009 = arith.index_cast %scan3A_860 : i32 to index
        %swap3A_1010 = arith.constant 160 : index
        %swap3A_1011 = tpu.vector_load %arg10[%swap3A_1008, %swap3A_1009, %swap3A_1010] {strides = array<i32>} : memref<1x64x192xf32, #tpu.memory_space<vmem>>, vector<1x1x16xf32>,
        %swap3A_1012 = vector.shape_cast %swap3A_1011 : vector<1x1x16xf32> to vector<16xf32>
        %swap3A_1013 = vector.shape_cast %mul3A_1006 : vector<16xf32> to vector<1x1x16xf32>
        tpu.vector_store %arg10[%swap3A_1008, %swap3A_1009, %swap3A_1010], %swap3A_1013 {strides = array<i32>} : memref<1x64x192xf32, #tpu.memory_space<vmem>>, vector<1x1x16xf32>,
        %get3A_1014 = arith.constant 0 : i32
        %get3A_1015 = arith.index_cast %get3A_1014 : i32 to index
        %get3A_1016 = arith.index_cast %scan3A_860 : i32 to index
        %get3A_1017 = arith.constant 176 : index
        %get3A_1018 = tpu.vector_load %arg10[%get3A_1015, %get3A_1016, %get3A_1017] {strides = array<i32>} : memref<1x64x192xf32, #tpu.memory_space<vmem>>, vector<1x1x16xf32>,
        %get3A_1019 = vector.shape_cast %get3A_1018 : vector<1x1x16xf32> to vector<16xf32>
        %mul3A_1020 = arith.mulf %get3A_1019, %broadcast_in_dim3A_585 : vector<16xf32>
        %swap3A_1021 = arith.constant 0 : i32
        %swap3A_1022 = arith.index_cast %swap3A_1021 : i32 to index
        %swap3A_1023 = arith.index_cast %scan3A_860 : i32 to index
        %swap3A_1024 = arith.constant 176 : index
        %swap3A_1025 = tpu.vector_load %arg10[%swap3A_1022, %swap3A_1023, %swap3A_1024] {strides = array<i32>} : memref<1x64x192xf32, #tpu.memory_space<vmem>>, vector<1x1x16xf32>,
        %swap3A_1026 = vector.shape_cast %swap3A_1025 : vector<1x1x16xf32> to vector<16xf32>
        %swap3A_1027 = vector.shape_cast %mul3A_1020 : vector<16xf32> to vector<1x1x16xf32>
        tpu.vector_store %arg10[%swap3A_1022, %swap3A_1023, %swap3A_1024], %swap3A_1027 {strides = array<i32>} : memref<1x64x192xf32, #tpu.memory_space<vmem>>, vector<1x1x16xf32>,
      }
      %scan3A_591 = arith.constant 64 : i32
      %add3A_592 = arith.addi %mul3A_2, %add3A_563 : i32
      %dma_start3A_593 = arith.constant 0 : i32
      %dma_start3A_594 = arith.constant 0 : i32
      %dma_start3A_595 = tpu.memref_slice %arg5[%add3A_592, %dma_start3A_593, %dma_start3A_594] : memref<3136x64x192xf32, #tpu.memory_space<hbm>> -> memref<1x64x192xf32, #tpu.memory_space<hbm>>
      %dma_start3A_596 = arith.constant 0 : i32
      %dma_start3A_597 = arith.constant 0 : i32
      %dma_start3A_598 = tpu.memref_slice %arg5[%add3A_592, %dma_start3A_596, %dma_start3A_597] : memref<3136x64x192xf32, #tpu.memory_space<hbm>> -> memref<1x64x192xf32, #tpu.memory_space<hbm>>
      tpu.enqueue_dma source(%arg10 : memref<1x64x192xf32, #tpu.memory_space<vmem>>) target(%dma_start3A_598 : memref<1x64x192xf32, #tpu.memory_space<hbm>>) target_semaphore(%arg24 : memref<!tpu.dma_semaphore, #tpu.memory_space<semaphore_mem>>)
      %ge3A_599 = arith.constant 2 : i32
      %ge3A_600 = arith.cmpi sge, %add3A_563, %ge3A_599 : i32
      %convert_element_type3A_601 = arith.extui %ge3A_600 : i1 to i32
      %cond3A_602 = arith.constant 0 : i32
      %cond3A_603 = arith.cmpi ne, %convert_element_type3A_601, %cond3A_602 : i32
      scf.if %cond3A_603 {
        %sub3A_860 = arith.constant 2 : i32
        %sub3A_861 = arith.subi %add3A_563, %sub3A_860 : i32
        %add3A_862 = arith.addi %mul3A_2, %sub3A_861 : i32
        %dma_wait3A_863 = arith.constant 0 : i32
        %dma_wait3A_864 = arith.constant 0 : i32
        %dma_wait3A_865 = tpu.memref_slice %arg5[%add3A_862, %dma_wait3A_863, %dma_wait3A_864] : memref<3136x64x192xf32, #tpu.memory_space<hbm>> -> memref<1x64x192xf32, #tpu.memory_space<hbm>>
        %dma_wait3A_866 = arith.constant 0 : i32
        %dma_wait3A_867 = arith.constant 0 : i32
        %dma_wait3A_868 = tpu.memref_slice %arg5[%add3A_862, %dma_wait3A_866, %dma_wait3A_867] : memref<3136x64x192xf32, #tpu.memory_space<hbm>> -> memref<1x64x192xf32, #tpu.memory_space<hbm>>
        tpu.wait_dma2 semaphore(%arg22 : memref<!tpu.dma_semaphore, #tpu.memory_space<semaphore_mem>>) src(%arg8 : memref<1x64x192xf32, #tpu.memory_space<vmem>>) dst(%dma_wait3A_868 : memref<1x64x192xf32, #tpu.memory_space<hbm>>)
      } else {
      }
      %add3A_604 = arith.constant 5 : i32
      %add3A_605 = arith.addi %add3A_563, %add3A_604 : i32
      %get3A_606 = arith.constant 0 : i32
      %get3A_607 = arith.index_cast %get3A_606 : i32 to index
      %get3A_608 = arith.index_cast %add3A_605 : i32 to index
      %get3A_609 = tpu.vector_load %arg6[%get3A_607, %get3A_608] {strides = array<i32>} : memref<1x128xi32, #tpu.memory_space<vmem>>, vector<1x16xi32>,
      %get3A_610 = vector.shape_cast %get3A_609 : vector<1x16xi32> to vector<16xi32>
      %slice3A_611 = vector.extract_strided_slice %get3A_610 {offsets = [0], sizes = [1], strides = [1]} : vector<16xi32> to vector<1xi32>
      %squeeze3A_612 = vector.extract %slice3A_611[0] : i32 from vector<1xi32>
      %add3A_613 = arith.addi %squeeze3A_612, %mul3A_20 : i32
      %dma_start3A_614 = arith.constant 0 : i32
      %dma_start3A_615 = arith.constant 0 : i32
      %dma_start3A_616 = tpu.memref_slice %arg4[%add3A_613, %dma_start3A_614, %dma_start3A_615] : memref<392x64x192xf32, #tpu.memory_space<hbm>> -> memref<1x64x192xf32, #tpu.memory_space<hbm>>
      %dma_start3A_617 = arith.constant 0 : i32
      %dma_start3A_618 = arith.constant 0 : i32
      %dma_start3A_619 = tpu.memref_slice %arg4[%add3A_613, %dma_start3A_617, %dma_start3A_618] : memref<392x64x192xf32, #tpu.memory_space<hbm>> -> memref<1x64x192xf32, #tpu.memory_space<hbm>>
      tpu.enqueue_dma source(%dma_start3A_619 : memref<1x64x192xf32, #tpu.memory_space<hbm>>) target(%arg8 : memref<1x64x192xf32, #tpu.memory_space<vmem>>) target_semaphore(%arg15 : memref<!tpu.dma_semaphore, #tpu.memory_space<semaphore_mem>>)
      %mul3A_620 = arith.constant 7 : i32
      %mul3A_621 = arith.muli %scan3A_442, %mul3A_620 : i32
      %add3A_622 = arith.constant 3 : i32
      %add3A_623 = arith.addi %mul3A_621, %add3A_622 : i32
      %get3A_624 = arith.constant 0 : i32
      %get3A_625 = arith.index_cast %get3A_624 : i32 to index
      %get3A_626 = arith.index_cast %add3A_623 : i32 to index
      %get3A_627 = tpu.vector_load %arg6[%get3A_625, %get3A_626] {strides = array<i32>} : memref<1x128xi32, #tpu.memory_space<vmem>>, vector<1x16xi32>,
      %get3A_628 = vector.shape_cast %get3A_627 : vector<1x16xi32> to vector<16xi32>
      %slice3A_629 = vector.extract_strided_slice %get3A_628 {offsets = [0], sizes = [1], strides = [1]} : vector<16xi32> to vector<1xi32>
      %squeeze3A_630 = vector.extract %slice3A_629[0] : i32 from vector<1xi32>
      %add3A_631 = arith.addi %squeeze3A_630, %mul3A_20 : i32
      %dma_wait3A_632 = arith.constant 0 : i32
      %dma_wait3A_633 = arith.constant 0 : i32
      %dma_wait3A_634 = tpu.memref_slice %arg4[%add3A_631, %dma_wait3A_632, %dma_wait3A_633] : memref<392x64x192xf32, #tpu.memory_space<hbm>> -> memref<1x64x192xf32, #tpu.memory_space<hbm>>
      %dma_wait3A_635 = arith.constant 0 : i32
      %dma_wait3A_636 = arith.constant 0 : i32
      %dma_wait3A_637 = tpu.memref_slice %arg4[%add3A_631, %dma_wait3A_635, %dma_wait3A_636] : memref<392x64x192xf32, #tpu.memory_space<hbm>> -> memref<1x64x192xf32, #tpu.memory_space<hbm>>
      tpu.wait_dma2 semaphore(%arg18 : memref<!tpu.dma_semaphore, #tpu.memory_space<semaphore_mem>>) src(%dma_wait3A_637 : memref<1x64x192xf32, #tpu.memory_space<hbm>>) dst(%arg11 : memref<1x64x192xf32, #tpu.memory_space<vmem>>)
      %get3A_638 = arith.constant 0 : i32
      %get3A_639 = arith.index_cast %get3A_638 : i32 to index
      %get3A_640 = arith.index_cast %add3A_623 : i32 to index
      %get3A_641 = tpu.vector_load %arg7[%get3A_639, %get3A_640] {strides = array<i32>} : memref<1x128xf32, #tpu.memory_space<vmem>>, vector<1x16xf32>,
      %get3A_642 = vector.shape_cast %get3A_641 : vector<1x16xf32> to vector<16xf32>
      %slice3A_643 = vector.extract_strided_slice %get3A_642 {offsets = [0], sizes = [1], strides = [1]} : vector<16xf32> to vector<1xf32>
      %squeeze3A_644 = vector.extract %slice3A_643[0] : f32 from vector<1xf32>
      %broadcast_in_dim3A_645 = vector.broadcast %squeeze3A_644 : f32 to vector<16xf32>
      %scan3A_646 = arith.constant 0 : i32
      %scan3A_647 = arith.constant 0 : i32
      %scan3A_648 = arith.constant 64 : i32
      %scan3A_649 = arith.addi %scan3A_647, %scan3A_648 : i32
      %scan3A_650 = arith.constant 1 : i32
      scf.for %scan3A_860 = %scan3A_647 to %scan3A_649 step %scan3A_650  : i32 {
        %get3A_861 = arith.constant 0 : i32
        %get3A_862 = arith.index_cast %get3A_861 : i32 to index
        %get3A_863 = arith.index_cast %scan3A_860 : i32 to index
        %get3A_864 = arith.constant 0 : index
        %get3A_865 = tpu.vector_load %arg11[%get3A_862, %get3A_863, %get3A_864] {strides = array<i32>} : memref<1x64x192xf32, #tpu.memory_space<vmem>>, vector<1x1x16xf32>,
        %get3A_866 = vector.shape_cast %get3A_865 : vector<1x1x16xf32> to vector<16xf32>
        %mul3A_867 = arith.mulf %get3A_866, %broadcast_in_dim3A_645 : vector<16xf32>
        %swap3A = arith.constant 0 : i32
        %swap3A_868 = arith.index_cast %swap3A : i32 to index
        %swap3A_869 = arith.index_cast %scan3A_860 : i32 to index
        %swap3A_870 = arith.constant 0 : index
        %swap3A_871 = tpu.vector_load %arg11[%swap3A_868, %swap3A_869, %swap3A_870] {strides = array<i32>} : memref<1x64x192xf32, #tpu.memory_space<vmem>>, vector<1x1x16xf32>,
        %swap3A_872 = vector.shape_cast %swap3A_871 : vector<1x1x16xf32> to vector<16xf32>
        %swap3A_873 = vector.shape_cast %mul3A_867 : vector<16xf32> to vector<1x1x16xf32>
        tpu.vector_store %arg11[%swap3A_868, %swap3A_869, %swap3A_870], %swap3A_873 {strides = array<i32>} : memref<1x64x192xf32, #tpu.memory_space<vmem>>, vector<1x1x16xf32>,
        %get3A_874 = arith.constant 0 : i32
        %get3A_875 = arith.index_cast %get3A_874 : i32 to index
        %get3A_876 = arith.index_cast %scan3A_860 : i32 to index
        %get3A_877 = arith.constant 16 : index
        %get3A_878 = tpu.vector_load %arg11[%get3A_875, %get3A_876, %get3A_877] {strides = array<i32>} : memref<1x64x192xf32, #tpu.memory_space<vmem>>, vector<1x1x16xf32>,
        %get3A_879 = vector.shape_cast %get3A_878 : vector<1x1x16xf32> to vector<16xf32>
        %mul3A_880 = arith.mulf %get3A_879, %broadcast_in_dim3A_645 : vector<16xf32>
        %swap3A_881 = arith.constant 0 : i32
        %swap3A_882 = arith.index_cast %swap3A_881 : i32 to index
        %swap3A_883 = arith.index_cast %scan3A_860 : i32 to index
        %swap3A_884 = arith.constant 16 : index
        %swap3A_885 = tpu.vector_load %arg11[%swap3A_882, %swap3A_883, %swap3A_884] {strides = array<i32>} : memref<1x64x192xf32, #tpu.memory_space<vmem>>, vector<1x1x16xf32>,
        %swap3A_886 = vector.shape_cast %swap3A_885 : vector<1x1x16xf32> to vector<16xf32>
        %swap3A_887 = vector.shape_cast %mul3A_880 : vector<16xf32> to vector<1x1x16xf32>
        tpu.vector_store %arg11[%swap3A_882, %swap3A_883, %swap3A_884], %swap3A_887 {strides = array<i32>} : memref<1x64x192xf32, #tpu.memory_space<vmem>>, vector<1x1x16xf32>,
        %get3A_888 = arith.constant 0 : i32
        %get3A_889 = arith.index_cast %get3A_888 : i32 to index
        %get3A_890 = arith.index_cast %scan3A_860 : i32 to index
        %get3A_891 = arith.constant 32 : index
        %get3A_892 = tpu.vector_load %arg11[%get3A_889, %get3A_890, %get3A_891] {strides = array<i32>} : memref<1x64x192xf32, #tpu.memory_space<vmem>>, vector<1x1x16xf32>,
        %get3A_893 = vector.shape_cast %get3A_892 : vector<1x1x16xf32> to vector<16xf32>
        %mul3A_894 = arith.mulf %get3A_893, %broadcast_in_dim3A_645 : vector<16xf32>
        %swap3A_895 = arith.constant 0 : i32
        %swap3A_896 = arith.index_cast %swap3A_895 : i32 to index
        %swap3A_897 = arith.index_cast %scan3A_860 : i32 to index
        %swap3A_898 = arith.constant 32 : index
        %swap3A_899 = tpu.vector_load %arg11[%swap3A_896, %swap3A_897, %swap3A_898] {strides = array<i32>} : memref<1x64x192xf32, #tpu.memory_space<vmem>>, vector<1x1x16xf32>,
        %swap3A_900 = vector.shape_cast %swap3A_899 : vector<1x1x16xf32> to vector<16xf32>
        %swap3A_901 = vector.shape_cast %mul3A_894 : vector<16xf32> to vector<1x1x16xf32>
        tpu.vector_store %arg11[%swap3A_896, %swap3A_897, %swap3A_898], %swap3A_901 {strides = array<i32>} : memref<1x64x192xf32, #tpu.memory_space<vmem>>, vector<1x1x16xf32>,
        %get3A_902 = arith.constant 0 : i32
        %get3A_903 = arith.index_cast %get3A_902 : i32 to index
        %get3A_904 = arith.index_cast %scan3A_860 : i32 to index
        %get3A_905 = arith.constant 48 : index
        %get3A_906 = tpu.vector_load %arg11[%get3A_903, %get3A_904, %get3A_905] {strides = array<i32>} : memref<1x64x192xf32, #tpu.memory_space<vmem>>, vector<1x1x16xf32>,
        %get3A_907 = vector.shape_cast %get3A_906 : vector<1x1x16xf32> to vector<16xf32>
        %mul3A_908 = arith.mulf %get3A_907, %broadcast_in_dim3A_645 : vector<16xf32>
        %swap3A_909 = arith.constant 0 : i32
        %swap3A_910 = arith.index_cast %swap3A_909 : i32 to index
        %swap3A_911 = arith.index_cast %scan3A_860 : i32 to index
        %swap3A_912 = arith.constant 48 : index
        %swap3A_913 = tpu.vector_load %arg11[%swap3A_910, %swap3A_911, %swap3A_912] {strides = array<i32>} : memref<1x64x192xf32, #tpu.memory_space<vmem>>, vector<1x1x16xf32>,
        %swap3A_914 = vector.shape_cast %swap3A_913 : vector<1x1x16xf32> to vector<16xf32>
        %swap3A_915 = vector.shape_cast %mul3A_908 : vector<16xf32> to vector<1x1x16xf32>
        tpu.vector_store %arg11[%swap3A_910, %swap3A_911, %swap3A_912], %swap3A_915 {strides = array<i32>} : memref<1x64x192xf32, #tpu.memory_space<vmem>>, vector<1x1x16xf32>,
        %get3A_916 = arith.constant 0 : i32
        %get3A_917 = arith.index_cast %get3A_916 : i32 to index
        %get3A_918 = arith.index_cast %scan3A_860 : i32 to index
        %get3A_919 = arith.constant 64 : index
        %get3A_920 = tpu.vector_load %arg11[%get3A_917, %get3A_918, %get3A_919] {strides = array<i32>} : memref<1x64x192xf32, #tpu.memory_space<vmem>>, vector<1x1x16xf32>,
        %get3A_921 = vector.shape_cast %get3A_920 : vector<1x1x16xf32> to vector<16xf32>
        %mul3A_922 = arith.mulf %get3A_921, %broadcast_in_dim3A_645 : vector<16xf32>
        %swap3A_923 = arith.constant 0 : i32
        %swap3A_924 = arith.index_cast %swap3A_923 : i32 to index
        %swap3A_925 = arith.index_cast %scan3A_860 : i32 to index
        %swap3A_926 = arith.constant 64 : index
        %swap3A_927 = tpu.vector_load %arg11[%swap3A_924, %swap3A_925, %swap3A_926] {strides = array<i32>} : memref<1x64x192xf32, #tpu.memory_space<vmem>>, vector<1x1x16xf32>,
        %swap3A_928 = vector.shape_cast %swap3A_927 : vector<1x1x16xf32> to vector<16xf32>
        %swap3A_929 = vector.shape_cast %mul3A_922 : vector<16xf32> to vector<1x1x16xf32>
        tpu.vector_store %arg11[%swap3A_924, %swap3A_925, %swap3A_926], %swap3A_929 {strides = array<i32>} : memref<1x64x192xf32, #tpu.memory_space<vmem>>, vector<1x1x16xf32>,
        %get3A_930 = arith.constant 0 : i32
        %get3A_931 = arith.index_cast %get3A_930 : i32 to index
        %get3A_932 = arith.index_cast %scan3A_860 : i32 to index
        %get3A_933 = arith.constant 80 : index
        %get3A_934 = tpu.vector_load %arg11[%get3A_931, %get3A_932, %get3A_933] {strides = array<i32>} : memref<1x64x192xf32, #tpu.memory_space<vmem>>, vector<1x1x16xf32>,
        %get3A_935 = vector.shape_cast %get3A_934 : vector<1x1x16xf32> to vector<16xf32>
        %mul3A_936 = arith.mulf %get3A_935, %broadcast_in_dim3A_645 : vector<16xf32>
        %swap3A_937 = arith.constant 0 : i32
        %swap3A_938 = arith.index_cast %swap3A_937 : i32 to index
        %swap3A_939 = arith.index_cast %scan3A_860 : i32 to index
        %swap3A_940 = arith.constant 80 : index
        %swap3A_941 = tpu.vector_load %arg11[%swap3A_938, %swap3A_939, %swap3A_940] {strides = array<i32>} : memref<1x64x192xf32, #tpu.memory_space<vmem>>, vector<1x1x16xf32>,
        %swap3A_942 = vector.shape_cast %swap3A_941 : vector<1x1x16xf32> to vector<16xf32>
        %swap3A_943 = vector.shape_cast %mul3A_936 : vector<16xf32> to vector<1x1x16xf32>
        tpu.vector_store %arg11[%swap3A_938, %swap3A_939, %swap3A_940], %swap3A_943 {strides = array<i32>} : memref<1x64x192xf32, #tpu.memory_space<vmem>>, vector<1x1x16xf32>,
        %get3A_944 = arith.constant 0 : i32
        %get3A_945 = arith.index_cast %get3A_944 : i32 to index
        %get3A_946 = arith.index_cast %scan3A_860 : i32 to index
        %get3A_947 = arith.constant 96 : index
        %get3A_948 = tpu.vector_load %arg11[%get3A_945, %get3A_946, %get3A_947] {strides = array<i32>} : memref<1x64x192xf32, #tpu.memory_space<vmem>>, vector<1x1x16xf32>,
        %get3A_949 = vector.shape_cast %get3A_948 : vector<1x1x16xf32> to vector<16xf32>
        %mul3A_950 = arith.mulf %get3A_949, %broadcast_in_dim3A_645 : vector<16xf32>
        %swap3A_951 = arith.constant 0 : i32
        %swap3A_952 = arith.index_cast %swap3A_951 : i32 to index
        %swap3A_953 = arith.index_cast %scan3A_860 : i32 to index
        %swap3A_954 = arith.constant 96 : index
        %swap3A_955 = tpu.vector_load %arg11[%swap3A_952, %swap3A_953, %swap3A_954] {strides = array<i32>} : memref<1x64x192xf32, #tpu.memory_space<vmem>>, vector<1x1x16xf32>,
        %swap3A_956 = vector.shape_cast %swap3A_955 : vector<1x1x16xf32> to vector<16xf32>
        %swap3A_957 = vector.shape_cast %mul3A_950 : vector<16xf32> to vector<1x1x16xf32>
        tpu.vector_store %arg11[%swap3A_952, %swap3A_953, %swap3A_954], %swap3A_957 {strides = array<i32>} : memref<1x64x192xf32, #tpu.memory_space<vmem>>, vector<1x1x16xf32>,
        %get3A_958 = arith.constant 0 : i32
        %get3A_959 = arith.index_cast %get3A_958 : i32 to index
        %get3A_960 = arith.index_cast %scan3A_860 : i32 to index
        %get3A_961 = arith.constant 112 : index
        %get3A_962 = tpu.vector_load %arg11[%get3A_959, %get3A_960, %get3A_961] {strides = array<i32>} : memref<1x64x192xf32, #tpu.memory_space<vmem>>, vector<1x1x16xf32>,
        %get3A_963 = vector.shape_cast %get3A_962 : vector<1x1x16xf32> to vector<16xf32>
        %mul3A_964 = arith.mulf %get3A_963, %broadcast_in_dim3A_645 : vector<16xf32>
        %swap3A_965 = arith.constant 0 : i32
        %swap3A_966 = arith.index_cast %swap3A_965 : i32 to index
        %swap3A_967 = arith.index_cast %scan3A_860 : i32 to index
        %swap3A_968 = arith.constant 112 : index
        %swap3A_969 = tpu.vector_load %arg11[%swap3A_966, %swap3A_967, %swap3A_968] {strides = array<i32>} : memref<1x64x192xf32, #tpu.memory_space<vmem>>, vector<1x1x16xf32>,
        %swap3A_970 = vector.shape_cast %swap3A_969 : vector<1x1x16xf32> to vector<16xf32>
        %swap3A_971 = vector.shape_cast %mul3A_964 : vector<16xf32> to vector<1x1x16xf32>
        tpu.vector_store %arg11[%swap3A_966, %swap3A_967, %swap3A_968], %swap3A_971 {strides = array<i32>} : memref<1x64x192xf32, #tpu.memory_space<vmem>>, vector<1x1x16xf32>,
        %get3A_972 = arith.constant 0 : i32
        %get3A_973 = arith.index_cast %get3A_972 : i32 to index
        %get3A_974 = arith.index_cast %scan3A_860 : i32 to index
        %get3A_975 = arith.constant 128 : index
        %get3A_976 = tpu.vector_load %arg11[%get3A_973, %get3A_974, %get3A_975] {strides = array<i32>} : memref<1x64x192xf32, #tpu.memory_space<vmem>>, vector<1x1x16xf32>,
        %get3A_977 = vector.shape_cast %get3A_976 : vector<1x1x16xf32> to vector<16xf32>
        %mul3A_978 = arith.mulf %get3A_977, %broadcast_in_dim3A_645 : vector<16xf32>
        %swap3A_979 = arith.constant 0 : i32
        %swap3A_980 = arith.index_cast %swap3A_979 : i32 to index
        %swap3A_981 = arith.index_cast %scan3A_860 : i32 to index
        %swap3A_982 = arith.constant 128 : index
        %swap3A_983 = tpu.vector_load %arg11[%swap3A_980, %swap3A_981, %swap3A_982] {strides = array<i32>} : memref<1x64x192xf32, #tpu.memory_space<vmem>>, vector<1x1x16xf32>,
        %swap3A_984 = vector.shape_cast %swap3A_983 : vector<1x1x16xf32> to vector<16xf32>
        %swap3A_985 = vector.shape_cast %mul3A_978 : vector<16xf32> to vector<1x1x16xf32>
        tpu.vector_store %arg11[%swap3A_980, %swap3A_981, %swap3A_982], %swap3A_985 {strides = array<i32>} : memref<1x64x192xf32, #tpu.memory_space<vmem>>, vector<1x1x16xf32>,
        %get3A_986 = arith.constant 0 : i32
        %get3A_987 = arith.index_cast %get3A_986 : i32 to index
        %get3A_988 = arith.index_cast %scan3A_860 : i32 to index
        %get3A_989 = arith.constant 144 : index
        %get3A_990 = tpu.vector_load %arg11[%get3A_987, %get3A_988, %get3A_989] {strides = array<i32>} : memref<1x64x192xf32, #tpu.memory_space<vmem>>, vector<1x1x16xf32>,
        %get3A_991 = vector.shape_cast %get3A_990 : vector<1x1x16xf32> to vector<16xf32>
        %mul3A_992 = arith.mulf %get3A_991, %broadcast_in_dim3A_645 : vector<16xf32>
        %swap3A_993 = arith.constant 0 : i32
        %swap3A_994 = arith.index_cast %swap3A_993 : i32 to index
        %swap3A_995 = arith.index_cast %scan3A_860 : i32 to index
        %swap3A_996 = arith.constant 144 : index
        %swap3A_997 = tpu.vector_load %arg11[%swap3A_994, %swap3A_995, %swap3A_996] {strides = array<i32>} : memref<1x64x192xf32, #tpu.memory_space<vmem>>, vector<1x1x16xf32>,
        %swap3A_998 = vector.shape_cast %swap3A_997 : vector<1x1x16xf32> to vector<16xf32>
        %swap3A_999 = vector.shape_cast %mul3A_992 : vector<16xf32> to vector<1x1x16xf32>
        tpu.vector_store %arg11[%swap3A_994, %swap3A_995, %swap3A_996], %swap3A_999 {strides = array<i32>} : memref<1x64x192xf32, #tpu.memory_space<vmem>>, vector<1x1x16xf32>,
        %get3A_1000 = arith.constant 0 : i32
        %get3A_1001 = arith.index_cast %get3A_1000 : i32 to index
        %get3A_1002 = arith.index_cast %scan3A_860 : i32 to index
        %get3A_1003 = arith.constant 160 : index
        %get3A_1004 = tpu.vector_load %arg11[%get3A_1001, %get3A_1002, %get3A_1003] {strides = array<i32>} : memref<1x64x192xf32, #tpu.memory_space<vmem>>, vector<1x1x16xf32>,
        %get3A_1005 = vector.shape_cast %get3A_1004 : vector<1x1x16xf32> to vector<16xf32>
        %mul3A_1006 = arith.mulf %get3A_1005, %broadcast_in_dim3A_645 : vector<16xf32>
        %swap3A_1007 = arith.constant 0 : i32
        %swap3A_1008 = arith.index_cast %swap3A_1007 : i32 to index
        %swap3A_1009 = arith.index_cast %scan3A_860 : i32 to index
        %swap3A_1010 = arith.constant 160 : index
        %swap3A_1011 = tpu.vector_load %arg11[%swap3A_1008, %swap3A_1009, %swap3A_1010] {strides = array<i32>} : memref<1x64x192xf32, #tpu.memory_space<vmem>>, vector<1x1x16xf32>,
        %swap3A_1012 = vector.shape_cast %swap3A_1011 : vector<1x1x16xf32> to vector<16xf32>
        %swap3A_1013 = vector.shape_cast %mul3A_1006 : vector<16xf32> to vector<1x1x16xf32>
        tpu.vector_store %arg11[%swap3A_1008, %swap3A_1009, %swap3A_1010], %swap3A_1013 {strides = array<i32>} : memref<1x64x192xf32, #tpu.memory_space<vmem>>, vector<1x1x16xf32>,
        %get3A_1014 = arith.constant 0 : i32
        %get3A_1015 = arith.index_cast %get3A_1014 : i32 to index
        %get3A_1016 = arith.index_cast %scan3A_860 : i32 to index
        %get3A_1017 = arith.constant 176 : index
        %get3A_1018 = tpu.vector_load %arg11[%get3A_1015, %get3A_1016, %get3A_1017] {strides = array<i32>} : memref<1x64x192xf32, #tpu.memory_space<vmem>>, vector<1x1x16xf32>,
        %get3A_1019 = vector.shape_cast %get3A_1018 : vector<1x1x16xf32> to vector<16xf32>
        %mul3A_1020 = arith.mulf %get3A_1019, %broadcast_in_dim3A_645 : vector<16xf32>
        %swap3A_1021 = arith.constant 0 : i32
        %swap3A_1022 = arith.index_cast %swap3A_1021 : i32 to index
        %swap3A_1023 = arith.index_cast %scan3A_860 : i32 to index
        %swap3A_1024 = arith.constant 176 : index
        %swap3A_1025 = tpu.vector_load %arg11[%swap3A_1022, %swap3A_1023, %swap3A_1024] {strides = array<i32>} : memref<1x64x192xf32, #tpu.memory_space<vmem>>, vector<1x1x16xf32>,
        %swap3A_1026 = vector.shape_cast %swap3A_1025 : vector<1x1x16xf32> to vector<16xf32>
        %swap3A_1027 = vector.shape_cast %mul3A_1020 : vector<16xf32> to vector<1x1x16xf32>
        tpu.vector_store %arg11[%swap3A_1022, %swap3A_1023, %swap3A_1024], %swap3A_1027 {strides = array<i32>} : memref<1x64x192xf32, #tpu.memory_space<vmem>>, vector<1x1x16xf32>,
      }
      %scan3A_651 = arith.constant 64 : i32
      %add3A_652 = arith.addi %mul3A_2, %add3A_623 : i32
      %dma_start3A_653 = arith.constant 0 : i32
      %dma_start3A_654 = arith.constant 0 : i32
      %dma_start3A_655 = tpu.memref_slice %arg5[%add3A_652, %dma_start3A_653, %dma_start3A_654] : memref<3136x64x192xf32, #tpu.memory_space<hbm>> -> memref<1x64x192xf32, #tpu.memory_space<hbm>>
      %dma_start3A_656 = arith.constant 0 : i32
      %dma_start3A_657 = arith.constant 0 : i32
      %dma_start3A_658 = tpu.memref_slice %arg5[%add3A_652, %dma_start3A_656, %dma_start3A_657] : memref<3136x64x192xf32, #tpu.memory_space<hbm>> -> memref<1x64x192xf32, #tpu.memory_space<hbm>>
      tpu.enqueue_dma source(%arg11 : memref<1x64x192xf32, #tpu.memory_space<vmem>>) target(%dma_start3A_658 : memref<1x64x192xf32, #tpu.memory_space<hbm>>) target_semaphore(%arg25 : memref<!tpu.dma_semaphore, #tpu.memory_space<semaphore_mem>>)
      %ge3A_659 = arith.constant 2 : i32
      %ge3A_660 = arith.cmpi sge, %add3A_623, %ge3A_659 : i32
      %convert_element_type3A_661 = arith.extui %ge3A_660 : i1 to i32
      %cond3A_662 = arith.constant 0 : i32
      %cond3A_663 = arith.cmpi ne, %convert_element_type3A_661, %cond3A_662 : i32
      scf.if %cond3A_663 {
        %sub3A_860 = arith.constant 2 : i32
        %sub3A_861 = arith.subi %add3A_623, %sub3A_860 : i32
        %add3A_862 = arith.addi %mul3A_2, %sub3A_861 : i32
        %dma_wait3A_863 = arith.constant 0 : i32
        %dma_wait3A_864 = arith.constant 0 : i32
        %dma_wait3A_865 = tpu.memref_slice %arg5[%add3A_862, %dma_wait3A_863, %dma_wait3A_864] : memref<3136x64x192xf32, #tpu.memory_space<hbm>> -> memref<1x64x192xf32, #tpu.memory_space<hbm>>
        %dma_wait3A_866 = arith.constant 0 : i32
        %dma_wait3A_867 = arith.constant 0 : i32
        %dma_wait3A_868 = tpu.memref_slice %arg5[%add3A_862, %dma_wait3A_866, %dma_wait3A_867] : memref<3136x64x192xf32, #tpu.memory_space<hbm>> -> memref<1x64x192xf32, #tpu.memory_space<hbm>>
        tpu.wait_dma2 semaphore(%arg23 : memref<!tpu.dma_semaphore, #tpu.memory_space<semaphore_mem>>) src(%arg9 : memref<1x64x192xf32, #tpu.memory_space<vmem>>) dst(%dma_wait3A_868 : memref<1x64x192xf32, #tpu.memory_space<hbm>>)
      } else {
      }
      %add3A_664 = arith.constant 5 : i32
      %add3A_665 = arith.addi %add3A_623, %add3A_664 : i32
      %get3A_666 = arith.constant 0 : i32
      %get3A_667 = arith.index_cast %get3A_666 : i32 to index
      %get3A_668 = arith.index_cast %add3A_665 : i32 to index
      %get3A_669 = tpu.vector_load %arg6[%get3A_667, %get3A_668] {strides = array<i32>} : memref<1x128xi32, #tpu.memory_space<vmem>>, vector<1x16xi32>,
      %get3A_670 = vector.shape_cast %get3A_669 : vector<1x16xi32> to vector<16xi32>
      %slice3A_671 = vector.extract_strided_slice %get3A_670 {offsets = [0], sizes = [1], strides = [1]} : vector<16xi32> to vector<1xi32>
      %squeeze3A_672 = vector.extract %slice3A_671[0] : i32 from vector<1xi32>
      %add3A_673 = arith.addi %squeeze3A_672, %mul3A_20 : i32
      %dma_start3A_674 = arith.constant 0 : i32
      %dma_start3A_675 = arith.constant 0 : i32
      %dma_start3A_676 = tpu.memref_slice %arg4[%add3A_673, %dma_start3A_674, %dma_start3A_675] : memref<392x64x192xf32, #tpu.memory_space<hbm>> -> memref<1x64x192xf32, #tpu.memory_space<hbm>>
      %dma_start3A_677 = arith.constant 0 : i32
      %dma_start3A_678 = arith.constant 0 : i32
      %dma_start3A_679 = tpu.memref_slice %arg4[%add3A_673, %dma_start3A_677, %dma_start3A_678] : memref<392x64x192xf32, #tpu.memory_space<hbm>> -> memref<1x64x192xf32, #tpu.memory_space<hbm>>
      tpu.enqueue_dma source(%dma_start3A_679 : memref<1x64x192xf32, #tpu.memory_space<hbm>>) target(%arg9 : memref<1x64x192xf32, #tpu.memory_space<vmem>>) target_semaphore(%arg16 : memref<!tpu.dma_semaphore, #tpu.memory_space<semaphore_mem>>)
      %mul3A_680 = arith.constant 7 : i32
      %mul3A_681 = arith.muli %scan3A_442, %mul3A_680 : i32
      %add3A_682 = arith.constant 4 : i32
      %add3A_683 = arith.addi %mul3A_681, %add3A_682 : i32
      %get3A_684 = arith.constant 0 : i32
      %get3A_685 = arith.index_cast %get3A_684 : i32 to index
      %get3A_686 = arith.index_cast %add3A_683 : i32 to index
      %get3A_687 = tpu.vector_load %arg6[%get3A_685, %get3A_686] {strides = array<i32>} : memref<1x128xi32, #tpu.memory_space<vmem>>, vector<1x16xi32>,
      %get3A_688 = vector.shape_cast %get3A_687 : vector<1x16xi32> to vector<16xi32>
      %slice3A_689 = vector.extract_strided_slice %get3A_688 {offsets = [0], sizes = [1], strides = [1]} : vector<16xi32> to vector<1xi32>
      %squeeze3A_690 = vector.extract %slice3A_689[0] : i32 from vector<1xi32>
      %add3A_691 = arith.addi %squeeze3A_690, %mul3A_20 : i32
      %dma_wait3A_692 = arith.constant 0 : i32
      %dma_wait3A_693 = arith.constant 0 : i32
      %dma_wait3A_694 = tpu.memref_slice %arg4[%add3A_691, %dma_wait3A_692, %dma_wait3A_693] : memref<392x64x192xf32, #tpu.memory_space<hbm>> -> memref<1x64x192xf32, #tpu.memory_space<hbm>>
      %dma_wait3A_695 = arith.constant 0 : i32
      %dma_wait3A_696 = arith.constant 0 : i32
      %dma_wait3A_697 = tpu.memref_slice %arg4[%add3A_691, %dma_wait3A_695, %dma_wait3A_696] : memref<392x64x192xf32, #tpu.memory_space<hbm>> -> memref<1x64x192xf32, #tpu.memory_space<hbm>>
      tpu.wait_dma2 semaphore(%arg19 : memref<!tpu.dma_semaphore, #tpu.memory_space<semaphore_mem>>) src(%dma_wait3A_697 : memref<1x64x192xf32, #tpu.memory_space<hbm>>) dst(%arg12 : memref<1x64x192xf32, #tpu.memory_space<vmem>>)
      %get3A_698 = arith.constant 0 : i32
      %get3A_699 = arith.index_cast %get3A_698 : i32 to index
      %get3A_700 = arith.index_cast %add3A_683 : i32 to index
      %get3A_701 = tpu.vector_load %arg7[%get3A_699, %get3A_700] {strides = array<i32>} : memref<1x128xf32, #tpu.memory_space<vmem>>, vector<1x16xf32>,
      %get3A_702 = vector.shape_cast %get3A_701 : vector<1x16xf32> to vector<16xf32>
      %slice3A_703 = vector.extract_strided_slice %get3A_702 {offsets = [0], sizes = [1], strides = [1]} : vector<16xf32> to vector<1xf32>
      %squeeze3A_704 = vector.extract %slice3A_703[0] : f32 from vector<1xf32>
      %broadcast_in_dim3A_705 = vector.broadcast %squeeze3A_704 : f32 to vector<16xf32>
      %scan3A_706 = arith.constant 0 : i32
      %scan3A_707 = arith.constant 0 : i32
      %scan3A_708 = arith.constant 64 : i32
      %scan3A_709 = arith.addi %scan3A_707, %scan3A_708 : i32
      %scan3A_710 = arith.constant 1 : i32
      scf.for %scan3A_860 = %scan3A_707 to %scan3A_709 step %scan3A_710  : i32 {
        %get3A_861 = arith.constant 0 : i32
        %get3A_862 = arith.index_cast %get3A_861 : i32 to index
        %get3A_863 = arith.index_cast %scan3A_860 : i32 to index
        %get3A_864 = arith.constant 0 : index
        %get3A_865 = tpu.vector_load %arg12[%get3A_862, %get3A_863, %get3A_864] {strides = array<i32>} : memref<1x64x192xf32, #tpu.memory_space<vmem>>, vector<1x1x16xf32>,
        %get3A_866 = vector.shape_cast %get3A_865 : vector<1x1x16xf32> to vector<16xf32>
        %mul3A_867 = arith.mulf %get3A_866, %broadcast_in_dim3A_705 : vector<16xf32>
        %swap3A = arith.constant 0 : i32
        %swap3A_868 = arith.index_cast %swap3A : i32 to index
        %swap3A_869 = arith.index_cast %scan3A_860 : i32 to index
        %swap3A_870 = arith.constant 0 : index
        %swap3A_871 = tpu.vector_load %arg12[%swap3A_868, %swap3A_869, %swap3A_870] {strides = array<i32>} : memref<1x64x192xf32, #tpu.memory_space<vmem>>, vector<1x1x16xf32>,
        %swap3A_872 = vector.shape_cast %swap3A_871 : vector<1x1x16xf32> to vector<16xf32>
        %swap3A_873 = vector.shape_cast %mul3A_867 : vector<16xf32> to vector<1x1x16xf32>
        tpu.vector_store %arg12[%swap3A_868, %swap3A_869, %swap3A_870], %swap3A_873 {strides = array<i32>} : memref<1x64x192xf32, #tpu.memory_space<vmem>>, vector<1x1x16xf32>,
        %get3A_874 = arith.constant 0 : i32
        %get3A_875 = arith.index_cast %get3A_874 : i32 to index
        %get3A_876 = arith.index_cast %scan3A_860 : i32 to index
        %get3A_877 = arith.constant 16 : index
        %get3A_878 = tpu.vector_load %arg12[%get3A_875, %get3A_876, %get3A_877] {strides = array<i32>} : memref<1x64x192xf32, #tpu.memory_space<vmem>>, vector<1x1x16xf32>,
        %get3A_879 = vector.shape_cast %get3A_878 : vector<1x1x16xf32> to vector<16xf32>
        %mul3A_880 = arith.mulf %get3A_879, %broadcast_in_dim3A_705 : vector<16xf32>
        %swap3A_881 = arith.constant 0 : i32
        %swap3A_882 = arith.index_cast %swap3A_881 : i32 to index
        %swap3A_883 = arith.index_cast %scan3A_860 : i32 to index
        %swap3A_884 = arith.constant 16 : index
        %swap3A_885 = tpu.vector_load %arg12[%swap3A_882, %swap3A_883, %swap3A_884] {strides = array<i32>} : memref<1x64x192xf32, #tpu.memory_space<vmem>>, vector<1x1x16xf32>,
        %swap3A_886 = vector.shape_cast %swap3A_885 : vector<1x1x16xf32> to vector<16xf32>
        %swap3A_887 = vector.shape_cast %mul3A_880 : vector<16xf32> to vector<1x1x16xf32>
        tpu.vector_store %arg12[%swap3A_882, %swap3A_883, %swap3A_884], %swap3A_887 {strides = array<i32>} : memref<1x64x192xf32, #tpu.memory_space<vmem>>, vector<1x1x16xf32>,
        %get3A_888 = arith.constant 0 : i32
        %get3A_889 = arith.index_cast %get3A_888 : i32 to index
        %get3A_890 = arith.index_cast %scan3A_860 : i32 to index
        %get3A_891 = arith.constant 32 : index
        %get3A_892 = tpu.vector_load %arg12[%get3A_889, %get3A_890, %get3A_891] {strides = array<i32>} : memref<1x64x192xf32, #tpu.memory_space<vmem>>, vector<1x1x16xf32>,
        %get3A_893 = vector.shape_cast %get3A_892 : vector<1x1x16xf32> to vector<16xf32>
        %mul3A_894 = arith.mulf %get3A_893, %broadcast_in_dim3A_705 : vector<16xf32>
        %swap3A_895 = arith.constant 0 : i32
        %swap3A_896 = arith.index_cast %swap3A_895 : i32 to index
        %swap3A_897 = arith.index_cast %scan3A_860 : i32 to index
        %swap3A_898 = arith.constant 32 : index
        %swap3A_899 = tpu.vector_load %arg12[%swap3A_896, %swap3A_897, %swap3A_898] {strides = array<i32>} : memref<1x64x192xf32, #tpu.memory_space<vmem>>, vector<1x1x16xf32>,
        %swap3A_900 = vector.shape_cast %swap3A_899 : vector<1x1x16xf32> to vector<16xf32>
        %swap3A_901 = vector.shape_cast %mul3A_894 : vector<16xf32> to vector<1x1x16xf32>
        tpu.vector_store %arg12[%swap3A_896, %swap3A_897, %swap3A_898], %swap3A_901 {strides = array<i32>} : memref<1x64x192xf32, #tpu.memory_space<vmem>>, vector<1x1x16xf32>,
        %get3A_902 = arith.constant 0 : i32
        %get3A_903 = arith.index_cast %get3A_902 : i32 to index
        %get3A_904 = arith.index_cast %scan3A_860 : i32 to index
        %get3A_905 = arith.constant 48 : index
        %get3A_906 = tpu.vector_load %arg12[%get3A_903, %get3A_904, %get3A_905] {strides = array<i32>} : memref<1x64x192xf32, #tpu.memory_space<vmem>>, vector<1x1x16xf32>,
        %get3A_907 = vector.shape_cast %get3A_906 : vector<1x1x16xf32> to vector<16xf32>
        %mul3A_908 = arith.mulf %get3A_907, %broadcast_in_dim3A_705 : vector<16xf32>
        %swap3A_909 = arith.constant 0 : i32
        %swap3A_910 = arith.index_cast %swap3A_909 : i32 to index
        %swap3A_911 = arith.index_cast %scan3A_860 : i32 to index
        %swap3A_912 = arith.constant 48 : index
        %swap3A_913 = tpu.vector_load %arg12[%swap3A_910, %swap3A_911, %swap3A_912] {strides = array<i32>} : memref<1x64x192xf32, #tpu.memory_space<vmem>>, vector<1x1x16xf32>,
        %swap3A_914 = vector.shape_cast %swap3A_913 : vector<1x1x16xf32> to vector<16xf32>
        %swap3A_915 = vector.shape_cast %mul3A_908 : vector<16xf32> to vector<1x1x16xf32>
        tpu.vector_store %arg12[%swap3A_910, %swap3A_911, %swap3A_912], %swap3A_915 {strides = array<i32>} : memref<1x64x192xf32, #tpu.memory_space<vmem>>, vector<1x1x16xf32>,
        %get3A_916 = arith.constant 0 : i32
        %get3A_917 = arith.index_cast %get3A_916 : i32 to index
        %get3A_918 = arith.index_cast %scan3A_860 : i32 to index
        %get3A_919 = arith.constant 64 : index
        %get3A_920 = tpu.vector_load %arg12[%get3A_917, %get3A_918, %get3A_919] {strides = array<i32>} : memref<1x64x192xf32, #tpu.memory_space<vmem>>, vector<1x1x16xf32>,
        %get3A_921 = vector.shape_cast %get3A_920 : vector<1x1x16xf32> to vector<16xf32>
        %mul3A_922 = arith.mulf %get3A_921, %broadcast_in_dim3A_705 : vector<16xf32>
        %swap3A_923 = arith.constant 0 : i32
        %swap3A_924 = arith.index_cast %swap3A_923 : i32 to index
        %swap3A_925 = arith.index_cast %scan3A_860 : i32 to index
        %swap3A_926 = arith.constant 64 : index
        %swap3A_927 = tpu.vector_load %arg12[%swap3A_924, %swap3A_925, %swap3A_926] {strides = array<i32>} : memref<1x64x192xf32, #tpu.memory_space<vmem>>, vector<1x1x16xf32>,
        %swap3A_928 = vector.shape_cast %swap3A_927 : vector<1x1x16xf32> to vector<16xf32>
        %swap3A_929 = vector.shape_cast %mul3A_922 : vector<16xf32> to vector<1x1x16xf32>
        tpu.vector_store %arg12[%swap3A_924, %swap3A_925, %swap3A_926], %swap3A_929 {strides = array<i32>} : memref<1x64x192xf32, #tpu.memory_space<vmem>>, vector<1x1x16xf32>,
        %get3A_930 = arith.constant 0 : i32
        %get3A_931 = arith.index_cast %get3A_930 : i32 to index
        %get3A_932 = arith.index_cast %scan3A_860 : i32 to index
        %get3A_933 = arith.constant 80 : index
        %get3A_934 = tpu.vector_load %arg12[%get3A_931, %get3A_932, %get3A_933] {strides = array<i32>} : memref<1x64x192xf32, #tpu.memory_space<vmem>>, vector<1x1x16xf32>,
        %get3A_935 = vector.shape_cast %get3A_934 : vector<1x1x16xf32> to vector<16xf32>
        %mul3A_936 = arith.mulf %get3A_935, %broadcast_in_dim3A_705 : vector<16xf32>
        %swap3A_937 = arith.constant 0 : i32
        %swap3A_938 = arith.index_cast %swap3A_937 : i32 to index
        %swap3A_939 = arith.index_cast %scan3A_860 : i32 to index
        %swap3A_940 = arith.constant 80 : index
        %swap3A_941 = tpu.vector_load %arg12[%swap3A_938, %swap3A_939, %swap3A_940] {strides = array<i32>} : memref<1x64x192xf32, #tpu.memory_space<vmem>>, vector<1x1x16xf32>,
        %swap3A_942 = vector.shape_cast %swap3A_941 : vector<1x1x16xf32> to vector<16xf32>
        %swap3A_943 = vector.shape_cast %mul3A_936 : vector<16xf32> to vector<1x1x16xf32>
        tpu.vector_store %arg12[%swap3A_938, %swap3A_939, %swap3A_940], %swap3A_943 {strides = array<i32>} : memref<1x64x192xf32, #tpu.memory_space<vmem>>, vector<1x1x16xf32>,
        %get3A_944 = arith.constant 0 : i32
        %get3A_945 = arith.index_cast %get3A_944 : i32 to index
        %get3A_946 = arith.index_cast %scan3A_860 : i32 to index
        %get3A_947 = arith.constant 96 : index
        %get3A_948 = tpu.vector_load %arg12[%get3A_945, %get3A_946, %get3A_947] {strides = array<i32>} : memref<1x64x192xf32, #tpu.memory_space<vmem>>, vector<1x1x16xf32>,
        %get3A_949 = vector.shape_cast %get3A_948 : vector<1x1x16xf32> to vector<16xf32>
        %mul3A_950 = arith.mulf %get3A_949, %broadcast_in_dim3A_705 : vector<16xf32>
        %swap3A_951 = arith.constant 0 : i32
        %swap3A_952 = arith.index_cast %swap3A_951 : i32 to index
        %swap3A_953 = arith.index_cast %scan3A_860 : i32 to index
        %swap3A_954 = arith.constant 96 : index
        %swap3A_955 = tpu.vector_load %arg12[%swap3A_952, %swap3A_953, %swap3A_954] {strides = array<i32>} : memref<1x64x192xf32, #tpu.memory_space<vmem>>, vector<1x1x16xf32>,
        %swap3A_956 = vector.shape_cast %swap3A_955 : vector<1x1x16xf32> to vector<16xf32>
        %swap3A_957 = vector.shape_cast %mul3A_950 : vector<16xf32> to vector<1x1x16xf32>
        tpu.vector_store %arg12[%swap3A_952, %swap3A_953, %swap3A_954], %swap3A_957 {strides = array<i32>} : memref<1x64x192xf32, #tpu.memory_space<vmem>>, vector<1x1x16xf32>,
        %get3A_958 = arith.constant 0 : i32
        %get3A_959 = arith.index_cast %get3A_958 : i32 to index
        %get3A_960 = arith.index_cast %scan3A_860 : i32 to index
        %get3A_961 = arith.constant 112 : index
        %get3A_962 = tpu.vector_load %arg12[%get3A_959, %get3A_960, %get3A_961] {strides = array<i32>} : memref<1x64x192xf32, #tpu.memory_space<vmem>>, vector<1x1x16xf32>,
        %get3A_963 = vector.shape_cast %get3A_962 : vector<1x1x16xf32> to vector<16xf32>
        %mul3A_964 = arith.mulf %get3A_963, %broadcast_in_dim3A_705 : vector<16xf32>
        %swap3A_965 = arith.constant 0 : i32
        %swap3A_966 = arith.index_cast %swap3A_965 : i32 to index
        %swap3A_967 = arith.index_cast %scan3A_860 : i32 to index
        %swap3A_968 = arith.constant 112 : index
        %swap3A_969 = tpu.vector_load %arg12[%swap3A_966, %swap3A_967, %swap3A_968] {strides = array<i32>} : memref<1x64x192xf32, #tpu.memory_space<vmem>>, vector<1x1x16xf32>,
        %swap3A_970 = vector.shape_cast %swap3A_969 : vector<1x1x16xf32> to vector<16xf32>
        %swap3A_971 = vector.shape_cast %mul3A_964 : vector<16xf32> to vector<1x1x16xf32>
        tpu.vector_store %arg12[%swap3A_966, %swap3A_967, %swap3A_968], %swap3A_971 {strides = array<i32>} : memref<1x64x192xf32, #tpu.memory_space<vmem>>, vector<1x1x16xf32>,
        %get3A_972 = arith.constant 0 : i32
        %get3A_973 = arith.index_cast %get3A_972 : i32 to index
        %get3A_974 = arith.index_cast %scan3A_860 : i32 to index
        %get3A_975 = arith.constant 128 : index
        %get3A_976 = tpu.vector_load %arg12[%get3A_973, %get3A_974, %get3A_975] {strides = array<i32>} : memref<1x64x192xf32, #tpu.memory_space<vmem>>, vector<1x1x16xf32>,
        %get3A_977 = vector.shape_cast %get3A_976 : vector<1x1x16xf32> to vector<16xf32>
        %mul3A_978 = arith.mulf %get3A_977, %broadcast_in_dim3A_705 : vector<16xf32>
        %swap3A_979 = arith.constant 0 : i32
        %swap3A_980 = arith.index_cast %swap3A_979 : i32 to index
        %swap3A_981 = arith.index_cast %scan3A_860 : i32 to index
        %swap3A_982 = arith.constant 128 : index
        %swap3A_983 = tpu.vector_load %arg12[%swap3A_980, %swap3A_981, %swap3A_982] {strides = array<i32>} : memref<1x64x192xf32, #tpu.memory_space<vmem>>, vector<1x1x16xf32>,
        %swap3A_984 = vector.shape_cast %swap3A_983 : vector<1x1x16xf32> to vector<16xf32>
        %swap3A_985 = vector.shape_cast %mul3A_978 : vector<16xf32> to vector<1x1x16xf32>
        tpu.vector_store %arg12[%swap3A_980, %swap3A_981, %swap3A_982], %swap3A_985 {strides = array<i32>} : memref<1x64x192xf32, #tpu.memory_space<vmem>>, vector<1x1x16xf32>,
        %get3A_986 = arith.constant 0 : i32
        %get3A_987 = arith.index_cast %get3A_986 : i32 to index
        %get3A_988 = arith.index_cast %scan3A_860 : i32 to index
        %get3A_989 = arith.constant 144 : index
        %get3A_990 = tpu.vector_load %arg12[%get3A_987, %get3A_988, %get3A_989] {strides = array<i32>} : memref<1x64x192xf32, #tpu.memory_space<vmem>>, vector<1x1x16xf32>,
        %get3A_991 = vector.shape_cast %get3A_990 : vector<1x1x16xf32> to vector<16xf32>
        %mul3A_992 = arith.mulf %get3A_991, %broadcast_in_dim3A_705 : vector<16xf32>
        %swap3A_993 = arith.constant 0 : i32
        %swap3A_994 = arith.index_cast %swap3A_993 : i32 to index
        %swap3A_995 = arith.index_cast %scan3A_860 : i32 to index
        %swap3A_996 = arith.constant 144 : index
        %swap3A_997 = tpu.vector_load %arg12[%swap3A_994, %swap3A_995, %swap3A_996] {strides = array<i32>} : memref<1x64x192xf32, #tpu.memory_space<vmem>>, vector<1x1x16xf32>,
        %swap3A_998 = vector.shape_cast %swap3A_997 : vector<1x1x16xf32> to vector<16xf32>
        %swap3A_999 = vector.shape_cast %mul3A_992 : vector<16xf32> to vector<1x1x16xf32>
        tpu.vector_store %arg12[%swap3A_994, %swap3A_995, %swap3A_996], %swap3A_999 {strides = array<i32>} : memref<1x64x192xf32, #tpu.memory_space<vmem>>, vector<1x1x16xf32>,
        %get3A_1000 = arith.constant 0 : i32
        %get3A_1001 = arith.index_cast %get3A_1000 : i32 to index
        %get3A_1002 = arith.index_cast %scan3A_860 : i32 to index
        %get3A_1003 = arith.constant 160 : index
        %get3A_1004 = tpu.vector_load %arg12[%get3A_1001, %get3A_1002, %get3A_1003] {strides = array<i32>} : memref<1x64x192xf32, #tpu.memory_space<vmem>>, vector<1x1x16xf32>,
        %get3A_1005 = vector.shape_cast %get3A_1004 : vector<1x1x16xf32> to vector<16xf32>
        %mul3A_1006 = arith.mulf %get3A_1005, %broadcast_in_dim3A_705 : vector<16xf32>
        %swap3A_1007 = arith.constant 0 : i32
        %swap3A_1008 = arith.index_cast %swap3A_1007 : i32 to index
        %swap3A_1009 = arith.index_cast %scan3A_860 : i32 to index
        %swap3A_1010 = arith.constant 160 : index
        %swap3A_1011 = tpu.vector_load %arg12[%swap3A_1008, %swap3A_1009, %swap3A_1010] {strides = array<i32>} : memref<1x64x192xf32, #tpu.memory_space<vmem>>, vector<1x1x16xf32>,
        %swap3A_1012 = vector.shape_cast %swap3A_1011 : vector<1x1x16xf32> to vector<16xf32>
        %swap3A_1013 = vector.shape_cast %mul3A_1006 : vector<16xf32> to vector<1x1x16xf32>
        tpu.vector_store %arg12[%swap3A_1008, %swap3A_1009, %swap3A_1010], %swap3A_1013 {strides = array<i32>} : memref<1x64x192xf32, #tpu.memory_space<vmem>>, vector<1x1x16xf32>,
        %get3A_1014 = arith.constant 0 : i32
        %get3A_1015 = arith.index_cast %get3A_1014 : i32 to index
        %get3A_1016 = arith.index_cast %scan3A_860 : i32 to index
        %get3A_1017 = arith.constant 176 : index
        %get3A_1018 = tpu.vector_load %arg12[%get3A_1015, %get3A_1016, %get3A_1017] {strides = array<i32>} : memref<1x64x192xf32, #tpu.memory_space<vmem>>, vector<1x1x16xf32>,
        %get3A_1019 = vector.shape_cast %get3A_1018 : vector<1x1x16xf32> to vector<16xf32>
        %mul3A_1020 = arith.mulf %get3A_1019, %broadcast_in_dim3A_705 : vector<16xf32>
        %swap3A_1021 = arith.constant 0 : i32
        %swap3A_1022 = arith.index_cast %swap3A_1021 : i32 to index
        %swap3A_1023 = arith.index_cast %scan3A_860 : i32 to index
        %swap3A_1024 = arith.constant 176 : index
        %swap3A_1025 = tpu.vector_load %arg12[%swap3A_1022, %swap3A_1023, %swap3A_1024] {strides = array<i32>} : memref<1x64x192xf32, #tpu.memory_space<vmem>>, vector<1x1x16xf32>,
        %swap3A_1026 = vector.shape_cast %swap3A_1025 : vector<1x1x16xf32> to vector<16xf32>
        %swap3A_1027 = vector.shape_cast %mul3A_1020 : vector<16xf32> to vector<1x1x16xf32>
        tpu.vector_store %arg12[%swap3A_1022, %swap3A_1023, %swap3A_1024], %swap3A_1027 {strides = array<i32>} : memref<1x64x192xf32, #tpu.memory_space<vmem>>, vector<1x1x16xf32>,
      }
      %scan3A_711 = arith.constant 64 : i32
      %add3A_712 = arith.addi %mul3A_2, %add3A_683 : i32
      %dma_start3A_713 = arith.constant 0 : i32
      %dma_start3A_714 = arith.constant 0 : i32
      %dma_start3A_715 = tpu.memref_slice %arg5[%add3A_712, %dma_start3A_713, %dma_start3A_714] : memref<3136x64x192xf32, #tpu.memory_space<hbm>> -> memref<1x64x192xf32, #tpu.memory_space<hbm>>
      %dma_start3A_716 = arith.constant 0 : i32
      %dma_start3A_717 = arith.constant 0 : i32
      %dma_start3A_718 = tpu.memref_slice %arg5[%add3A_712, %dma_start3A_716, %dma_start3A_717] : memref<3136x64x192xf32, #tpu.memory_space<hbm>> -> memref<1x64x192xf32, #tpu.memory_space<hbm>>
      tpu.enqueue_dma source(%arg12 : memref<1x64x192xf32, #tpu.memory_space<vmem>>) target(%dma_start3A_718 : memref<1x64x192xf32, #tpu.memory_space<hbm>>) target_semaphore(%arg26 : memref<!tpu.dma_semaphore, #tpu.memory_space<semaphore_mem>>)
      %ge3A_719 = arith.constant 2 : i32
      %ge3A_720 = arith.cmpi sge, %add3A_683, %ge3A_719 : i32
      %convert_element_type3A_721 = arith.extui %ge3A_720 : i1 to i32
      %cond3A_722 = arith.constant 0 : i32
      %cond3A_723 = arith.cmpi ne, %convert_element_type3A_721, %cond3A_722 : i32
      scf.if %cond3A_723 {
        %sub3A_860 = arith.constant 2 : i32
        %sub3A_861 = arith.subi %add3A_683, %sub3A_860 : i32
        %add3A_862 = arith.addi %mul3A_2, %sub3A_861 : i32
        %dma_wait3A_863 = arith.constant 0 : i32
        %dma_wait3A_864 = arith.constant 0 : i32
        %dma_wait3A_865 = tpu.memref_slice %arg5[%add3A_862, %dma_wait3A_863, %dma_wait3A_864] : memref<3136x64x192xf32, #tpu.memory_space<hbm>> -> memref<1x64x192xf32, #tpu.memory_space<hbm>>
        %dma_wait3A_866 = arith.constant 0 : i32
        %dma_wait3A_867 = arith.constant 0 : i32
        %dma_wait3A_868 = tpu.memref_slice %arg5[%add3A_862, %dma_wait3A_866, %dma_wait3A_867] : memref<3136x64x192xf32, #tpu.memory_space<hbm>> -> memref<1x64x192xf32, #tpu.memory_space<hbm>>
        tpu.wait_dma2 semaphore(%arg24 : memref<!tpu.dma_semaphore, #tpu.memory_space<semaphore_mem>>) src(%arg10 : memref<1x64x192xf32, #tpu.memory_space<vmem>>) dst(%dma_wait3A_868 : memref<1x64x192xf32, #tpu.memory_space<hbm>>)
      } else {
      }
      %add3A_724 = arith.constant 5 : i32
      %add3A_725 = arith.addi %add3A_683, %add3A_724 : i32
      %get3A_726 = arith.constant 0 : i32
      %get3A_727 = arith.index_cast %get3A_726 : i32 to index
      %get3A_728 = arith.index_cast %add3A_725 : i32 to index
      %get3A_729 = tpu.vector_load %arg6[%get3A_727, %get3A_728] {strides = array<i32>} : memref<1x128xi32, #tpu.memory_space<vmem>>, vector<1x16xi32>,
      %get3A_730 = vector.shape_cast %get3A_729 : vector<1x16xi32> to vector<16xi32>
      %slice3A_731 = vector.extract_strided_slice %get3A_730 {offsets = [0], sizes = [1], strides = [1]} : vector<16xi32> to vector<1xi32>
      %squeeze3A_732 = vector.extract %slice3A_731[0] : i32 from vector<1xi32>
      %add3A_733 = arith.addi %squeeze3A_732, %mul3A_20 : i32
      %dma_start3A_734 = arith.constant 0 : i32
      %dma_start3A_735 = arith.constant 0 : i32
      %dma_start3A_736 = tpu.memref_slice %arg4[%add3A_733, %dma_start3A_734, %dma_start3A_735] : memref<392x64x192xf32, #tpu.memory_space<hbm>> -> memref<1x64x192xf32, #tpu.memory_space<hbm>>
      %dma_start3A_737 = arith.constant 0 : i32
      %dma_start3A_738 = arith.constant 0 : i32
      %dma_start3A_739 = tpu.memref_slice %arg4[%add3A_733, %dma_start3A_737, %dma_start3A_738] : memref<392x64x192xf32, #tpu.memory_space<hbm>> -> memref<1x64x192xf32, #tpu.memory_space<hbm>>
      tpu.enqueue_dma source(%dma_start3A_739 : memref<1x64x192xf32, #tpu.memory_space<hbm>>) target(%arg10 : memref<1x64x192xf32, #tpu.memory_space<vmem>>) target_semaphore(%arg17 : memref<!tpu.dma_semaphore, #tpu.memory_space<semaphore_mem>>)
      %mul3A_740 = arith.constant 7 : i32
      %mul3A_741 = arith.muli %scan3A_442, %mul3A_740 : i32
      %add3A_742 = arith.constant 5 : i32
      %add3A_743 = arith.addi %mul3A_741, %add3A_742 : i32
      %get3A_744 = arith.constant 0 : i32
      %get3A_745 = arith.index_cast %get3A_744 : i32 to index
      %get3A_746 = arith.index_cast %add3A_743 : i32 to index
      %get3A_747 = tpu.vector_load %arg6[%get3A_745, %get3A_746] {strides = array<i32>} : memref<1x128xi32, #tpu.memory_space<vmem>>, vector<1x16xi32>,
      %get3A_748 = vector.shape_cast %get3A_747 : vector<1x16xi32> to vector<16xi32>
      %slice3A_749 = vector.extract_strided_slice %get3A_748 {offsets = [0], sizes = [1], strides = [1]} : vector<16xi32> to vector<1xi32>
      %squeeze3A_750 = vector.extract %slice3A_749[0] : i32 from vector<1xi32>
      %add3A_751 = arith.addi %squeeze3A_750, %mul3A_20 : i32
      %dma_wait3A_752 = arith.constant 0 : i32
      %dma_wait3A_753 = arith.constant 0 : i32
      %dma_wait3A_754 = tpu.memref_slice %arg4[%add3A_751, %dma_wait3A_752, %dma_wait3A_753] : memref<392x64x192xf32, #tpu.memory_space<hbm>> -> memref<1x64x192xf32, #tpu.memory_space<hbm>>
      %dma_wait3A_755 = arith.constant 0 : i32
      %dma_wait3A_756 = arith.constant 0 : i32
      %dma_wait3A_757 = tpu.memref_slice %arg4[%add3A_751, %dma_wait3A_755, %dma_wait3A_756] : memref<392x64x192xf32, #tpu.memory_space<hbm>> -> memref<1x64x192xf32, #tpu.memory_space<hbm>>
      tpu.wait_dma2 semaphore(%arg20 : memref<!tpu.dma_semaphore, #tpu.memory_space<semaphore_mem>>) src(%dma_wait3A_757 : memref<1x64x192xf32, #tpu.memory_space<hbm>>) dst(%arg13 : memref<1x64x192xf32, #tpu.memory_space<vmem>>)
      %get3A_758 = arith.constant 0 : i32
      %get3A_759 = arith.index_cast %get3A_758 : i32 to index
      %get3A_760 = arith.index_cast %add3A_743 : i32 to index
      %get3A_761 = tpu.vector_load %arg7[%get3A_759, %get3A_760] {strides = array<i32>} : memref<1x128xf32, #tpu.memory_space<vmem>>, vector<1x16xf32>,
      %get3A_762 = vector.shape_cast %get3A_761 : vector<1x16xf32> to vector<16xf32>
      %slice3A_763 = vector.extract_strided_slice %get3A_762 {offsets = [0], sizes = [1], strides = [1]} : vector<16xf32> to vector<1xf32>
      %squeeze3A_764 = vector.extract %slice3A_763[0] : f32 from vector<1xf32>
      %broadcast_in_dim3A_765 = vector.broadcast %squeeze3A_764 : f32 to vector<16xf32>
      %scan3A_766 = arith.constant 0 : i32
      %scan3A_767 = arith.constant 0 : i32
      %scan3A_768 = arith.constant 64 : i32
      %scan3A_769 = arith.addi %scan3A_767, %scan3A_768 : i32
      %scan3A_770 = arith.constant 1 : i32
      scf.for %scan3A_860 = %scan3A_767 to %scan3A_769 step %scan3A_770  : i32 {
        %get3A_861 = arith.constant 0 : i32
        %get3A_862 = arith.index_cast %get3A_861 : i32 to index
        %get3A_863 = arith.index_cast %scan3A_860 : i32 to index
        %get3A_864 = arith.constant 0 : index
        %get3A_865 = tpu.vector_load %arg13[%get3A_862, %get3A_863, %get3A_864] {strides = array<i32>} : memref<1x64x192xf32, #tpu.memory_space<vmem>>, vector<1x1x16xf32>,
        %get3A_866 = vector.shape_cast %get3A_865 : vector<1x1x16xf32> to vector<16xf32>
        %mul3A_867 = arith.mulf %get3A_866, %broadcast_in_dim3A_765 : vector<16xf32>
        %swap3A = arith.constant 0 : i32
        %swap3A_868 = arith.index_cast %swap3A : i32 to index
        %swap3A_869 = arith.index_cast %scan3A_860 : i32 to index
        %swap3A_870 = arith.constant 0 : index
        %swap3A_871 = tpu.vector_load %arg13[%swap3A_868, %swap3A_869, %swap3A_870] {strides = array<i32>} : memref<1x64x192xf32, #tpu.memory_space<vmem>>, vector<1x1x16xf32>,
        %swap3A_872 = vector.shape_cast %swap3A_871 : vector<1x1x16xf32> to vector<16xf32>
        %swap3A_873 = vector.shape_cast %mul3A_867 : vector<16xf32> to vector<1x1x16xf32>
        tpu.vector_store %arg13[%swap3A_868, %swap3A_869, %swap3A_870], %swap3A_873 {strides = array<i32>} : memref<1x64x192xf32, #tpu.memory_space<vmem>>, vector<1x1x16xf32>,
        %get3A_874 = arith.constant 0 : i32
        %get3A_875 = arith.index_cast %get3A_874 : i32 to index
        %get3A_876 = arith.index_cast %scan3A_860 : i32 to index
        %get3A_877 = arith.constant 16 : index
        %get3A_878 = tpu.vector_load %arg13[%get3A_875, %get3A_876, %get3A_877] {strides = array<i32>} : memref<1x64x192xf32, #tpu.memory_space<vmem>>, vector<1x1x16xf32>,
        %get3A_879 = vector.shape_cast %get3A_878 : vector<1x1x16xf32> to vector<16xf32>
        %mul3A_880 = arith.mulf %get3A_879, %broadcast_in_dim3A_765 : vector<16xf32>
        %swap3A_881 = arith.constant 0 : i32
        %swap3A_882 = arith.index_cast %swap3A_881 : i32 to index
        %swap3A_883 = arith.index_cast %scan3A_860 : i32 to index
        %swap3A_884 = arith.constant 16 : index
        %swap3A_885 = tpu.vector_load %arg13[%swap3A_882, %swap3A_883, %swap3A_884] {strides = array<i32>} : memref<1x64x192xf32, #tpu.memory_space<vmem>>, vector<1x1x16xf32>,
        %swap3A_886 = vector.shape_cast %swap3A_885 : vector<1x1x16xf32> to vector<16xf32>
        %swap3A_887 = vector.shape_cast %mul3A_880 : vector<16xf32> to vector<1x1x16xf32>
        tpu.vector_store %arg13[%swap3A_882, %swap3A_883, %swap3A_884], %swap3A_887 {strides = array<i32>} : memref<1x64x192xf32, #tpu.memory_space<vmem>>, vector<1x1x16xf32>,
        %get3A_888 = arith.constant 0 : i32
        %get3A_889 = arith.index_cast %get3A_888 : i32 to index
        %get3A_890 = arith.index_cast %scan3A_860 : i32 to index
        %get3A_891 = arith.constant 32 : index
        %get3A_892 = tpu.vector_load %arg13[%get3A_889, %get3A_890, %get3A_891] {strides = array<i32>} : memref<1x64x192xf32, #tpu.memory_space<vmem>>, vector<1x1x16xf32>,
        %get3A_893 = vector.shape_cast %get3A_892 : vector<1x1x16xf32> to vector<16xf32>
        %mul3A_894 = arith.mulf %get3A_893, %broadcast_in_dim3A_765 : vector<16xf32>
        %swap3A_895 = arith.constant 0 : i32
        %swap3A_896 = arith.index_cast %swap3A_895 : i32 to index
        %swap3A_897 = arith.index_cast %scan3A_860 : i32 to index
        %swap3A_898 = arith.constant 32 : index
        %swap3A_899 = tpu.vector_load %arg13[%swap3A_896, %swap3A_897, %swap3A_898] {strides = array<i32>} : memref<1x64x192xf32, #tpu.memory_space<vmem>>, vector<1x1x16xf32>,
        %swap3A_900 = vector.shape_cast %swap3A_899 : vector<1x1x16xf32> to vector<16xf32>
        %swap3A_901 = vector.shape_cast %mul3A_894 : vector<16xf32> to vector<1x1x16xf32>
        tpu.vector_store %arg13[%swap3A_896, %swap3A_897, %swap3A_898], %swap3A_901 {strides = array<i32>} : memref<1x64x192xf32, #tpu.memory_space<vmem>>, vector<1x1x16xf32>,
        %get3A_902 = arith.constant 0 : i32
        %get3A_903 = arith.index_cast %get3A_902 : i32 to index
        %get3A_904 = arith.index_cast %scan3A_860 : i32 to index
        %get3A_905 = arith.constant 48 : index
        %get3A_906 = tpu.vector_load %arg13[%get3A_903, %get3A_904, %get3A_905] {strides = array<i32>} : memref<1x64x192xf32, #tpu.memory_space<vmem>>, vector<1x1x16xf32>,
        %get3A_907 = vector.shape_cast %get3A_906 : vector<1x1x16xf32> to vector<16xf32>
        %mul3A_908 = arith.mulf %get3A_907, %broadcast_in_dim3A_765 : vector<16xf32>
        %swap3A_909 = arith.constant 0 : i32
        %swap3A_910 = arith.index_cast %swap3A_909 : i32 to index
        %swap3A_911 = arith.index_cast %scan3A_860 : i32 to index
        %swap3A_912 = arith.constant 48 : index
        %swap3A_913 = tpu.vector_load %arg13[%swap3A_910, %swap3A_911, %swap3A_912] {strides = array<i32>} : memref<1x64x192xf32, #tpu.memory_space<vmem>>, vector<1x1x16xf32>,
        %swap3A_914 = vector.shape_cast %swap3A_913 : vector<1x1x16xf32> to vector<16xf32>
        %swap3A_915 = vector.shape_cast %mul3A_908 : vector<16xf32> to vector<1x1x16xf32>
        tpu.vector_store %arg13[%swap3A_910, %swap3A_911, %swap3A_912], %swap3A_915 {strides = array<i32>} : memref<1x64x192xf32, #tpu.memory_space<vmem>>, vector<1x1x16xf32>,
        %get3A_916 = arith.constant 0 : i32
        %get3A_917 = arith.index_cast %get3A_916 : i32 to index
        %get3A_918 = arith.index_cast %scan3A_860 : i32 to index
        %get3A_919 = arith.constant 64 : index
        %get3A_920 = tpu.vector_load %arg13[%get3A_917, %get3A_918, %get3A_919] {strides = array<i32>} : memref<1x64x192xf32, #tpu.memory_space<vmem>>, vector<1x1x16xf32>,
        %get3A_921 = vector.shape_cast %get3A_920 : vector<1x1x16xf32> to vector<16xf32>
        %mul3A_922 = arith.mulf %get3A_921, %broadcast_in_dim3A_765 : vector<16xf32>
        %swap3A_923 = arith.constant 0 : i32
        %swap3A_924 = arith.index_cast %swap3A_923 : i32 to index
        %swap3A_925 = arith.index_cast %scan3A_860 : i32 to index
        %swap3A_926 = arith.constant 64 : index
        %swap3A_927 = tpu.vector_load %arg13[%swap3A_924, %swap3A_925, %swap3A_926] {strides = array<i32>} : memref<1x64x192xf32, #tpu.memory_space<vmem>>, vector<1x1x16xf32>,
        %swap3A_928 = vector.shape_cast %swap3A_927 : vector<1x1x16xf32> to vector<16xf32>
        %swap3A_929 = vector.shape_cast %mul3A_922 : vector<16xf32> to vector<1x1x16xf32>
        tpu.vector_store %arg13[%swap3A_924, %swap3A_925, %swap3A_926], %swap3A_929 {strides = array<i32>} : memref<1x64x192xf32, #tpu.memory_space<vmem>>, vector<1x1x16xf32>,
        %get3A_930 = arith.constant 0 : i32
        %get3A_931 = arith.index_cast %get3A_930 : i32 to index
        %get3A_932 = arith.index_cast %scan3A_860 : i32 to index
        %get3A_933 = arith.constant 80 : index
        %get3A_934 = tpu.vector_load %arg13[%get3A_931, %get3A_932, %get3A_933] {strides = array<i32>} : memref<1x64x192xf32, #tpu.memory_space<vmem>>, vector<1x1x16xf32>,
        %get3A_935 = vector.shape_cast %get3A_934 : vector<1x1x16xf32> to vector<16xf32>
        %mul3A_936 = arith.mulf %get3A_935, %broadcast_in_dim3A_765 : vector<16xf32>
        %swap3A_937 = arith.constant 0 : i32
        %swap3A_938 = arith.index_cast %swap3A_937 : i32 to index
        %swap3A_939 = arith.index_cast %scan3A_860 : i32 to index
        %swap3A_940 = arith.constant 80 : index
        %swap3A_941 = tpu.vector_load %arg13[%swap3A_938, %swap3A_939, %swap3A_940] {strides = array<i32>} : memref<1x64x192xf32, #tpu.memory_space<vmem>>, vector<1x1x16xf32>,
        %swap3A_942 = vector.shape_cast %swap3A_941 : vector<1x1x16xf32> to vector<16xf32>
        %swap3A_943 = vector.shape_cast %mul3A_936 : vector<16xf32> to vector<1x1x16xf32>
        tpu.vector_store %arg13[%swap3A_938, %swap3A_939, %swap3A_940], %swap3A_943 {strides = array<i32>} : memref<1x64x192xf32, #tpu.memory_space<vmem>>, vector<1x1x16xf32>,
        %get3A_944 = arith.constant 0 : i32
        %get3A_945 = arith.index_cast %get3A_944 : i32 to index
        %get3A_946 = arith.index_cast %scan3A_860 : i32 to index
        %get3A_947 = arith.constant 96 : index
        %get3A_948 = tpu.vector_load %arg13[%get3A_945, %get3A_946, %get3A_947] {strides = array<i32>} : memref<1x64x192xf32, #tpu.memory_space<vmem>>, vector<1x1x16xf32>,
        %get3A_949 = vector.shape_cast %get3A_948 : vector<1x1x16xf32> to vector<16xf32>
        %mul3A_950 = arith.mulf %get3A_949, %broadcast_in_dim3A_765 : vector<16xf32>
        %swap3A_951 = arith.constant 0 : i32
        %swap3A_952 = arith.index_cast %swap3A_951 : i32 to index
        %swap3A_953 = arith.index_cast %scan3A_860 : i32 to index
        %swap3A_954 = arith.constant 96 : index
        %swap3A_955 = tpu.vector_load %arg13[%swap3A_952, %swap3A_953, %swap3A_954] {strides = array<i32>} : memref<1x64x192xf32, #tpu.memory_space<vmem>>, vector<1x1x16xf32>,
        %swap3A_956 = vector.shape_cast %swap3A_955 : vector<1x1x16xf32> to vector<16xf32>
        %swap3A_957 = vector.shape_cast %mul3A_950 : vector<16xf32> to vector<1x1x16xf32>
        tpu.vector_store %arg13[%swap3A_952, %swap3A_953, %swap3A_954], %swap3A_957 {strides = array<i32>} : memref<1x64x192xf32, #tpu.memory_space<vmem>>, vector<1x1x16xf32>,
        %get3A_958 = arith.constant 0 : i32
        %get3A_959 = arith.index_cast %get3A_958 : i32 to index
        %get3A_960 = arith.index_cast %scan3A_860 : i32 to index
        %get3A_961 = arith.constant 112 : index
        %get3A_962 = tpu.vector_load %arg13[%get3A_959, %get3A_960, %get3A_961] {strides = array<i32>} : memref<1x64x192xf32, #tpu.memory_space<vmem>>, vector<1x1x16xf32>,
        %get3A_963 = vector.shape_cast %get3A_962 : vector<1x1x16xf32> to vector<16xf32>
        %mul3A_964 = arith.mulf %get3A_963, %broadcast_in_dim3A_765 : vector<16xf32>
        %swap3A_965 = arith.constant 0 : i32
        %swap3A_966 = arith.index_cast %swap3A_965 : i32 to index
        %swap3A_967 = arith.index_cast %scan3A_860 : i32 to index
        %swap3A_968 = arith.constant 112 : index
        %swap3A_969 = tpu.vector_load %arg13[%swap3A_966, %swap3A_967, %swap3A_968] {strides = array<i32>} : memref<1x64x192xf32, #tpu.memory_space<vmem>>, vector<1x1x16xf32>,
        %swap3A_970 = vector.shape_cast %swap3A_969 : vector<1x1x16xf32> to vector<16xf32>
        %swap3A_971 = vector.shape_cast %mul3A_964 : vector<16xf32> to vector<1x1x16xf32>
        tpu.vector_store %arg13[%swap3A_966, %swap3A_967, %swap3A_968], %swap3A_971 {strides = array<i32>} : memref<1x64x192xf32, #tpu.memory_space<vmem>>, vector<1x1x16xf32>,
        %get3A_972 = arith.constant 0 : i32
        %get3A_973 = arith.index_cast %get3A_972 : i32 to index
        %get3A_974 = arith.index_cast %scan3A_860 : i32 to index
        %get3A_975 = arith.constant 128 : index
        %get3A_976 = tpu.vector_load %arg13[%get3A_973, %get3A_974, %get3A_975] {strides = array<i32>} : memref<1x64x192xf32, #tpu.memory_space<vmem>>, vector<1x1x16xf32>,
        %get3A_977 = vector.shape_cast %get3A_976 : vector<1x1x16xf32> to vector<16xf32>
        %mul3A_978 = arith.mulf %get3A_977, %broadcast_in_dim3A_765 : vector<16xf32>
        %swap3A_979 = arith.constant 0 : i32
        %swap3A_980 = arith.index_cast %swap3A_979 : i32 to index
        %swap3A_981 = arith.index_cast %scan3A_860 : i32 to index
        %swap3A_982 = arith.constant 128 : index
        %swap3A_983 = tpu.vector_load %arg13[%swap3A_980, %swap3A_981, %swap3A_982] {strides = array<i32>} : memref<1x64x192xf32, #tpu.memory_space<vmem>>, vector<1x1x16xf32>,
        %swap3A_984 = vector.shape_cast %swap3A_983 : vector<1x1x16xf32> to vector<16xf32>
        %swap3A_985 = vector.shape_cast %mul3A_978 : vector<16xf32> to vector<1x1x16xf32>
        tpu.vector_store %arg13[%swap3A_980, %swap3A_981, %swap3A_982], %swap3A_985 {strides = array<i32>} : memref<1x64x192xf32, #tpu.memory_space<vmem>>, vector<1x1x16xf32>,
        %get3A_986 = arith.constant 0 : i32
        %get3A_987 = arith.index_cast %get3A_986 : i32 to index
        %get3A_988 = arith.index_cast %scan3A_860 : i32 to index
        %get3A_989 = arith.constant 144 : index
        %get3A_990 = tpu.vector_load %arg13[%get3A_987, %get3A_988, %get3A_989] {strides = array<i32>} : memref<1x64x192xf32, #tpu.memory_space<vmem>>, vector<1x1x16xf32>,
        %get3A_991 = vector.shape_cast %get3A_990 : vector<1x1x16xf32> to vector<16xf32>
        %mul3A_992 = arith.mulf %get3A_991, %broadcast_in_dim3A_765 : vector<16xf32>
        %swap3A_993 = arith.constant 0 : i32
        %swap3A_994 = arith.index_cast %swap3A_993 : i32 to index
        %swap3A_995 = arith.index_cast %scan3A_860 : i32 to index
        %swap3A_996 = arith.constant 144 : index
        %swap3A_997 = tpu.vector_load %arg13[%swap3A_994, %swap3A_995, %swap3A_996] {strides = array<i32>} : memref<1x64x192xf32, #tpu.memory_space<vmem>>, vector<1x1x16xf32>,
        %swap3A_998 = vector.shape_cast %swap3A_997 : vector<1x1x16xf32> to vector<16xf32>
        %swap3A_999 = vector.shape_cast %mul3A_992 : vector<16xf32> to vector<1x1x16xf32>
        tpu.vector_store %arg13[%swap3A_994, %swap3A_995, %swap3A_996], %swap3A_999 {strides = array<i32>} : memref<1x64x192xf32, #tpu.memory_space<vmem>>, vector<1x1x16xf32>,
        %get3A_1000 = arith.constant 0 : i32
        %get3A_1001 = arith.index_cast %get3A_1000 : i32 to index
        %get3A_1002 = arith.index_cast %scan3A_860 : i32 to index
        %get3A_1003 = arith.constant 160 : index
        %get3A_1004 = tpu.vector_load %arg13[%get3A_1001, %get3A_1002, %get3A_1003] {strides = array<i32>} : memref<1x64x192xf32, #tpu.memory_space<vmem>>, vector<1x1x16xf32>,
        %get3A_1005 = vector.shape_cast %get3A_1004 : vector<1x1x16xf32> to vector<16xf32>
        %mul3A_1006 = arith.mulf %get3A_1005, %broadcast_in_dim3A_765 : vector<16xf32>
        %swap3A_1007 = arith.constant 0 : i32
        %swap3A_1008 = arith.index_cast %swap3A_1007 : i32 to index
        %swap3A_1009 = arith.index_cast %scan3A_860 : i32 to index
        %swap3A_1010 = arith.constant 160 : index
        %swap3A_1011 = tpu.vector_load %arg13[%swap3A_1008, %swap3A_1009, %swap3A_1010] {strides = array<i32>} : memref<1x64x192xf32, #tpu.memory_space<vmem>>, vector<1x1x16xf32>,
        %swap3A_1012 = vector.shape_cast %swap3A_1011 : vector<1x1x16xf32> to vector<16xf32>
        %swap3A_1013 = vector.shape_cast %mul3A_1006 : vector<16xf32> to vector<1x1x16xf32>
        tpu.vector_store %arg13[%swap3A_1008, %swap3A_1009, %swap3A_1010], %swap3A_1013 {strides = array<i32>} : memref<1x64x192xf32, #tpu.memory_space<vmem>>, vector<1x1x16xf32>,
        %get3A_1014 = arith.constant 0 : i32
        %get3A_1015 = arith.index_cast %get3A_1014 : i32 to index
        %get3A_1016 = arith.index_cast %scan3A_860 : i32 to index
        %get3A_1017 = arith.constant 176 : index
        %get3A_1018 = tpu.vector_load %arg13[%get3A_1015, %get3A_1016, %get3A_1017] {strides = array<i32>} : memref<1x64x192xf32, #tpu.memory_space<vmem>>, vector<1x1x16xf32>,
        %get3A_1019 = vector.shape_cast %get3A_1018 : vector<1x1x16xf32> to vector<16xf32>
        %mul3A_1020 = arith.mulf %get3A_1019, %broadcast_in_dim3A_765 : vector<16xf32>
        %swap3A_1021 = arith.constant 0 : i32
        %swap3A_1022 = arith.index_cast %swap3A_1021 : i32 to index
        %swap3A_1023 = arith.index_cast %scan3A_860 : i32 to index
        %swap3A_1024 = arith.constant 176 : index
        %swap3A_1025 = tpu.vector_load %arg13[%swap3A_1022, %swap3A_1023, %swap3A_1024] {strides = array<i32>} : memref<1x64x192xf32, #tpu.memory_space<vmem>>, vector<1x1x16xf32>,
        %swap3A_1026 = vector.shape_cast %swap3A_1025 : vector<1x1x16xf32> to vector<16xf32>
        %swap3A_1027 = vector.shape_cast %mul3A_1020 : vector<16xf32> to vector<1x1x16xf32>
        tpu.vector_store %arg13[%swap3A_1022, %swap3A_1023, %swap3A_1024], %swap3A_1027 {strides = array<i32>} : memref<1x64x192xf32, #tpu.memory_space<vmem>>, vector<1x1x16xf32>,
      }
      %scan3A_771 = arith.constant 64 : i32
      %add3A_772 = arith.addi %mul3A_2, %add3A_743 : i32
      %dma_start3A_773 = arith.constant 0 : i32
      %dma_start3A_774 = arith.constant 0 : i32
      %dma_start3A_775 = tpu.memref_slice %arg5[%add3A_772, %dma_start3A_773, %dma_start3A_774] : memref<3136x64x192xf32, #tpu.memory_space<hbm>> -> memref<1x64x192xf32, #tpu.memory_space<hbm>>
      %dma_start3A_776 = arith.constant 0 : i32
      %dma_start3A_777 = arith.constant 0 : i32
      %dma_start3A_778 = tpu.memref_slice %arg5[%add3A_772, %dma_start3A_776, %dma_start3A_777] : memref<3136x64x192xf32, #tpu.memory_space<hbm>> -> memref<1x64x192xf32, #tpu.memory_space<hbm>>
      tpu.enqueue_dma source(%arg13 : memref<1x64x192xf32, #tpu.memory_space<vmem>>) target(%dma_start3A_778 : memref<1x64x192xf32, #tpu.memory_space<hbm>>) target_semaphore(%arg27 : memref<!tpu.dma_semaphore, #tpu.memory_space<semaphore_mem>>)
      %ge3A_779 = arith.constant 2 : i32
      %ge3A_780 = arith.cmpi sge, %add3A_743, %ge3A_779 : i32
      %convert_element_type3A_781 = arith.extui %ge3A_780 : i1 to i32
      %cond3A_782 = arith.constant 0 : i32
      %cond3A_783 = arith.cmpi ne, %convert_element_type3A_781, %cond3A_782 : i32
      scf.if %cond3A_783 {
        %sub3A_860 = arith.constant 2 : i32
        %sub3A_861 = arith.subi %add3A_743, %sub3A_860 : i32
        %add3A_862 = arith.addi %mul3A_2, %sub3A_861 : i32
        %dma_wait3A_863 = arith.constant 0 : i32
        %dma_wait3A_864 = arith.constant 0 : i32
        %dma_wait3A_865 = tpu.memref_slice %arg5[%add3A_862, %dma_wait3A_863, %dma_wait3A_864] : memref<3136x64x192xf32, #tpu.memory_space<hbm>> -> memref<1x64x192xf32, #tpu.memory_space<hbm>>
        %dma_wait3A_866 = arith.constant 0 : i32
        %dma_wait3A_867 = arith.constant 0 : i32
        %dma_wait3A_868 = tpu.memref_slice %arg5[%add3A_862, %dma_wait3A_866, %dma_wait3A_867] : memref<3136x64x192xf32, #tpu.memory_space<hbm>> -> memref<1x64x192xf32, #tpu.memory_space<hbm>>
        tpu.wait_dma2 semaphore(%arg25 : memref<!tpu.dma_semaphore, #tpu.memory_space<semaphore_mem>>) src(%arg11 : memref<1x64x192xf32, #tpu.memory_space<vmem>>) dst(%dma_wait3A_868 : memref<1x64x192xf32, #tpu.memory_space<hbm>>)
      } else {
      }
      %add3A_784 = arith.constant 5 : i32
      %add3A_785 = arith.addi %add3A_743, %add3A_784 : i32
      %get3A_786 = arith.constant 0 : i32
      %get3A_787 = arith.index_cast %get3A_786 : i32 to index
      %get3A_788 = arith.index_cast %add3A_785 : i32 to index
      %get3A_789 = tpu.vector_load %arg6[%get3A_787, %get3A_788] {strides = array<i32>} : memref<1x128xi32, #tpu.memory_space<vmem>>, vector<1x16xi32>,
      %get3A_790 = vector.shape_cast %get3A_789 : vector<1x16xi32> to vector<16xi32>
      %slice3A_791 = vector.extract_strided_slice %get3A_790 {offsets = [0], sizes = [1], strides = [1]} : vector<16xi32> to vector<1xi32>
      %squeeze3A_792 = vector.extract %slice3A_791[0] : i32 from vector<1xi32>
      %add3A_793 = arith.addi %squeeze3A_792, %mul3A_20 : i32
      %dma_start3A_794 = arith.constant 0 : i32
      %dma_start3A_795 = arith.constant 0 : i32
      %dma_start3A_796 = tpu.memref_slice %arg4[%add3A_793, %dma_start3A_794, %dma_start3A_795] : memref<392x64x192xf32, #tpu.memory_space<hbm>> -> memref<1x64x192xf32, #tpu.memory_space<hbm>>
      %dma_start3A_797 = arith.constant 0 : i32
      %dma_start3A_798 = arith.constant 0 : i32
      %dma_start3A_799 = tpu.memref_slice %arg4[%add3A_793, %dma_start3A_797, %dma_start3A_798] : memref<392x64x192xf32, #tpu.memory_space<hbm>> -> memref<1x64x192xf32, #tpu.memory_space<hbm>>
      tpu.enqueue_dma source(%dma_start3A_799 : memref<1x64x192xf32, #tpu.memory_space<hbm>>) target(%arg11 : memref<1x64x192xf32, #tpu.memory_space<vmem>>) target_semaphore(%arg18 : memref<!tpu.dma_semaphore, #tpu.memory_space<semaphore_mem>>)
      %mul3A_800 = arith.constant 7 : i32
      %mul3A_801 = arith.muli %scan3A_442, %mul3A_800 : i32
      %add3A_802 = arith.constant 6 : i32
      %add3A_803 = arith.addi %mul3A_801, %add3A_802 : i32
      %get3A_804 = arith.constant 0 : i32
      %get3A_805 = arith.index_cast %get3A_804 : i32 to index
      %get3A_806 = arith.index_cast %add3A_803 : i32 to index
      %get3A_807 = tpu.vector_load %arg6[%get3A_805, %get3A_806] {strides = array<i32>} : memref<1x128xi32, #tpu.memory_space<vmem>>, vector<1x16xi32>,
      %get3A_808 = vector.shape_cast %get3A_807 : vector<1x16xi32> to vector<16xi32>
      %slice3A_809 = vector.extract_strided_slice %get3A_808 {offsets = [0], sizes = [1], strides = [1]} : vector<16xi32> to vector<1xi32>
      %squeeze3A_810 = vector.extract %slice3A_809[0] : i32 from vector<1xi32>
      %add3A_811 = arith.addi %squeeze3A_810, %mul3A_20 : i32
      %dma_wait3A_812 = arith.constant 0 : i32
      %dma_wait3A_813 = arith.constant 0 : i32
      %dma_wait3A_814 = tpu.memref_slice %arg4[%add3A_811, %dma_wait3A_812, %dma_wait3A_813] : memref<392x64x192xf32, #tpu.memory_space<hbm>> -> memref<1x64x192xf32, #tpu.memory_space<hbm>>
      %dma_wait3A_815 = arith.constant 0 : i32
      %dma_wait3A_816 = arith.constant 0 : i32
      %dma_wait3A_817 = tpu.memref_slice %arg4[%add3A_811, %dma_wait3A_815, %dma_wait3A_816] : memref<392x64x192xf32, #tpu.memory_space<hbm>> -> memref<1x64x192xf32, #tpu.memory_space<hbm>>
      tpu.wait_dma2 semaphore(%arg21 : memref<!tpu.dma_semaphore, #tpu.memory_space<semaphore_mem>>) src(%dma_wait3A_817 : memref<1x64x192xf32, #tpu.memory_space<hbm>>) dst(%arg14 : memref<1x64x192xf32, #tpu.memory_space<vmem>>)
      %get3A_818 = arith.constant 0 : i32
      %get3A_819 = arith.index_cast %get3A_818 : i32 to index
      %get3A_820 = arith.index_cast %add3A_803 : i32 to index
      %get3A_821 = tpu.vector_load %arg7[%get3A_819, %get3A_820] {strides = array<i32>} : memref<1x128xf32, #tpu.memory_space<vmem>>, vector<1x16xf32>,
      %get3A_822 = vector.shape_cast %get3A_821 : vector<1x16xf32> to vector<16xf32>
      %slice3A_823 = vector.extract_strided_slice %get3A_822 {offsets = [0], sizes = [1], strides = [1]} : vector<16xf32> to vector<1xf32>
      %squeeze3A_824 = vector.extract %slice3A_823[0] : f32 from vector<1xf32>
      %broadcast_in_dim3A_825 = vector.broadcast %squeeze3A_824 : f32 to vector<16xf32>
      %scan3A_826 = arith.constant 0 : i32
      %scan3A_827 = arith.constant 0 : i32
      %scan3A_828 = arith.constant 64 : i32
      %scan3A_829 = arith.addi %scan3A_827, %scan3A_828 : i32
      %scan3A_830 = arith.constant 1 : i32
      scf.for %scan3A_860 = %scan3A_827 to %scan3A_829 step %scan3A_830  : i32 {
        %get3A_861 = arith.constant 0 : i32
        %get3A_862 = arith.index_cast %get3A_861 : i32 to index
        %get3A_863 = arith.index_cast %scan3A_860 : i32 to index
        %get3A_864 = arith.constant 0 : index
        %get3A_865 = tpu.vector_load %arg14[%get3A_862, %get3A_863, %get3A_864] {strides = array<i32>} : memref<1x64x192xf32, #tpu.memory_space<vmem>>, vector<1x1x16xf32>,
        %get3A_866 = vector.shape_cast %get3A_865 : vector<1x1x16xf32> to vector<16xf32>
        %mul3A_867 = arith.mulf %get3A_866, %broadcast_in_dim3A_825 : vector<16xf32>
        %swap3A = arith.constant 0 : i32
        %swap3A_868 = arith.index_cast %swap3A : i32 to index
        %swap3A_869 = arith.index_cast %scan3A_860 : i32 to index
        %swap3A_870 = arith.constant 0 : index
        %swap3A_871 = tpu.vector_load %arg14[%swap3A_868, %swap3A_869, %swap3A_870] {strides = array<i32>} : memref<1x64x192xf32, #tpu.memory_space<vmem>>, vector<1x1x16xf32>,
        %swap3A_872 = vector.shape_cast %swap3A_871 : vector<1x1x16xf32> to vector<16xf32>
        %swap3A_873 = vector.shape_cast %mul3A_867 : vector<16xf32> to vector<1x1x16xf32>
        tpu.vector_store %arg14[%swap3A_868, %swap3A_869, %swap3A_870], %swap3A_873 {strides = array<i32>} : memref<1x64x192xf32, #tpu.memory_space<vmem>>, vector<1x1x16xf32>,
        %get3A_874 = arith.constant 0 : i32
        %get3A_875 = arith.index_cast %get3A_874 : i32 to index
        %get3A_876 = arith.index_cast %scan3A_860 : i32 to index
        %get3A_877 = arith.constant 16 : index
        %get3A_878 = tpu.vector_load %arg14[%get3A_875, %get3A_876, %get3A_877] {strides = array<i32>} : memref<1x64x192xf32, #tpu.memory_space<vmem>>, vector<1x1x16xf32>,
        %get3A_879 = vector.shape_cast %get3A_878 : vector<1x1x16xf32> to vector<16xf32>
        %mul3A_880 = arith.mulf %get3A_879, %broadcast_in_dim3A_825 : vector<16xf32>
        %swap3A_881 = arith.constant 0 : i32
        %swap3A_882 = arith.index_cast %swap3A_881 : i32 to index
        %swap3A_883 = arith.index_cast %scan3A_860 : i32 to index
        %swap3A_884 = arith.constant 16 : index
        %swap3A_885 = tpu.vector_load %arg14[%swap3A_882, %swap3A_883, %swap3A_884] {strides = array<i32>} : memref<1x64x192xf32, #tpu.memory_space<vmem>>, vector<1x1x16xf32>,
        %swap3A_886 = vector.shape_cast %swap3A_885 : vector<1x1x16xf32> to vector<16xf32>
        %swap3A_887 = vector.shape_cast %mul3A_880 : vector<16xf32> to vector<1x1x16xf32>
        tpu.vector_store %arg14[%swap3A_882, %swap3A_883, %swap3A_884], %swap3A_887 {strides = array<i32>} : memref<1x64x192xf32, #tpu.memory_space<vmem>>, vector<1x1x16xf32>,
        %get3A_888 = arith.constant 0 : i32
        %get3A_889 = arith.index_cast %get3A_888 : i32 to index
        %get3A_890 = arith.index_cast %scan3A_860 : i32 to index
        %get3A_891 = arith.constant 32 : index
        %get3A_892 = tpu.vector_load %arg14[%get3A_889, %get3A_890, %get3A_891] {strides = array<i32>} : memref<1x64x192xf32, #tpu.memory_space<vmem>>, vector<1x1x16xf32>,
        %get3A_893 = vector.shape_cast %get3A_892 : vector<1x1x16xf32> to vector<16xf32>
        %mul3A_894 = arith.mulf %get3A_893, %broadcast_in_dim3A_825 : vector<16xf32>
        %swap3A_895 = arith.constant 0 : i32
        %swap3A_896 = arith.index_cast %swap3A_895 : i32 to index
        %swap3A_897 = arith.index_cast %scan3A_860 : i32 to index
        %swap3A_898 = arith.constant 32 : index
        %swap3A_899 = tpu.vector_load %arg14[%swap3A_896, %swap3A_897, %swap3A_898] {strides = array<i32>} : memref<1x64x192xf32, #tpu.memory_space<vmem>>, vector<1x1x16xf32>,
        %swap3A_900 = vector.shape_cast %swap3A_899 : vector<1x1x16xf32> to vector<16xf32>
        %swap3A_901 = vector.shape_cast %mul3A_894 : vector<16xf32> to vector<1x1x16xf32>
        tpu.vector_store %arg14[%swap3A_896, %swap3A_897, %swap3A_898], %swap3A_901 {strides = array<i32>} : memref<1x64x192xf32, #tpu.memory_space<vmem>>, vector<1x1x16xf32>,
        %get3A_902 = arith.constant 0 : i32
        %get3A_903 = arith.index_cast %get3A_902 : i32 to index
        %get3A_904 = arith.index_cast %scan3A_860 : i32 to index
        %get3A_905 = arith.constant 48 : index
        %get3A_906 = tpu.vector_load %arg14[%get3A_903, %get3A_904, %get3A_905] {strides = array<i32>} : memref<1x64x192xf32, #tpu.memory_space<vmem>>, vector<1x1x16xf32>,
        %get3A_907 = vector.shape_cast %get3A_906 : vector<1x1x16xf32> to vector<16xf32>
        %mul3A_908 = arith.mulf %get3A_907, %broadcast_in_dim3A_825 : vector<16xf32>
        %swap3A_909 = arith.constant 0 : i32
        %swap3A_910 = arith.index_cast %swap3A_909 : i32 to index
        %swap3A_911 = arith.index_cast %scan3A_860 : i32 to index
        %swap3A_912 = arith.constant 48 : index
        %swap3A_913 = tpu.vector_load %arg14[%swap3A_910, %swap3A_911, %swap3A_912] {strides = array<i32>} : memref<1x64x192xf32, #tpu.memory_space<vmem>>, vector<1x1x16xf32>,
        %swap3A_914 = vector.shape_cast %swap3A_913 : vector<1x1x16xf32> to vector<16xf32>
        %swap3A_915 = vector.shape_cast %mul3A_908 : vector<16xf32> to vector<1x1x16xf32>
        tpu.vector_store %arg14[%swap3A_910, %swap3A_911, %swap3A_912], %swap3A_915 {strides = array<i32>} : memref<1x64x192xf32, #tpu.memory_space<vmem>>, vector<1x1x16xf32>,
        %get3A_916 = arith.constant 0 : i32
        %get3A_917 = arith.index_cast %get3A_916 : i32 to index
        %get3A_918 = arith.index_cast %scan3A_860 : i32 to index
        %get3A_919 = arith.constant 64 : index
        %get3A_920 = tpu.vector_load %arg14[%get3A_917, %get3A_918, %get3A_919] {strides = array<i32>} : memref<1x64x192xf32, #tpu.memory_space<vmem>>, vector<1x1x16xf32>,
        %get3A_921 = vector.shape_cast %get3A_920 : vector<1x1x16xf32> to vector<16xf32>
        %mul3A_922 = arith.mulf %get3A_921, %broadcast_in_dim3A_825 : vector<16xf32>
        %swap3A_923 = arith.constant 0 : i32
        %swap3A_924 = arith.index_cast %swap3A_923 : i32 to index
        %swap3A_925 = arith.index_cast %scan3A_860 : i32 to index
        %swap3A_926 = arith.constant 64 : index
        %swap3A_927 = tpu.vector_load %arg14[%swap3A_924, %swap3A_925, %swap3A_926] {strides = array<i32>} : memref<1x64x192xf32, #tpu.memory_space<vmem>>, vector<1x1x16xf32>,
        %swap3A_928 = vector.shape_cast %swap3A_927 : vector<1x1x16xf32> to vector<16xf32>
        %swap3A_929 = vector.shape_cast %mul3A_922 : vector<16xf32> to vector<1x1x16xf32>
        tpu.vector_store %arg14[%swap3A_924, %swap3A_925, %swap3A_926], %swap3A_929 {strides = array<i32>} : memref<1x64x192xf32, #tpu.memory_space<vmem>>, vector<1x1x16xf32>,
        %get3A_930 = arith.constant 0 : i32
        %get3A_931 = arith.index_cast %get3A_930 : i32 to index
        %get3A_932 = arith.index_cast %scan3A_860 : i32 to index
        %get3A_933 = arith.constant 80 : index
        %get3A_934 = tpu.vector_load %arg14[%get3A_931, %get3A_932, %get3A_933] {strides = array<i32>} : memref<1x64x192xf32, #tpu.memory_space<vmem>>, vector<1x1x16xf32>,
        %get3A_935 = vector.shape_cast %get3A_934 : vector<1x1x16xf32> to vector<16xf32>
        %mul3A_936 = arith.mulf %get3A_935, %broadcast_in_dim3A_825 : vector<16xf32>
        %swap3A_937 = arith.constant 0 : i32
        %swap3A_938 = arith.index_cast %swap3A_937 : i32 to index
        %swap3A_939 = arith.index_cast %scan3A_860 : i32 to index
        %swap3A_940 = arith.constant 80 : index
        %swap3A_941 = tpu.vector_load %arg14[%swap3A_938, %swap3A_939, %swap3A_940] {strides = array<i32>} : memref<1x64x192xf32, #tpu.memory_space<vmem>>, vector<1x1x16xf32>,
        %swap3A_942 = vector.shape_cast %swap3A_941 : vector<1x1x16xf32> to vector<16xf32>
        %swap3A_943 = vector.shape_cast %mul3A_936 : vector<16xf32> to vector<1x1x16xf32>
        tpu.vector_store %arg14[%swap3A_938, %swap3A_939, %swap3A_940], %swap3A_943 {strides = array<i32>} : memref<1x64x192xf32, #tpu.memory_space<vmem>>, vector<1x1x16xf32>,
        %get3A_944 = arith.constant 0 : i32
        %get3A_945 = arith.index_cast %get3A_944 : i32 to index
        %get3A_946 = arith.index_cast %scan3A_860 : i32 to index
        %get3A_947 = arith.constant 96 : index
        %get3A_948 = tpu.vector_load %arg14[%get3A_945, %get3A_946, %get3A_947] {strides = array<i32>} : memref<1x64x192xf32, #tpu.memory_space<vmem>>, vector<1x1x16xf32>,
        %get3A_949 = vector.shape_cast %get3A_948 : vector<1x1x16xf32> to vector<16xf32>
        %mul3A_950 = arith.mulf %get3A_949, %broadcast_in_dim3A_825 : vector<16xf32>
        %swap3A_951 = arith.constant 0 : i32
        %swap3A_952 = arith.index_cast %swap3A_951 : i32 to index
        %swap3A_953 = arith.index_cast %scan3A_860 : i32 to index
        %swap3A_954 = arith.constant 96 : index
        %swap3A_955 = tpu.vector_load %arg14[%swap3A_952, %swap3A_953, %swap3A_954] {strides = array<i32>} : memref<1x64x192xf32, #tpu.memory_space<vmem>>, vector<1x1x16xf32>,
        %swap3A_956 = vector.shape_cast %swap3A_955 : vector<1x1x16xf32> to vector<16xf32>
        %swap3A_957 = vector.shape_cast %mul3A_950 : vector<16xf32> to vector<1x1x16xf32>
        tpu.vector_store %arg14[%swap3A_952, %swap3A_953, %swap3A_954], %swap3A_957 {strides = array<i32>} : memref<1x64x192xf32, #tpu.memory_space<vmem>>, vector<1x1x16xf32>,
        %get3A_958 = arith.constant 0 : i32
        %get3A_959 = arith.index_cast %get3A_958 : i32 to index
        %get3A_960 = arith.index_cast %scan3A_860 : i32 to index
        %get3A_961 = arith.constant 112 : index
        %get3A_962 = tpu.vector_load %arg14[%get3A_959, %get3A_960, %get3A_961] {strides = array<i32>} : memref<1x64x192xf32, #tpu.memory_space<vmem>>, vector<1x1x16xf32>,
        %get3A_963 = vector.shape_cast %get3A_962 : vector<1x1x16xf32> to vector<16xf32>
        %mul3A_964 = arith.mulf %get3A_963, %broadcast_in_dim3A_825 : vector<16xf32>
        %swap3A_965 = arith.constant 0 : i32
        %swap3A_966 = arith.index_cast %swap3A_965 : i32 to index
        %swap3A_967 = arith.index_cast %scan3A_860 : i32 to index
        %swap3A_968 = arith.constant 112 : index
        %swap3A_969 = tpu.vector_load %arg14[%swap3A_966, %swap3A_967, %swap3A_968] {strides = array<i32>} : memref<1x64x192xf32, #tpu.memory_space<vmem>>, vector<1x1x16xf32>,
        %swap3A_970 = vector.shape_cast %swap3A_969 : vector<1x1x16xf32> to vector<16xf32>
        %swap3A_971 = vector.shape_cast %mul3A_964 : vector<16xf32> to vector<1x1x16xf32>
        tpu.vector_store %arg14[%swap3A_966, %swap3A_967, %swap3A_968], %swap3A_971 {strides = array<i32>} : memref<1x64x192xf32, #tpu.memory_space<vmem>>, vector<1x1x16xf32>,
        %get3A_972 = arith.constant 0 : i32
        %get3A_973 = arith.index_cast %get3A_972 : i32 to index
        %get3A_974 = arith.index_cast %scan3A_860 : i32 to index
        %get3A_975 = arith.constant 128 : index
        %get3A_976 = tpu.vector_load %arg14[%get3A_973, %get3A_974, %get3A_975] {strides = array<i32>} : memref<1x64x192xf32, #tpu.memory_space<vmem>>, vector<1x1x16xf32>,
        %get3A_977 = vector.shape_cast %get3A_976 : vector<1x1x16xf32> to vector<16xf32>
        %mul3A_978 = arith.mulf %get3A_977, %broadcast_in_dim3A_825 : vector<16xf32>
        %swap3A_979 = arith.constant 0 : i32
        %swap3A_980 = arith.index_cast %swap3A_979 : i32 to index
        %swap3A_981 = arith.index_cast %scan3A_860 : i32 to index
        %swap3A_982 = arith.constant 128 : index
        %swap3A_983 = tpu.vector_load %arg14[%swap3A_980, %swap3A_981, %swap3A_982] {strides = array<i32>} : memref<1x64x192xf32, #tpu.memory_space<vmem>>, vector<1x1x16xf32>,
        %swap3A_984 = vector.shape_cast %swap3A_983 : vector<1x1x16xf32> to vector<16xf32>
        %swap3A_985 = vector.shape_cast %mul3A_978 : vector<16xf32> to vector<1x1x16xf32>
        tpu.vector_store %arg14[%swap3A_980, %swap3A_981, %swap3A_982], %swap3A_985 {strides = array<i32>} : memref<1x64x192xf32, #tpu.memory_space<vmem>>, vector<1x1x16xf32>,
        %get3A_986 = arith.constant 0 : i32
        %get3A_987 = arith.index_cast %get3A_986 : i32 to index
        %get3A_988 = arith.index_cast %scan3A_860 : i32 to index
        %get3A_989 = arith.constant 144 : index
        %get3A_990 = tpu.vector_load %arg14[%get3A_987, %get3A_988, %get3A_989] {strides = array<i32>} : memref<1x64x192xf32, #tpu.memory_space<vmem>>, vector<1x1x16xf32>,
        %get3A_991 = vector.shape_cast %get3A_990 : vector<1x1x16xf32> to vector<16xf32>
        %mul3A_992 = arith.mulf %get3A_991, %broadcast_in_dim3A_825 : vector<16xf32>
        %swap3A_993 = arith.constant 0 : i32
        %swap3A_994 = arith.index_cast %swap3A_993 : i32 to index
        %swap3A_995 = arith.index_cast %scan3A_860 : i32 to index
        %swap3A_996 = arith.constant 144 : index
        %swap3A_997 = tpu.vector_load %arg14[%swap3A_994, %swap3A_995, %swap3A_996] {strides = array<i32>} : memref<1x64x192xf32, #tpu.memory_space<vmem>>, vector<1x1x16xf32>,
        %swap3A_998 = vector.shape_cast %swap3A_997 : vector<1x1x16xf32> to vector<16xf32>
        %swap3A_999 = vector.shape_cast %mul3A_992 : vector<16xf32> to vector<1x1x16xf32>
        tpu.vector_store %arg14[%swap3A_994, %swap3A_995, %swap3A_996], %swap3A_999 {strides = array<i32>} : memref<1x64x192xf32, #tpu.memory_space<vmem>>, vector<1x1x16xf32>,
        %get3A_1000 = arith.constant 0 : i32
        %get3A_1001 = arith.index_cast %get3A_1000 : i32 to index
        %get3A_1002 = arith.index_cast %scan3A_860 : i32 to index
        %get3A_1003 = arith.constant 160 : index
        %get3A_1004 = tpu.vector_load %arg14[%get3A_1001, %get3A_1002, %get3A_1003] {strides = array<i32>} : memref<1x64x192xf32, #tpu.memory_space<vmem>>, vector<1x1x16xf32>,
        %get3A_1005 = vector.shape_cast %get3A_1004 : vector<1x1x16xf32> to vector<16xf32>
        %mul3A_1006 = arith.mulf %get3A_1005, %broadcast_in_dim3A_825 : vector<16xf32>
        %swap3A_1007 = arith.constant 0 : i32
        %swap3A_1008 = arith.index_cast %swap3A_1007 : i32 to index
        %swap3A_1009 = arith.index_cast %scan3A_860 : i32 to index
        %swap3A_1010 = arith.constant 160 : index
        %swap3A_1011 = tpu.vector_load %arg14[%swap3A_1008, %swap3A_1009, %swap3A_1010] {strides = array<i32>} : memref<1x64x192xf32, #tpu.memory_space<vmem>>, vector<1x1x16xf32>,
        %swap3A_1012 = vector.shape_cast %swap3A_1011 : vector<1x1x16xf32> to vector<16xf32>
        %swap3A_1013 = vector.shape_cast %mul3A_1006 : vector<16xf32> to vector<1x1x16xf32>
        tpu.vector_store %arg14[%swap3A_1008, %swap3A_1009, %swap3A_1010], %swap3A_1013 {strides = array<i32>} : memref<1x64x192xf32, #tpu.memory_space<vmem>>, vector<1x1x16xf32>,
        %get3A_1014 = arith.constant 0 : i32
        %get3A_1015 = arith.index_cast %get3A_1014 : i32 to index
        %get3A_1016 = arith.index_cast %scan3A_860 : i32 to index
        %get3A_1017 = arith.constant 176 : index
        %get3A_1018 = tpu.vector_load %arg14[%get3A_1015, %get3A_1016, %get3A_1017] {strides = array<i32>} : memref<1x64x192xf32, #tpu.memory_space<vmem>>, vector<1x1x16xf32>,
        %get3A_1019 = vector.shape_cast %get3A_1018 : vector<1x1x16xf32> to vector<16xf32>
        %mul3A_1020 = arith.mulf %get3A_1019, %broadcast_in_dim3A_825 : vector<16xf32>
        %swap3A_1021 = arith.constant 0 : i32
        %swap3A_1022 = arith.index_cast %swap3A_1021 : i32 to index
        %swap3A_1023 = arith.index_cast %scan3A_860 : i32 to index
        %swap3A_1024 = arith.constant 176 : index
        %swap3A_1025 = tpu.vector_load %arg14[%swap3A_1022, %swap3A_1023, %swap3A_1024] {strides = array<i32>} : memref<1x64x192xf32, #tpu.memory_space<vmem>>, vector<1x1x16xf32>,
        %swap3A_1026 = vector.shape_cast %swap3A_1025 : vector<1x1x16xf32> to vector<16xf32>
        %swap3A_1027 = vector.shape_cast %mul3A_1020 : vector<16xf32> to vector<1x1x16xf32>
        tpu.vector_store %arg14[%swap3A_1022, %swap3A_1023, %swap3A_1024], %swap3A_1027 {strides = array<i32>} : memref<1x64x192xf32, #tpu.memory_space<vmem>>, vector<1x1x16xf32>,
      }
      %scan3A_831 = arith.constant 64 : i32
      %add3A_832 = arith.addi %mul3A_2, %add3A_803 : i32
      %dma_start3A_833 = arith.constant 0 : i32
      %dma_start3A_834 = arith.constant 0 : i32
      %dma_start3A_835 = tpu.memref_slice %arg5[%add3A_832, %dma_start3A_833, %dma_start3A_834] : memref<3136x64x192xf32, #tpu.memory_space<hbm>> -> memref<1x64x192xf32, #tpu.memory_space<hbm>>
      %dma_start3A_836 = arith.constant 0 : i32
      %dma_start3A_837 = arith.constant 0 : i32
      %dma_start3A_838 = tpu.memref_slice %arg5[%add3A_832, %dma_start3A_836, %dma_start3A_837] : memref<3136x64x192xf32, #tpu.memory_space<hbm>> -> memref<1x64x192xf32, #tpu.memory_space<hbm>>
      tpu.enqueue_dma source(%arg14 : memref<1x64x192xf32, #tpu.memory_space<vmem>>) target(%dma_start3A_838 : memref<1x64x192xf32, #tpu.memory_space<hbm>>) target_semaphore(%arg28 : memref<!tpu.dma_semaphore, #tpu.memory_space<semaphore_mem>>)
      %ge3A_839 = arith.constant 2 : i32
      %ge3A_840 = arith.cmpi sge, %add3A_803, %ge3A_839 : i32
      %convert_element_type3A_841 = arith.extui %ge3A_840 : i1 to i32
      %cond3A_842 = arith.constant 0 : i32
      %cond3A_843 = arith.cmpi ne, %convert_element_type3A_841, %cond3A_842 : i32
      scf.if %cond3A_843 {
        %sub3A_860 = arith.constant 2 : i32
        %sub3A_861 = arith.subi %add3A_803, %sub3A_860 : i32
        %add3A_862 = arith.addi %mul3A_2, %sub3A_861 : i32
        %dma_wait3A_863 = arith.constant 0 : i32
        %dma_wait3A_864 = arith.constant 0 : i32
        %dma_wait3A_865 = tpu.memref_slice %arg5[%add3A_862, %dma_wait3A_863, %dma_wait3A_864] : memref<3136x64x192xf32, #tpu.memory_space<hbm>> -> memref<1x64x192xf32, #tpu.memory_space<hbm>>
        %dma_wait3A_866 = arith.constant 0 : i32
        %dma_wait3A_867 = arith.constant 0 : i32
        %dma_wait3A_868 = tpu.memref_slice %arg5[%add3A_862, %dma_wait3A_866, %dma_wait3A_867] : memref<3136x64x192xf32, #tpu.memory_space<hbm>> -> memref<1x64x192xf32, #tpu.memory_space<hbm>>
        tpu.wait_dma2 semaphore(%arg26 : memref<!tpu.dma_semaphore, #tpu.memory_space<semaphore_mem>>) src(%arg12 : memref<1x64x192xf32, #tpu.memory_space<vmem>>) dst(%dma_wait3A_868 : memref<1x64x192xf32, #tpu.memory_space<hbm>>)
      } else {
      }
      %add3A_844 = arith.constant 5 : i32
      %add3A_845 = arith.addi %add3A_803, %add3A_844 : i32
      %get3A_846 = arith.constant 0 : i32
      %get3A_847 = arith.index_cast %get3A_846 : i32 to index
      %get3A_848 = arith.index_cast %add3A_845 : i32 to index
      %get3A_849 = tpu.vector_load %arg6[%get3A_847, %get3A_848] {strides = array<i32>} : memref<1x128xi32, #tpu.memory_space<vmem>>, vector<1x16xi32>,
      %get3A_850 = vector.shape_cast %get3A_849 : vector<1x16xi32> to vector<16xi32>
      %slice3A_851 = vector.extract_strided_slice %get3A_850 {offsets = [0], sizes = [1], strides = [1]} : vector<16xi32> to vector<1xi32>
      %squeeze3A_852 = vector.extract %slice3A_851[0] : i32 from vector<1xi32>
      %add3A_853 = arith.addi %squeeze3A_852, %mul3A_20 : i32
      %dma_start3A_854 = arith.constant 0 : i32
      %dma_start3A_855 = arith.constant 0 : i32
      %dma_start3A_856 = tpu.memref_slice %arg4[%add3A_853, %dma_start3A_854, %dma_start3A_855] : memref<392x64x192xf32, #tpu.memory_space<hbm>> -> memref<1x64x192xf32, #tpu.memory_space<hbm>>
      %dma_start3A_857 = arith.constant 0 : i32
      %dma_start3A_858 = arith.constant 0 : i32
      %dma_start3A_859 = tpu.memref_slice %arg4[%add3A_853, %dma_start3A_857, %dma_start3A_858] : memref<392x64x192xf32, #tpu.memory_space<hbm>> -> memref<1x64x192xf32, #tpu.memory_space<hbm>>
      tpu.enqueue_dma source(%dma_start3A_859 : memref<1x64x192xf32, #tpu.memory_space<hbm>>) target(%arg12 : memref<1x64x192xf32, #tpu.memory_space<vmem>>) target_semaphore(%arg19 : memref<!tpu.dma_semaphore, #tpu.memory_space<semaphore_mem>>)
    }
    %scan3A_91 = arith.constant 13 : i32
    %get3A_92 = arith.constant 0 : i32
    %get3A_93 = arith.index_cast %get3A_92 : i32 to index
    %get3A_94 = arith.constant 91 : index
    %get3A_95 = tpu.vector_load %arg6[%get3A_93, %get3A_94] {strides = array<i32>} : memref<1x128xi32, #tpu.memory_space<vmem>>, vector<1x16xi32>,
    %get3A_96 = vector.shape_cast %get3A_95 : vector<1x16xi32> to vector<16xi32>
    %slice3A_97 = vector.extract_strided_slice %get3A_96 {offsets = [0], sizes = [1], strides = [1]} : vector<16xi32> to vector<1xi32>
    %squeeze3A_98 = vector.extract %slice3A_97[0] : i32 from vector<1xi32>
    %add3A_99 = arith.addi %squeeze3A_98, %mul3A_20 : i32
    %dma_wait3A = arith.constant 0 : i32
    %dma_wait3A_100 = arith.constant 0 : i32
    %dma_wait3A_101 = tpu.memref_slice %arg4[%add3A_99, %dma_wait3A, %dma_wait3A_100] : memref<392x64x192xf32, #tpu.memory_space<hbm>> -> memref<1x64x192xf32, #tpu.memory_space<hbm>>
    %dma_wait3A_102 = arith.constant 0 : i32
    %dma_wait3A_103 = arith.constant 0 : i32
    %dma_wait3A_104 = tpu.memref_slice %arg4[%add3A_99, %dma_wait3A_102, %dma_wait3A_103] : memref<392x64x192xf32, #tpu.memory_space<hbm>> -> memref<1x64x192xf32, #tpu.memory_space<hbm>>
    tpu.wait_dma2 semaphore(%arg15 : memref<!tpu.dma_semaphore, #tpu.memory_space<semaphore_mem>>) src(%dma_wait3A_104 : memref<1x64x192xf32, #tpu.memory_space<hbm>>) dst(%arg8 : memref<1x64x192xf32, #tpu.memory_space<vmem>>)
    %get3A_105 = arith.constant 0 : i32
    %get3A_106 = arith.index_cast %get3A_105 : i32 to index
    %get3A_107 = arith.constant 91 : index
    %get3A_108 = tpu.vector_load %arg7[%get3A_106, %get3A_107] {strides = array<i32>} : memref<1x128xf32, #tpu.memory_space<vmem>>, vector<1x16xf32>,
    %get3A_109 = vector.shape_cast %get3A_108 : vector<1x16xf32> to vector<16xf32>
    %slice3A_110 = vector.extract_strided_slice %get3A_109 {offsets = [0], sizes = [1], strides = [1]} : vector<16xf32> to vector<1xf32>
    %squeeze3A_111 = vector.extract %slice3A_110[0] : f32 from vector<1xf32>
    %broadcast_in_dim3A = vector.broadcast %squeeze3A_111 : f32 to vector<16xf32>
    %scan3A_112 = arith.constant 0 : i32
    %scan3A_113 = arith.constant 0 : i32
    %scan3A_114 = arith.constant 64 : i32
    %scan3A_115 = arith.addi %scan3A_113, %scan3A_114 : i32
    %scan3A_116 = arith.constant 1 : i32
    scf.for %scan3A_442 = %scan3A_113 to %scan3A_115 step %scan3A_116  : i32 {
      %get3A_443 = arith.constant 0 : i32
      %get3A_444 = arith.index_cast %get3A_443 : i32 to index
      %get3A_445 = arith.index_cast %scan3A_442 : i32 to index
      %get3A_446 = arith.constant 0 : index
      %get3A_447 = tpu.vector_load %arg8[%get3A_444, %get3A_445, %get3A_446] {strides = array<i32>} : memref<1x64x192xf32, #tpu.memory_space<vmem>>, vector<1x1x16xf32>,
      %get3A_448 = vector.shape_cast %get3A_447 : vector<1x1x16xf32> to vector<16xf32>
      %mul3A_449 = arith.mulf %get3A_448, %broadcast_in_dim3A : vector<16xf32>
      %swap3A = arith.constant 0 : i32
      %swap3A_450 = arith.index_cast %swap3A : i32 to index
      %swap3A_451 = arith.index_cast %scan3A_442 : i32 to index
      %swap3A_452 = arith.constant 0 : index
      %swap3A_453 = tpu.vector_load %arg8[%swap3A_450, %swap3A_451, %swap3A_452] {strides = array<i32>} : memref<1x64x192xf32, #tpu.memory_space<vmem>>, vector<1x1x16xf32>,
      %swap3A_454 = vector.shape_cast %swap3A_453 : vector<1x1x16xf32> to vector<16xf32>
      %swap3A_455 = vector.shape_cast %mul3A_449 : vector<16xf32> to vector<1x1x16xf32>
      tpu.vector_store %arg8[%swap3A_450, %swap3A_451, %swap3A_452], %swap3A_455 {strides = array<i32>} : memref<1x64x192xf32, #tpu.memory_space<vmem>>, vector<1x1x16xf32>,
      %get3A_456 = arith.constant 0 : i32
      %get3A_457 = arith.index_cast %get3A_456 : i32 to index
      %get3A_458 = arith.index_cast %scan3A_442 : i32 to index
      %get3A_459 = arith.constant 16 : index
      %get3A_460 = tpu.vector_load %arg8[%get3A_457, %get3A_458, %get3A_459] {strides = array<i32>} : memref<1x64x192xf32, #tpu.memory_space<vmem>>, vector<1x1x16xf32>,
      %get3A_461 = vector.shape_cast %get3A_460 : vector<1x1x16xf32> to vector<16xf32>
      %mul3A_462 = arith.mulf %get3A_461, %broadcast_in_dim3A : vector<16xf32>
      %swap3A_463 = arith.constant 0 : i32
      %swap3A_464 = arith.index_cast %swap3A_463 : i32 to index
      %swap3A_465 = arith.index_cast %scan3A_442 : i32 to index
      %swap3A_466 = arith.constant 16 : index
      %swap3A_467 = tpu.vector_load %arg8[%swap3A_464, %swap3A_465, %swap3A_466] {strides = array<i32>} : memref<1x64x192xf32, #tpu.memory_space<vmem>>, vector<1x1x16xf32>,
      %swap3A_468 = vector.shape_cast %swap3A_467 : vector<1x1x16xf32> to vector<16xf32>
      %swap3A_469 = vector.shape_cast %mul3A_462 : vector<16xf32> to vector<1x1x16xf32>
      tpu.vector_store %arg8[%swap3A_464, %swap3A_465, %swap3A_466], %swap3A_469 {strides = array<i32>} : memref<1x64x192xf32, #tpu.memory_space<vmem>>, vector<1x1x16xf32>,
      %get3A_470 = arith.constant 0 : i32
      %get3A_471 = arith.index_cast %get3A_470 : i32 to index
      %get3A_472 = arith.index_cast %scan3A_442 : i32 to index
      %get3A_473 = arith.constant 32 : index
      %get3A_474 = tpu.vector_load %arg8[%get3A_471, %get3A_472, %get3A_473] {strides = array<i32>} : memref<1x64x192xf32, #tpu.memory_space<vmem>>, vector<1x1x16xf32>,
      %get3A_475 = vector.shape_cast %get3A_474 : vector<1x1x16xf32> to vector<16xf32>
      %mul3A_476 = arith.mulf %get3A_475, %broadcast_in_dim3A : vector<16xf32>
      %swap3A_477 = arith.constant 0 : i32
      %swap3A_478 = arith.index_cast %swap3A_477 : i32 to index
      %swap3A_479 = arith.index_cast %scan3A_442 : i32 to index
      %swap3A_480 = arith.constant 32 : index
      %swap3A_481 = tpu.vector_load %arg8[%swap3A_478, %swap3A_479, %swap3A_480] {strides = array<i32>} : memref<1x64x192xf32, #tpu.memory_space<vmem>>, vector<1x1x16xf32>,
      %swap3A_482 = vector.shape_cast %swap3A_481 : vector<1x1x16xf32> to vector<16xf32>
      %swap3A_483 = vector.shape_cast %mul3A_476 : vector<16xf32> to vector<1x1x16xf32>
      tpu.vector_store %arg8[%swap3A_478, %swap3A_479, %swap3A_480], %swap3A_483 {strides = array<i32>} : memref<1x64x192xf32, #tpu.memory_space<vmem>>, vector<1x1x16xf32>,
      %get3A_484 = arith.constant 0 : i32
      %get3A_485 = arith.index_cast %get3A_484 : i32 to index
      %get3A_486 = arith.index_cast %scan3A_442 : i32 to index
      %get3A_487 = arith.constant 48 : index
      %get3A_488 = tpu.vector_load %arg8[%get3A_485, %get3A_486, %get3A_487] {strides = array<i32>} : memref<1x64x192xf32, #tpu.memory_space<vmem>>, vector<1x1x16xf32>,
      %get3A_489 = vector.shape_cast %get3A_488 : vector<1x1x16xf32> to vector<16xf32>
      %mul3A_490 = arith.mulf %get3A_489, %broadcast_in_dim3A : vector<16xf32>
      %swap3A_491 = arith.constant 0 : i32
      %swap3A_492 = arith.index_cast %swap3A_491 : i32 to index
      %swap3A_493 = arith.index_cast %scan3A_442 : i32 to index
      %swap3A_494 = arith.constant 48 : index
      %swap3A_495 = tpu.vector_load %arg8[%swap3A_492, %swap3A_493, %swap3A_494] {strides = array<i32>} : memref<1x64x192xf32, #tpu.memory_space<vmem>>, vector<1x1x16xf32>,
      %swap3A_496 = vector.shape_cast %swap3A_495 : vector<1x1x16xf32> to vector<16xf32>
      %swap3A_497 = vector.shape_cast %mul3A_490 : vector<16xf32> to vector<1x1x16xf32>
      tpu.vector_store %arg8[%swap3A_492, %swap3A_493, %swap3A_494], %swap3A_497 {strides = array<i32>} : memref<1x64x192xf32, #tpu.memory_space<vmem>>, vector<1x1x16xf32>,
      %get3A_498 = arith.constant 0 : i32
      %get3A_499 = arith.index_cast %get3A_498 : i32 to index
      %get3A_500 = arith.index_cast %scan3A_442 : i32 to index
      %get3A_501 = arith.constant 64 : index
      %get3A_502 = tpu.vector_load %arg8[%get3A_499, %get3A_500, %get3A_501] {strides = array<i32>} : memref<1x64x192xf32, #tpu.memory_space<vmem>>, vector<1x1x16xf32>,
      %get3A_503 = vector.shape_cast %get3A_502 : vector<1x1x16xf32> to vector<16xf32>
      %mul3A_504 = arith.mulf %get3A_503, %broadcast_in_dim3A : vector<16xf32>
      %swap3A_505 = arith.constant 0 : i32
      %swap3A_506 = arith.index_cast %swap3A_505 : i32 to index
      %swap3A_507 = arith.index_cast %scan3A_442 : i32 to index
      %swap3A_508 = arith.constant 64 : index
      %swap3A_509 = tpu.vector_load %arg8[%swap3A_506, %swap3A_507, %swap3A_508] {strides = array<i32>} : memref<1x64x192xf32, #tpu.memory_space<vmem>>, vector<1x1x16xf32>,
      %swap3A_510 = vector.shape_cast %swap3A_509 : vector<1x1x16xf32> to vector<16xf32>
      %swap3A_511 = vector.shape_cast %mul3A_504 : vector<16xf32> to vector<1x1x16xf32>
      tpu.vector_store %arg8[%swap3A_506, %swap3A_507, %swap3A_508], %swap3A_511 {strides = array<i32>} : memref<1x64x192xf32, #tpu.memory_space<vmem>>, vector<1x1x16xf32>,
      %get3A_512 = arith.constant 0 : i32
      %get3A_513 = arith.index_cast %get3A_512 : i32 to index
      %get3A_514 = arith.index_cast %scan3A_442 : i32 to index
      %get3A_515 = arith.constant 80 : index
      %get3A_516 = tpu.vector_load %arg8[%get3A_513, %get3A_514, %get3A_515] {strides = array<i32>} : memref<1x64x192xf32, #tpu.memory_space<vmem>>, vector<1x1x16xf32>,
      %get3A_517 = vector.shape_cast %get3A_516 : vector<1x1x16xf32> to vector<16xf32>
      %mul3A_518 = arith.mulf %get3A_517, %broadcast_in_dim3A : vector<16xf32>
      %swap3A_519 = arith.constant 0 : i32
      %swap3A_520 = arith.index_cast %swap3A_519 : i32 to index
      %swap3A_521 = arith.index_cast %scan3A_442 : i32 to index
      %swap3A_522 = arith.constant 80 : index
      %swap3A_523 = tpu.vector_load %arg8[%swap3A_520, %swap3A_521, %swap3A_522] {strides = array<i32>} : memref<1x64x192xf32, #tpu.memory_space<vmem>>, vector<1x1x16xf32>,
      %swap3A_524 = vector.shape_cast %swap3A_523 : vector<1x1x16xf32> to vector<16xf32>
      %swap3A_525 = vector.shape_cast %mul3A_518 : vector<16xf32> to vector<1x1x16xf32>
      tpu.vector_store %arg8[%swap3A_520, %swap3A_521, %swap3A_522], %swap3A_525 {strides = array<i32>} : memref<1x64x192xf32, #tpu.memory_space<vmem>>, vector<1x1x16xf32>,
      %get3A_526 = arith.constant 0 : i32
      %get3A_527 = arith.index_cast %get3A_526 : i32 to index
      %get3A_528 = arith.index_cast %scan3A_442 : i32 to index
      %get3A_529 = arith.constant 96 : index
      %get3A_530 = tpu.vector_load %arg8[%get3A_527, %get3A_528, %get3A_529] {strides = array<i32>} : memref<1x64x192xf32, #tpu.memory_space<vmem>>, vector<1x1x16xf32>,
      %get3A_531 = vector.shape_cast %get3A_530 : vector<1x1x16xf32> to vector<16xf32>
      %mul3A_532 = arith.mulf %get3A_531, %broadcast_in_dim3A : vector<16xf32>
      %swap3A_533 = arith.constant 0 : i32
      %swap3A_534 = arith.index_cast %swap3A_533 : i32 to index
      %swap3A_535 = arith.index_cast %scan3A_442 : i32 to index
      %swap3A_536 = arith.constant 96 : index
      %swap3A_537 = tpu.vector_load %arg8[%swap3A_534, %swap3A_535, %swap3A_536] {strides = array<i32>} : memref<1x64x192xf32, #tpu.memory_space<vmem>>, vector<1x1x16xf32>,
      %swap3A_538 = vector.shape_cast %swap3A_537 : vector<1x1x16xf32> to vector<16xf32>
      %swap3A_539 = vector.shape_cast %mul3A_532 : vector<16xf32> to vector<1x1x16xf32>
      tpu.vector_store %arg8[%swap3A_534, %swap3A_535, %swap3A_536], %swap3A_539 {strides = array<i32>} : memref<1x64x192xf32, #tpu.memory_space<vmem>>, vector<1x1x16xf32>,
      %get3A_540 = arith.constant 0 : i32
      %get3A_541 = arith.index_cast %get3A_540 : i32 to index
      %get3A_542 = arith.index_cast %scan3A_442 : i32 to index
      %get3A_543 = arith.constant 112 : index
      %get3A_544 = tpu.vector_load %arg8[%get3A_541, %get3A_542, %get3A_543] {strides = array<i32>} : memref<1x64x192xf32, #tpu.memory_space<vmem>>, vector<1x1x16xf32>,
      %get3A_545 = vector.shape_cast %get3A_544 : vector<1x1x16xf32> to vector<16xf32>
      %mul3A_546 = arith.mulf %get3A_545, %broadcast_in_dim3A : vector<16xf32>
      %swap3A_547 = arith.constant 0 : i32
      %swap3A_548 = arith.index_cast %swap3A_547 : i32 to index
      %swap3A_549 = arith.index_cast %scan3A_442 : i32 to index
      %swap3A_550 = arith.constant 112 : index
      %swap3A_551 = tpu.vector_load %arg8[%swap3A_548, %swap3A_549, %swap3A_550] {strides = array<i32>} : memref<1x64x192xf32, #tpu.memory_space<vmem>>, vector<1x1x16xf32>,
      %swap3A_552 = vector.shape_cast %swap3A_551 : vector<1x1x16xf32> to vector<16xf32>
      %swap3A_553 = vector.shape_cast %mul3A_546 : vector<16xf32> to vector<1x1x16xf32>
      tpu.vector_store %arg8[%swap3A_548, %swap3A_549, %swap3A_550], %swap3A_553 {strides = array<i32>} : memref<1x64x192xf32, #tpu.memory_space<vmem>>, vector<1x1x16xf32>,
      %get3A_554 = arith.constant 0 : i32
      %get3A_555 = arith.index_cast %get3A_554 : i32 to index
      %get3A_556 = arith.index_cast %scan3A_442 : i32 to index
      %get3A_557 = arith.constant 128 : index
      %get3A_558 = tpu.vector_load %arg8[%get3A_555, %get3A_556, %get3A_557] {strides = array<i32>} : memref<1x64x192xf32, #tpu.memory_space<vmem>>, vector<1x1x16xf32>,
      %get3A_559 = vector.shape_cast %get3A_558 : vector<1x1x16xf32> to vector<16xf32>
      %mul3A_560 = arith.mulf %get3A_559, %broadcast_in_dim3A : vector<16xf32>
      %swap3A_561 = arith.constant 0 : i32
      %swap3A_562 = arith.index_cast %swap3A_561 : i32 to index
      %swap3A_563 = arith.index_cast %scan3A_442 : i32 to index
      %swap3A_564 = arith.constant 128 : index
      %swap3A_565 = tpu.vector_load %arg8[%swap3A_562, %swap3A_563, %swap3A_564] {strides = array<i32>} : memref<1x64x192xf32, #tpu.memory_space<vmem>>, vector<1x1x16xf32>,
      %swap3A_566 = vector.shape_cast %swap3A_565 : vector<1x1x16xf32> to vector<16xf32>
      %swap3A_567 = vector.shape_cast %mul3A_560 : vector<16xf32> to vector<1x1x16xf32>
      tpu.vector_store %arg8[%swap3A_562, %swap3A_563, %swap3A_564], %swap3A_567 {strides = array<i32>} : memref<1x64x192xf32, #tpu.memory_space<vmem>>, vector<1x1x16xf32>,
      %get3A_568 = arith.constant 0 : i32
      %get3A_569 = arith.index_cast %get3A_568 : i32 to index
      %get3A_570 = arith.index_cast %scan3A_442 : i32 to index
      %get3A_571 = arith.constant 144 : index
      %get3A_572 = tpu.vector_load %arg8[%get3A_569, %get3A_570, %get3A_571] {strides = array<i32>} : memref<1x64x192xf32, #tpu.memory_space<vmem>>, vector<1x1x16xf32>,
      %get3A_573 = vector.shape_cast %get3A_572 : vector<1x1x16xf32> to vector<16xf32>
      %mul3A_574 = arith.mulf %get3A_573, %broadcast_in_dim3A : vector<16xf32>
      %swap3A_575 = arith.constant 0 : i32
      %swap3A_576 = arith.index_cast %swap3A_575 : i32 to index
      %swap3A_577 = arith.index_cast %scan3A_442 : i32 to index
      %swap3A_578 = arith.constant 144 : index
      %swap3A_579 = tpu.vector_load %arg8[%swap3A_576, %swap3A_577, %swap3A_578] {strides = array<i32>} : memref<1x64x192xf32, #tpu.memory_space<vmem>>, vector<1x1x16xf32>,
      %swap3A_580 = vector.shape_cast %swap3A_579 : vector<1x1x16xf32> to vector<16xf32>
      %swap3A_581 = vector.shape_cast %mul3A_574 : vector<16xf32> to vector<1x1x16xf32>
      tpu.vector_store %arg8[%swap3A_576, %swap3A_577, %swap3A_578], %swap3A_581 {strides = array<i32>} : memref<1x64x192xf32, #tpu.memory_space<vmem>>, vector<1x1x16xf32>,
      %get3A_582 = arith.constant 0 : i32
      %get3A_583 = arith.index_cast %get3A_582 : i32 to index
      %get3A_584 = arith.index_cast %scan3A_442 : i32 to index
      %get3A_585 = arith.constant 160 : index
      %get3A_586 = tpu.vector_load %arg8[%get3A_583, %get3A_584, %get3A_585] {strides = array<i32>} : memref<1x64x192xf32, #tpu.memory_space<vmem>>, vector<1x1x16xf32>,
      %get3A_587 = vector.shape_cast %get3A_586 : vector<1x1x16xf32> to vector<16xf32>
      %mul3A_588 = arith.mulf %get3A_587, %broadcast_in_dim3A : vector<16xf32>
      %swap3A_589 = arith.constant 0 : i32
      %swap3A_590 = arith.index_cast %swap3A_589 : i32 to index
      %swap3A_591 = arith.index_cast %scan3A_442 : i32 to index
      %swap3A_592 = arith.constant 160 : index
      %swap3A_593 = tpu.vector_load %arg8[%swap3A_590, %swap3A_591, %swap3A_592] {strides = array<i32>} : memref<1x64x192xf32, #tpu.memory_space<vmem>>, vector<1x1x16xf32>,
      %swap3A_594 = vector.shape_cast %swap3A_593 : vector<1x1x16xf32> to vector<16xf32>
      %swap3A_595 = vector.shape_cast %mul3A_588 : vector<16xf32> to vector<1x1x16xf32>
      tpu.vector_store %arg8[%swap3A_590, %swap3A_591, %swap3A_592], %swap3A_595 {strides = array<i32>} : memref<1x64x192xf32, #tpu.memory_space<vmem>>, vector<1x1x16xf32>,
      %get3A_596 = arith.constant 0 : i32
      %get3A_597 = arith.index_cast %get3A_596 : i32 to index
      %get3A_598 = arith.index_cast %scan3A_442 : i32 to index
      %get3A_599 = arith.constant 176 : index
      %get3A_600 = tpu.vector_load %arg8[%get3A_597, %get3A_598, %get3A_599] {strides = array<i32>} : memref<1x64x192xf32, #tpu.memory_space<vmem>>, vector<1x1x16xf32>,
      %get3A_601 = vector.shape_cast %get3A_600 : vector<1x1x16xf32> to vector<16xf32>
      %mul3A_602 = arith.mulf %get3A_601, %broadcast_in_dim3A : vector<16xf32>
      %swap3A_603 = arith.constant 0 : i32
      %swap3A_604 = arith.index_cast %swap3A_603 : i32 to index
      %swap3A_605 = arith.index_cast %scan3A_442 : i32 to index
      %swap3A_606 = arith.constant 176 : index
      %swap3A_607 = tpu.vector_load %arg8[%swap3A_604, %swap3A_605, %swap3A_606] {strides = array<i32>} : memref<1x64x192xf32, #tpu.memory_space<vmem>>, vector<1x1x16xf32>,
      %swap3A_608 = vector.shape_cast %swap3A_607 : vector<1x1x16xf32> to vector<16xf32>
      %swap3A_609 = vector.shape_cast %mul3A_602 : vector<16xf32> to vector<1x1x16xf32>
      tpu.vector_store %arg8[%swap3A_604, %swap3A_605, %swap3A_606], %swap3A_609 {strides = array<i32>} : memref<1x64x192xf32, #tpu.memory_space<vmem>>, vector<1x1x16xf32>,
    }
    %scan3A_117 = arith.constant 64 : i32
    %add3A_118 = arith.constant 91 : i32
    %add3A_119 = arith.addi %mul3A_2, %add3A_118 : i32
    %dma_start3A_120 = arith.constant 0 : i32
    %dma_start3A_121 = arith.constant 0 : i32
    %dma_start3A_122 = tpu.memref_slice %arg5[%add3A_119, %dma_start3A_120, %dma_start3A_121] : memref<3136x64x192xf32, #tpu.memory_space<hbm>> -> memref<1x64x192xf32, #tpu.memory_space<hbm>>
    %dma_start3A_123 = arith.constant 0 : i32
    %dma_start3A_124 = arith.constant 0 : i32
    %dma_start3A_125 = tpu.memref_slice %arg5[%add3A_119, %dma_start3A_123, %dma_start3A_124] : memref<3136x64x192xf32, #tpu.memory_space<hbm>> -> memref<1x64x192xf32, #tpu.memory_space<hbm>>
    tpu.enqueue_dma source(%arg8 : memref<1x64x192xf32, #tpu.memory_space<vmem>>) target(%dma_start3A_125 : memref<1x64x192xf32, #tpu.memory_space<hbm>>) target_semaphore(%arg22 : memref<!tpu.dma_semaphore, #tpu.memory_space<semaphore_mem>>)
    %add3A_126 = arith.constant 89 : i32
    %add3A_127 = arith.addi %mul3A_2, %add3A_126 : i32
    %dma_wait3A_128 = arith.constant 0 : i32
    %dma_wait3A_129 = arith.constant 0 : i32
    %dma_wait3A_130 = tpu.memref_slice %arg5[%add3A_127, %dma_wait3A_128, %dma_wait3A_129] : memref<3136x64x192xf32, #tpu.memory_space<hbm>> -> memref<1x64x192xf32, #tpu.memory_space<hbm>>
    %dma_wait3A_131 = arith.constant 0 : i32
    %dma_wait3A_132 = arith.constant 0 : i32
    %dma_wait3A_133 = tpu.memref_slice %arg5[%add3A_127, %dma_wait3A_131, %dma_wait3A_132] : memref<3136x64x192xf32, #tpu.memory_space<hbm>> -> memref<1x64x192xf32, #tpu.memory_space<hbm>>
    tpu.wait_dma2 semaphore(%arg27 : memref<!tpu.dma_semaphore, #tpu.memory_space<semaphore_mem>>) src(%arg13 : memref<1x64x192xf32, #tpu.memory_space<vmem>>) dst(%dma_wait3A_133 : memref<1x64x192xf32, #tpu.memory_space<hbm>>)
    %get3A_134 = arith.constant 0 : i32
    %get3A_135 = arith.index_cast %get3A_134 : i32 to index
    %get3A_136 = arith.constant 96 : index
    %get3A_137 = tpu.vector_load %arg6[%get3A_135, %get3A_136] {strides = array<i32>} : memref<1x128xi32, #tpu.memory_space<vmem>>, vector<1x16xi32>,
    %get3A_138 = vector.shape_cast %get3A_137 : vector<1x16xi32> to vector<16xi32>
    %slice3A_139 = vector.extract_strided_slice %get3A_138 {offsets = [0], sizes = [1], strides = [1]} : vector<16xi32> to vector<1xi32>
    %squeeze3A_140 = vector.extract %slice3A_139[0] : i32 from vector<1xi32>
    %add3A_141 = arith.addi %squeeze3A_140, %mul3A_20 : i32
    %dma_start3A_142 = arith.constant 0 : i32
    %dma_start3A_143 = arith.constant 0 : i32
    %dma_start3A_144 = tpu.memref_slice %arg4[%add3A_141, %dma_start3A_142, %dma_start3A_143] : memref<392x64x192xf32, #tpu.memory_space<hbm>> -> memref<1x64x192xf32, #tpu.memory_space<hbm>>
    %dma_start3A_145 = arith.constant 0 : i32
    %dma_start3A_146 = arith.constant 0 : i32
    %dma_start3A_147 = tpu.memref_slice %arg4[%add3A_141, %dma_start3A_145, %dma_start3A_146] : memref<392x64x192xf32, #tpu.memory_space<hbm>> -> memref<1x64x192xf32, #tpu.memory_space<hbm>>
    tpu.enqueue_dma source(%dma_start3A_147 : memref<1x64x192xf32, #tpu.memory_space<hbm>>) target(%arg13 : memref<1x64x192xf32, #tpu.memory_space<vmem>>) target_semaphore(%arg20 : memref<!tpu.dma_semaphore, #tpu.memory_space<semaphore_mem>>)
    %get3A_148 = arith.constant 0 : i32
    %get3A_149 = arith.index_cast %get3A_148 : i32 to index
    %get3A_150 = arith.constant 92 : index
    %get3A_151 = tpu.vector_load %arg6[%get3A_149, %get3A_150] {strides = array<i32>} : memref<1x128xi32, #tpu.memory_space<vmem>>, vector<1x16xi32>,
    %get3A_152 = vector.shape_cast %get3A_151 : vector<1x16xi32> to vector<16xi32>
    %slice3A_153 = vector.extract_strided_slice %get3A_152 {offsets = [0], sizes = [1], strides = [1]} : vector<16xi32> to vector<1xi32>
    %squeeze3A_154 = vector.extract %slice3A_153[0] : i32 from vector<1xi32>
    %add3A_155 = arith.addi %squeeze3A_154, %mul3A_20 : i32
    %dma_wait3A_156 = arith.constant 0 : i32
    %dma_wait3A_157 = arith.constant 0 : i32
    %dma_wait3A_158 = tpu.memref_slice %arg4[%add3A_155, %dma_wait3A_156, %dma_wait3A_157] : memref<392x64x192xf32, #tpu.memory_space<hbm>> -> memref<1x64x192xf32, #tpu.memory_space<hbm>>
    %dma_wait3A_159 = arith.constant 0 : i32
    %dma_wait3A_160 = arith.constant 0 : i32
    %dma_wait3A_161 = tpu.memref_slice %arg4[%add3A_155, %dma_wait3A_159, %dma_wait3A_160] : memref<392x64x192xf32, #tpu.memory_space<hbm>> -> memref<1x64x192xf32, #tpu.memory_space<hbm>>
    tpu.wait_dma2 semaphore(%arg16 : memref<!tpu.dma_semaphore, #tpu.memory_space<semaphore_mem>>) src(%dma_wait3A_161 : memref<1x64x192xf32, #tpu.memory_space<hbm>>) dst(%arg9 : memref<1x64x192xf32, #tpu.memory_space<vmem>>)
    %get3A_162 = arith.constant 0 : i32
    %get3A_163 = arith.index_cast %get3A_162 : i32 to index
    %get3A_164 = arith.constant 92 : index
    %get3A_165 = tpu.vector_load %arg7[%get3A_163, %get3A_164] {strides = array<i32>} : memref<1x128xf32, #tpu.memory_space<vmem>>, vector<1x16xf32>,
    %get3A_166 = vector.shape_cast %get3A_165 : vector<1x16xf32> to vector<16xf32>
    %slice3A_167 = vector.extract_strided_slice %get3A_166 {offsets = [0], sizes = [1], strides = [1]} : vector<16xf32> to vector<1xf32>
    %squeeze3A_168 = vector.extract %slice3A_167[0] : f32 from vector<1xf32>
    %broadcast_in_dim3A_169 = vector.broadcast %squeeze3A_168 : f32 to vector<16xf32>
    %scan3A_170 = arith.constant 0 : i32
    %scan3A_171 = arith.constant 0 : i32
    %scan3A_172 = arith.constant 64 : i32
    %scan3A_173 = arith.addi %scan3A_171, %scan3A_172 : i32
    %scan3A_174 = arith.constant 1 : i32
    scf.for %scan3A_442 = %scan3A_171 to %scan3A_173 step %scan3A_174  : i32 {
      %get3A_443 = arith.constant 0 : i32
      %get3A_444 = arith.index_cast %get3A_443 : i32 to index
      %get3A_445 = arith.index_cast %scan3A_442 : i32 to index
      %get3A_446 = arith.constant 0 : index
      %get3A_447 = tpu.vector_load %arg9[%get3A_444, %get3A_445, %get3A_446] {strides = array<i32>} : memref<1x64x192xf32, #tpu.memory_space<vmem>>, vector<1x1x16xf32>,
      %get3A_448 = vector.shape_cast %get3A_447 : vector<1x1x16xf32> to vector<16xf32>
      %mul3A_449 = arith.mulf %get3A_448, %broadcast_in_dim3A_169 : vector<16xf32>
      %swap3A = arith.constant 0 : i32
      %swap3A_450 = arith.index_cast %swap3A : i32 to index
      %swap3A_451 = arith.index_cast %scan3A_442 : i32 to index
      %swap3A_452 = arith.constant 0 : index
      %swap3A_453 = tpu.vector_load %arg9[%swap3A_450, %swap3A_451, %swap3A_452] {strides = array<i32>} : memref<1x64x192xf32, #tpu.memory_space<vmem>>, vector<1x1x16xf32>,
      %swap3A_454 = vector.shape_cast %swap3A_453 : vector<1x1x16xf32> to vector<16xf32>
      %swap3A_455 = vector.shape_cast %mul3A_449 : vector<16xf32> to vector<1x1x16xf32>
      tpu.vector_store %arg9[%swap3A_450, %swap3A_451, %swap3A_452], %swap3A_455 {strides = array<i32>} : memref<1x64x192xf32, #tpu.memory_space<vmem>>, vector<1x1x16xf32>,
      %get3A_456 = arith.constant 0 : i32
      %get3A_457 = arith.index_cast %get3A_456 : i32 to index
      %get3A_458 = arith.index_cast %scan3A_442 : i32 to index
      %get3A_459 = arith.constant 16 : index
      %get3A_460 = tpu.vector_load %arg9[%get3A_457, %get3A_458, %get3A_459] {strides = array<i32>} : memref<1x64x192xf32, #tpu.memory_space<vmem>>, vector<1x1x16xf32>,
      %get3A_461 = vector.shape_cast %get3A_460 : vector<1x1x16xf32> to vector<16xf32>
      %mul3A_462 = arith.mulf %get3A_461, %broadcast_in_dim3A_169 : vector<16xf32>
      %swap3A_463 = arith.constant 0 : i32
      %swap3A_464 = arith.index_cast %swap3A_463 : i32 to index
      %swap3A_465 = arith.index_cast %scan3A_442 : i32 to index
      %swap3A_466 = arith.constant 16 : index
      %swap3A_467 = tpu.vector_load %arg9[%swap3A_464, %swap3A_465, %swap3A_466] {strides = array<i32>} : memref<1x64x192xf32, #tpu.memory_space<vmem>>, vector<1x1x16xf32>,
      %swap3A_468 = vector.shape_cast %swap3A_467 : vector<1x1x16xf32> to vector<16xf32>
      %swap3A_469 = vector.shape_cast %mul3A_462 : vector<16xf32> to vector<1x1x16xf32>
      tpu.vector_store %arg9[%swap3A_464, %swap3A_465, %swap3A_466], %swap3A_469 {strides = array<i32>} : memref<1x64x192xf32, #tpu.memory_space<vmem>>, vector<1x1x16xf32>,
      %get3A_470 = arith.constant 0 : i32
      %get3A_471 = arith.index_cast %get3A_470 : i32 to index
      %get3A_472 = arith.index_cast %scan3A_442 : i32 to index
      %get3A_473 = arith.constant 32 : index
      %get3A_474 = tpu.vector_load %arg9[%get3A_471, %get3A_472, %get3A_473] {strides = array<i32>} : memref<1x64x192xf32, #tpu.memory_space<vmem>>, vector<1x1x16xf32>,
      %get3A_475 = vector.shape_cast %get3A_474 : vector<1x1x16xf32> to vector<16xf32>
      %mul3A_476 = arith.mulf %get3A_475, %broadcast_in_dim3A_169 : vector<16xf32>
      %swap3A_477 = arith.constant 0 : i32
      %swap3A_478 = arith.index_cast %swap3A_477 : i32 to index
      %swap3A_479 = arith.index_cast %scan3A_442 : i32 to index
      %swap3A_480 = arith.constant 32 : index
      %swap3A_481 = tpu.vector_load %arg9[%swap3A_478, %swap3A_479, %swap3A_480] {strides = array<i32>} : memref<1x64x192xf32, #tpu.memory_space<vmem>>, vector<1x1x16xf32>,
      %swap3A_482 = vector.shape_cast %swap3A_481 : vector<1x1x16xf32> to vector<16xf32>
      %swap3A_483 = vector.shape_cast %mul3A_476 : vector<16xf32> to vector<1x1x16xf32>
      tpu.vector_store %arg9[%swap3A_478, %swap3A_479, %swap3A_480], %swap3A_483 {strides = array<i32>} : memref<1x64x192xf32, #tpu.memory_space<vmem>>, vector<1x1x16xf32>,
      %get3A_484 = arith.constant 0 : i32
      %get3A_485 = arith.index_cast %get3A_484 : i32 to index
      %get3A_486 = arith.index_cast %scan3A_442 : i32 to index
      %get3A_487 = arith.constant 48 : index
      %get3A_488 = tpu.vector_load %arg9[%get3A_485, %get3A_486, %get3A_487] {strides = array<i32>} : memref<1x64x192xf32, #tpu.memory_space<vmem>>, vector<1x1x16xf32>,
      %get3A_489 = vector.shape_cast %get3A_488 : vector<1x1x16xf32> to vector<16xf32>
      %mul3A_490 = arith.mulf %get3A_489, %broadcast_in_dim3A_169 : vector<16xf32>
      %swap3A_491 = arith.constant 0 : i32
      %swap3A_492 = arith.index_cast %swap3A_491 : i32 to index
      %swap3A_493 = arith.index_cast %scan3A_442 : i32 to index
      %swap3A_494 = arith.constant 48 : index
      %swap3A_495 = tpu.vector_load %arg9[%swap3A_492, %swap3A_493, %swap3A_494] {strides = array<i32>} : memref<1x64x192xf32, #tpu.memory_space<vmem>>, vector<1x1x16xf32>,
      %swap3A_496 = vector.shape_cast %swap3A_495 : vector<1x1x16xf32> to vector<16xf32>
      %swap3A_497 = vector.shape_cast %mul3A_490 : vector<16xf32> to vector<1x1x16xf32>
      tpu.vector_store %arg9[%swap3A_492, %swap3A_493, %swap3A_494], %swap3A_497 {strides = array<i32>} : memref<1x64x192xf32, #tpu.memory_space<vmem>>, vector<1x1x16xf32>,
      %get3A_498 = arith.constant 0 : i32
      %get3A_499 = arith.index_cast %get3A_498 : i32 to index
      %get3A_500 = arith.index_cast %scan3A_442 : i32 to index
      %get3A_501 = arith.constant 64 : index
      %get3A_502 = tpu.vector_load %arg9[%get3A_499, %get3A_500, %get3A_501] {strides = array<i32>} : memref<1x64x192xf32, #tpu.memory_space<vmem>>, vector<1x1x16xf32>,
      %get3A_503 = vector.shape_cast %get3A_502 : vector<1x1x16xf32> to vector<16xf32>
      %mul3A_504 = arith.mulf %get3A_503, %broadcast_in_dim3A_169 : vector<16xf32>
      %swap3A_505 = arith.constant 0 : i32
      %swap3A_506 = arith.index_cast %swap3A_505 : i32 to index
      %swap3A_507 = arith.index_cast %scan3A_442 : i32 to index
      %swap3A_508 = arith.constant 64 : index
      %swap3A_509 = tpu.vector_load %arg9[%swap3A_506, %swap3A_507, %swap3A_508] {strides = array<i32>} : memref<1x64x192xf32, #tpu.memory_space<vmem>>, vector<1x1x16xf32>,
      %swap3A_510 = vector.shape_cast %swap3A_509 : vector<1x1x16xf32> to vector<16xf32>
      %swap3A_511 = vector.shape_cast %mul3A_504 : vector<16xf32> to vector<1x1x16xf32>
      tpu.vector_store %arg9[%swap3A_506, %swap3A_507, %swap3A_508], %swap3A_511 {strides = array<i32>} : memref<1x64x192xf32, #tpu.memory_space<vmem>>, vector<1x1x16xf32>,
      %get3A_512 = arith.constant 0 : i32
      %get3A_513 = arith.index_cast %get3A_512 : i32 to index
      %get3A_514 = arith.index_cast %scan3A_442 : i32 to index
      %get3A_515 = arith.constant 80 : index
      %get3A_516 = tpu.vector_load %arg9[%get3A_513, %get3A_514, %get3A_515] {strides = array<i32>} : memref<1x64x192xf32, #tpu.memory_space<vmem>>, vector<1x1x16xf32>,
      %get3A_517 = vector.shape_cast %get3A_516 : vector<1x1x16xf32> to vector<16xf32>
      %mul3A_518 = arith.mulf %get3A_517, %broadcast_in_dim3A_169 : vector<16xf32>
      %swap3A_519 = arith.constant 0 : i32
      %swap3A_520 = arith.index_cast %swap3A_519 : i32 to index
      %swap3A_521 = arith.index_cast %scan3A_442 : i32 to index
      %swap3A_522 = arith.constant 80 : index
      %swap3A_523 = tpu.vector_load %arg9[%swap3A_520, %swap3A_521, %swap3A_522] {strides = array<i32>} : memref<1x64x192xf32, #tpu.memory_space<vmem>>, vector<1x1x16xf32>,
      %swap3A_524 = vector.shape_cast %swap3A_523 : vector<1x1x16xf32> to vector<16xf32>
      %swap3A_525 = vector.shape_cast %mul3A_518 : vector<16xf32> to vector<1x1x16xf32>
      tpu.vector_store %arg9[%swap3A_520, %swap3A_521, %swap3A_522], %swap3A_525 {strides = array<i32>} : memref<1x64x192xf32, #tpu.memory_space<vmem>>, vector<1x1x16xf32>,
      %get3A_526 = arith.constant 0 : i32
      %get3A_527 = arith.index_cast %get3A_526 : i32 to index
      %get3A_528 = arith.index_cast %scan3A_442 : i32 to index
      %get3A_529 = arith.constant 96 : index
      %get3A_530 = tpu.vector_load %arg9[%get3A_527, %get3A_528, %get3A_529] {strides = array<i32>} : memref<1x64x192xf32, #tpu.memory_space<vmem>>, vector<1x1x16xf32>,
      %get3A_531 = vector.shape_cast %get3A_530 : vector<1x1x16xf32> to vector<16xf32>
      %mul3A_532 = arith.mulf %get3A_531, %broadcast_in_dim3A_169 : vector<16xf32>
      %swap3A_533 = arith.constant 0 : i32
      %swap3A_534 = arith.index_cast %swap3A_533 : i32 to index
      %swap3A_535 = arith.index_cast %scan3A_442 : i32 to index
      %swap3A_536 = arith.constant 96 : index
      %swap3A_537 = tpu.vector_load %arg9[%swap3A_534, %swap3A_535, %swap3A_536] {strides = array<i32>} : memref<1x64x192xf32, #tpu.memory_space<vmem>>, vector<1x1x16xf32>,
      %swap3A_538 = vector.shape_cast %swap3A_537 : vector<1x1x16xf32> to vector<16xf32>
      %swap3A_539 = vector.shape_cast %mul3A_532 : vector<16xf32> to vector<1x1x16xf32>
      tpu.vector_store %arg9[%swap3A_534, %swap3A_535, %swap3A_536], %swap3A_539 {strides = array<i32>} : memref<1x64x192xf32, #tpu.memory_space<vmem>>, vector<1x1x16xf32>,
      %get3A_540 = arith.constant 0 : i32
      %get3A_541 = arith.index_cast %get3A_540 : i32 to index
      %get3A_542 = arith.index_cast %scan3A_442 : i32 to index
      %get3A_543 = arith.constant 112 : index
      %get3A_544 = tpu.vector_load %arg9[%get3A_541, %get3A_542, %get3A_543] {strides = array<i32>} : memref<1x64x192xf32, #tpu.memory_space<vmem>>, vector<1x1x16xf32>,
      %get3A_545 = vector.shape_cast %get3A_544 : vector<1x1x16xf32> to vector<16xf32>
      %mul3A_546 = arith.mulf %get3A_545, %broadcast_in_dim3A_169 : vector<16xf32>
      %swap3A_547 = arith.constant 0 : i32
      %swap3A_548 = arith.index_cast %swap3A_547 : i32 to index
      %swap3A_549 = arith.index_cast %scan3A_442 : i32 to index
      %swap3A_550 = arith.constant 112 : index
      %swap3A_551 = tpu.vector_load %arg9[%swap3A_548, %swap3A_549, %swap3A_550] {strides = array<i32>} : memref<1x64x192xf32, #tpu.memory_space<vmem>>, vector<1x1x16xf32>,
      %swap3A_552 = vector.shape_cast %swap3A_551 : vector<1x1x16xf32> to vector<16xf32>
      %swap3A_553 = vector.shape_cast %mul3A_546 : vector<16xf32> to vector<1x1x16xf32>
      tpu.vector_store %arg9[%swap3A_548, %swap3A_549, %swap3A_550], %swap3A_553 {strides = array<i32>} : memref<1x64x192xf32, #tpu.memory_space<vmem>>, vector<1x1x16xf32>,
      %get3A_554 = arith.constant 0 : i32
      %get3A_555 = arith.index_cast %get3A_554 : i32 to index
      %get3A_556 = arith.index_cast %scan3A_442 : i32 to index
      %get3A_557 = arith.constant 128 : index
      %get3A_558 = tpu.vector_load %arg9[%get3A_555, %get3A_556, %get3A_557] {strides = array<i32>} : memref<1x64x192xf32, #tpu.memory_space<vmem>>, vector<1x1x16xf32>,
      %get3A_559 = vector.shape_cast %get3A_558 : vector<1x1x16xf32> to vector<16xf32>
      %mul3A_560 = arith.mulf %get3A_559, %broadcast_in_dim3A_169 : vector<16xf32>
      %swap3A_561 = arith.constant 0 : i32
      %swap3A_562 = arith.index_cast %swap3A_561 : i32 to index
      %swap3A_563 = arith.index_cast %scan3A_442 : i32 to index
      %swap3A_564 = arith.constant 128 : index
      %swap3A_565 = tpu.vector_load %arg9[%swap3A_562, %swap3A_563, %swap3A_564] {strides = array<i32>} : memref<1x64x192xf32, #tpu.memory_space<vmem>>, vector<1x1x16xf32>,
      %swap3A_566 = vector.shape_cast %swap3A_565 : vector<1x1x16xf32> to vector<16xf32>
      %swap3A_567 = vector.shape_cast %mul3A_560 : vector<16xf32> to vector<1x1x16xf32>
      tpu.vector_store %arg9[%swap3A_562, %swap3A_563, %swap3A_564], %swap3A_567 {strides = array<i32>} : memref<1x64x192xf32, #tpu.memory_space<vmem>>, vector<1x1x16xf32>,
      %get3A_568 = arith.constant 0 : i32
      %get3A_569 = arith.index_cast %get3A_568 : i32 to index
      %get3A_570 = arith.index_cast %scan3A_442 : i32 to index
      %get3A_571 = arith.constant 144 : index
      %get3A_572 = tpu.vector_load %arg9[%get3A_569, %get3A_570, %get3A_571] {strides = array<i32>} : memref<1x64x192xf32, #tpu.memory_space<vmem>>, vector<1x1x16xf32>,
      %get3A_573 = vector.shape_cast %get3A_572 : vector<1x1x16xf32> to vector<16xf32>
      %mul3A_574 = arith.mulf %get3A_573, %broadcast_in_dim3A_169 : vector<16xf32>
      %swap3A_575 = arith.constant 0 : i32
      %swap3A_576 = arith.index_cast %swap3A_575 : i32 to index
      %swap3A_577 = arith.index_cast %scan3A_442 : i32 to index
      %swap3A_578 = arith.constant 144 : index
      %swap3A_579 = tpu.vector_load %arg9[%swap3A_576, %swap3A_577, %swap3A_578] {strides = array<i32>} : memref<1x64x192xf32, #tpu.memory_space<vmem>>, vector<1x1x16xf32>,
      %swap3A_580 = vector.shape_cast %swap3A_579 : vector<1x1x16xf32> to vector<16xf32>
      %swap3A_581 = vector.shape_cast %mul3A_574 : vector<16xf32> to vector<1x1x16xf32>
      tpu.vector_store %arg9[%swap3A_576, %swap3A_577, %swap3A_578], %swap3A_581 {strides = array<i32>} : memref<1x64x192xf32, #tpu.memory_space<vmem>>, vector<1x1x16xf32>,
      %get3A_582 = arith.constant 0 : i32
      %get3A_583 = arith.index_cast %get3A_582 : i32 to index
      %get3A_584 = arith.index_cast %scan3A_442 : i32 to index
      %get3A_585 = arith.constant 160 : index
      %get3A_586 = tpu.vector_load %arg9[%get3A_583, %get3A_584, %get3A_585] {strides = array<i32>} : memref<1x64x192xf32, #tpu.memory_space<vmem>>, vector<1x1x16xf32>,
      %get3A_587 = vector.shape_cast %get3A_586 : vector<1x1x16xf32> to vector<16xf32>
      %mul3A_588 = arith.mulf %get3A_587, %broadcast_in_dim3A_169 : vector<16xf32>
      %swap3A_589 = arith.constant 0 : i32
      %swap3A_590 = arith.index_cast %swap3A_589 : i32 to index
      %swap3A_591 = arith.index_cast %scan3A_442 : i32 to index
      %swap3A_592 = arith.constant 160 : index
      %swap3A_593 = tpu.vector_load %arg9[%swap3A_590, %swap3A_591, %swap3A_592] {strides = array<i32>} : memref<1x64x192xf32, #tpu.memory_space<vmem>>, vector<1x1x16xf32>,
      %swap3A_594 = vector.shape_cast %swap3A_593 : vector<1x1x16xf32> to vector<16xf32>
      %swap3A_595 = vector.shape_cast %mul3A_588 : vector<16xf32> to vector<1x1x16xf32>
      tpu.vector_store %arg9[%swap3A_590, %swap3A_591, %swap3A_592], %swap3A_595 {strides = array<i32>} : memref<1x64x192xf32, #tpu.memory_space<vmem>>, vector<1x1x16xf32>,
      %get3A_596 = arith.constant 0 : i32
      %get3A_597 = arith.index_cast %get3A_596 : i32 to index
      %get3A_598 = arith.index_cast %scan3A_442 : i32 to index
      %get3A_599 = arith.constant 176 : index
      %get3A_600 = tpu.vector_load %arg9[%get3A_597, %get3A_598, %get3A_599] {strides = array<i32>} : memref<1x64x192xf32, #tpu.memory_space<vmem>>, vector<1x1x16xf32>,
      %get3A_601 = vector.shape_cast %get3A_600 : vector<1x1x16xf32> to vector<16xf32>
      %mul3A_602 = arith.mulf %get3A_601, %broadcast_in_dim3A_169 : vector<16xf32>
      %swap3A_603 = arith.constant 0 : i32
      %swap3A_604 = arith.index_cast %swap3A_603 : i32 to index
      %swap3A_605 = arith.index_cast %scan3A_442 : i32 to index
      %swap3A_606 = arith.constant 176 : index
      %swap3A_607 = tpu.vector_load %arg9[%swap3A_604, %swap3A_605, %swap3A_606] {strides = array<i32>} : memref<1x64x192xf32, #tpu.memory_space<vmem>>, vector<1x1x16xf32>,
      %swap3A_608 = vector.shape_cast %swap3A_607 : vector<1x1x16xf32> to vector<16xf32>
      %swap3A_609 = vector.shape_cast %mul3A_602 : vector<16xf32> to vector<1x1x16xf32>
      tpu.vector_store %arg9[%swap3A_604, %swap3A_605, %swap3A_606], %swap3A_609 {strides = array<i32>} : memref<1x64x192xf32, #tpu.memory_space<vmem>>, vector<1x1x16xf32>,
    }
    %scan3A_175 = arith.constant 64 : i32
    %add3A_176 = arith.constant 92 : i32
    %add3A_177 = arith.addi %mul3A_2, %add3A_176 : i32
    %dma_start3A_178 = arith.constant 0 : i32
    %dma_start3A_179 = arith.constant 0 : i32
    %dma_start3A_180 = tpu.memref_slice %arg5[%add3A_177, %dma_start3A_178, %dma_start3A_179] : memref<3136x64x192xf32, #tpu.memory_space<hbm>> -> memref<1x64x192xf32, #tpu.memory_space<hbm>>
    %dma_start3A_181 = arith.constant 0 : i32
    %dma_start3A_182 = arith.constant 0 : i32
    %dma_start3A_183 = tpu.memref_slice %arg5[%add3A_177, %dma_start3A_181, %dma_start3A_182] : memref<3136x64x192xf32, #tpu.memory_space<hbm>> -> memref<1x64x192xf32, #tpu.memory_space<hbm>>
    tpu.enqueue_dma source(%arg9 : memref<1x64x192xf32, #tpu.memory_space<vmem>>) target(%dma_start3A_183 : memref<1x64x192xf32, #tpu.memory_space<hbm>>) target_semaphore(%arg23 : memref<!tpu.dma_semaphore, #tpu.memory_space<semaphore_mem>>)
    %add3A_184 = arith.constant 90 : i32
    %add3A_185 = arith.addi %mul3A_2, %add3A_184 : i32
    %dma_wait3A_186 = arith.constant 0 : i32
    %dma_wait3A_187 = arith.constant 0 : i32
    %dma_wait3A_188 = tpu.memref_slice %arg5[%add3A_185, %dma_wait3A_186, %dma_wait3A_187] : memref<3136x64x192xf32, #tpu.memory_space<hbm>> -> memref<1x64x192xf32, #tpu.memory_space<hbm>>
    %dma_wait3A_189 = arith.constant 0 : i32
    %dma_wait3A_190 = arith.constant 0 : i32
    %dma_wait3A_191 = tpu.memref_slice %arg5[%add3A_185, %dma_wait3A_189, %dma_wait3A_190] : memref<3136x64x192xf32, #tpu.memory_space<hbm>> -> memref<1x64x192xf32, #tpu.memory_space<hbm>>
    tpu.wait_dma2 semaphore(%arg28 : memref<!tpu.dma_semaphore, #tpu.memory_space<semaphore_mem>>) src(%arg14 : memref<1x64x192xf32, #tpu.memory_space<vmem>>) dst(%dma_wait3A_191 : memref<1x64x192xf32, #tpu.memory_space<hbm>>)
    %get3A_192 = arith.constant 0 : i32
    %get3A_193 = arith.index_cast %get3A_192 : i32 to index
    %get3A_194 = arith.constant 97 : index
    %get3A_195 = tpu.vector_load %arg6[%get3A_193, %get3A_194] {strides = array<i32>} : memref<1x128xi32, #tpu.memory_space<vmem>>, vector<1x16xi32>,
    %get3A_196 = vector.shape_cast %get3A_195 : vector<1x16xi32> to vector<16xi32>
    %slice3A_197 = vector.extract_strided_slice %get3A_196 {offsets = [0], sizes = [1], strides = [1]} : vector<16xi32> to vector<1xi32>
    %squeeze3A_198 = vector.extract %slice3A_197[0] : i32 from vector<1xi32>
    %add3A_199 = arith.addi %squeeze3A_198, %mul3A_20 : i32
    %dma_start3A_200 = arith.constant 0 : i32
    %dma_start3A_201 = arith.constant 0 : i32
    %dma_start3A_202 = tpu.memref_slice %arg4[%add3A_199, %dma_start3A_200, %dma_start3A_201] : memref<392x64x192xf32, #tpu.memory_space<hbm>> -> memref<1x64x192xf32, #tpu.memory_space<hbm>>
    %dma_start3A_203 = arith.constant 0 : i32
    %dma_start3A_204 = arith.constant 0 : i32
    %dma_start3A_205 = tpu.memref_slice %arg4[%add3A_199, %dma_start3A_203, %dma_start3A_204] : memref<392x64x192xf32, #tpu.memory_space<hbm>> -> memref<1x64x192xf32, #tpu.memory_space<hbm>>
    tpu.enqueue_dma source(%dma_start3A_205 : memref<1x64x192xf32, #tpu.memory_space<hbm>>) target(%arg14 : memref<1x64x192xf32, #tpu.memory_space<vmem>>) target_semaphore(%arg21 : memref<!tpu.dma_semaphore, #tpu.memory_space<semaphore_mem>>)
    %get3A_206 = arith.constant 0 : i32
    %get3A_207 = arith.index_cast %get3A_206 : i32 to index
    %get3A_208 = arith.constant 93 : index
    %get3A_209 = tpu.vector_load %arg6[%get3A_207, %get3A_208] {strides = array<i32>} : memref<1x128xi32, #tpu.memory_space<vmem>>, vector<1x16xi32>,
    %get3A_210 = vector.shape_cast %get3A_209 : vector<1x16xi32> to vector<16xi32>
    %slice3A_211 = vector.extract_strided_slice %get3A_210 {offsets = [0], sizes = [1], strides = [1]} : vector<16xi32> to vector<1xi32>
    %squeeze3A_212 = vector.extract %slice3A_211[0] : i32 from vector<1xi32>
    %add3A_213 = arith.addi %squeeze3A_212, %mul3A_20 : i32
    %dma_wait3A_214 = arith.constant 0 : i32
    %dma_wait3A_215 = arith.constant 0 : i32
    %dma_wait3A_216 = tpu.memref_slice %arg4[%add3A_213, %dma_wait3A_214, %dma_wait3A_215] : memref<392x64x192xf32, #tpu.memory_space<hbm>> -> memref<1x64x192xf32, #tpu.memory_space<hbm>>
    %dma_wait3A_217 = arith.constant 0 : i32
    %dma_wait3A_218 = arith.constant 0 : i32
    %dma_wait3A_219 = tpu.memref_slice %arg4[%add3A_213, %dma_wait3A_217, %dma_wait3A_218] : memref<392x64x192xf32, #tpu.memory_space<hbm>> -> memref<1x64x192xf32, #tpu.memory_space<hbm>>
    tpu.wait_dma2 semaphore(%arg17 : memref<!tpu.dma_semaphore, #tpu.memory_space<semaphore_mem>>) src(%dma_wait3A_219 : memref<1x64x192xf32, #tpu.memory_space<hbm>>) dst(%arg10 : memref<1x64x192xf32, #tpu.memory_space<vmem>>)
    %get3A_220 = arith.constant 0 : i32
    %get3A_221 = arith.index_cast %get3A_220 : i32 to index
    %get3A_222 = arith.constant 93 : index
    %get3A_223 = tpu.vector_load %arg7[%get3A_221, %get3A_222] {strides = array<i32>} : memref<1x128xf32, #tpu.memory_space<vmem>>, vector<1x16xf32>,
    %get3A_224 = vector.shape_cast %get3A_223 : vector<1x16xf32> to vector<16xf32>
    %slice3A_225 = vector.extract_strided_slice %get3A_224 {offsets = [0], sizes = [1], strides = [1]} : vector<16xf32> to vector<1xf32>
    %squeeze3A_226 = vector.extract %slice3A_225[0] : f32 from vector<1xf32>
    %broadcast_in_dim3A_227 = vector.broadcast %squeeze3A_226 : f32 to vector<16xf32>
    %scan3A_228 = arith.constant 0 : i32
    %scan3A_229 = arith.constant 0 : i32
    %scan3A_230 = arith.constant 64 : i32
    %scan3A_231 = arith.addi %scan3A_229, %scan3A_230 : i32
    %scan3A_232 = arith.constant 1 : i32
    scf.for %scan3A_442 = %scan3A_229 to %scan3A_231 step %scan3A_232  : i32 {
      %get3A_443 = arith.constant 0 : i32
      %get3A_444 = arith.index_cast %get3A_443 : i32 to index
      %get3A_445 = arith.index_cast %scan3A_442 : i32 to index
      %get3A_446 = arith.constant 0 : index
      %get3A_447 = tpu.vector_load %arg10[%get3A_444, %get3A_445, %get3A_446] {strides = array<i32>} : memref<1x64x192xf32, #tpu.memory_space<vmem>>, vector<1x1x16xf32>,
      %get3A_448 = vector.shape_cast %get3A_447 : vector<1x1x16xf32> to vector<16xf32>
      %mul3A_449 = arith.mulf %get3A_448, %broadcast_in_dim3A_227 : vector<16xf32>
      %swap3A = arith.constant 0 : i32
      %swap3A_450 = arith.index_cast %swap3A : i32 to index
      %swap3A_451 = arith.index_cast %scan3A_442 : i32 to index
      %swap3A_452 = arith.constant 0 : index
      %swap3A_453 = tpu.vector_load %arg10[%swap3A_450, %swap3A_451, %swap3A_452] {strides = array<i32>} : memref<1x64x192xf32, #tpu.memory_space<vmem>>, vector<1x1x16xf32>,
      %swap3A_454 = vector.shape_cast %swap3A_453 : vector<1x1x16xf32> to vector<16xf32>
      %swap3A_455 = vector.shape_cast %mul3A_449 : vector<16xf32> to vector<1x1x16xf32>
      tpu.vector_store %arg10[%swap3A_450, %swap3A_451, %swap3A_452], %swap3A_455 {strides = array<i32>} : memref<1x64x192xf32, #tpu.memory_space<vmem>>, vector<1x1x16xf32>,
      %get3A_456 = arith.constant 0 : i32
      %get3A_457 = arith.index_cast %get3A_456 : i32 to index
      %get3A_458 = arith.index_cast %scan3A_442 : i32 to index
      %get3A_459 = arith.constant 16 : index
      %get3A_460 = tpu.vector_load %arg10[%get3A_457, %get3A_458, %get3A_459] {strides = array<i32>} : memref<1x64x192xf32, #tpu.memory_space<vmem>>, vector<1x1x16xf32>,
      %get3A_461 = vector.shape_cast %get3A_460 : vector<1x1x16xf32> to vector<16xf32>
      %mul3A_462 = arith.mulf %get3A_461, %broadcast_in_dim3A_227 : vector<16xf32>
      %swap3A_463 = arith.constant 0 : i32
      %swap3A_464 = arith.index_cast %swap3A_463 : i32 to index
      %swap3A_465 = arith.index_cast %scan3A_442 : i32 to index
      %swap3A_466 = arith.constant 16 : index
      %swap3A_467 = tpu.vector_load %arg10[%swap3A_464, %swap3A_465, %swap3A_466] {strides = array<i32>} : memref<1x64x192xf32, #tpu.memory_space<vmem>>, vector<1x1x16xf32>,
      %swap3A_468 = vector.shape_cast %swap3A_467 : vector<1x1x16xf32> to vector<16xf32>
      %swap3A_469 = vector.shape_cast %mul3A_462 : vector<16xf32> to vector<1x1x16xf32>
      tpu.vector_store %arg10[%swap3A_464, %swap3A_465, %swap3A_466], %swap3A_469 {strides = array<i32>} : memref<1x64x192xf32, #tpu.memory_space<vmem>>, vector<1x1x16xf32>,
      %get3A_470 = arith.constant 0 : i32
      %get3A_471 = arith.index_cast %get3A_470 : i32 to index
      %get3A_472 = arith.index_cast %scan3A_442 : i32 to index
      %get3A_473 = arith.constant 32 : index
      %get3A_474 = tpu.vector_load %arg10[%get3A_471, %get3A_472, %get3A_473] {strides = array<i32>} : memref<1x64x192xf32, #tpu.memory_space<vmem>>, vector<1x1x16xf32>,
      %get3A_475 = vector.shape_cast %get3A_474 : vector<1x1x16xf32> to vector<16xf32>
      %mul3A_476 = arith.mulf %get3A_475, %broadcast_in_dim3A_227 : vector<16xf32>
      %swap3A_477 = arith.constant 0 : i32
      %swap3A_478 = arith.index_cast %swap3A_477 : i32 to index
      %swap3A_479 = arith.index_cast %scan3A_442 : i32 to index
      %swap3A_480 = arith.constant 32 : index
      %swap3A_481 = tpu.vector_load %arg10[%swap3A_478, %swap3A_479, %swap3A_480] {strides = array<i32>} : memref<1x64x192xf32, #tpu.memory_space<vmem>>, vector<1x1x16xf32>,
      %swap3A_482 = vector.shape_cast %swap3A_481 : vector<1x1x16xf32> to vector<16xf32>
      %swap3A_483 = vector.shape_cast %mul3A_476 : vector<16xf32> to vector<1x1x16xf32>
      tpu.vector_store %arg10[%swap3A_478, %swap3A_479, %swap3A_480], %swap3A_483 {strides = array<i32>} : memref<1x64x192xf32, #tpu.memory_space<vmem>>, vector<1x1x16xf32>,
      %get3A_484 = arith.constant 0 : i32
      %get3A_485 = arith.index_cast %get3A_484 : i32 to index
      %get3A_486 = arith.index_cast %scan3A_442 : i32 to index
      %get3A_487 = arith.constant 48 : index
      %get3A_488 = tpu.vector_load %arg10[%get3A_485, %get3A_486, %get3A_487] {strides = array<i32>} : memref<1x64x192xf32, #tpu.memory_space<vmem>>, vector<1x1x16xf32>,
      %get3A_489 = vector.shape_cast %get3A_488 : vector<1x1x16xf32> to vector<16xf32>
      %mul3A_490 = arith.mulf %get3A_489, %broadcast_in_dim3A_227 : vector<16xf32>
      %swap3A_491 = arith.constant 0 : i32
      %swap3A_492 = arith.index_cast %swap3A_491 : i32 to index
      %swap3A_493 = arith.index_cast %scan3A_442 : i32 to index
      %swap3A_494 = arith.constant 48 : index
      %swap3A_495 = tpu.vector_load %arg10[%swap3A_492, %swap3A_493, %swap3A_494] {strides = array<i32>} : memref<1x64x192xf32, #tpu.memory_space<vmem>>, vector<1x1x16xf32>,
      %swap3A_496 = vector.shape_cast %swap3A_495 : vector<1x1x16xf32> to vector<16xf32>
      %swap3A_497 = vector.shape_cast %mul3A_490 : vector<16xf32> to vector<1x1x16xf32>
      tpu.vector_store %arg10[%swap3A_492, %swap3A_493, %swap3A_494], %swap3A_497 {strides = array<i32>} : memref<1x64x192xf32, #tpu.memory_space<vmem>>, vector<1x1x16xf32>,
      %get3A_498 = arith.constant 0 : i32
      %get3A_499 = arith.index_cast %get3A_498 : i32 to index
      %get3A_500 = arith.index_cast %scan3A_442 : i32 to index
      %get3A_501 = arith.constant 64 : index
      %get3A_502 = tpu.vector_load %arg10[%get3A_499, %get3A_500, %get3A_501] {strides = array<i32>} : memref<1x64x192xf32, #tpu.memory_space<vmem>>, vector<1x1x16xf32>,
      %get3A_503 = vector.shape_cast %get3A_502 : vector<1x1x16xf32> to vector<16xf32>
      %mul3A_504 = arith.mulf %get3A_503, %broadcast_in_dim3A_227 : vector<16xf32>
      %swap3A_505 = arith.constant 0 : i32
      %swap3A_506 = arith.index_cast %swap3A_505 : i32 to index
      %swap3A_507 = arith.index_cast %scan3A_442 : i32 to index
      %swap3A_508 = arith.constant 64 : index
      %swap3A_509 = tpu.vector_load %arg10[%swap3A_506, %swap3A_507, %swap3A_508] {strides = array<i32>} : memref<1x64x192xf32, #tpu.memory_space<vmem>>, vector<1x1x16xf32>,
      %swap3A_510 = vector.shape_cast %swap3A_509 : vector<1x1x16xf32> to vector<16xf32>
      %swap3A_511 = vector.shape_cast %mul3A_504 : vector<16xf32> to vector<1x1x16xf32>
      tpu.vector_store %arg10[%swap3A_506, %swap3A_507, %swap3A_508], %swap3A_511 {strides = array<i32>} : memref<1x64x192xf32, #tpu.memory_space<vmem>>, vector<1x1x16xf32>,
      %get3A_512 = arith.constant 0 : i32
      %get3A_513 = arith.index_cast %get3A_512 : i32 to index
      %get3A_514 = arith.index_cast %scan3A_442 : i32 to index
      %get3A_515 = arith.constant 80 : index
      %get3A_516 = tpu.vector_load %arg10[%get3A_513, %get3A_514, %get3A_515] {strides = array<i32>} : memref<1x64x192xf32, #tpu.memory_space<vmem>>, vector<1x1x16xf32>,
      %get3A_517 = vector.shape_cast %get3A_516 : vector<1x1x16xf32> to vector<16xf32>
      %mul3A_518 = arith.mulf %get3A_517, %broadcast_in_dim3A_227 : vector<16xf32>
      %swap3A_519 = arith.constant 0 : i32
      %swap3A_520 = arith.index_cast %swap3A_519 : i32 to index
      %swap3A_521 = arith.index_cast %scan3A_442 : i32 to index
      %swap3A_522 = arith.constant 80 : index
      %swap3A_523 = tpu.vector_load %arg10[%swap3A_520, %swap3A_521, %swap3A_522] {strides = array<i32>} : memref<1x64x192xf32, #tpu.memory_space<vmem>>, vector<1x1x16xf32>,
      %swap3A_524 = vector.shape_cast %swap3A_523 : vector<1x1x16xf32> to vector<16xf32>
      %swap3A_525 = vector.shape_cast %mul3A_518 : vector<16xf32> to vector<1x1x16xf32>
      tpu.vector_store %arg10[%swap3A_520, %swap3A_521, %swap3A_522], %swap3A_525 {strides = array<i32>} : memref<1x64x192xf32, #tpu.memory_space<vmem>>, vector<1x1x16xf32>,
      %get3A_526 = arith.constant 0 : i32
      %get3A_527 = arith.index_cast %get3A_526 : i32 to index
      %get3A_528 = arith.index_cast %scan3A_442 : i32 to index
      %get3A_529 = arith.constant 96 : index
      %get3A_530 = tpu.vector_load %arg10[%get3A_527, %get3A_528, %get3A_529] {strides = array<i32>} : memref<1x64x192xf32, #tpu.memory_space<vmem>>, vector<1x1x16xf32>,
      %get3A_531 = vector.shape_cast %get3A_530 : vector<1x1x16xf32> to vector<16xf32>
      %mul3A_532 = arith.mulf %get3A_531, %broadcast_in_dim3A_227 : vector<16xf32>
      %swap3A_533 = arith.constant 0 : i32
      %swap3A_534 = arith.index_cast %swap3A_533 : i32 to index
      %swap3A_535 = arith.index_cast %scan3A_442 : i32 to index
      %swap3A_536 = arith.constant 96 : index
      %swap3A_537 = tpu.vector_load %arg10[%swap3A_534, %swap3A_535, %swap3A_536] {strides = array<i32>} : memref<1x64x192xf32, #tpu.memory_space<vmem>>, vector<1x1x16xf32>,
      %swap3A_538 = vector.shape_cast %swap3A_537 : vector<1x1x16xf32> to vector<16xf32>
      %swap3A_539 = vector.shape_cast %mul3A_532 : vector<16xf32> to vector<1x1x16xf32>
      tpu.vector_store %arg10[%swap3A_534, %swap3A_535, %swap3A_536], %swap3A_539 {strides = array<i32>} : memref<1x64x192xf32, #tpu.memory_space<vmem>>, vector<1x1x16xf32>,
      %get3A_540 = arith.constant 0 : i32
      %get3A_541 = arith.index_cast %get3A_540 : i32 to index
      %get3A_542 = arith.index_cast %scan3A_442 : i32 to index
      %get3A_543 = arith.constant 112 : index
      %get3A_544 = tpu.vector_load %arg10[%get3A_541, %get3A_542, %get3A_543] {strides = array<i32>} : memref<1x64x192xf32, #tpu.memory_space<vmem>>, vector<1x1x16xf32>,
      %get3A_545 = vector.shape_cast %get3A_544 : vector<1x1x16xf32> to vector<16xf32>
      %mul3A_546 = arith.mulf %get3A_545, %broadcast_in_dim3A_227 : vector<16xf32>
      %swap3A_547 = arith.constant 0 : i32
      %swap3A_548 = arith.index_cast %swap3A_547 : i32 to index
      %swap3A_549 = arith.index_cast %scan3A_442 : i32 to index
      %swap3A_550 = arith.constant 112 : index
      %swap3A_551 = tpu.vector_load %arg10[%swap3A_548, %swap3A_549, %swap3A_550] {strides = array<i32>} : memref<1x64x192xf32, #tpu.memory_space<vmem>>, vector<1x1x16xf32>,
      %swap3A_552 = vector.shape_cast %swap3A_551 : vector<1x1x16xf32> to vector<16xf32>
      %swap3A_553 = vector.shape_cast %mul3A_546 : vector<16xf32> to vector<1x1x16xf32>
      tpu.vector_store %arg10[%swap3A_548, %swap3A_549, %swap3A_550], %swap3A_553 {strides = array<i32>} : memref<1x64x192xf32, #tpu.memory_space<vmem>>, vector<1x1x16xf32>,
      %get3A_554 = arith.constant 0 : i32
      %get3A_555 = arith.index_cast %get3A_554 : i32 to index
      %get3A_556 = arith.index_cast %scan3A_442 : i32 to index
      %get3A_557 = arith.constant 128 : index
      %get3A_558 = tpu.vector_load %arg10[%get3A_555, %get3A_556, %get3A_557] {strides = array<i32>} : memref<1x64x192xf32, #tpu.memory_space<vmem>>, vector<1x1x16xf32>,
      %get3A_559 = vector.shape_cast %get3A_558 : vector<1x1x16xf32> to vector<16xf32>
      %mul3A_560 = arith.mulf %get3A_559, %broadcast_in_dim3A_227 : vector<16xf32>
      %swap3A_561 = arith.constant 0 : i32
      %swap3A_562 = arith.index_cast %swap3A_561 : i32 to index
      %swap3A_563 = arith.index_cast %scan3A_442 : i32 to index
      %swap3A_564 = arith.constant 128 : index
      %swap3A_565 = tpu.vector_load %arg10[%swap3A_562, %swap3A_563, %swap3A_564] {strides = array<i32>} : memref<1x64x192xf32, #tpu.memory_space<vmem>>, vector<1x1x16xf32>,
      %swap3A_566 = vector.shape_cast %swap3A_565 : vector<1x1x16xf32> to vector<16xf32>
      %swap3A_567 = vector.shape_cast %mul3A_560 : vector<16xf32> to vector<1x1x16xf32>
      tpu.vector_store %arg10[%swap3A_562, %swap3A_563, %swap3A_564], %swap3A_567 {strides = array<i32>} : memref<1x64x192xf32, #tpu.memory_space<vmem>>, vector<1x1x16xf32>,
      %get3A_568 = arith.constant 0 : i32
      %get3A_569 = arith.index_cast %get3A_568 : i32 to index
      %get3A_570 = arith.index_cast %scan3A_442 : i32 to index
      %get3A_571 = arith.constant 144 : index
      %get3A_572 = tpu.vector_load %arg10[%get3A_569, %get3A_570, %get3A_571] {strides = array<i32>} : memref<1x64x192xf32, #tpu.memory_space<vmem>>, vector<1x1x16xf32>,
      %get3A_573 = vector.shape_cast %get3A_572 : vector<1x1x16xf32> to vector<16xf32>
      %mul3A_574 = arith.mulf %get3A_573, %broadcast_in_dim3A_227 : vector<16xf32>
      %swap3A_575 = arith.constant 0 : i32
      %swap3A_576 = arith.index_cast %swap3A_575 : i32 to index
      %swap3A_577 = arith.index_cast %scan3A_442 : i32 to index
      %swap3A_578 = arith.constant 144 : index
      %swap3A_579 = tpu.vector_load %arg10[%swap3A_576, %swap3A_577, %swap3A_578] {strides = array<i32>} : memref<1x64x192xf32, #tpu.memory_space<vmem>>, vector<1x1x16xf32>,
      %swap3A_580 = vector.shape_cast %swap3A_579 : vector<1x1x16xf32> to vector<16xf32>
      %swap3A_581 = vector.shape_cast %mul3A_574 : vector<16xf32> to vector<1x1x16xf32>
      tpu.vector_store %arg10[%swap3A_576, %swap3A_577, %swap3A_578], %swap3A_581 {strides = array<i32>} : memref<1x64x192xf32, #tpu.memory_space<vmem>>, vector<1x1x16xf32>,
      %get3A_582 = arith.constant 0 : i32
      %get3A_583 = arith.index_cast %get3A_582 : i32 to index
      %get3A_584 = arith.index_cast %scan3A_442 : i32 to index
      %get3A_585 = arith.constant 160 : index
      %get3A_586 = tpu.vector_load %arg10[%get3A_583, %get3A_584, %get3A_585] {strides = array<i32>} : memref<1x64x192xf32, #tpu.memory_space<vmem>>, vector<1x1x16xf32>,
      %get3A_587 = vector.shape_cast %get3A_586 : vector<1x1x16xf32> to vector<16xf32>
      %mul3A_588 = arith.mulf %get3A_587, %broadcast_in_dim3A_227 : vector<16xf32>
      %swap3A_589 = arith.constant 0 : i32
      %swap3A_590 = arith.index_cast %swap3A_589 : i32 to index
      %swap3A_591 = arith.index_cast %scan3A_442 : i32 to index
      %swap3A_592 = arith.constant 160 : index
      %swap3A_593 = tpu.vector_load %arg10[%swap3A_590, %swap3A_591, %swap3A_592] {strides = array<i32>} : memref<1x64x192xf32, #tpu.memory_space<vmem>>, vector<1x1x16xf32>,
      %swap3A_594 = vector.shape_cast %swap3A_593 : vector<1x1x16xf32> to vector<16xf32>
      %swap3A_595 = vector.shape_cast %mul3A_588 : vector<16xf32> to vector<1x1x16xf32>
      tpu.vector_store %arg10[%swap3A_590, %swap3A_591, %swap3A_592], %swap3A_595 {strides = array<i32>} : memref<1x64x192xf32, #tpu.memory_space<vmem>>, vector<1x1x16xf32>,
      %get3A_596 = arith.constant 0 : i32
      %get3A_597 = arith.index_cast %get3A_596 : i32 to index
      %get3A_598 = arith.index_cast %scan3A_442 : i32 to index
      %get3A_599 = arith.constant 176 : index
      %get3A_600 = tpu.vector_load %arg10[%get3A_597, %get3A_598, %get3A_599] {strides = array<i32>} : memref<1x64x192xf32, #tpu.memory_space<vmem>>, vector<1x1x16xf32>,
      %get3A_601 = vector.shape_cast %get3A_600 : vector<1x1x16xf32> to vector<16xf32>
      %mul3A_602 = arith.mulf %get3A_601, %broadcast_in_dim3A_227 : vector<16xf32>
      %swap3A_603 = arith.constant 0 : i32
      %swap3A_604 = arith.index_cast %swap3A_603 : i32 to index
      %swap3A_605 = arith.index_cast %scan3A_442 : i32 to index
      %swap3A_606 = arith.constant 176 : index
      %swap3A_607 = tpu.vector_load %arg10[%swap3A_604, %swap3A_605, %swap3A_606] {strides = array<i32>} : memref<1x64x192xf32, #tpu.memory_space<vmem>>, vector<1x1x16xf32>,
      %swap3A_608 = vector.shape_cast %swap3A_607 : vector<1x1x16xf32> to vector<16xf32>
      %swap3A_609 = vector.shape_cast %mul3A_602 : vector<16xf32> to vector<1x1x16xf32>
      tpu.vector_store %arg10[%swap3A_604, %swap3A_605, %swap3A_606], %swap3A_609 {strides = array<i32>} : memref<1x64x192xf32, #tpu.memory_space<vmem>>, vector<1x1x16xf32>,
    }
    %scan3A_233 = arith.constant 64 : i32
    %add3A_234 = arith.constant 93 : i32
    %add3A_235 = arith.addi %mul3A_2, %add3A_234 : i32
    %dma_start3A_236 = arith.constant 0 : i32
    %dma_start3A_237 = arith.constant 0 : i32
    %dma_start3A_238 = tpu.memref_slice %arg5[%add3A_235, %dma_start3A_236, %dma_start3A_237] : memref<3136x64x192xf32, #tpu.memory_space<hbm>> -> memref<1x64x192xf32, #tpu.memory_space<hbm>>
    %dma_start3A_239 = arith.constant 0 : i32
    %dma_start3A_240 = arith.constant 0 : i32
    %dma_start3A_241 = tpu.memref_slice %arg5[%add3A_235, %dma_start3A_239, %dma_start3A_240] : memref<3136x64x192xf32, #tpu.memory_space<hbm>> -> memref<1x64x192xf32, #tpu.memory_space<hbm>>
    tpu.enqueue_dma source(%arg10 : memref<1x64x192xf32, #tpu.memory_space<vmem>>) target(%dma_start3A_241 : memref<1x64x192xf32, #tpu.memory_space<hbm>>) target_semaphore(%arg24 : memref<!tpu.dma_semaphore, #tpu.memory_space<semaphore_mem>>)
    %get3A_242 = arith.constant 0 : i32
    %get3A_243 = arith.index_cast %get3A_242 : i32 to index
    %get3A_244 = arith.constant 94 : index
    %get3A_245 = tpu.vector_load %arg6[%get3A_243, %get3A_244] {strides = array<i32>} : memref<1x128xi32, #tpu.memory_space<vmem>>, vector<1x16xi32>,
    %get3A_246 = vector.shape_cast %get3A_245 : vector<1x16xi32> to vector<16xi32>
    %slice3A_247 = vector.extract_strided_slice %get3A_246 {offsets = [0], sizes = [1], strides = [1]} : vector<16xi32> to vector<1xi32>
    %squeeze3A_248 = vector.extract %slice3A_247[0] : i32 from vector<1xi32>
    %add3A_249 = arith.addi %squeeze3A_248, %mul3A_20 : i32
    %dma_wait3A_250 = arith.constant 0 : i32
    %dma_wait3A_251 = arith.constant 0 : i32
    %dma_wait3A_252 = tpu.memref_slice %arg4[%add3A_249, %dma_wait3A_250, %dma_wait3A_251] : memref<392x64x192xf32, #tpu.memory_space<hbm>> -> memref<1x64x192xf32, #tpu.memory_space<hbm>>
    %dma_wait3A_253 = arith.constant 0 : i32
    %dma_wait3A_254 = arith.constant 0 : i32
    %dma_wait3A_255 = tpu.memref_slice %arg4[%add3A_249, %dma_wait3A_253, %dma_wait3A_254] : memref<392x64x192xf32, #tpu.memory_space<hbm>> -> memref<1x64x192xf32, #tpu.memory_space<hbm>>
    tpu.wait_dma2 semaphore(%arg18 : memref<!tpu.dma_semaphore, #tpu.memory_space<semaphore_mem>>) src(%dma_wait3A_255 : memref<1x64x192xf32, #tpu.memory_space<hbm>>) dst(%arg11 : memref<1x64x192xf32, #tpu.memory_space<vmem>>)
    %get3A_256 = arith.constant 0 : i32
    %get3A_257 = arith.index_cast %get3A_256 : i32 to index
    %get3A_258 = arith.constant 94 : index
    %get3A_259 = tpu.vector_load %arg7[%get3A_257, %get3A_258] {strides = array<i32>} : memref<1x128xf32, #tpu.memory_space<vmem>>, vector<1x16xf32>,
    %get3A_260 = vector.shape_cast %get3A_259 : vector<1x16xf32> to vector<16xf32>
    %slice3A_261 = vector.extract_strided_slice %get3A_260 {offsets = [0], sizes = [1], strides = [1]} : vector<16xf32> to vector<1xf32>
    %squeeze3A_262 = vector.extract %slice3A_261[0] : f32 from vector<1xf32>
    %broadcast_in_dim3A_263 = vector.broadcast %squeeze3A_262 : f32 to vector<16xf32>
    %scan3A_264 = arith.constant 0 : i32
    %scan3A_265 = arith.constant 0 : i32
    %scan3A_266 = arith.constant 64 : i32
    %scan3A_267 = arith.addi %scan3A_265, %scan3A_266 : i32
    %scan3A_268 = arith.constant 1 : i32
    scf.for %scan3A_442 = %scan3A_265 to %scan3A_267 step %scan3A_268  : i32 {
      %get3A_443 = arith.constant 0 : i32
      %get3A_444 = arith.index_cast %get3A_443 : i32 to index
      %get3A_445 = arith.index_cast %scan3A_442 : i32 to index
      %get3A_446 = arith.constant 0 : index
      %get3A_447 = tpu.vector_load %arg11[%get3A_444, %get3A_445, %get3A_446] {strides = array<i32>} : memref<1x64x192xf32, #tpu.memory_space<vmem>>, vector<1x1x16xf32>,
      %get3A_448 = vector.shape_cast %get3A_447 : vector<1x1x16xf32> to vector<16xf32>
      %mul3A_449 = arith.mulf %get3A_448, %broadcast_in_dim3A_263 : vector<16xf32>
      %swap3A = arith.constant 0 : i32
      %swap3A_450 = arith.index_cast %swap3A : i32 to index
      %swap3A_451 = arith.index_cast %scan3A_442 : i32 to index
      %swap3A_452 = arith.constant 0 : index
      %swap3A_453 = tpu.vector_load %arg11[%swap3A_450, %swap3A_451, %swap3A_452] {strides = array<i32>} : memref<1x64x192xf32, #tpu.memory_space<vmem>>, vector<1x1x16xf32>,
      %swap3A_454 = vector.shape_cast %swap3A_453 : vector<1x1x16xf32> to vector<16xf32>
      %swap3A_455 = vector.shape_cast %mul3A_449 : vector<16xf32> to vector<1x1x16xf32>
      tpu.vector_store %arg11[%swap3A_450, %swap3A_451, %swap3A_452], %swap3A_455 {strides = array<i32>} : memref<1x64x192xf32, #tpu.memory_space<vmem>>, vector<1x1x16xf32>,
      %get3A_456 = arith.constant 0 : i32
      %get3A_457 = arith.index_cast %get3A_456 : i32 to index
      %get3A_458 = arith.index_cast %scan3A_442 : i32 to index
      %get3A_459 = arith.constant 16 : index
      %get3A_460 = tpu.vector_load %arg11[%get3A_457, %get3A_458, %get3A_459] {strides = array<i32>} : memref<1x64x192xf32, #tpu.memory_space<vmem>>, vector<1x1x16xf32>,
      %get3A_461 = vector.shape_cast %get3A_460 : vector<1x1x16xf32> to vector<16xf32>
      %mul3A_462 = arith.mulf %get3A_461, %broadcast_in_dim3A_263 : vector<16xf32>
      %swap3A_463 = arith.constant 0 : i32
      %swap3A_464 = arith.index_cast %swap3A_463 : i32 to index
      %swap3A_465 = arith.index_cast %scan3A_442 : i32 to index
      %swap3A_466 = arith.constant 16 : index
      %swap3A_467 = tpu.vector_load %arg11[%swap3A_464, %swap3A_465, %swap3A_466] {strides = array<i32>} : memref<1x64x192xf32, #tpu.memory_space<vmem>>, vector<1x1x16xf32>,
      %swap3A_468 = vector.shape_cast %swap3A_467 : vector<1x1x16xf32> to vector<16xf32>
      %swap3A_469 = vector.shape_cast %mul3A_462 : vector<16xf32> to vector<1x1x16xf32>
      tpu.vector_store %arg11[%swap3A_464, %swap3A_465, %swap3A_466], %swap3A_469 {strides = array<i32>} : memref<1x64x192xf32, #tpu.memory_space<vmem>>, vector<1x1x16xf32>,
      %get3A_470 = arith.constant 0 : i32
      %get3A_471 = arith.index_cast %get3A_470 : i32 to index
      %get3A_472 = arith.index_cast %scan3A_442 : i32 to index
      %get3A_473 = arith.constant 32 : index
      %get3A_474 = tpu.vector_load %arg11[%get3A_471, %get3A_472, %get3A_473] {strides = array<i32>} : memref<1x64x192xf32, #tpu.memory_space<vmem>>, vector<1x1x16xf32>,
      %get3A_475 = vector.shape_cast %get3A_474 : vector<1x1x16xf32> to vector<16xf32>
      %mul3A_476 = arith.mulf %get3A_475, %broadcast_in_dim3A_263 : vector<16xf32>
      %swap3A_477 = arith.constant 0 : i32
      %swap3A_478 = arith.index_cast %swap3A_477 : i32 to index
      %swap3A_479 = arith.index_cast %scan3A_442 : i32 to index
      %swap3A_480 = arith.constant 32 : index
      %swap3A_481 = tpu.vector_load %arg11[%swap3A_478, %swap3A_479, %swap3A_480] {strides = array<i32>} : memref<1x64x192xf32, #tpu.memory_space<vmem>>, vector<1x1x16xf32>,
      %swap3A_482 = vector.shape_cast %swap3A_481 : vector<1x1x16xf32> to vector<16xf32>
      %swap3A_483 = vector.shape_cast %mul3A_476 : vector<16xf32> to vector<1x1x16xf32>
      tpu.vector_store %arg11[%swap3A_478, %swap3A_479, %swap3A_480], %swap3A_483 {strides = array<i32>} : memref<1x64x192xf32, #tpu.memory_space<vmem>>, vector<1x1x16xf32>,
      %get3A_484 = arith.constant 0 : i32
      %get3A_485 = arith.index_cast %get3A_484 : i32 to index
      %get3A_486 = arith.index_cast %scan3A_442 : i32 to index
      %get3A_487 = arith.constant 48 : index
      %get3A_488 = tpu.vector_load %arg11[%get3A_485, %get3A_486, %get3A_487] {strides = array<i32>} : memref<1x64x192xf32, #tpu.memory_space<vmem>>, vector<1x1x16xf32>,
      %get3A_489 = vector.shape_cast %get3A_488 : vector<1x1x16xf32> to vector<16xf32>
      %mul3A_490 = arith.mulf %get3A_489, %broadcast_in_dim3A_263 : vector<16xf32>
      %swap3A_491 = arith.constant 0 : i32
      %swap3A_492 = arith.index_cast %swap3A_491 : i32 to index
      %swap3A_493 = arith.index_cast %scan3A_442 : i32 to index
      %swap3A_494 = arith.constant 48 : index
      %swap3A_495 = tpu.vector_load %arg11[%swap3A_492, %swap3A_493, %swap3A_494] {strides = array<i32>} : memref<1x64x192xf32, #tpu.memory_space<vmem>>, vector<1x1x16xf32>,
      %swap3A_496 = vector.shape_cast %swap3A_495 : vector<1x1x16xf32> to vector<16xf32>
      %swap3A_497 = vector.shape_cast %mul3A_490 : vector<16xf32> to vector<1x1x16xf32>
      tpu.vector_store %arg11[%swap3A_492, %swap3A_493, %swap3A_494], %swap3A_497 {strides = array<i32>} : memref<1x64x192xf32, #tpu.memory_space<vmem>>, vector<1x1x16xf32>,
      %get3A_498 = arith.constant 0 : i32
      %get3A_499 = arith.index_cast %get3A_498 : i32 to index
      %get3A_500 = arith.index_cast %scan3A_442 : i32 to index
      %get3A_501 = arith.constant 64 : index
      %get3A_502 = tpu.vector_load %arg11[%get3A_499, %get3A_500, %get3A_501] {strides = array<i32>} : memref<1x64x192xf32, #tpu.memory_space<vmem>>, vector<1x1x16xf32>,
      %get3A_503 = vector.shape_cast %get3A_502 : vector<1x1x16xf32> to vector<16xf32>
      %mul3A_504 = arith.mulf %get3A_503, %broadcast_in_dim3A_263 : vector<16xf32>
      %swap3A_505 = arith.constant 0 : i32
      %swap3A_506 = arith.index_cast %swap3A_505 : i32 to index
      %swap3A_507 = arith.index_cast %scan3A_442 : i32 to index
      %swap3A_508 = arith.constant 64 : index
      %swap3A_509 = tpu.vector_load %arg11[%swap3A_506, %swap3A_507, %swap3A_508] {strides = array<i32>} : memref<1x64x192xf32, #tpu.memory_space<vmem>>, vector<1x1x16xf32>,
      %swap3A_510 = vector.shape_cast %swap3A_509 : vector<1x1x16xf32> to vector<16xf32>
      %swap3A_511 = vector.shape_cast %mul3A_504 : vector<16xf32> to vector<1x1x16xf32>
      tpu.vector_store %arg11[%swap3A_506, %swap3A_507, %swap3A_508], %swap3A_511 {strides = array<i32>} : memref<1x64x192xf32, #tpu.memory_space<vmem>>, vector<1x1x16xf32>,
      %get3A_512 = arith.constant 0 : i32
      %get3A_513 = arith.index_cast %get3A_512 : i32 to index
      %get3A_514 = arith.index_cast %scan3A_442 : i32 to index
      %get3A_515 = arith.constant 80 : index
      %get3A_516 = tpu.vector_load %arg11[%get3A_513, %get3A_514, %get3A_515] {strides = array<i32>} : memref<1x64x192xf32, #tpu.memory_space<vmem>>, vector<1x1x16xf32>,
      %get3A_517 = vector.shape_cast %get3A_516 : vector<1x1x16xf32> to vector<16xf32>
      %mul3A_518 = arith.mulf %get3A_517, %broadcast_in_dim3A_263 : vector<16xf32>
      %swap3A_519 = arith.constant 0 : i32
      %swap3A_520 = arith.index_cast %swap3A_519 : i32 to index
      %swap3A_521 = arith.index_cast %scan3A_442 : i32 to index
      %swap3A_522 = arith.constant 80 : index
      %swap3A_523 = tpu.vector_load %arg11[%swap3A_520, %swap3A_521, %swap3A_522] {strides = array<i32>} : memref<1x64x192xf32, #tpu.memory_space<vmem>>, vector<1x1x16xf32>,
      %swap3A_524 = vector.shape_cast %swap3A_523 : vector<1x1x16xf32> to vector<16xf32>
      %swap3A_525 = vector.shape_cast %mul3A_518 : vector<16xf32> to vector<1x1x16xf32>
      tpu.vector_store %arg11[%swap3A_520, %swap3A_521, %swap3A_522], %swap3A_525 {strides = array<i32>} : memref<1x64x192xf32, #tpu.memory_space<vmem>>, vector<1x1x16xf32>,
      %get3A_526 = arith.constant 0 : i32
      %get3A_527 = arith.index_cast %get3A_526 : i32 to index
      %get3A_528 = arith.index_cast %scan3A_442 : i32 to index
      %get3A_529 = arith.constant 96 : index
      %get3A_530 = tpu.vector_load %arg11[%get3A_527, %get3A_528, %get3A_529] {strides = array<i32>} : memref<1x64x192xf32, #tpu.memory_space<vmem>>, vector<1x1x16xf32>,
      %get3A_531 = vector.shape_cast %get3A_530 : vector<1x1x16xf32> to vector<16xf32>
      %mul3A_532 = arith.mulf %get3A_531, %broadcast_in_dim3A_263 : vector<16xf32>
      %swap3A_533 = arith.constant 0 : i32
      %swap3A_534 = arith.index_cast %swap3A_533 : i32 to index
      %swap3A_535 = arith.index_cast %scan3A_442 : i32 to index
      %swap3A_536 = arith.constant 96 : index
      %swap3A_537 = tpu.vector_load %arg11[%swap3A_534, %swap3A_535, %swap3A_536] {strides = array<i32>} : memref<1x64x192xf32, #tpu.memory_space<vmem>>, vector<1x1x16xf32>,
      %swap3A_538 = vector.shape_cast %swap3A_537 : vector<1x1x16xf32> to vector<16xf32>
      %swap3A_539 = vector.shape_cast %mul3A_532 : vector<16xf32> to vector<1x1x16xf32>
      tpu.vector_store %arg11[%swap3A_534, %swap3A_535, %swap3A_536], %swap3A_539 {strides = array<i32>} : memref<1x64x192xf32, #tpu.memory_space<vmem>>, vector<1x1x16xf32>,
      %get3A_540 = arith.constant 0 : i32
      %get3A_541 = arith.index_cast %get3A_540 : i32 to index
      %get3A_542 = arith.index_cast %scan3A_442 : i32 to index
      %get3A_543 = arith.constant 112 : index
      %get3A_544 = tpu.vector_load %arg11[%get3A_541, %get3A_542, %get3A_543] {strides = array<i32>} : memref<1x64x192xf32, #tpu.memory_space<vmem>>, vector<1x1x16xf32>,
      %get3A_545 = vector.shape_cast %get3A_544 : vector<1x1x16xf32> to vector<16xf32>
      %mul3A_546 = arith.mulf %get3A_545, %broadcast_in_dim3A_263 : vector<16xf32>
      %swap3A_547 = arith.constant 0 : i32
      %swap3A_548 = arith.index_cast %swap3A_547 : i32 to index
      %swap3A_549 = arith.index_cast %scan3A_442 : i32 to index
      %swap3A_550 = arith.constant 112 : index
      %swap3A_551 = tpu.vector_load %arg11[%swap3A_548, %swap3A_549, %swap3A_550] {strides = array<i32>} : memref<1x64x192xf32, #tpu.memory_space<vmem>>, vector<1x1x16xf32>,
      %swap3A_552 = vector.shape_cast %swap3A_551 : vector<1x1x16xf32> to vector<16xf32>
      %swap3A_553 = vector.shape_cast %mul3A_546 : vector<16xf32> to vector<1x1x16xf32>
      tpu.vector_store %arg11[%swap3A_548, %swap3A_549, %swap3A_550], %swap3A_553 {strides = array<i32>} : memref<1x64x192xf32, #tpu.memory_space<vmem>>, vector<1x1x16xf32>,
      %get3A_554 = arith.constant 0 : i32
      %get3A_555 = arith.index_cast %get3A_554 : i32 to index
      %get3A_556 = arith.index_cast %scan3A_442 : i32 to index
      %get3A_557 = arith.constant 128 : index
      %get3A_558 = tpu.vector_load %arg11[%get3A_555, %get3A_556, %get3A_557] {strides = array<i32>} : memref<1x64x192xf32, #tpu.memory_space<vmem>>, vector<1x1x16xf32>,
      %get3A_559 = vector.shape_cast %get3A_558 : vector<1x1x16xf32> to vector<16xf32>
      %mul3A_560 = arith.mulf %get3A_559, %broadcast_in_dim3A_263 : vector<16xf32>
      %swap3A_561 = arith.constant 0 : i32
      %swap3A_562 = arith.index_cast %swap3A_561 : i32 to index
      %swap3A_563 = arith.index_cast %scan3A_442 : i32 to index
      %swap3A_564 = arith.constant 128 : index
      %swap3A_565 = tpu.vector_load %arg11[%swap3A_562, %swap3A_563, %swap3A_564] {strides = array<i32>} : memref<1x64x192xf32, #tpu.memory_space<vmem>>, vector<1x1x16xf32>,
      %swap3A_566 = vector.shape_cast %swap3A_565 : vector<1x1x16xf32> to vector<16xf32>
      %swap3A_567 = vector.shape_cast %mul3A_560 : vector<16xf32> to vector<1x1x16xf32>
      tpu.vector_store %arg11[%swap3A_562, %swap3A_563, %swap3A_564], %swap3A_567 {strides = array<i32>} : memref<1x64x192xf32, #tpu.memory_space<vmem>>, vector<1x1x16xf32>,
      %get3A_568 = arith.constant 0 : i32
      %get3A_569 = arith.index_cast %get3A_568 : i32 to index
      %get3A_570 = arith.index_cast %scan3A_442 : i32 to index
      %get3A_571 = arith.constant 144 : index
      %get3A_572 = tpu.vector_load %arg11[%get3A_569, %get3A_570, %get3A_571] {strides = array<i32>} : memref<1x64x192xf32, #tpu.memory_space<vmem>>, vector<1x1x16xf32>,
      %get3A_573 = vector.shape_cast %get3A_572 : vector<1x1x16xf32> to vector<16xf32>
      %mul3A_574 = arith.mulf %get3A_573, %broadcast_in_dim3A_263 : vector<16xf32>
      %swap3A_575 = arith.constant 0 : i32
      %swap3A_576 = arith.index_cast %swap3A_575 : i32 to index
      %swap3A_577 = arith.index_cast %scan3A_442 : i32 to index
      %swap3A_578 = arith.constant 144 : index
      %swap3A_579 = tpu.vector_load %arg11[%swap3A_576, %swap3A_577, %swap3A_578] {strides = array<i32>} : memref<1x64x192xf32, #tpu.memory_space<vmem>>, vector<1x1x16xf32>,
      %swap3A_580 = vector.shape_cast %swap3A_579 : vector<1x1x16xf32> to vector<16xf32>
      %swap3A_581 = vector.shape_cast %mul3A_574 : vector<16xf32> to vector<1x1x16xf32>
      tpu.vector_store %arg11[%swap3A_576, %swap3A_577, %swap3A_578], %swap3A_581 {strides = array<i32>} : memref<1x64x192xf32, #tpu.memory_space<vmem>>, vector<1x1x16xf32>,
      %get3A_582 = arith.constant 0 : i32
      %get3A_583 = arith.index_cast %get3A_582 : i32 to index
      %get3A_584 = arith.index_cast %scan3A_442 : i32 to index
      %get3A_585 = arith.constant 160 : index
      %get3A_586 = tpu.vector_load %arg11[%get3A_583, %get3A_584, %get3A_585] {strides = array<i32>} : memref<1x64x192xf32, #tpu.memory_space<vmem>>, vector<1x1x16xf32>,
      %get3A_587 = vector.shape_cast %get3A_586 : vector<1x1x16xf32> to vector<16xf32>
      %mul3A_588 = arith.mulf %get3A_587, %broadcast_in_dim3A_263 : vector<16xf32>
      %swap3A_589 = arith.constant 0 : i32
      %swap3A_590 = arith.index_cast %swap3A_589 : i32 to index
      %swap3A_591 = arith.index_cast %scan3A_442 : i32 to index
      %swap3A_592 = arith.constant 160 : index
      %swap3A_593 = tpu.vector_load %arg11[%swap3A_590, %swap3A_591, %swap3A_592] {strides = array<i32>} : memref<1x64x192xf32, #tpu.memory_space<vmem>>, vector<1x1x16xf32>,
      %swap3A_594 = vector.shape_cast %swap3A_593 : vector<1x1x16xf32> to vector<16xf32>
      %swap3A_595 = vector.shape_cast %mul3A_588 : vector<16xf32> to vector<1x1x16xf32>
      tpu.vector_store %arg11[%swap3A_590, %swap3A_591, %swap3A_592], %swap3A_595 {strides = array<i32>} : memref<1x64x192xf32, #tpu.memory_space<vmem>>, vector<1x1x16xf32>,
      %get3A_596 = arith.constant 0 : i32
      %get3A_597 = arith.index_cast %get3A_596 : i32 to index
      %get3A_598 = arith.index_cast %scan3A_442 : i32 to index
      %get3A_599 = arith.constant 176 : index
      %get3A_600 = tpu.vector_load %arg11[%get3A_597, %get3A_598, %get3A_599] {strides = array<i32>} : memref<1x64x192xf32, #tpu.memory_space<vmem>>, vector<1x1x16xf32>,
      %get3A_601 = vector.shape_cast %get3A_600 : vector<1x1x16xf32> to vector<16xf32>
      %mul3A_602 = arith.mulf %get3A_601, %broadcast_in_dim3A_263 : vector<16xf32>
      %swap3A_603 = arith.constant 0 : i32
      %swap3A_604 = arith.index_cast %swap3A_603 : i32 to index
      %swap3A_605 = arith.index_cast %scan3A_442 : i32 to index
      %swap3A_606 = arith.constant 176 : index
      %swap3A_607 = tpu.vector_load %arg11[%swap3A_604, %swap3A_605, %swap3A_606] {strides = array<i32>} : memref<1x64x192xf32, #tpu.memory_space<vmem>>, vector<1x1x16xf32>,
      %swap3A_608 = vector.shape_cast %swap3A_607 : vector<1x1x16xf32> to vector<16xf32>
      %swap3A_609 = vector.shape_cast %mul3A_602 : vector<16xf32> to vector<1x1x16xf32>
      tpu.vector_store %arg11[%swap3A_604, %swap3A_605, %swap3A_606], %swap3A_609 {strides = array<i32>} : memref<1x64x192xf32, #tpu.memory_space<vmem>>, vector<1x1x16xf32>,
    }
    %scan3A_269 = arith.constant 64 : i32
    %add3A_270 = arith.constant 94 : i32
    %add3A_271 = arith.addi %mul3A_2, %add3A_270 : i32
    %dma_start3A_272 = arith.constant 0 : i32
    %dma_start3A_273 = arith.constant 0 : i32
    %dma_start3A_274 = tpu.memref_slice %arg5[%add3A_271, %dma_start3A_272, %dma_start3A_273] : memref<3136x64x192xf32, #tpu.memory_space<hbm>> -> memref<1x64x192xf32, #tpu.memory_space<hbm>>
    %dma_start3A_275 = arith.constant 0 : i32
    %dma_start3A_276 = arith.constant 0 : i32
    %dma_start3A_277 = tpu.memref_slice %arg5[%add3A_271, %dma_start3A_275, %dma_start3A_276] : memref<3136x64x192xf32, #tpu.memory_space<hbm>> -> memref<1x64x192xf32, #tpu.memory_space<hbm>>
    tpu.enqueue_dma source(%arg11 : memref<1x64x192xf32, #tpu.memory_space<vmem>>) target(%dma_start3A_277 : memref<1x64x192xf32, #tpu.memory_space<hbm>>) target_semaphore(%arg25 : memref<!tpu.dma_semaphore, #tpu.memory_space<semaphore_mem>>)
    %get3A_278 = arith.constant 0 : i32
    %get3A_279 = arith.index_cast %get3A_278 : i32 to index
    %get3A_280 = arith.constant 95 : index
    %get3A_281 = tpu.vector_load %arg6[%get3A_279, %get3A_280] {strides = array<i32>} : memref<1x128xi32, #tpu.memory_space<vmem>>, vector<1x16xi32>,
    %get3A_282 = vector.shape_cast %get3A_281 : vector<1x16xi32> to vector<16xi32>
    %slice3A_283 = vector.extract_strided_slice %get3A_282 {offsets = [0], sizes = [1], strides = [1]} : vector<16xi32> to vector<1xi32>
    %squeeze3A_284 = vector.extract %slice3A_283[0] : i32 from vector<1xi32>
    %add3A_285 = arith.addi %squeeze3A_284, %mul3A_20 : i32
    %dma_wait3A_286 = arith.constant 0 : i32
    %dma_wait3A_287 = arith.constant 0 : i32
    %dma_wait3A_288 = tpu.memref_slice %arg4[%add3A_285, %dma_wait3A_286, %dma_wait3A_287] : memref<392x64x192xf32, #tpu.memory_space<hbm>> -> memref<1x64x192xf32, #tpu.memory_space<hbm>>
    %dma_wait3A_289 = arith.constant 0 : i32
    %dma_wait3A_290 = arith.constant 0 : i32
    %dma_wait3A_291 = tpu.memref_slice %arg4[%add3A_285, %dma_wait3A_289, %dma_wait3A_290] : memref<392x64x192xf32, #tpu.memory_space<hbm>> -> memref<1x64x192xf32, #tpu.memory_space<hbm>>
    tpu.wait_dma2 semaphore(%arg19 : memref<!tpu.dma_semaphore, #tpu.memory_space<semaphore_mem>>) src(%dma_wait3A_291 : memref<1x64x192xf32, #tpu.memory_space<hbm>>) dst(%arg12 : memref<1x64x192xf32, #tpu.memory_space<vmem>>)
    %get3A_292 = arith.constant 0 : i32
    %get3A_293 = arith.index_cast %get3A_292 : i32 to index
    %get3A_294 = arith.constant 95 : index
    %get3A_295 = tpu.vector_load %arg7[%get3A_293, %get3A_294] {strides = array<i32>} : memref<1x128xf32, #tpu.memory_space<vmem>>, vector<1x16xf32>,
    %get3A_296 = vector.shape_cast %get3A_295 : vector<1x16xf32> to vector<16xf32>
    %slice3A_297 = vector.extract_strided_slice %get3A_296 {offsets = [0], sizes = [1], strides = [1]} : vector<16xf32> to vector<1xf32>
    %squeeze3A_298 = vector.extract %slice3A_297[0] : f32 from vector<1xf32>
    %broadcast_in_dim3A_299 = vector.broadcast %squeeze3A_298 : f32 to vector<16xf32>
    %scan3A_300 = arith.constant 0 : i32
    %scan3A_301 = arith.constant 0 : i32
    %scan3A_302 = arith.constant 64 : i32
    %scan3A_303 = arith.addi %scan3A_301, %scan3A_302 : i32
    %scan3A_304 = arith.constant 1 : i32
    scf.for %scan3A_442 = %scan3A_301 to %scan3A_303 step %scan3A_304  : i32 {
      %get3A_443 = arith.constant 0 : i32
      %get3A_444 = arith.index_cast %get3A_443 : i32 to index
      %get3A_445 = arith.index_cast %scan3A_442 : i32 to index
      %get3A_446 = arith.constant 0 : index
      %get3A_447 = tpu.vector_load %arg12[%get3A_444, %get3A_445, %get3A_446] {strides = array<i32>} : memref<1x64x192xf32, #tpu.memory_space<vmem>>, vector<1x1x16xf32>,
      %get3A_448 = vector.shape_cast %get3A_447 : vector<1x1x16xf32> to vector<16xf32>
      %mul3A_449 = arith.mulf %get3A_448, %broadcast_in_dim3A_299 : vector<16xf32>
      %swap3A = arith.constant 0 : i32
      %swap3A_450 = arith.index_cast %swap3A : i32 to index
      %swap3A_451 = arith.index_cast %scan3A_442 : i32 to index
      %swap3A_452 = arith.constant 0 : index
      %swap3A_453 = tpu.vector_load %arg12[%swap3A_450, %swap3A_451, %swap3A_452] {strides = array<i32>} : memref<1x64x192xf32, #tpu.memory_space<vmem>>, vector<1x1x16xf32>,
      %swap3A_454 = vector.shape_cast %swap3A_453 : vector<1x1x16xf32> to vector<16xf32>
      %swap3A_455 = vector.shape_cast %mul3A_449 : vector<16xf32> to vector<1x1x16xf32>
      tpu.vector_store %arg12[%swap3A_450, %swap3A_451, %swap3A_452], %swap3A_455 {strides = array<i32>} : memref<1x64x192xf32, #tpu.memory_space<vmem>>, vector<1x1x16xf32>,
      %get3A_456 = arith.constant 0 : i32
      %get3A_457 = arith.index_cast %get3A_456 : i32 to index
      %get3A_458 = arith.index_cast %scan3A_442 : i32 to index
      %get3A_459 = arith.constant 16 : index
      %get3A_460 = tpu.vector_load %arg12[%get3A_457, %get3A_458, %get3A_459] {strides = array<i32>} : memref<1x64x192xf32, #tpu.memory_space<vmem>>, vector<1x1x16xf32>,
      %get3A_461 = vector.shape_cast %get3A_460 : vector<1x1x16xf32> to vector<16xf32>
      %mul3A_462 = arith.mulf %get3A_461, %broadcast_in_dim3A_299 : vector<16xf32>
      %swap3A_463 = arith.constant 0 : i32
      %swap3A_464 = arith.index_cast %swap3A_463 : i32 to index
      %swap3A_465 = arith.index_cast %scan3A_442 : i32 to index
      %swap3A_466 = arith.constant 16 : index
      %swap3A_467 = tpu.vector_load %arg12[%swap3A_464, %swap3A_465, %swap3A_466] {strides = array<i32>} : memref<1x64x192xf32, #tpu.memory_space<vmem>>, vector<1x1x16xf32>,
      %swap3A_468 = vector.shape_cast %swap3A_467 : vector<1x1x16xf32> to vector<16xf32>
      %swap3A_469 = vector.shape_cast %mul3A_462 : vector<16xf32> to vector<1x1x16xf32>
      tpu.vector_store %arg12[%swap3A_464, %swap3A_465, %swap3A_466], %swap3A_469 {strides = array<i32>} : memref<1x64x192xf32, #tpu.memory_space<vmem>>, vector<1x1x16xf32>,
      %get3A_470 = arith.constant 0 : i32
      %get3A_471 = arith.index_cast %get3A_470 : i32 to index
      %get3A_472 = arith.index_cast %scan3A_442 : i32 to index
      %get3A_473 = arith.constant 32 : index
      %get3A_474 = tpu.vector_load %arg12[%get3A_471, %get3A_472, %get3A_473] {strides = array<i32>} : memref<1x64x192xf32, #tpu.memory_space<vmem>>, vector<1x1x16xf32>,
      %get3A_475 = vector.shape_cast %get3A_474 : vector<1x1x16xf32> to vector<16xf32>
      %mul3A_476 = arith.mulf %get3A_475, %broadcast_in_dim3A_299 : vector<16xf32>
      %swap3A_477 = arith.constant 0 : i32
      %swap3A_478 = arith.index_cast %swap3A_477 : i32 to index
      %swap3A_479 = arith.index_cast %scan3A_442 : i32 to index
      %swap3A_480 = arith.constant 32 : index
      %swap3A_481 = tpu.vector_load %arg12[%swap3A_478, %swap3A_479, %swap3A_480] {strides = array<i32>} : memref<1x64x192xf32, #tpu.memory_space<vmem>>, vector<1x1x16xf32>,
      %swap3A_482 = vector.shape_cast %swap3A_481 : vector<1x1x16xf32> to vector<16xf32>
      %swap3A_483 = vector.shape_cast %mul3A_476 : vector<16xf32> to vector<1x1x16xf32>
      tpu.vector_store %arg12[%swap3A_478, %swap3A_479, %swap3A_480], %swap3A_483 {strides = array<i32>} : memref<1x64x192xf32, #tpu.memory_space<vmem>>, vector<1x1x16xf32>,
      %get3A_484 = arith.constant 0 : i32
      %get3A_485 = arith.index_cast %get3A_484 : i32 to index
      %get3A_486 = arith.index_cast %scan3A_442 : i32 to index
      %get3A_487 = arith.constant 48 : index
      %get3A_488 = tpu.vector_load %arg12[%get3A_485, %get3A_486, %get3A_487] {strides = array<i32>} : memref<1x64x192xf32, #tpu.memory_space<vmem>>, vector<1x1x16xf32>,
      %get3A_489 = vector.shape_cast %get3A_488 : vector<1x1x16xf32> to vector<16xf32>
      %mul3A_490 = arith.mulf %get3A_489, %broadcast_in_dim3A_299 : vector<16xf32>
      %swap3A_491 = arith.constant 0 : i32
      %swap3A_492 = arith.index_cast %swap3A_491 : i32 to index
      %swap3A_493 = arith.index_cast %scan3A_442 : i32 to index
      %swap3A_494 = arith.constant 48 : index
      %swap3A_495 = tpu.vector_load %arg12[%swap3A_492, %swap3A_493, %swap3A_494] {strides = array<i32>} : memref<1x64x192xf32, #tpu.memory_space<vmem>>, vector<1x1x16xf32>,
      %swap3A_496 = vector.shape_cast %swap3A_495 : vector<1x1x16xf32> to vector<16xf32>
      %swap3A_497 = vector.shape_cast %mul3A_490 : vector<16xf32> to vector<1x1x16xf32>
      tpu.vector_store %arg12[%swap3A_492, %swap3A_493, %swap3A_494], %swap3A_497 {strides = array<i32>} : memref<1x64x192xf32, #tpu.memory_space<vmem>>, vector<1x1x16xf32>,
      %get3A_498 = arith.constant 0 : i32
      %get3A_499 = arith.index_cast %get3A_498 : i32 to index
      %get3A_500 = arith.index_cast %scan3A_442 : i32 to index
      %get3A_501 = arith.constant 64 : index
      %get3A_502 = tpu.vector_load %arg12[%get3A_499, %get3A_500, %get3A_501] {strides = array<i32>} : memref<1x64x192xf32, #tpu.memory_space<vmem>>, vector<1x1x16xf32>,
      %get3A_503 = vector.shape_cast %get3A_502 : vector<1x1x16xf32> to vector<16xf32>
      %mul3A_504 = arith.mulf %get3A_503, %broadcast_in_dim3A_299 : vector<16xf32>
      %swap3A_505 = arith.constant 0 : i32
      %swap3A_506 = arith.index_cast %swap3A_505 : i32 to index
      %swap3A_507 = arith.index_cast %scan3A_442 : i32 to index
      %swap3A_508 = arith.constant 64 : index
      %swap3A_509 = tpu.vector_load %arg12[%swap3A_506, %swap3A_507, %swap3A_508] {strides = array<i32>} : memref<1x64x192xf32, #tpu.memory_space<vmem>>, vector<1x1x16xf32>,
      %swap3A_510 = vector.shape_cast %swap3A_509 : vector<1x1x16xf32> to vector<16xf32>
      %swap3A_511 = vector.shape_cast %mul3A_504 : vector<16xf32> to vector<1x1x16xf32>
      tpu.vector_store %arg12[%swap3A_506, %swap3A_507, %swap3A_508], %swap3A_511 {strides = array<i32>} : memref<1x64x192xf32, #tpu.memory_space<vmem>>, vector<1x1x16xf32>,
      %get3A_512 = arith.constant 0 : i32
      %get3A_513 = arith.index_cast %get3A_512 : i32 to index
      %get3A_514 = arith.index_cast %scan3A_442 : i32 to index
      %get3A_515 = arith.constant 80 : index
      %get3A_516 = tpu.vector_load %arg12[%get3A_513, %get3A_514, %get3A_515] {strides = array<i32>} : memref<1x64x192xf32, #tpu.memory_space<vmem>>, vector<1x1x16xf32>,
      %get3A_517 = vector.shape_cast %get3A_516 : vector<1x1x16xf32> to vector<16xf32>
      %mul3A_518 = arith.mulf %get3A_517, %broadcast_in_dim3A_299 : vector<16xf32>
      %swap3A_519 = arith.constant 0 : i32
      %swap3A_520 = arith.index_cast %swap3A_519 : i32 to index
      %swap3A_521 = arith.index_cast %scan3A_442 : i32 to index
      %swap3A_522 = arith.constant 80 : index
      %swap3A_523 = tpu.vector_load %arg12[%swap3A_520, %swap3A_521, %swap3A_522] {strides = array<i32>} : memref<1x64x192xf32, #tpu.memory_space<vmem>>, vector<1x1x16xf32>,
      %swap3A_524 = vector.shape_cast %swap3A_523 : vector<1x1x16xf32> to vector<16xf32>
      %swap3A_525 = vector.shape_cast %mul3A_518 : vector<16xf32> to vector<1x1x16xf32>
      tpu.vector_store %arg12[%swap3A_520, %swap3A_521, %swap3A_522], %swap3A_525 {strides = array<i32>} : memref<1x64x192xf32, #tpu.memory_space<vmem>>, vector<1x1x16xf32>,
      %get3A_526 = arith.constant 0 : i32
      %get3A_527 = arith.index_cast %get3A_526 : i32 to index
      %get3A_528 = arith.index_cast %scan3A_442 : i32 to index
      %get3A_529 = arith.constant 96 : index
      %get3A_530 = tpu.vector_load %arg12[%get3A_527, %get3A_528, %get3A_529] {strides = array<i32>} : memref<1x64x192xf32, #tpu.memory_space<vmem>>, vector<1x1x16xf32>,
      %get3A_531 = vector.shape_cast %get3A_530 : vector<1x1x16xf32> to vector<16xf32>
      %mul3A_532 = arith.mulf %get3A_531, %broadcast_in_dim3A_299 : vector<16xf32>
      %swap3A_533 = arith.constant 0 : i32
      %swap3A_534 = arith.index_cast %swap3A_533 : i32 to index
      %swap3A_535 = arith.index_cast %scan3A_442 : i32 to index
      %swap3A_536 = arith.constant 96 : index
      %swap3A_537 = tpu.vector_load %arg12[%swap3A_534, %swap3A_535, %swap3A_536] {strides = array<i32>} : memref<1x64x192xf32, #tpu.memory_space<vmem>>, vector<1x1x16xf32>,
      %swap3A_538 = vector.shape_cast %swap3A_537 : vector<1x1x16xf32> to vector<16xf32>
      %swap3A_539 = vector.shape_cast %mul3A_532 : vector<16xf32> to vector<1x1x16xf32>
      tpu.vector_store %arg12[%swap3A_534, %swap3A_535, %swap3A_536], %swap3A_539 {strides = array<i32>} : memref<1x64x192xf32, #tpu.memory_space<vmem>>, vector<1x1x16xf32>,
      %get3A_540 = arith.constant 0 : i32
      %get3A_541 = arith.index_cast %get3A_540 : i32 to index
      %get3A_542 = arith.index_cast %scan3A_442 : i32 to index
      %get3A_543 = arith.constant 112 : index
      %get3A_544 = tpu.vector_load %arg12[%get3A_541, %get3A_542, %get3A_543] {strides = array<i32>} : memref<1x64x192xf32, #tpu.memory_space<vmem>>, vector<1x1x16xf32>,
      %get3A_545 = vector.shape_cast %get3A_544 : vector<1x1x16xf32> to vector<16xf32>
      %mul3A_546 = arith.mulf %get3A_545, %broadcast_in_dim3A_299 : vector<16xf32>
      %swap3A_547 = arith.constant 0 : i32
      %swap3A_548 = arith.index_cast %swap3A_547 : i32 to index
      %swap3A_549 = arith.index_cast %scan3A_442 : i32 to index
      %swap3A_550 = arith.constant 112 : index
      %swap3A_551 = tpu.vector_load %arg12[%swap3A_548, %swap3A_549, %swap3A_550] {strides = array<i32>} : memref<1x64x192xf32, #tpu.memory_space<vmem>>, vector<1x1x16xf32>,
      %swap3A_552 = vector.shape_cast %swap3A_551 : vector<1x1x16xf32> to vector<16xf32>
      %swap3A_553 = vector.shape_cast %mul3A_546 : vector<16xf32> to vector<1x1x16xf32>
      tpu.vector_store %arg12[%swap3A_548, %swap3A_549, %swap3A_550], %swap3A_553 {strides = array<i32>} : memref<1x64x192xf32, #tpu.memory_space<vmem>>, vector<1x1x16xf32>,
      %get3A_554 = arith.constant 0 : i32
      %get3A_555 = arith.index_cast %get3A_554 : i32 to index
      %get3A_556 = arith.index_cast %scan3A_442 : i32 to index
      %get3A_557 = arith.constant 128 : index
      %get3A_558 = tpu.vector_load %arg12[%get3A_555, %get3A_556, %get3A_557] {strides = array<i32>} : memref<1x64x192xf32, #tpu.memory_space<vmem>>, vector<1x1x16xf32>,
      %get3A_559 = vector.shape_cast %get3A_558 : vector<1x1x16xf32> to vector<16xf32>
      %mul3A_560 = arith.mulf %get3A_559, %broadcast_in_dim3A_299 : vector<16xf32>
      %swap3A_561 = arith.constant 0 : i32
      %swap3A_562 = arith.index_cast %swap3A_561 : i32 to index
      %swap3A_563 = arith.index_cast %scan3A_442 : i32 to index
      %swap3A_564 = arith.constant 128 : index
      %swap3A_565 = tpu.vector_load %arg12[%swap3A_562, %swap3A_563, %swap3A_564] {strides = array<i32>} : memref<1x64x192xf32, #tpu.memory_space<vmem>>, vector<1x1x16xf32>,
      %swap3A_566 = vector.shape_cast %swap3A_565 : vector<1x1x16xf32> to vector<16xf32>
      %swap3A_567 = vector.shape_cast %mul3A_560 : vector<16xf32> to vector<1x1x16xf32>
      tpu.vector_store %arg12[%swap3A_562, %swap3A_563, %swap3A_564], %swap3A_567 {strides = array<i32>} : memref<1x64x192xf32, #tpu.memory_space<vmem>>, vector<1x1x16xf32>,
      %get3A_568 = arith.constant 0 : i32
      %get3A_569 = arith.index_cast %get3A_568 : i32 to index
      %get3A_570 = arith.index_cast %scan3A_442 : i32 to index
      %get3A_571 = arith.constant 144 : index
      %get3A_572 = tpu.vector_load %arg12[%get3A_569, %get3A_570, %get3A_571] {strides = array<i32>} : memref<1x64x192xf32, #tpu.memory_space<vmem>>, vector<1x1x16xf32>,
      %get3A_573 = vector.shape_cast %get3A_572 : vector<1x1x16xf32> to vector<16xf32>
      %mul3A_574 = arith.mulf %get3A_573, %broadcast_in_dim3A_299 : vector<16xf32>
      %swap3A_575 = arith.constant 0 : i32
      %swap3A_576 = arith.index_cast %swap3A_575 : i32 to index
      %swap3A_577 = arith.index_cast %scan3A_442 : i32 to index
      %swap3A_578 = arith.constant 144 : index
      %swap3A_579 = tpu.vector_load %arg12[%swap3A_576, %swap3A_577, %swap3A_578] {strides = array<i32>} : memref<1x64x192xf32, #tpu.memory_space<vmem>>, vector<1x1x16xf32>,
      %swap3A_580 = vector.shape_cast %swap3A_579 : vector<1x1x16xf32> to vector<16xf32>
      %swap3A_581 = vector.shape_cast %mul3A_574 : vector<16xf32> to vector<1x1x16xf32>
      tpu.vector_store %arg12[%swap3A_576, %swap3A_577, %swap3A_578], %swap3A_581 {strides = array<i32>} : memref<1x64x192xf32, #tpu.memory_space<vmem>>, vector<1x1x16xf32>,
      %get3A_582 = arith.constant 0 : i32
      %get3A_583 = arith.index_cast %get3A_582 : i32 to index
      %get3A_584 = arith.index_cast %scan3A_442 : i32 to index
      %get3A_585 = arith.constant 160 : index
      %get3A_586 = tpu.vector_load %arg12[%get3A_583, %get3A_584, %get3A_585] {strides = array<i32>} : memref<1x64x192xf32, #tpu.memory_space<vmem>>, vector<1x1x16xf32>,
      %get3A_587 = vector.shape_cast %get3A_586 : vector<1x1x16xf32> to vector<16xf32>
      %mul3A_588 = arith.mulf %get3A_587, %broadcast_in_dim3A_299 : vector<16xf32>
      %swap3A_589 = arith.constant 0 : i32
      %swap3A_590 = arith.index_cast %swap3A_589 : i32 to index
      %swap3A_591 = arith.index_cast %scan3A_442 : i32 to index
      %swap3A_592 = arith.constant 160 : index
      %swap3A_593 = tpu.vector_load %arg12[%swap3A_590, %swap3A_591, %swap3A_592] {strides = array<i32>} : memref<1x64x192xf32, #tpu.memory_space<vmem>>, vector<1x1x16xf32>,
      %swap3A_594 = vector.shape_cast %swap3A_593 : vector<1x1x16xf32> to vector<16xf32>
      %swap3A_595 = vector.shape_cast %mul3A_588 : vector<16xf32> to vector<1x1x16xf32>
      tpu.vector_store %arg12[%swap3A_590, %swap3A_591, %swap3A_592], %swap3A_595 {strides = array<i32>} : memref<1x64x192xf32, #tpu.memory_space<vmem>>, vector<1x1x16xf32>,
      %get3A_596 = arith.constant 0 : i32
      %get3A_597 = arith.index_cast %get3A_596 : i32 to index
      %get3A_598 = arith.index_cast %scan3A_442 : i32 to index
      %get3A_599 = arith.constant 176 : index
      %get3A_600 = tpu.vector_load %arg12[%get3A_597, %get3A_598, %get3A_599] {strides = array<i32>} : memref<1x64x192xf32, #tpu.memory_space<vmem>>, vector<1x1x16xf32>,
      %get3A_601 = vector.shape_cast %get3A_600 : vector<1x1x16xf32> to vector<16xf32>
      %mul3A_602 = arith.mulf %get3A_601, %broadcast_in_dim3A_299 : vector<16xf32>
      %swap3A_603 = arith.constant 0 : i32
      %swap3A_604 = arith.index_cast %swap3A_603 : i32 to index
      %swap3A_605 = arith.index_cast %scan3A_442 : i32 to index
      %swap3A_606 = arith.constant 176 : index
      %swap3A_607 = tpu.vector_load %arg12[%swap3A_604, %swap3A_605, %swap3A_606] {strides = array<i32>} : memref<1x64x192xf32, #tpu.memory_space<vmem>>, vector<1x1x16xf32>,
      %swap3A_608 = vector.shape_cast %swap3A_607 : vector<1x1x16xf32> to vector<16xf32>
      %swap3A_609 = vector.shape_cast %mul3A_602 : vector<16xf32> to vector<1x1x16xf32>
      tpu.vector_store %arg12[%swap3A_604, %swap3A_605, %swap3A_606], %swap3A_609 {strides = array<i32>} : memref<1x64x192xf32, #tpu.memory_space<vmem>>, vector<1x1x16xf32>,
    }
    %scan3A_305 = arith.constant 64 : i32
    %add3A_306 = arith.constant 95 : i32
    %add3A_307 = arith.addi %mul3A_2, %add3A_306 : i32
    %dma_start3A_308 = arith.constant 0 : i32
    %dma_start3A_309 = arith.constant 0 : i32
    %dma_start3A_310 = tpu.memref_slice %arg5[%add3A_307, %dma_start3A_308, %dma_start3A_309] : memref<3136x64x192xf32, #tpu.memory_space<hbm>> -> memref<1x64x192xf32, #tpu.memory_space<hbm>>
    %dma_start3A_311 = arith.constant 0 : i32
    %dma_start3A_312 = arith.constant 0 : i32
    %dma_start3A_313 = tpu.memref_slice %arg5[%add3A_307, %dma_start3A_311, %dma_start3A_312] : memref<3136x64x192xf32, #tpu.memory_space<hbm>> -> memref<1x64x192xf32, #tpu.memory_space<hbm>>
    tpu.enqueue_dma source(%arg12 : memref<1x64x192xf32, #tpu.memory_space<vmem>>) target(%dma_start3A_313 : memref<1x64x192xf32, #tpu.memory_space<hbm>>) target_semaphore(%arg26 : memref<!tpu.dma_semaphore, #tpu.memory_space<semaphore_mem>>)
    %get3A_314 = arith.constant 0 : i32
    %get3A_315 = arith.index_cast %get3A_314 : i32 to index
    %get3A_316 = arith.constant 96 : index
    %get3A_317 = tpu.vector_load %arg6[%get3A_315, %get3A_316] {strides = array<i32>} : memref<1x128xi32, #tpu.memory_space<vmem>>, vector<1x16xi32>,
    %get3A_318 = vector.shape_cast %get3A_317 : vector<1x16xi32> to vector<16xi32>
    %slice3A_319 = vector.extract_strided_slice %get3A_318 {offsets = [0], sizes = [1], strides = [1]} : vector<16xi32> to vector<1xi32>
    %squeeze3A_320 = vector.extract %slice3A_319[0] : i32 from vector<1xi32>
    %add3A_321 = arith.addi %squeeze3A_320, %mul3A_20 : i32
    %dma_wait3A_322 = arith.constant 0 : i32
    %dma_wait3A_323 = arith.constant 0 : i32
    %dma_wait3A_324 = tpu.memref_slice %arg4[%add3A_321, %dma_wait3A_322, %dma_wait3A_323] : memref<392x64x192xf32, #tpu.memory_space<hbm>> -> memref<1x64x192xf32, #tpu.memory_space<hbm>>
    %dma_wait3A_325 = arith.constant 0 : i32
    %dma_wait3A_326 = arith.constant 0 : i32
    %dma_wait3A_327 = tpu.memref_slice %arg4[%add3A_321, %dma_wait3A_325, %dma_wait3A_326] : memref<392x64x192xf32, #tpu.memory_space<hbm>> -> memref<1x64x192xf32, #tpu.memory_space<hbm>>
    tpu.wait_dma2 semaphore(%arg20 : memref<!tpu.dma_semaphore, #tpu.memory_space<semaphore_mem>>) src(%dma_wait3A_327 : memref<1x64x192xf32, #tpu.memory_space<hbm>>) dst(%arg13 : memref<1x64x192xf32, #tpu.memory_space<vmem>>)
    %get3A_328 = arith.constant 0 : i32
    %get3A_329 = arith.index_cast %get3A_328 : i32 to index
    %get3A_330 = arith.constant 96 : index
    %get3A_331 = tpu.vector_load %arg7[%get3A_329, %get3A_330] {strides = array<i32>} : memref<1x128xf32, #tpu.memory_space<vmem>>, vector<1x16xf32>,
    %get3A_332 = vector.shape_cast %get3A_331 : vector<1x16xf32> to vector<16xf32>
    %slice3A_333 = vector.extract_strided_slice %get3A_332 {offsets = [0], sizes = [1], strides = [1]} : vector<16xf32> to vector<1xf32>
    %squeeze3A_334 = vector.extract %slice3A_333[0] : f32 from vector<1xf32>
    %broadcast_in_dim3A_335 = vector.broadcast %squeeze3A_334 : f32 to vector<16xf32>
    %scan3A_336 = arith.constant 0 : i32
    %scan3A_337 = arith.constant 0 : i32
    %scan3A_338 = arith.constant 64 : i32
    %scan3A_339 = arith.addi %scan3A_337, %scan3A_338 : i32
    %scan3A_340 = arith.constant 1 : i32
    scf.for %scan3A_442 = %scan3A_337 to %scan3A_339 step %scan3A_340  : i32 {
      %get3A_443 = arith.constant 0 : i32
      %get3A_444 = arith.index_cast %get3A_443 : i32 to index
      %get3A_445 = arith.index_cast %scan3A_442 : i32 to index
      %get3A_446 = arith.constant 0 : index
      %get3A_447 = tpu.vector_load %arg13[%get3A_444, %get3A_445, %get3A_446] {strides = array<i32>} : memref<1x64x192xf32, #tpu.memory_space<vmem>>, vector<1x1x16xf32>,
      %get3A_448 = vector.shape_cast %get3A_447 : vector<1x1x16xf32> to vector<16xf32>
      %mul3A_449 = arith.mulf %get3A_448, %broadcast_in_dim3A_335 : vector<16xf32>
      %swap3A = arith.constant 0 : i32
      %swap3A_450 = arith.index_cast %swap3A : i32 to index
      %swap3A_451 = arith.index_cast %scan3A_442 : i32 to index
      %swap3A_452 = arith.constant 0 : index
      %swap3A_453 = tpu.vector_load %arg13[%swap3A_450, %swap3A_451, %swap3A_452] {strides = array<i32>} : memref<1x64x192xf32, #tpu.memory_space<vmem>>, vector<1x1x16xf32>,
      %swap3A_454 = vector.shape_cast %swap3A_453 : vector<1x1x16xf32> to vector<16xf32>
      %swap3A_455 = vector.shape_cast %mul3A_449 : vector<16xf32> to vector<1x1x16xf32>
      tpu.vector_store %arg13[%swap3A_450, %swap3A_451, %swap3A_452], %swap3A_455 {strides = array<i32>} : memref<1x64x192xf32, #tpu.memory_space<vmem>>, vector<1x1x16xf32>,
      %get3A_456 = arith.constant 0 : i32
      %get3A_457 = arith.index_cast %get3A_456 : i32 to index
      %get3A_458 = arith.index_cast %scan3A_442 : i32 to index
      %get3A_459 = arith.constant 16 : index
      %get3A_460 = tpu.vector_load %arg13[%get3A_457, %get3A_458, %get3A_459] {strides = array<i32>} : memref<1x64x192xf32, #tpu.memory_space<vmem>>, vector<1x1x16xf32>,
      %get3A_461 = vector.shape_cast %get3A_460 : vector<1x1x16xf32> to vector<16xf32>
      %mul3A_462 = arith.mulf %get3A_461, %broadcast_in_dim3A_335 : vector<16xf32>
      %swap3A_463 = arith.constant 0 : i32
      %swap3A_464 = arith.index_cast %swap3A_463 : i32 to index
      %swap3A_465 = arith.index_cast %scan3A_442 : i32 to index
      %swap3A_466 = arith.constant 16 : index
      %swap3A_467 = tpu.vector_load %arg13[%swap3A_464, %swap3A_465, %swap3A_466] {strides = array<i32>} : memref<1x64x192xf32, #tpu.memory_space<vmem>>, vector<1x1x16xf32>,
      %swap3A_468 = vector.shape_cast %swap3A_467 : vector<1x1x16xf32> to vector<16xf32>
      %swap3A_469 = vector.shape_cast %mul3A_462 : vector<16xf32> to vector<1x1x16xf32>
      tpu.vector_store %arg13[%swap3A_464, %swap3A_465, %swap3A_466], %swap3A_469 {strides = array<i32>} : memref<1x64x192xf32, #tpu.memory_space<vmem>>, vector<1x1x16xf32>,
      %get3A_470 = arith.constant 0 : i32
      %get3A_471 = arith.index_cast %get3A_470 : i32 to index
      %get3A_472 = arith.index_cast %scan3A_442 : i32 to index
      %get3A_473 = arith.constant 32 : index
      %get3A_474 = tpu.vector_load %arg13[%get3A_471, %get3A_472, %get3A_473] {strides = array<i32>} : memref<1x64x192xf32, #tpu.memory_space<vmem>>, vector<1x1x16xf32>,
      %get3A_475 = vector.shape_cast %get3A_474 : vector<1x1x16xf32> to vector<16xf32>
      %mul3A_476 = arith.mulf %get3A_475, %broadcast_in_dim3A_335 : vector<16xf32>
      %swap3A_477 = arith.constant 0 : i32
      %swap3A_478 = arith.index_cast %swap3A_477 : i32 to index
      %swap3A_479 = arith.index_cast %scan3A_442 : i32 to index
      %swap3A_480 = arith.constant 32 : index
      %swap3A_481 = tpu.vector_load %arg13[%swap3A_478, %swap3A_479, %swap3A_480] {strides = array<i32>} : memref<1x64x192xf32, #tpu.memory_space<vmem>>, vector<1x1x16xf32>,
      %swap3A_482 = vector.shape_cast %swap3A_481 : vector<1x1x16xf32> to vector<16xf32>
      %swap3A_483 = vector.shape_cast %mul3A_476 : vector<16xf32> to vector<1x1x16xf32>
      tpu.vector_store %arg13[%swap3A_478, %swap3A_479, %swap3A_480], %swap3A_483 {strides = array<i32>} : memref<1x64x192xf32, #tpu.memory_space<vmem>>, vector<1x1x16xf32>,
      %get3A_484 = arith.constant 0 : i32
      %get3A_485 = arith.index_cast %get3A_484 : i32 to index
      %get3A_486 = arith.index_cast %scan3A_442 : i32 to index
      %get3A_487 = arith.constant 48 : index
      %get3A_488 = tpu.vector_load %arg13[%get3A_485, %get3A_486, %get3A_487] {strides = array<i32>} : memref<1x64x192xf32, #tpu.memory_space<vmem>>, vector<1x1x16xf32>,
      %get3A_489 = vector.shape_cast %get3A_488 : vector<1x1x16xf32> to vector<16xf32>
      %mul3A_490 = arith.mulf %get3A_489, %broadcast_in_dim3A_335 : vector<16xf32>
      %swap3A_491 = arith.constant 0 : i32
      %swap3A_492 = arith.index_cast %swap3A_491 : i32 to index
      %swap3A_493 = arith.index_cast %scan3A_442 : i32 to index
      %swap3A_494 = arith.constant 48 : index
      %swap3A_495 = tpu.vector_load %arg13[%swap3A_492, %swap3A_493, %swap3A_494] {strides = array<i32>} : memref<1x64x192xf32, #tpu.memory_space<vmem>>, vector<1x1x16xf32>,
      %swap3A_496 = vector.shape_cast %swap3A_495 : vector<1x1x16xf32> to vector<16xf32>
      %swap3A_497 = vector.shape_cast %mul3A_490 : vector<16xf32> to vector<1x1x16xf32>
      tpu.vector_store %arg13[%swap3A_492, %swap3A_493, %swap3A_494], %swap3A_497 {strides = array<i32>} : memref<1x64x192xf32, #tpu.memory_space<vmem>>, vector<1x1x16xf32>,
      %get3A_498 = arith.constant 0 : i32
      %get3A_499 = arith.index_cast %get3A_498 : i32 to index
      %get3A_500 = arith.index_cast %scan3A_442 : i32 to index
      %get3A_501 = arith.constant 64 : index
      %get3A_502 = tpu.vector_load %arg13[%get3A_499, %get3A_500, %get3A_501] {strides = array<i32>} : memref<1x64x192xf32, #tpu.memory_space<vmem>>, vector<1x1x16xf32>,
      %get3A_503 = vector.shape_cast %get3A_502 : vector<1x1x16xf32> to vector<16xf32>
      %mul3A_504 = arith.mulf %get3A_503, %broadcast_in_dim3A_335 : vector<16xf32>
      %swap3A_505 = arith.constant 0 : i32
      %swap3A_506 = arith.index_cast %swap3A_505 : i32 to index
      %swap3A_507 = arith.index_cast %scan3A_442 : i32 to index
      %swap3A_508 = arith.constant 64 : index
      %swap3A_509 = tpu.vector_load %arg13[%swap3A_506, %swap3A_507, %swap3A_508] {strides = array<i32>} : memref<1x64x192xf32, #tpu.memory_space<vmem>>, vector<1x1x16xf32>,
      %swap3A_510 = vector.shape_cast %swap3A_509 : vector<1x1x16xf32> to vector<16xf32>
      %swap3A_511 = vector.shape_cast %mul3A_504 : vector<16xf32> to vector<1x1x16xf32>
      tpu.vector_store %arg13[%swap3A_506, %swap3A_507, %swap3A_508], %swap3A_511 {strides = array<i32>} : memref<1x64x192xf32, #tpu.memory_space<vmem>>, vector<1x1x16xf32>,
      %get3A_512 = arith.constant 0 : i32
      %get3A_513 = arith.index_cast %get3A_512 : i32 to index
      %get3A_514 = arith.index_cast %scan3A_442 : i32 to index
      %get3A_515 = arith.constant 80 : index
      %get3A_516 = tpu.vector_load %arg13[%get3A_513, %get3A_514, %get3A_515] {strides = array<i32>} : memref<1x64x192xf32, #tpu.memory_space<vmem>>, vector<1x1x16xf32>,
      %get3A_517 = vector.shape_cast %get3A_516 : vector<1x1x16xf32> to vector<16xf32>
      %mul3A_518 = arith.mulf %get3A_517, %broadcast_in_dim3A_335 : vector<16xf32>
      %swap3A_519 = arith.constant 0 : i32
      %swap3A_520 = arith.index_cast %swap3A_519 : i32 to index
      %swap3A_521 = arith.index_cast %scan3A_442 : i32 to index
      %swap3A_522 = arith.constant 80 : index
      %swap3A_523 = tpu.vector_load %arg13[%swap3A_520, %swap3A_521, %swap3A_522] {strides = array<i32>} : memref<1x64x192xf32, #tpu.memory_space<vmem>>, vector<1x1x16xf32>,
      %swap3A_524 = vector.shape_cast %swap3A_523 : vector<1x1x16xf32> to vector<16xf32>
      %swap3A_525 = vector.shape_cast %mul3A_518 : vector<16xf32> to vector<1x1x16xf32>
      tpu.vector_store %arg13[%swap3A_520, %swap3A_521, %swap3A_522], %swap3A_525 {strides = array<i32>} : memref<1x64x192xf32, #tpu.memory_space<vmem>>, vector<1x1x16xf32>,
      %get3A_526 = arith.constant 0 : i32
      %get3A_527 = arith.index_cast %get3A_526 : i32 to index
      %get3A_528 = arith.index_cast %scan3A_442 : i32 to index
      %get3A_529 = arith.constant 96 : index
      %get3A_530 = tpu.vector_load %arg13[%get3A_527, %get3A_528, %get3A_529] {strides = array<i32>} : memref<1x64x192xf32, #tpu.memory_space<vmem>>, vector<1x1x16xf32>,
      %get3A_531 = vector.shape_cast %get3A_530 : vector<1x1x16xf32> to vector<16xf32>
      %mul3A_532 = arith.mulf %get3A_531, %broadcast_in_dim3A_335 : vector<16xf32>
      %swap3A_533 = arith.constant 0 : i32
      %swap3A_534 = arith.index_cast %swap3A_533 : i32 to index
      %swap3A_535 = arith.index_cast %scan3A_442 : i32 to index
      %swap3A_536 = arith.constant 96 : index
      %swap3A_537 = tpu.vector_load %arg13[%swap3A_534, %swap3A_535, %swap3A_536] {strides = array<i32>} : memref<1x64x192xf32, #tpu.memory_space<vmem>>, vector<1x1x16xf32>,
      %swap3A_538 = vector.shape_cast %swap3A_537 : vector<1x1x16xf32> to vector<16xf32>
      %swap3A_539 = vector.shape_cast %mul3A_532 : vector<16xf32> to vector<1x1x16xf32>
      tpu.vector_store %arg13[%swap3A_534, %swap3A_535, %swap3A_536], %swap3A_539 {strides = array<i32>} : memref<1x64x192xf32, #tpu.memory_space<vmem>>, vector<1x1x16xf32>,
      %get3A_540 = arith.constant 0 : i32
      %get3A_541 = arith.index_cast %get3A_540 : i32 to index
      %get3A_542 = arith.index_cast %scan3A_442 : i32 to index
      %get3A_543 = arith.constant 112 : index
      %get3A_544 = tpu.vector_load %arg13[%get3A_541, %get3A_542, %get3A_543] {strides = array<i32>} : memref<1x64x192xf32, #tpu.memory_space<vmem>>, vector<1x1x16xf32>,
      %get3A_545 = vector.shape_cast %get3A_544 : vector<1x1x16xf32> to vector<16xf32>
      %mul3A_546 = arith.mulf %get3A_545, %broadcast_in_dim3A_335 : vector<16xf32>
      %swap3A_547 = arith.constant 0 : i32
      %swap3A_548 = arith.index_cast %swap3A_547 : i32 to index
      %swap3A_549 = arith.index_cast %scan3A_442 : i32 to index
      %swap3A_550 = arith.constant 112 : index
      %swap3A_551 = tpu.vector_load %arg13[%swap3A_548, %swap3A_549, %swap3A_550] {strides = array<i32>} : memref<1x64x192xf32, #tpu.memory_space<vmem>>, vector<1x1x16xf32>,
      %swap3A_552 = vector.shape_cast %swap3A_551 : vector<1x1x16xf32> to vector<16xf32>
      %swap3A_553 = vector.shape_cast %mul3A_546 : vector<16xf32> to vector<1x1x16xf32>
      tpu.vector_store %arg13[%swap3A_548, %swap3A_549, %swap3A_550], %swap3A_553 {strides = array<i32>} : memref<1x64x192xf32, #tpu.memory_space<vmem>>, vector<1x1x16xf32>,
      %get3A_554 = arith.constant 0 : i32
      %get3A_555 = arith.index_cast %get3A_554 : i32 to index
      %get3A_556 = arith.index_cast %scan3A_442 : i32 to index
      %get3A_557 = arith.constant 128 : index
      %get3A_558 = tpu.vector_load %arg13[%get3A_555, %get3A_556, %get3A_557] {strides = array<i32>} : memref<1x64x192xf32, #tpu.memory_space<vmem>>, vector<1x1x16xf32>,
      %get3A_559 = vector.shape_cast %get3A_558 : vector<1x1x16xf32> to vector<16xf32>
      %mul3A_560 = arith.mulf %get3A_559, %broadcast_in_dim3A_335 : vector<16xf32>
      %swap3A_561 = arith.constant 0 : i32
      %swap3A_562 = arith.index_cast %swap3A_561 : i32 to index
      %swap3A_563 = arith.index_cast %scan3A_442 : i32 to index
      %swap3A_564 = arith.constant 128 : index
      %swap3A_565 = tpu.vector_load %arg13[%swap3A_562, %swap3A_563, %swap3A_564] {strides = array<i32>} : memref<1x64x192xf32, #tpu.memory_space<vmem>>, vector<1x1x16xf32>,
      %swap3A_566 = vector.shape_cast %swap3A_565 : vector<1x1x16xf32> to vector<16xf32>
      %swap3A_567 = vector.shape_cast %mul3A_560 : vector<16xf32> to vector<1x1x16xf32>
      tpu.vector_store %arg13[%swap3A_562, %swap3A_563, %swap3A_564], %swap3A_567 {strides = array<i32>} : memref<1x64x192xf32, #tpu.memory_space<vmem>>, vector<1x1x16xf32>,
      %get3A_568 = arith.constant 0 : i32
      %get3A_569 = arith.index_cast %get3A_568 : i32 to index
      %get3A_570 = arith.index_cast %scan3A_442 : i32 to index
      %get3A_571 = arith.constant 144 : index
      %get3A_572 = tpu.vector_load %arg13[%get3A_569, %get3A_570, %get3A_571] {strides = array<i32>} : memref<1x64x192xf32, #tpu.memory_space<vmem>>, vector<1x1x16xf32>,
      %get3A_573 = vector.shape_cast %get3A_572 : vector<1x1x16xf32> to vector<16xf32>
      %mul3A_574 = arith.mulf %get3A_573, %broadcast_in_dim3A_335 : vector<16xf32>
      %swap3A_575 = arith.constant 0 : i32
      %swap3A_576 = arith.index_cast %swap3A_575 : i32 to index
      %swap3A_577 = arith.index_cast %scan3A_442 : i32 to index
      %swap3A_578 = arith.constant 144 : index
      %swap3A_579 = tpu.vector_load %arg13[%swap3A_576, %swap3A_577, %swap3A_578] {strides = array<i32>} : memref<1x64x192xf32, #tpu.memory_space<vmem>>, vector<1x1x16xf32>,
      %swap3A_580 = vector.shape_cast %swap3A_579 : vector<1x1x16xf32> to vector<16xf32>
      %swap3A_581 = vector.shape_cast %mul3A_574 : vector<16xf32> to vector<1x1x16xf32>
      tpu.vector_store %arg13[%swap3A_576, %swap3A_577, %swap3A_578], %swap3A_581 {strides = array<i32>} : memref<1x64x192xf32, #tpu.memory_space<vmem>>, vector<1x1x16xf32>,
      %get3A_582 = arith.constant 0 : i32
      %get3A_583 = arith.index_cast %get3A_582 : i32 to index
      %get3A_584 = arith.index_cast %scan3A_442 : i32 to index
      %get3A_585 = arith.constant 160 : index
      %get3A_586 = tpu.vector_load %arg13[%get3A_583, %get3A_584, %get3A_585] {strides = array<i32>} : memref<1x64x192xf32, #tpu.memory_space<vmem>>, vector<1x1x16xf32>,
      %get3A_587 = vector.shape_cast %get3A_586 : vector<1x1x16xf32> to vector<16xf32>
      %mul3A_588 = arith.mulf %get3A_587, %broadcast_in_dim3A_335 : vector<16xf32>
      %swap3A_589 = arith.constant 0 : i32
      %swap3A_590 = arith.index_cast %swap3A_589 : i32 to index
      %swap3A_591 = arith.index_cast %scan3A_442 : i32 to index
      %swap3A_592 = arith.constant 160 : index
      %swap3A_593 = tpu.vector_load %arg13[%swap3A_590, %swap3A_591, %swap3A_592] {strides = array<i32>} : memref<1x64x192xf32, #tpu.memory_space<vmem>>, vector<1x1x16xf32>,
      %swap3A_594 = vector.shape_cast %swap3A_593 : vector<1x1x16xf32> to vector<16xf32>
      %swap3A_595 = vector.shape_cast %mul3A_588 : vector<16xf32> to vector<1x1x16xf32>
      tpu.vector_store %arg13[%swap3A_590, %swap3A_591, %swap3A_592], %swap3A_595 {strides = array<i32>} : memref<1x64x192xf32, #tpu.memory_space<vmem>>, vector<1x1x16xf32>,
      %get3A_596 = arith.constant 0 : i32
      %get3A_597 = arith.index_cast %get3A_596 : i32 to index
      %get3A_598 = arith.index_cast %scan3A_442 : i32 to index
      %get3A_599 = arith.constant 176 : index
      %get3A_600 = tpu.vector_load %arg13[%get3A_597, %get3A_598, %get3A_599] {strides = array<i32>} : memref<1x64x192xf32, #tpu.memory_space<vmem>>, vector<1x1x16xf32>,
      %get3A_601 = vector.shape_cast %get3A_600 : vector<1x1x16xf32> to vector<16xf32>
      %mul3A_602 = arith.mulf %get3A_601, %broadcast_in_dim3A_335 : vector<16xf32>
      %swap3A_603 = arith.constant 0 : i32
      %swap3A_604 = arith.index_cast %swap3A_603 : i32 to index
      %swap3A_605 = arith.index_cast %scan3A_442 : i32 to index
      %swap3A_606 = arith.constant 176 : index
      %swap3A_607 = tpu.vector_load %arg13[%swap3A_604, %swap3A_605, %swap3A_606] {strides = array<i32>} : memref<1x64x192xf32, #tpu.memory_space<vmem>>, vector<1x1x16xf32>,
      %swap3A_608 = vector.shape_cast %swap3A_607 : vector<1x1x16xf32> to vector<16xf32>
      %swap3A_609 = vector.shape_cast %mul3A_602 : vector<16xf32> to vector<1x1x16xf32>
      tpu.vector_store %arg13[%swap3A_604, %swap3A_605, %swap3A_606], %swap3A_609 {strides = array<i32>} : memref<1x64x192xf32, #tpu.memory_space<vmem>>, vector<1x1x16xf32>,
    }
    %scan3A_341 = arith.constant 64 : i32
    %add3A_342 = arith.constant 96 : i32
    %add3A_343 = arith.addi %mul3A_2, %add3A_342 : i32
    %dma_start3A_344 = arith.constant 0 : i32
    %dma_start3A_345 = arith.constant 0 : i32
    %dma_start3A_346 = tpu.memref_slice %arg5[%add3A_343, %dma_start3A_344, %dma_start3A_345] : memref<3136x64x192xf32, #tpu.memory_space<hbm>> -> memref<1x64x192xf32, #tpu.memory_space<hbm>>
    %dma_start3A_347 = arith.constant 0 : i32
    %dma_start3A_348 = arith.constant 0 : i32
    %dma_start3A_349 = tpu.memref_slice %arg5[%add3A_343, %dma_start3A_347, %dma_start3A_348] : memref<3136x64x192xf32, #tpu.memory_space<hbm>> -> memref<1x64x192xf32, #tpu.memory_space<hbm>>
    tpu.enqueue_dma source(%arg13 : memref<1x64x192xf32, #tpu.memory_space<vmem>>) target(%dma_start3A_349 : memref<1x64x192xf32, #tpu.memory_space<hbm>>) target_semaphore(%arg27 : memref<!tpu.dma_semaphore, #tpu.memory_space<semaphore_mem>>)
    %get3A_350 = arith.constant 0 : i32
    %get3A_351 = arith.index_cast %get3A_350 : i32 to index
    %get3A_352 = arith.constant 97 : index
    %get3A_353 = tpu.vector_load %arg6[%get3A_351, %get3A_352] {strides = array<i32>} : memref<1x128xi32, #tpu.memory_space<vmem>>, vector<1x16xi32>,
    %get3A_354 = vector.shape_cast %get3A_353 : vector<1x16xi32> to vector<16xi32>
    %slice3A_355 = vector.extract_strided_slice %get3A_354 {offsets = [0], sizes = [1], strides = [1]} : vector<16xi32> to vector<1xi32>
    %squeeze3A_356 = vector.extract %slice3A_355[0] : i32 from vector<1xi32>
    %add3A_357 = arith.addi %squeeze3A_356, %mul3A_20 : i32
    %dma_wait3A_358 = arith.constant 0 : i32
    %dma_wait3A_359 = arith.constant 0 : i32
    %dma_wait3A_360 = tpu.memref_slice %arg4[%add3A_357, %dma_wait3A_358, %dma_wait3A_359] : memref<392x64x192xf32, #tpu.memory_space<hbm>> -> memref<1x64x192xf32, #tpu.memory_space<hbm>>
    %dma_wait3A_361 = arith.constant 0 : i32
    %dma_wait3A_362 = arith.constant 0 : i32
    %dma_wait3A_363 = tpu.memref_slice %arg4[%add3A_357, %dma_wait3A_361, %dma_wait3A_362] : memref<392x64x192xf32, #tpu.memory_space<hbm>> -> memref<1x64x192xf32, #tpu.memory_space<hbm>>
    tpu.wait_dma2 semaphore(%arg21 : memref<!tpu.dma_semaphore, #tpu.memory_space<semaphore_mem>>) src(%dma_wait3A_363 : memref<1x64x192xf32, #tpu.memory_space<hbm>>) dst(%arg14 : memref<1x64x192xf32, #tpu.memory_space<vmem>>)
    %get3A_364 = arith.constant 0 : i32
    %get3A_365 = arith.index_cast %get3A_364 : i32 to index
    %get3A_366 = arith.constant 97 : index
    %get3A_367 = tpu.vector_load %arg7[%get3A_365, %get3A_366] {strides = array<i32>} : memref<1x128xf32, #tpu.memory_space<vmem>>, vector<1x16xf32>,
    %get3A_368 = vector.shape_cast %get3A_367 : vector<1x16xf32> to vector<16xf32>
    %slice3A_369 = vector.extract_strided_slice %get3A_368 {offsets = [0], sizes = [1], strides = [1]} : vector<16xf32> to vector<1xf32>
    %squeeze3A_370 = vector.extract %slice3A_369[0] : f32 from vector<1xf32>
    %broadcast_in_dim3A_371 = vector.broadcast %squeeze3A_370 : f32 to vector<16xf32>
    %scan3A_372 = arith.constant 0 : i32
    %scan3A_373 = arith.constant 0 : i32
    %scan3A_374 = arith.constant 64 : i32
    %scan3A_375 = arith.addi %scan3A_373, %scan3A_374 : i32
    %scan3A_376 = arith.constant 1 : i32
    scf.for %scan3A_442 = %scan3A_373 to %scan3A_375 step %scan3A_376  : i32 {
      %get3A_443 = arith.constant 0 : i32
      %get3A_444 = arith.index_cast %get3A_443 : i32 to index
      %get3A_445 = arith.index_cast %scan3A_442 : i32 to index
      %get3A_446 = arith.constant 0 : index
      %get3A_447 = tpu.vector_load %arg14[%get3A_444, %get3A_445, %get3A_446] {strides = array<i32>} : memref<1x64x192xf32, #tpu.memory_space<vmem>>, vector<1x1x16xf32>,
      %get3A_448 = vector.shape_cast %get3A_447 : vector<1x1x16xf32> to vector<16xf32>
      %mul3A_449 = arith.mulf %get3A_448, %broadcast_in_dim3A_371 : vector<16xf32>
      %swap3A = arith.constant 0 : i32
      %swap3A_450 = arith.index_cast %swap3A : i32 to index
      %swap3A_451 = arith.index_cast %scan3A_442 : i32 to index
      %swap3A_452 = arith.constant 0 : index
      %swap3A_453 = tpu.vector_load %arg14[%swap3A_450, %swap3A_451, %swap3A_452] {strides = array<i32>} : memref<1x64x192xf32, #tpu.memory_space<vmem>>, vector<1x1x16xf32>,
      %swap3A_454 = vector.shape_cast %swap3A_453 : vector<1x1x16xf32> to vector<16xf32>
      %swap3A_455 = vector.shape_cast %mul3A_449 : vector<16xf32> to vector<1x1x16xf32>
      tpu.vector_store %arg14[%swap3A_450, %swap3A_451, %swap3A_452], %swap3A_455 {strides = array<i32>} : memref<1x64x192xf32, #tpu.memory_space<vmem>>, vector<1x1x16xf32>,
      %get3A_456 = arith.constant 0 : i32
      %get3A_457 = arith.index_cast %get3A_456 : i32 to index
      %get3A_458 = arith.index_cast %scan3A_442 : i32 to index
      %get3A_459 = arith.constant 16 : index
      %get3A_460 = tpu.vector_load %arg14[%get3A_457, %get3A_458, %get3A_459] {strides = array<i32>} : memref<1x64x192xf32, #tpu.memory_space<vmem>>, vector<1x1x16xf32>,
      %get3A_461 = vector.shape_cast %get3A_460 : vector<1x1x16xf32> to vector<16xf32>
      %mul3A_462 = arith.mulf %get3A_461, %broadcast_in_dim3A_371 : vector<16xf32>
      %swap3A_463 = arith.constant 0 : i32
      %swap3A_464 = arith.index_cast %swap3A_463 : i32 to index
      %swap3A_465 = arith.index_cast %scan3A_442 : i32 to index
      %swap3A_466 = arith.constant 16 : index
      %swap3A_467 = tpu.vector_load %arg14[%swap3A_464, %swap3A_465, %swap3A_466] {strides = array<i32>} : memref<1x64x192xf32, #tpu.memory_space<vmem>>, vector<1x1x16xf32>,
      %swap3A_468 = vector.shape_cast %swap3A_467 : vector<1x1x16xf32> to vector<16xf32>
      %swap3A_469 = vector.shape_cast %mul3A_462 : vector<16xf32> to vector<1x1x16xf32>
      tpu.vector_store %arg14[%swap3A_464, %swap3A_465, %swap3A_466], %swap3A_469 {strides = array<i32>} : memref<1x64x192xf32, #tpu.memory_space<vmem>>, vector<1x1x16xf32>,
      %get3A_470 = arith.constant 0 : i32
      %get3A_471 = arith.index_cast %get3A_470 : i32 to index
      %get3A_472 = arith.index_cast %scan3A_442 : i32 to index
      %get3A_473 = arith.constant 32 : index
      %get3A_474 = tpu.vector_load %arg14[%get3A_471, %get3A_472, %get3A_473] {strides = array<i32>} : memref<1x64x192xf32, #tpu.memory_space<vmem>>, vector<1x1x16xf32>,
      %get3A_475 = vector.shape_cast %get3A_474 : vector<1x1x16xf32> to vector<16xf32>
      %mul3A_476 = arith.mulf %get3A_475, %broadcast_in_dim3A_371 : vector<16xf32>
      %swap3A_477 = arith.constant 0 : i32
      %swap3A_478 = arith.index_cast %swap3A_477 : i32 to index
      %swap3A_479 = arith.index_cast %scan3A_442 : i32 to index
      %swap3A_480 = arith.constant 32 : index
      %swap3A_481 = tpu.vector_load %arg14[%swap3A_478, %swap3A_479, %swap3A_480] {strides = array<i32>} : memref<1x64x192xf32, #tpu.memory_space<vmem>>, vector<1x1x16xf32>,
      %swap3A_482 = vector.shape_cast %swap3A_481 : vector<1x1x16xf32> to vector<16xf32>
      %swap3A_483 = vector.shape_cast %mul3A_476 : vector<16xf32> to vector<1x1x16xf32>
      tpu.vector_store %arg14[%swap3A_478, %swap3A_479, %swap3A_480], %swap3A_483 {strides = array<i32>} : memref<1x64x192xf32, #tpu.memory_space<vmem>>, vector<1x1x16xf32>,
      %get3A_484 = arith.constant 0 : i32
      %get3A_485 = arith.index_cast %get3A_484 : i32 to index
      %get3A_486 = arith.index_cast %scan3A_442 : i32 to index
      %get3A_487 = arith.constant 48 : index
      %get3A_488 = tpu.vector_load %arg14[%get3A_485, %get3A_486, %get3A_487] {strides = array<i32>} : memref<1x64x192xf32, #tpu.memory_space<vmem>>, vector<1x1x16xf32>,
      %get3A_489 = vector.shape_cast %get3A_488 : vector<1x1x16xf32> to vector<16xf32>
      %mul3A_490 = arith.mulf %get3A_489, %broadcast_in_dim3A_371 : vector<16xf32>
      %swap3A_491 = arith.constant 0 : i32
      %swap3A_492 = arith.index_cast %swap3A_491 : i32 to index
      %swap3A_493 = arith.index_cast %scan3A_442 : i32 to index
      %swap3A_494 = arith.constant 48 : index
      %swap3A_495 = tpu.vector_load %arg14[%swap3A_492, %swap3A_493, %swap3A_494] {strides = array<i32>} : memref<1x64x192xf32, #tpu.memory_space<vmem>>, vector<1x1x16xf32>,
      %swap3A_496 = vector.shape_cast %swap3A_495 : vector<1x1x16xf32> to vector<16xf32>
      %swap3A_497 = vector.shape_cast %mul3A_490 : vector<16xf32> to vector<1x1x16xf32>
      tpu.vector_store %arg14[%swap3A_492, %swap3A_493, %swap3A_494], %swap3A_497 {strides = array<i32>} : memref<1x64x192xf32, #tpu.memory_space<vmem>>, vector<1x1x16xf32>,
      %get3A_498 = arith.constant 0 : i32
      %get3A_499 = arith.index_cast %get3A_498 : i32 to index
      %get3A_500 = arith.index_cast %scan3A_442 : i32 to index
      %get3A_501 = arith.constant 64 : index
      %get3A_502 = tpu.vector_load %arg14[%get3A_499, %get3A_500, %get3A_501] {strides = array<i32>} : memref<1x64x192xf32, #tpu.memory_space<vmem>>, vector<1x1x16xf32>,
      %get3A_503 = vector.shape_cast %get3A_502 : vector<1x1x16xf32> to vector<16xf32>
      %mul3A_504 = arith.mulf %get3A_503, %broadcast_in_dim3A_371 : vector<16xf32>
      %swap3A_505 = arith.constant 0 : i32
      %swap3A_506 = arith.index_cast %swap3A_505 : i32 to index
      %swap3A_507 = arith.index_cast %scan3A_442 : i32 to index
      %swap3A_508 = arith.constant 64 : index
      %swap3A_509 = tpu.vector_load %arg14[%swap3A_506, %swap3A_507, %swap3A_508] {strides = array<i32>} : memref<1x64x192xf32, #tpu.memory_space<vmem>>, vector<1x1x16xf32>,
      %swap3A_510 = vector.shape_cast %swap3A_509 : vector<1x1x16xf32> to vector<16xf32>
      %swap3A_511 = vector.shape_cast %mul3A_504 : vector<16xf32> to vector<1x1x16xf32>
      tpu.vector_store %arg14[%swap3A_506, %swap3A_507, %swap3A_508], %swap3A_511 {strides = array<i32>} : memref<1x64x192xf32, #tpu.memory_space<vmem>>, vector<1x1x16xf32>,
      %get3A_512 = arith.constant 0 : i32
      %get3A_513 = arith.index_cast %get3A_512 : i32 to index
      %get3A_514 = arith.index_cast %scan3A_442 : i32 to index
      %get3A_515 = arith.constant 80 : index
      %get3A_516 = tpu.vector_load %arg14[%get3A_513, %get3A_514, %get3A_515] {strides = array<i32>} : memref<1x64x192xf32, #tpu.memory_space<vmem>>, vector<1x1x16xf32>,
      %get3A_517 = vector.shape_cast %get3A_516 : vector<1x1x16xf32> to vector<16xf32>
      %mul3A_518 = arith.mulf %get3A_517, %broadcast_in_dim3A_371 : vector<16xf32>
      %swap3A_519 = arith.constant 0 : i32
      %swap3A_520 = arith.index_cast %swap3A_519 : i32 to index
      %swap3A_521 = arith.index_cast %scan3A_442 : i32 to index
      %swap3A_522 = arith.constant 80 : index
      %swap3A_523 = tpu.vector_load %arg14[%swap3A_520, %swap3A_521, %swap3A_522] {strides = array<i32>} : memref<1x64x192xf32, #tpu.memory_space<vmem>>, vector<1x1x16xf32>,
      %swap3A_524 = vector.shape_cast %swap3A_523 : vector<1x1x16xf32> to vector<16xf32>
      %swap3A_525 = vector.shape_cast %mul3A_518 : vector<16xf32> to vector<1x1x16xf32>
      tpu.vector_store %arg14[%swap3A_520, %swap3A_521, %swap3A_522], %swap3A_525 {strides = array<i32>} : memref<1x64x192xf32, #tpu.memory_space<vmem>>, vector<1x1x16xf32>,
      %get3A_526 = arith.constant 0 : i32
      %get3A_527 = arith.index_cast %get3A_526 : i32 to index
      %get3A_528 = arith.index_cast %scan3A_442 : i32 to index
      %get3A_529 = arith.constant 96 : index
      %get3A_530 = tpu.vector_load %arg14[%get3A_527, %get3A_528, %get3A_529] {strides = array<i32>} : memref<1x64x192xf32, #tpu.memory_space<vmem>>, vector<1x1x16xf32>,
      %get3A_531 = vector.shape_cast %get3A_530 : vector<1x1x16xf32> to vector<16xf32>
      %mul3A_532 = arith.mulf %get3A_531, %broadcast_in_dim3A_371 : vector<16xf32>
      %swap3A_533 = arith.constant 0 : i32
      %swap3A_534 = arith.index_cast %swap3A_533 : i32 to index
      %swap3A_535 = arith.index_cast %scan3A_442 : i32 to index
      %swap3A_536 = arith.constant 96 : index
      %swap3A_537 = tpu.vector_load %arg14[%swap3A_534, %swap3A_535, %swap3A_536] {strides = array<i32>} : memref<1x64x192xf32, #tpu.memory_space<vmem>>, vector<1x1x16xf32>,
      %swap3A_538 = vector.shape_cast %swap3A_537 : vector<1x1x16xf32> to vector<16xf32>
      %swap3A_539 = vector.shape_cast %mul3A_532 : vector<16xf32> to vector<1x1x16xf32>
      tpu.vector_store %arg14[%swap3A_534, %swap3A_535, %swap3A_536], %swap3A_539 {strides = array<i32>} : memref<1x64x192xf32, #tpu.memory_space<vmem>>, vector<1x1x16xf32>,
      %get3A_540 = arith.constant 0 : i32
      %get3A_541 = arith.index_cast %get3A_540 : i32 to index
      %get3A_542 = arith.index_cast %scan3A_442 : i32 to index
      %get3A_543 = arith.constant 112 : index
      %get3A_544 = tpu.vector_load %arg14[%get3A_541, %get3A_542, %get3A_543] {strides = array<i32>} : memref<1x64x192xf32, #tpu.memory_space<vmem>>, vector<1x1x16xf32>,
      %get3A_545 = vector.shape_cast %get3A_544 : vector<1x1x16xf32> to vector<16xf32>
      %mul3A_546 = arith.mulf %get3A_545, %broadcast_in_dim3A_371 : vector<16xf32>
      %swap3A_547 = arith.constant 0 : i32
      %swap3A_548 = arith.index_cast %swap3A_547 : i32 to index
      %swap3A_549 = arith.index_cast %scan3A_442 : i32 to index
      %swap3A_550 = arith.constant 112 : index
      %swap3A_551 = tpu.vector_load %arg14[%swap3A_548, %swap3A_549, %swap3A_550] {strides = array<i32>} : memref<1x64x192xf32, #tpu.memory_space<vmem>>, vector<1x1x16xf32>,
      %swap3A_552 = vector.shape_cast %swap3A_551 : vector<1x1x16xf32> to vector<16xf32>
      %swap3A_553 = vector.shape_cast %mul3A_546 : vector<16xf32> to vector<1x1x16xf32>
      tpu.vector_store %arg14[%swap3A_548, %swap3A_549, %swap3A_550], %swap3A_553 {strides = array<i32>} : memref<1x64x192xf32, #tpu.memory_space<vmem>>, vector<1x1x16xf32>,
      %get3A_554 = arith.constant 0 : i32
      %get3A_555 = arith.index_cast %get3A_554 : i32 to index
      %get3A_556 = arith.index_cast %scan3A_442 : i32 to index
      %get3A_557 = arith.constant 128 : index
      %get3A_558 = tpu.vector_load %arg14[%get3A_555, %get3A_556, %get3A_557] {strides = array<i32>} : memref<1x64x192xf32, #tpu.memory_space<vmem>>, vector<1x1x16xf32>,
      %get3A_559 = vector.shape_cast %get3A_558 : vector<1x1x16xf32> to vector<16xf32>
      %mul3A_560 = arith.mulf %get3A_559, %broadcast_in_dim3A_371 : vector<16xf32>
      %swap3A_561 = arith.constant 0 : i32
      %swap3A_562 = arith.index_cast %swap3A_561 : i32 to index
      %swap3A_563 = arith.index_cast %scan3A_442 : i32 to index
      %swap3A_564 = arith.constant 128 : index
      %swap3A_565 = tpu.vector_load %arg14[%swap3A_562, %swap3A_563, %swap3A_564] {strides = array<i32>} : memref<1x64x192xf32, #tpu.memory_space<vmem>>, vector<1x1x16xf32>,
      %swap3A_566 = vector.shape_cast %swap3A_565 : vector<1x1x16xf32> to vector<16xf32>
      %swap3A_567 = vector.shape_cast %mul3A_560 : vector<16xf32> to vector<1x1x16xf32>
      tpu.vector_store %arg14[%swap3A_562, %swap3A_563, %swap3A_564], %swap3A_567 {strides = array<i32>} : memref<1x64x192xf32, #tpu.memory_space<vmem>>, vector<1x1x16xf32>,
      %get3A_568 = arith.constant 0 : i32
      %get3A_569 = arith.index_cast %get3A_568 : i32 to index
      %get3A_570 = arith.index_cast %scan3A_442 : i32 to index
      %get3A_571 = arith.constant 144 : index
      %get3A_572 = tpu.vector_load %arg14[%get3A_569, %get3A_570, %get3A_571] {strides = array<i32>} : memref<1x64x192xf32, #tpu.memory_space<vmem>>, vector<1x1x16xf32>,
      %get3A_573 = vector.shape_cast %get3A_572 : vector<1x1x16xf32> to vector<16xf32>
      %mul3A_574 = arith.mulf %get3A_573, %broadcast_in_dim3A_371 : vector<16xf32>
      %swap3A_575 = arith.constant 0 : i32
      %swap3A_576 = arith.index_cast %swap3A_575 : i32 to index
      %swap3A_577 = arith.index_cast %scan3A_442 : i32 to index
      %swap3A_578 = arith.constant 144 : index
      %swap3A_579 = tpu.vector_load %arg14[%swap3A_576, %swap3A_577, %swap3A_578] {strides = array<i32>} : memref<1x64x192xf32, #tpu.memory_space<vmem>>, vector<1x1x16xf32>,
      %swap3A_580 = vector.shape_cast %swap3A_579 : vector<1x1x16xf32> to vector<16xf32>
      %swap3A_581 = vector.shape_cast %mul3A_574 : vector<16xf32> to vector<1x1x16xf32>
      tpu.vector_store %arg14[%swap3A_576, %swap3A_577, %swap3A_578], %swap3A_581 {strides = array<i32>} : memref<1x64x192xf32, #tpu.memory_space<vmem>>, vector<1x1x16xf32>,
      %get3A_582 = arith.constant 0 : i32
      %get3A_583 = arith.index_cast %get3A_582 : i32 to index
      %get3A_584 = arith.index_cast %scan3A_442 : i32 to index
      %get3A_585 = arith.constant 160 : index
      %get3A_586 = tpu.vector_load %arg14[%get3A_583, %get3A_584, %get3A_585] {strides = array<i32>} : memref<1x64x192xf32, #tpu.memory_space<vmem>>, vector<1x1x16xf32>,
      %get3A_587 = vector.shape_cast %get3A_586 : vector<1x1x16xf32> to vector<16xf32>
      %mul3A_588 = arith.mulf %get3A_587, %broadcast_in_dim3A_371 : vector<16xf32>
      %swap3A_589 = arith.constant 0 : i32
      %swap3A_590 = arith.index_cast %swap3A_589 : i32 to index
      %swap3A_591 = arith.index_cast %scan3A_442 : i32 to index
      %swap3A_592 = arith.constant 160 : index
      %swap3A_593 = tpu.vector_load %arg14[%swap3A_590, %swap3A_591, %swap3A_592] {strides = array<i32>} : memref<1x64x192xf32, #tpu.memory_space<vmem>>, vector<1x1x16xf32>,
      %swap3A_594 = vector.shape_cast %swap3A_593 : vector<1x1x16xf32> to vector<16xf32>
      %swap3A_595 = vector.shape_cast %mul3A_588 : vector<16xf32> to vector<1x1x16xf32>
      tpu.vector_store %arg14[%swap3A_590, %swap3A_591, %swap3A_592], %swap3A_595 {strides = array<i32>} : memref<1x64x192xf32, #tpu.memory_space<vmem>>, vector<1x1x16xf32>,
      %get3A_596 = arith.constant 0 : i32
      %get3A_597 = arith.index_cast %get3A_596 : i32 to index
      %get3A_598 = arith.index_cast %scan3A_442 : i32 to index
      %get3A_599 = arith.constant 176 : index
      %get3A_600 = tpu.vector_load %arg14[%get3A_597, %get3A_598, %get3A_599] {strides = array<i32>} : memref<1x64x192xf32, #tpu.memory_space<vmem>>, vector<1x1x16xf32>,
      %get3A_601 = vector.shape_cast %get3A_600 : vector<1x1x16xf32> to vector<16xf32>
      %mul3A_602 = arith.mulf %get3A_601, %broadcast_in_dim3A_371 : vector<16xf32>
      %swap3A_603 = arith.constant 0 : i32
      %swap3A_604 = arith.index_cast %swap3A_603 : i32 to index
      %swap3A_605 = arith.index_cast %scan3A_442 : i32 to index
      %swap3A_606 = arith.constant 176 : index
      %swap3A_607 = tpu.vector_load %arg14[%swap3A_604, %swap3A_605, %swap3A_606] {strides = array<i32>} : memref<1x64x192xf32, #tpu.memory_space<vmem>>, vector<1x1x16xf32>,
      %swap3A_608 = vector.shape_cast %swap3A_607 : vector<1x1x16xf32> to vector<16xf32>
      %swap3A_609 = vector.shape_cast %mul3A_602 : vector<16xf32> to vector<1x1x16xf32>
      tpu.vector_store %arg14[%swap3A_604, %swap3A_605, %swap3A_606], %swap3A_609 {strides = array<i32>} : memref<1x64x192xf32, #tpu.memory_space<vmem>>, vector<1x1x16xf32>,
    }
    %scan3A_377 = arith.constant 64 : i32
    %add3A_378 = arith.constant 97 : i32
    %add3A_379 = arith.addi %mul3A_2, %add3A_378 : i32
    %dma_start3A_380 = arith.constant 0 : i32
    %dma_start3A_381 = arith.constant 0 : i32
    %dma_start3A_382 = tpu.memref_slice %arg5[%add3A_379, %dma_start3A_380, %dma_start3A_381] : memref<3136x64x192xf32, #tpu.memory_space<hbm>> -> memref<1x64x192xf32, #tpu.memory_space<hbm>>
    %dma_start3A_383 = arith.constant 0 : i32
    %dma_start3A_384 = arith.constant 0 : i32
    %dma_start3A_385 = tpu.memref_slice %arg5[%add3A_379, %dma_start3A_383, %dma_start3A_384] : memref<3136x64x192xf32, #tpu.memory_space<hbm>> -> memref<1x64x192xf32, #tpu.memory_space<hbm>>
    tpu.enqueue_dma source(%arg14 : memref<1x64x192xf32, #tpu.memory_space<vmem>>) target(%dma_start3A_385 : memref<1x64x192xf32, #tpu.memory_space<hbm>>) target_semaphore(%arg28 : memref<!tpu.dma_semaphore, #tpu.memory_space<semaphore_mem>>)
    %add3A_386 = arith.constant 91 : i32
    %add3A_387 = arith.addi %mul3A_2, %add3A_386 : i32
    %dma_wait3A_388 = arith.constant 0 : i32
    %dma_wait3A_389 = arith.constant 0 : i32
    %dma_wait3A_390 = tpu.memref_slice %arg5[%add3A_387, %dma_wait3A_388, %dma_wait3A_389] : memref<3136x64x192xf32, #tpu.memory_space<hbm>> -> memref<1x64x192xf32, #tpu.memory_space<hbm>>
    %dma_wait3A_391 = arith.constant 0 : i32
    %dma_wait3A_392 = arith.constant 0 : i32
    %dma_wait3A_393 = tpu.memref_slice %arg5[%add3A_387, %dma_wait3A_391, %dma_wait3A_392] : memref<3136x64x192xf32, #tpu.memory_space<hbm>> -> memref<1x64x192xf32, #tpu.memory_space<hbm>>
    tpu.wait_dma2 semaphore(%arg22 : memref<!tpu.dma_semaphore, #tpu.memory_space<semaphore_mem>>) src(%arg8 : memref<1x64x192xf32, #tpu.memory_space<vmem>>) dst(%dma_wait3A_393 : memref<1x64x192xf32, #tpu.memory_space<hbm>>)
    %add3A_394 = arith.constant 92 : i32
    %add3A_395 = arith.addi %mul3A_2, %add3A_394 : i32
    %dma_wait3A_396 = arith.constant 0 : i32
    %dma_wait3A_397 = arith.constant 0 : i32
    %dma_wait3A_398 = tpu.memref_slice %arg5[%add3A_395, %dma_wait3A_396, %dma_wait3A_397] : memref<3136x64x192xf32, #tpu.memory_space<hbm>> -> memref<1x64x192xf32, #tpu.memory_space<hbm>>
    %dma_wait3A_399 = arith.constant 0 : i32
    %dma_wait3A_400 = arith.constant 0 : i32
    %dma_wait3A_401 = tpu.memref_slice %arg5[%add3A_395, %dma_wait3A_399, %dma_wait3A_400] : memref<3136x64x192xf32, #tpu.memory_space<hbm>> -> memref<1x64x192xf32, #tpu.memory_space<hbm>>
    tpu.wait_dma2 semaphore(%arg23 : memref<!tpu.dma_semaphore, #tpu.memory_space<semaphore_mem>>) src(%arg9 : memref<1x64x192xf32, #tpu.memory_space<vmem>>) dst(%dma_wait3A_401 : memref<1x64x192xf32, #tpu.memory_space<hbm>>)
    %add3A_402 = arith.constant 93 : i32
    %add3A_403 = arith.addi %mul3A_2, %add3A_402 : i32
    %dma_wait3A_404 = arith.constant 0 : i32
    %dma_wait3A_405 = arith.constant 0 : i32
    %dma_wait3A_406 = tpu.memref_slice %arg5[%add3A_403, %dma_wait3A_404, %dma_wait3A_405] : memref<3136x64x192xf32, #tpu.memory_space<hbm>> -> memref<1x64x192xf32, #tpu.memory_space<hbm>>
    %dma_wait3A_407 = arith.constant 0 : i32
    %dma_wait3A_408 = arith.constant 0 : i32
    %dma_wait3A_409 = tpu.memref_slice %arg5[%add3A_403, %dma_wait3A_407, %dma_wait3A_408] : memref<3136x64x192xf32, #tpu.memory_space<hbm>> -> memref<1x64x192xf32, #tpu.memory_space<hbm>>
    tpu.wait_dma2 semaphore(%arg24 : memref<!tpu.dma_semaphore, #tpu.memory_space<semaphore_mem>>) src(%arg10 : memref<1x64x192xf32, #tpu.memory_space<vmem>>) dst(%dma_wait3A_409 : memref<1x64x192xf32, #tpu.memory_space<hbm>>)
    %add3A_410 = arith.constant 94 : i32
    %add3A_411 = arith.addi %mul3A_2, %add3A_410 : i32
    %dma_wait3A_412 = arith.constant 0 : i32
    %dma_wait3A_413 = arith.constant 0 : i32
    %dma_wait3A_414 = tpu.memref_slice %arg5[%add3A_411, %dma_wait3A_412, %dma_wait3A_413] : memref<3136x64x192xf32, #tpu.memory_space<hbm>> -> memref<1x64x192xf32, #tpu.memory_space<hbm>>
    %dma_wait3A_415 = arith.constant 0 : i32
    %dma_wait3A_416 = arith.constant 0 : i32
    %dma_wait3A_417 = tpu.memref_slice %arg5[%add3A_411, %dma_wait3A_415, %dma_wait3A_416] : memref<3136x64x192xf32, #tpu.memory_space<hbm>> -> memref<1x64x192xf32, #tpu.memory_space<hbm>>
    tpu.wait_dma2 semaphore(%arg25 : memref<!tpu.dma_semaphore, #tpu.memory_space<semaphore_mem>>) src(%arg11 : memref<1x64x192xf32, #tpu.memory_space<vmem>>) dst(%dma_wait3A_417 : memref<1x64x192xf32, #tpu.memory_space<hbm>>)
    %add3A_418 = arith.constant 95 : i32
    %add3A_419 = arith.addi %mul3A_2, %add3A_418 : i32
    %dma_wait3A_420 = arith.constant 0 : i32
    %dma_wait3A_421 = arith.constant 0 : i32
    %dma_wait3A_422 = tpu.memref_slice %arg5[%add3A_419, %dma_wait3A_420, %dma_wait3A_421] : memref<3136x64x192xf32, #tpu.memory_space<hbm>> -> memref<1x64x192xf32, #tpu.memory_space<hbm>>
    %dma_wait3A_423 = arith.constant 0 : i32
    %dma_wait3A_424 = arith.constant 0 : i32
    %dma_wait3A_425 = tpu.memref_slice %arg5[%add3A_419, %dma_wait3A_423, %dma_wait3A_424] : memref<3136x64x192xf32, #tpu.memory_space<hbm>> -> memref<1x64x192xf32, #tpu.memory_space<hbm>>
    tpu.wait_dma2 semaphore(%arg26 : memref<!tpu.dma_semaphore, #tpu.memory_space<semaphore_mem>>) src(%arg12 : memref<1x64x192xf32, #tpu.memory_space<vmem>>) dst(%dma_wait3A_425 : memref<1x64x192xf32, #tpu.memory_space<hbm>>)
    %add3A_426 = arith.constant 96 : i32
    %add3A_427 = arith.addi %mul3A_2, %add3A_426 : i32
    %dma_wait3A_428 = arith.constant 0 : i32
    %dma_wait3A_429 = arith.constant 0 : i32
    %dma_wait3A_430 = tpu.memref_slice %arg5[%add3A_427, %dma_wait3A_428, %dma_wait3A_429] : memref<3136x64x192xf32, #tpu.memory_space<hbm>> -> memref<1x64x192xf32, #tpu.memory_space<hbm>>
    %dma_wait3A_431 = arith.constant 0 : i32
    %dma_wait3A_432 = arith.constant 0 : i32
    %dma_wait3A_433 = tpu.memref_slice %arg5[%add3A_427, %dma_wait3A_431, %dma_wait3A_432] : memref<3136x64x192xf32, #tpu.memory_space<hbm>> -> memref<1x64x192xf32, #tpu.memory_space<hbm>>
    tpu.wait_dma2 semaphore(%arg27 : memref<!tpu.dma_semaphore, #tpu.memory_space<semaphore_mem>>) src(%arg13 : memref<1x64x192xf32, #tpu.memory_space<vmem>>) dst(%dma_wait3A_433 : memref<1x64x192xf32, #tpu.memory_space<hbm>>)
    %add3A_434 = arith.constant 97 : i32
    %add3A_435 = arith.addi %mul3A_2, %add3A_434 : i32
    %dma_wait3A_436 = arith.constant 0 : i32
    %dma_wait3A_437 = arith.constant 0 : i32
    %dma_wait3A_438 = tpu.memref_slice %arg5[%add3A_435, %dma_wait3A_436, %dma_wait3A_437] : memref<3136x64x192xf32, #tpu.memory_space<hbm>> -> memref<1x64x192xf32, #tpu.memory_space<hbm>>
    %dma_wait3A_439 = arith.constant 0 : i32
    %dma_wait3A_440 = arith.constant 0 : i32
    %dma_wait3A_441 = tpu.memref_slice %arg5[%add3A_435, %dma_wait3A_439, %dma_wait3A_440] : memref<3136x64x192xf32, #tpu.memory_space<hbm>> -> memref<1x64x192xf32, #tpu.memory_space<hbm>>
    tpu.wait_dma2 semaphore(%arg28 : memref<!tpu.dma_semaphore, #tpu.memory_space<semaphore_mem>>) src(%arg14 : memref<1x64x192xf32, #tpu.memory_space<vmem>>) dst(%dma_wait3A_441 : memref<1x64x192xf32, #tpu.memory_space<hbm>>)
    return
  }
}

</mosaic_0001>

<sc_bundles>
// kernel: kernel.3.cloned.1.call-start
scs
__scs_entry_jumppad:
0x0: {  	(pc) =	sbr.rel $0x88, $3  }
0x1: {  	(tag) =	ssettag $0x0;
	lr =	simm.s32 $0x1  }
0x2: {  	[smem:$0x3F9E] =	sst lr;
	_ =	strace $0xD0000000  }
0x3: {  	_ = 	snop  }
0x4: {  	_ = 	snop  }
0x5: {  	_ = 	snop  }
0x6: {  	_ = 	snop  }
0x7: {  	_ = 	snop  }
__scs_overlays_trampoline_lowered:
0x8: {  	[smem:$0x3FAD] =	sst s0  }
0x9: {  	[smem:$0x3FAE] =	sst s1  }
0xa: {  	[smem:$0x3FAF] =	sst s2  }
0xb: {  	[smem:$0x3FB0] =	sst s3  }
0xc: {  	[smem:$0x3FB1] =	sst s4  }
0xd: {  	[smem:$0x3FB2] =	sst s5  }
0xe: {  	[smem:$0x3FB3] =	sst s6  }
0xf: {  	[smem:$0x3FB4] =	sst s7  }
0x10: {  	[smem:$0x3FB5] =	sst s8  }
0x11: {  	[smem:$0x3FB6] =	sst s9;
	s0 =	simm.s32 @!p0 $0x0  }
0x12: {  	s1 =	sld [smem:$0x3F9C];
	s0 =	simm.s32 @p0 $0x1  }
0x13: {  	[smem:$0x3FB7] =	sst s0;
	s0 =	simm.s32 @!p1 $0x0  }
0x14: {  	s2 =	sld [smem:$0x3F9B];
	s0 =	simm.s32 @p1 $0x1  }
0x15: {  	[smem:$0x3FB8] =	sst s0;
	s0 =	simm.s32 @!p2 $0x0  }
0x16: {  	s3 =	sld [smem:$0x3FDB];
	s0 =	simm.s32 @p2 $0x1  }
0x17: {  	s4 =	simm.s32 $0x1BF5;
	[smem:$0x3FBA] =	sst s0  }
0x18: {  	s0 =	sld [smem:$0x3F9D];
	_ =	swait.ge [sflag:s4], $0x0  }
0x19: {  	s7 =	sld [smem:$0x3F9E]  }
0x1a: {  	s8 =	sadd.s32 $0xFFFFE003, lr  }
0x1b: {  	s9 =	sadd.s32 $0xFFFFFEF7, lr;
	s5 =	simm.s32 $0xFFFFFFFF;
	p2 =	slt.u32 s8, $0xFFFFF086  }
0x1c: {  	p1 =	slt.u32 s9, $0xF7A;
	s5 =	simm.s32 @!p2 $0x0  }
0x1d: {  	s5 =	simm.s32 @p1 $0x1;
	p0 =	seq.s32 s7, s2  }
0x1e: {  	s7 =	smul.u32 @!p0 $0xF7A, s2;
	p2 =	seq.s32 @!p0 s5, $0x0  }
0x1f: {  	s9 =	smul.u32 $0xF7A, s1;
	s8 =	simm.s32 @!p0 $0x1BF5;
	p2 =	por !p2, p0  }
0x20: {  	[sflag:s8] =	ssyncset.s32 @!p0 $0xFFFFF086;
	s6 =	sadd.s32 @!p0 s3, s7;
	s7 =	simm.s32 @!p0 $0x108  }
0x21: {  	s3 =	sadd.s32 s3, s9;
	s6 =	sadd.s32 @!p0 $0x88, s6;
	s7 =	simm.s32 @p2 $0x1082  }
0x22: {  	[simem:s7], [sflag:s8] =	dma.local @!p0 [hbm:s6], $0xF7A  }
0x23: {  	s9 =	sor.u32 $0xD0000000, s2;
	s6 =	simm.s32 $0x108;
	_ =	swait.ge @!p0 [sflag:s8], $0x0  }
0x24: {  	s3 =	sadd.s32 $0x88, s3;
	s6 =	simm.s32 @!p1 $0x1082;
	[sflag:s4] =	ssyncset.s32 $0xFFFFF086  }
0x25: {  	[simem:s6], [sflag:s4] =	dma.local [hbm:s3], $0xF7A  }
0x26: {  	[smem:$0x3F9E] =	sst s1;
	(tag) =	ssettag s2;
	_ =	strace s9  }
0x27: {  	s1 =	sld [smem:$0x3FAE]  }
0x28: {  	s2 =	sld [smem:$0x3FAF]  }
0x29: {  	s4 =	sld [smem:$0x3FB1]  }
0x2a: {  	p0 =	seq.s32 s5, $0x0;
	s5 =	sld [smem:$0x3FB2]  }
0x2b: {  	s6 =	sld [smem:$0x3FB3]  }
0x2c: {  	s7 =	sld [smem:$0x3FB4]  }
0x2d: {  	s3 =	simm.s32 $0x108;
	s8 =	sld [smem:$0x3FB5]  }
0x2e: {  	s3 =	simm.s32 @!p0 $0x1082;
	s9 =	sld [smem:$0x3FB6]  }
0x2f: {  	lr =	sadd.s32 s0, s3;
	s0 =	sld [smem:$0x3FAD]  }
0x30: {  	s3 =	sld [smem:$0x3FB0]  }
0x31: {  	[smem:$0x3FB9] =	sst s10  }
0x32: {  	s10 =	sld [smem:$0x3FB7];
	_ =	sdelay $0x3  }
0x33: {  	p0 =	seq.s32 s10, $0x1;
	s10 =	sld [smem:$0x3FB9];
	_ =	sdelay $0x3  }
0x34: {  	[smem:$0x3FB9] =	sst s10  }
0x35: {  	s10 =	sld [smem:$0x3FB8];
	_ =	sdelay $0x3  }
0x36: {  	p1 =	seq.s32 s10, $0x1;
	s10 =	sld [smem:$0x3FB9];
	_ =	sdelay $0x3  }
0x37: {  	[smem:$0x3FB9] =	sst s10  }
0x38: {  	s10 =	sld [smem:$0x3FBA]  }
0x39: {  	_ = 	snop;
	(pc) =	sbr.ind lr, $3  }
0x3a: {  	_ = 	snop  }
0x3b: {  	_ = 	snop  }
0x3c: {  	p2 =	seq.s32 s10, $0x1;
	s10 =	sld [smem:$0x3FB9]  }
0x3d: {  	_ =	shalt  }
0x3e: {  	_ =	shalt  }
0x3f: {  	_ =	shalt  }
0x40: {  	_ =	shalt  }
0x41: {  	_ =	shalt  }
0x42: {  	_ =	shalt  }
0x43: {  	_ =	shalt  }
0x44: {  	_ =	shalt  }
0x45: {  	_ =	shalt  }
0x46: {  	_ =	shalt  }
0x47: {  	_ =	shalt  }
0x48: {  	_ =	shalt  }
0x49: {  	_ =	shalt  }
0x4a: {  	_ =	shalt  }
0x4b: {  	_ =	shalt  }
0x4c: {  	_ =	shalt  }
0x4d: {  	_ =	shalt  }
0x4e: {  	_ =	shalt  }
0x4f: {  	_ =	shalt  }
0x50: {  	_ =	shalt  }
0x51: {  	_ =	shalt  }
0x52: {  	_ =	shalt  }
0x53: {  	_ =	shalt  }
0x54: {  	_ =	shalt  }
0x55: {  	_ =	shalt  }
0x56: {  	_ =	shalt  }
0x57: {  	_ =	shalt  }
0x58: {  	_ =	shalt  }
0x59: {  	_ =	shalt  }
0x5a: {  	_ =	shalt  }
0x5b: {  	_ =	shalt  }
0x5c: {  	_ =	shalt  }
0x5d: {  	_ =	shalt  }
0x5e: {  	_ =	shalt  }
0x5f: {  	_ =	shalt  }
0x60: {  	_ =	shalt  }
0x61: {  	_ =	shalt  }
0x62: {  	_ =	shalt  }
0x63: {  	_ =	shalt  }
0x64: {  	_ =	shalt  }
0x65: {  	_ =	shalt  }
0x66: {  	_ =	shalt  }
0x67: {  	_ =	shalt  }
0x68: {  	_ =	shalt  }
0x69: {  	_ =	shalt  }
0x6a: {  	_ =	shalt  }
0x6b: {  	_ =	shalt  }
0x6c: {  	_ =	shalt  }
0x6d: {  	_ =	shalt  }
0x6e: {  	_ =	shalt  }
0x6f: {  	_ =	shalt  }
0x70: {  	_ =	shalt  }
0x71: {  	_ =	shalt  }
0x72: {  	_ =	shalt  }
0x73: {  	_ =	shalt  }
0x74: {  	_ =	shalt  }
0x75: {  	_ =	shalt  }
0x76: {  	_ =	shalt  }
0x77: {  	_ =	shalt  }
0x78: {  	_ =	shalt  }
0x79: {  	_ =	shalt  }
0x7a: {  	_ =	shalt  }
0x7b: {  	_ =	shalt  }
0x7c: {  	_ =	shalt  }
0x7d: {  	_ =	shalt  }
0x7e: {  	_ =	shalt  }
0x7f: {  	_ =	shalt  }
0x80: {  	_ =	shalt  }
0x81: {  	_ =	shalt  }
0x82: {  	_ =	shalt  }
0x83: {  	_ =	shalt  }
0x84: {  	_ =	shalt  }
0x85: {  	_ =	shalt  }
0x86: {  	_ =	shalt  }
0x87: {  	_ =	shalt  }
.Lfunc_end0:
.L_simem_size_0:
called_computation_lowered:
.L_overlay_start_0:
0x88: {  	s2 =	sld [smem:$0x3FD9]  }
0x89: {  	s3 =	sld [smem:$0x3FFE];
	_ =	sdelay $0x1  }
0x8a: {  	s1 =	srdreg.scid  }
0x8b: {  	s0 =	sand.u32 $0x1, s1  }
0x8c: {  	s17 =	sshll.u32 s0, $0xA;
	s2 =	sadd.s32 s3, s2  }
0x8d: {  	s2 =	sadd.s32 s2, s17  }
0x8e: {  	[smem:$0x3FC5] =	sst s2  }
0x8f: {  	_ = 	snop  }
0x90: {  	s2 =	sld [smem:$0x3FC7]  }
0x91: {  	s18 =	sld [smem:$0x3FD0];
	(tm) =	ssettm $0x1  }
0x92: {  	s4 =	sld [smem:$0x3FFB];
	_ =	sdelay $0x3  }
0x93: {  	_ =	strace s4  }
0x94: {  	s4 =	sld [smem:$0x3FFC];
	_ =	sdelay $0x3  }
0x95: {  	_ =	strace s4  }
0x96: {  	s4 =	sld [smem:$0x3FFD];
	_ =	sdelay $0x3  }
0x97: {  	_ =	strace s4  }
0x98: {  	_ =	strace $0x8FFFFFFF  }
0x99: {  	s19 =	sld [smem:$0x3FDB];
	_ =	sdelay $0x1  }
0x9a: {  	s5 =	simm.s32 $_scs_section_size  }
0x9b: {  	s6 =	simm.s32 $_size__tile_overlayer_lowered;
	s7 =	simm.s32 $_tile_overlayer_lowered  }
0x9c: {  	s22 =	simm.s32 $0x1BFF;
	s21 =	sshll.u32 s7, $0x1;
	s4 =	sadd.s32 s5, s19  }
0x9d: {  	s8 =	simm.s32 $0x0;
	s20 =	sshll.u32 s6, $0x1;
	s6 =	sadd.s32 s21, s4  }
0x9e: {  	[timem:s8], [sflag:s22] =	dma.local [hbm:s6], s20  }
0x9f: {  	_ =	swait.ge [sflag:s22], s20  }
0xa0: {  	s5 =	ssub.s32 $0x0, s20;
	[sflag:s22] =	ssyncset.done $0x0  }
0xa1: {  	[sflag:s22] =	ssyncadd.s32 s5;
	_ =	sdelay $0x1  }
0xa2: {  	s23 =	simm.s32 $0x1B8B  }
0xa3: {  	_ =	swait.ge [sflag:s23], $0x1  }
0xa4: {  	[sflag:s23] =	ssyncset.done $0x0  }
0xa5: {  	s25 =	simm.s32 $0x1B8E;
	s24 =	sld [smem:$0x3FFE];
	[sflag:s23] =	ssyncadd.s32 $0xFFFFFFFF  }
0xa6: {  	s26 =	simm.s32 $execute0_lowered;
	[smem:$0x3FD2] =	sst s25  }
0xa7: {  	s6 =	sshll.u32 s26, $0x1;
	_ =	strace $0x80000046;
	[dreg:$0x1] =	wrdreg $0xFFFFFFFF  }
0xa8: {  	s28 =	simm.s32 $_size_execute0_lowered;
	s4 =	sadd.s32 s4, s6;
	[dreg:$0x0] =	wrdreg $0x0  }
0xa9: {  	s6 =	sshll.u32 s28, $0x1;
	[dreg:$0x2] =	wrdreg s4  }
0xaa: {  	[dreg:$0x3] =	wrdreg s6  }
0xab: {  	[dreg:$0x4] =	wrdreg $0xC0  }
0xac: {  	_ =	task [dreg:s8], $0x5FFFF  }
0xad: {  	[dreg:$0x1] =	wrdreg $0xFFFFFFFF  }
0xae: {  	[dreg:$0x0] =	wrdreg $0x60  }
0xaf: {  	[dreg:$0x2] =	wrdreg s24  }
0xb0: {  	[dreg:$0x3] =	wrdreg s2  }
0xb1: {  	[dreg:$0x4] =	wrdreg s18  }
0xb2: {  	[dreg:$0x5] =	wrdreg $0x9  }
0xb3: {  	_ =	task.clear_ibuf [dreg:s8], $0x6FFFF;
	_ =	strace $0x90000046  }
0xb4: {  	s29 =	simm.s32 $0x9;
	_ =	strace $0x80000048  }
0xb5: {  	_ =	swait.ge [sflag:s29], $0x1  }
0xb6: {  	[sflag:s29] =	ssyncadd.s32 $0xFFFFFFFF  }
0xb7: {  	_ =	strace $0x90000048  }
0xb8: {  	_ =	sfence  }
0xb9: {  	s30 =	sld [smem:$0x0];
	_ =	sdelay $0x2  }
0xba: {  	s31 =	sshll.u32 s1, $0xD;
	s1 =	sshrl.u32 s1, $0x2  }
0xbb: {  	s3 =	sand.u32 $0x4000, s31;
	s1 =	sadd.s32 s1, s30  }
0xbc: {  	s0 =	sor.u32 s3, s0;
	s1 =	sshll.u32 s1, $0x11  }
0xbd: {  	s0 =	sor.u32 s1, s0  }
0xbe: {  	s0 =	sadd.s32 $0x8F2B, s0  }
0xbf: {  	[sflag:s0] =	ssyncadd.remote.s32 $0x1  }
0xc0: {  	_ =	sfence.sel $0xFFFF  }
0xc1: {  	[dreg:$0x0] =	wrdreg $0xFFFFFFFF;
	(pc) =	sbr.abs _section_cstart, $3  }
0xc2: {  	[dreg:$0x1] =	wrdreg $0xFFFFFFFF  }
0xc3: {  	_ =	task.clear_ibuf [dreg:s8], $0x2FFFF;
	_ =	strace $0x9FFFFFFF  }
0xc4: {  	(tm) =	ssettm $0x7FFFFFFF  }
0xc5: {  	_ =	shalt  }
tec
execute0_lowered:
.L_overlay_start_1:
0x0: {  	(tag) =	ssettag $0x1  }
0x1: {  	s0 =	rddreg [dreg:$0x0]  }
0x2: {  	s2 =	rddreg [dreg:$0x1]  }
0x3: {  	s3 =	rddreg [dreg:$0x2]  }
0x4: {  	s1 =	srdreg.scid;
	s9 =	stileid.u32  }
0x5: {  	s4 =	simm.s32 $0x0;
	s28 =	simm.s32 $0x18100;
	s29 =	simm.s32 $0x3  }
0x6: {  	s30 =	simm.s32 $0x8;
	s31 =	simm.s32 $0x4;
	s10 =	simm.s32 $0xC  }
0x7: {  	s12 =	simm.s32 $0x0;
	s1 =	sand.u32 $0x1, s1;
	s5 =	sshll.u32 s9, $0x1  }
0x8: {  	[smem:$0x7FF] =	sst s4;
	s16 =	sshrl.u32 s9, $0x1;
	s5 =	sor.u32 s1, s5  }
0x9: {  	s9 =	simm.s32 $0x7;
	s1 =	ssub.s32 $0x2, s1;
	s6 =	sshll.u32 s5, $0x4  }
0xa: {  	s7 =	sshrl.u32 s1, $0x1;
	s8 =	smul.u32 $0x188000, s5;
	s0 =	sadd.s32 s6, s0  }
0xb: {  	_ =	strace $0x80000047;
	s1 =	ssub.s32 s1, s7;
	s18 =	sadd.s32 $0x400, s0  }
0xc: {  	s17 =	sshrl.u32 s8, $0x3;
	s0 =	sadd.s32 $0x600, s0;
	[dreg:$0x4] =	wrdreg s18  }
0xd: {  	s26 =	smax.u32 s1, $0x1;
	s7 =	sadd.s32 s3, s17;
	[dreg:$0x5] =	wrdreg s0  }
0xe: {  	s5 =	smul.u32 $0x62, s5;
	[dreg:$0xd] =	wrdreg s26;
	s19 =	sadd.s32 $0x2D800, s7  }
0xf: {  	s6 =	smul.u32 $0x31, s16;
	s20 =	sadd.s32 $0x2E000, s7;
	[dreg:$0x6] =	wrdreg s19  }
0x10: {  	s1 =	simm.s32 $0x5;
	s21 =	sadd.s32 $0x2E800, s7;
	[dreg:$0x7] =	wrdreg s20  }
0x11: {  	s8 =	simm.s32 $0xB;
	s22 =	sadd.s32 $0x2F000, s7;
	[dreg:$0x8] =	wrdreg s21  }
0x12: {  	s26 =	simm.s32 $0x2;
	s23 =	sadd.s32 $0x2F800, s7;
	[dreg:$0x9] =	wrdreg s22  }
0x13: {  	s0 =	simm.s32 $0x9;
	s24 =	sadd.s32 $0x30000, s7;
	[dreg:$0xa] =	wrdreg s23  }
0x14: {  	s18 =	simm.s32 $0xA;
	s25 =	sadd.s32 $0x30800, s7;
	[dreg:$0xb] =	wrdreg s24  }
0x15: {  	s7 =	simm.s32 $0x6;
	[dreg:$0xc] =	wrdreg s25;
	s22 =	simm.s32 $0x100  }
0x16: {  	s23 =	simm.s32 $0x10100;
	s24 =	simm.s32 $0x1;
	s25 =	simm.s32 $0x14100  }
.LBB2_1:
0x17: {  	[dreg:$0xe] =	wrdreg s12  }
0x18: {  	s11 =	rddreg [dreg:$0x4];
	s20 =	simm.s32 $0xF  }
0x19: {  	[tilespmem:s4], [sflag:$0xF] =	stream.linear.gather [hbm4b:s11+s4], $0x80, $0x38;
	[tilespmem:$0x1C100] =	vst v63  }
0x1a: {  	_ =	swait.ge [sflag:s20], $0x80  }
0x1b: {  	[sflag:s20] =	ssyncset.done $0x0  }
0x1c: {  	s13 =	simm.s32 $0x80;
	s21 =	rddreg [dreg:$0x5];
	[sflag:s20] =	ssyncadd.s32 $0xFFFFFF80  }
0x1d: {  	[tilespmem:s13], [sflag:$0xF] =	stream.linear.gather [hbm4b:s21+s4], $0x80, $0x38;
	[tilespmem:$0x1C100] =	vst v63  }
0x1e: {  	_ =	swait.ge [sflag:s20], $0x80  }
0x1f: {  	[sflag:s20] =	ssyncset.done $0x0  }
0x20: {  	[sflag:s20] =	ssyncadd.s32 $0xFFFFFF80  }
0x21: {  	v0 =	vld [tilespmem:$0x0];
	_ =	sdelay $0x4  }
0x22: {  	(v2sf) =	vpush v0, $0x0;
	_ =	sdelay $0xe  }
0x23: {  	s13 =	spop (v2sf)  }
0x24: {  	s11 =	sadd.s32 s6, s13  }
0x25: {  	s11 =	sshll.u32 s11, $0xB  }
0x26: {  	s11 =	sand.u32 $0x1FFFF800, s11  }
0x27: {  	s11 =	sadd.s32 s2, s11  }
0x28: {  	[tilespmem:s22], [sflag:$0x1] =	stream.linear.gather [hbm4b:s11+s4], $0x4000, $0x38;
	[tilespmem:$0x1C100] =	vst v63  }
0x29: {  	v60 =	vld [tilespmem:$0x1];
	_ =	sdelay $0x4  }
0x2a: {  	(v2sf) =	vpush v60, $0x0;
	_ =	sdelay $0xe  }
0x2b: {  	s14 =	spop (v2sf)  }
0x2c: {  	s11 =	sadd.s32 s6, s14  }
0x2d: {  	s11 =	sshll.u32 s11, $0xB  }
0x2e: {  	s11 =	sand.u32 $0x1FFFF800, s11  }
0x2f: {  	s15 =	simm.s32 $0x4100;
	s11 =	sadd.s32 s2, s11  }
0x30: {  	[tilespmem:s15], [sflag:$0x2] =	stream.linear.gather [hbm4b:s11+s4], $0x4000, $0x38;
	[tilespmem:$0x1C100] =	vst v63  }
0x31: {  	v61 =	vld [tilespmem:$0x2];
	_ =	sdelay $0x4  }
0x32: {  	(v2sf) =	vpush v61, $0x0;
	_ =	sdelay $0xe  }
0x33: {  	s16 =	spop (v2sf)  }
0x34: {  	s11 =	sadd.s32 s6, s16  }
0x35: {  	s11 =	sshll.u32 s11, $0xB  }
0x36: {  	s11 =	sand.u32 $0x1FFFF800, s11  }
0x37: {  	s17 =	simm.s32 $0x8100;
	s11 =	sadd.s32 s2, s11  }
0x38: {  	[tilespmem:s17], [sflag:$0x3] =	stream.linear.gather [hbm4b:s11+s4], $0x4000, $0x38;
	[tilespmem:$0x1C100] =	vst v63  }
0x39: {  	v62 =	vld [tilespmem:$0x3];
	_ =	sdelay $0x4  }
0x3a: {  	(v2sf) =	vpush v62, $0x0;
	_ =	sdelay $0xe  }
0x3b: {  	s19 =	spop (v2sf)  }
0x3c: {  	s11 =	sadd.s32 s6, s19  }
0x3d: {  	s11 =	sshll.u32 s11, $0xB  }
0x3e: {  	s11 =	sand.u32 $0x1FFFF800, s11  }
0x3f: {  	s20 =	simm.s32 $0xC100;
	s11 =	sadd.s32 s2, s11  }
0x40: {  	[tilespmem:s20], [sflag:$0x4] =	stream.linear.gather [hbm4b:s11+s4], $0x4000, $0x38;
	[tilespmem:$0x1C100] =	vst v63  }
0x41: {  	v63 =	vld [tilespmem:$0x4];
	_ =	sdelay $0x4  }
0x42: {  	(v2sf) =	vpush v63, $0x0;
	_ =	sdelay $0xe  }
0x43: {  	s21 =	spop (v2sf)  }
0x44: {  	s11 =	sadd.s32 s6, s21  }
0x45: {  	s11 =	sshll.u32 s11, $0xB  }
0x46: {  	s11 =	sand.u32 $0x1FFFF800, s11  }
0x47: {  	s14 =	simm.s32 $0x0;
	s11 =	sadd.s32 s2, s11  }
0x48: {  	[tilespmem:s23], [sflag:$0x5] =	stream.linear.gather [hbm4b:s11+s4], $0x4000, $0x38;
	[tilespmem:$0x1C100] =	vst v63  }
.LBB2_2:
0x49: {  	_ =	swait.ge [sflag:s24], $0x4000  }
0x4a: {  	s15 =	smul.u32 $0x7, s14;
	s11 =	simm.s32 $0x0;
	[sflag:s24] =	ssyncset.done $0x0  }
0x4b: {  	s12 =	sand.u32 $0x3800, s11;
	s11 =	sand.u32 $0x380, s11;
	[sflag:s24] =	ssyncadd.s32 $0xFFFFC000  }
0x4c: {  	s11 =	sor.u32 s11, s12;
	v0 =	vld.msk [tilespmem:s15+$0x80 ss:$0x0], $0xffff  }
0x4d: {  	v1 =	vld [tilespmem:s11+$0x100]  }
0x4e: {  	v2 =	vld [tilespmem:s11+$0x110]  }
0x4f: {  	v3 =	vld [tilespmem:s11+$0x120]  }
0x50: {  	v5 =	vld [tilespmem:s11+$0x130]  }
0x51: {  	v6 =	vld [tilespmem:s11+$0x140]  }
0x52: {  	v4 =	vld [tilespmem:s11+$0x150];
	v7 =	vmul.f32 v1, v0  }
0x53: {  	v8 =	vmul.f32 v2, v0;
	v1 =	vld [tilespmem:s11+$0x160]  }
0x54: {  	v9 =	vmul.f32 v3, v0;
	v2 =	vld [tilespmem:s11+$0x170];
	[tilespmem:s11+$0x100] =	vst v7  }
0x55: {  	v3 =	vld [tilespmem:s11+$0x500];
	[tilespmem:s11+$0x110] =	vst v8;
	v7 =	vmul.f32 v5, v0  }
0x56: {  	s13 =	simm.s32 $0x100;
	s12 =	simm.s32 $0x80;
	v6 =	vmul.f32 v6, v0;
	[tilespmem:s11+$0x120] =	vst v9;
	v5 =	vld [tilespmem:s11+$0x510]  }
.LBB2_3:
0x57: {  	s16 =	sand.u32 $0x3800, s13;
	s17 =	sand.u32 $0x380, s12;
	p0 =	sne.s32 s13, $0x3F00;
	[tilespmem:s11+$0x130] =	vst v7;
	v4 =	vmul.f32 v4, v0;
	v7 =	vld [tilespmem:s11+$0x520]  }
0x58: {  	s16 =	sor.u32 s17, s16;
	[tilespmem:s11+$0x140] =	vst v6;
	v1 =	vmul.f32 v1, v0;
	v6 =	vld [tilespmem:s11+$0x530]  }
0x59: {  	v8 =	vld [tilespmem:s16+$0x100];
	[tilespmem:s11+$0x150] =	vst v4;
	v2 =	vmul.f32 v2, v0  }
0x5a: {  	v9 =	vld [tilespmem:s16+$0x110];
	[tilespmem:s11+$0x160] =	vst v1;
	v1 =	vmul.f32 v3, v0  }
0x5b: {  	v3 =	vld [tilespmem:s16+$0x120];
	[tilespmem:s11+$0x170] =	vst v2;
	v2 =	vmul.f32 v5, v0  }
0x5c: {  	v5 =	vld [tilespmem:s16+$0x130];
	[tilespmem:s11+$0x500] =	vst v1;
	v1 =	vmul.f32 v7, v0  }
0x5d: {  	v10 =	vld [tilespmem:s16+$0x140];
	[tilespmem:s11+$0x510] =	vst v2;
	v2 =	vmul.f32 v6, v0  }
.Ltmp0:
0x5e: {  	v6 =	vmul.f32 v8, v0;
	v4 =	vld [tilespmem:s16+$0x150];
	[tilespmem:s11+$0x520] =	vst v1;
	(pc) =	sbr.rel @p0 .LBB2_3-.Ltmp0, $4  }
0x5f: {  	v7 =	vmul.f32 v9, v0;
	v1 =	vld [tilespmem:s16+$0x160];
	[tilespmem:s11+$0x530] =	vst v2;
	s11 =	smov.u32 s16  }
0x60: {  	[tilespmem:s11+$0x100] =	vst v6;
	v6 =	vmul.f32 v3, v0;
	v2 =	vld [tilespmem:s11+$0x170]  }
0x61: {  	[tilespmem:s11+$0x110] =	vst v7;
	v7 =	vmul.f32 v5, v0;
	v3 =	vld [tilespmem:s11+$0x500]  }
0x62: {  	s12 =	sadd.s32 $0x80, s12;
	s13 =	sadd.s32 $0x100, s13;
	[tilespmem:s11+$0x120] =	vst v6;
	v6 =	vmul.f32 v10, v0;
	v5 =	vld [tilespmem:s11+$0x510]  }
0x63: {  	[tilespmem:s11+$0x130] =	vst v7;
	v4 =	vmul.f32 v4, v0;
	v7 =	vld [tilespmem:s11+$0x520]  }
0x64: {  	[tilespmem:s11+$0x140] =	vst v6;
	v1 =	vmul.f32 v1, v0;
	v6 =	vld [tilespmem:s11+$0x530]  }
0x65: {  	[tilespmem:s11+$0x150] =	vst v4;
	v2 =	vmul.f32 v2, v0  }
0x66: {  	[tilespmem:s11+$0x160] =	vst v1;
	v1 =	vmul.f32 v3, v0  }
0x67: {  	[tilespmem:s11+$0x170] =	vst v2;
	v2 =	vmul.f32 v5, v0  }
0x68: {  	[tilespmem:s11+$0x500] =	vst v1;
	v1 =	vmul.f32 v7, v0  }
0x69: {  	s12 =	sadd.s32 s5, s15;
	[tilespmem:s11+$0x510] =	vst v2;
	v0 =	vmul.f32 v6, v0  }
0x6a: {  	p0 =	seq.s32 s14, $0x0;
	s12 =	sshll.u32 s12, $0xB;
	[tilespmem:s11+$0x520] =	vst v1  }
0x6b: {  	s17 =	sadd.s32 s3, s12;
	[tilespmem:s11+$0x530] =	vst v0;
	s11 =	simm.s32 @!p0 $0xD  }
0x6c: {  	[hbm4b:s17+s4] =	stream.linear.scatter [tilespmem:s22], [sflag:$0x8], $0x4000, $0x38;
	[tilespmem:$0x1C100] =	vst v63  }
0x6d: {  	_ =	swait.ge @!p0 [sflag:s11], $0x4000  }
0x6e: {  	[sflag:s11] =	ssyncset.done @!p0 $0x0  }
0x6f: {  	[sflag:s11] =	ssyncadd.s32 @!p0 $0xFFFFC000  }
0x70: {  	v0 =	vld [tilespmem:s15+$0x5];
	_ =	sdelay $0x4  }
0x71: {  	(v2sf) =	vpush v0, $0x0;
	_ =	sdelay $0xe  }
0x72: {  	s19 =	spop (v2sf)  }
0x73: {  	s11 =	sadd.s32 s6, s19  }
0x74: {  	s11 =	sshll.u32 s11, $0xB  }
0x75: {  	s11 =	sand.u32 $0x1FFFF800, s11  }
0x76: {  	s20 =	simm.s32 $0x0;
	s11 =	sadd.s32 s2, s11  }
0x77: {  	[tilespmem:s25], [sflag:$0x6] =	stream.linear.gather [hbm4b:s11+s20], $0x4000, $0x38;
	[tilespmem:$0x1C100] =	vst v63  }
0x78: {  	_ =	swait.ge [sflag:s26], $0x4000  }
0x79: {  	[sflag:s26] =	ssyncset.done $0x0  }
0x7a: {  	s21 =	sand.u32 $0x3800, s20;
	s12 =	sand.u32 $0x380, s20;
	[sflag:s26] =	ssyncadd.s32 $0xFFFFC000  }
0x7b: {  	s11 =	sor.u32 s12, s21;
	v0 =	vld.msk [tilespmem:s15+$0x81 ss:$0x0], $0xffff  }
0x7c: {  	v1 =	vld [tilespmem:s11+$0x4100]  }
0x7d: {  	v2 =	vld [tilespmem:s11+$0x4110]  }
0x7e: {  	v4 =	vld [tilespmem:s11+$0x4120]  }
0x7f: {  	v5 =	vld [tilespmem:s11+$0x4130]  }
0x80: {  	v6 =	vld [tilespmem:s11+$0x4140]  }
0x81: {  	v3 =	vld [tilespmem:s11+$0x4150];
	v7 =	vmul.f32 v1, v0  }
0x82: {  	v8 =	vmul.f32 v2, v0;
	v1 =	vld [tilespmem:s11+$0x4160]  }
0x83: {  	v9 =	vmul.f32 v4, v0;
	v2 =	vld [tilespmem:s11+$0x4170];
	[tilespmem:s11+$0x4100] =	vst v7  }
0x84: {  	s13 =	simm.s32 $0x80;
	v4 =	vld [tilespmem:s11+$0x4500];
	[tilespmem:s11+$0x4110] =	vst v8;
	v7 =	vmul.f32 v5, v0  }
0x85: {  	s16 =	simm.s32 $0x100;
	s17 =	sadd.s32 $0x5, s15;
	s12 =	sadd.s32 $0x1, s15;
	v6 =	vmul.f32 v6, v0;
	[tilespmem:s11+$0x4120] =	vst v9;
	v5 =	vld [tilespmem:s11+$0x4510]  }
.LBB2_5:
0x86: {  	s19 =	sand.u32 $0x3800, s16;
	s20 =	sand.u32 $0x380, s13;
	p1 =	sne.s32 s16, $0x3F00;
	[tilespmem:s11+$0x4130] =	vst v7;
	v3 =	vmul.f32 v3, v0;
	v7 =	vld [tilespmem:s11+$0x4520]  }
0x87: {  	s19 =	sor.u32 s20, s19;
	[tilespmem:s11+$0x4140] =	vst v6;
	v1 =	vmul.f32 v1, v0;
	v6 =	vld [tilespmem:s11+$0x4530]  }
0x88: {  	v8 =	vld [tilespmem:s19+$0x4100];
	[tilespmem:s11+$0x4150] =	vst v3;
	v2 =	vmul.f32 v2, v0  }
0x89: {  	v9 =	vld [tilespmem:s19+$0x4110];
	[tilespmem:s11+$0x4160] =	vst v1;
	v1 =	vmul.f32 v4, v0  }
0x8a: {  	v4 =	vld [tilespmem:s19+$0x4120];
	[tilespmem:s11+$0x4170] =	vst v2;
	v2 =	vmul.f32 v5, v0  }
0x8b: {  	v5 =	vld [tilespmem:s19+$0x4130];
	[tilespmem:s11+$0x4500] =	vst v1;
	v1 =	vmul.f32 v7, v0  }
0x8c: {  	v10 =	vld [tilespmem:s19+$0x4140];
	[tilespmem:s11+$0x4510] =	vst v2;
	v2 =	vmul.f32 v6, v0  }
.Ltmp1:
0x8d: {  	v6 =	vmul.f32 v8, v0;
	v3 =	vld [tilespmem:s19+$0x4150];
	[tilespmem:s11+$0x4520] =	vst v1;
	(pc) =	sbr.rel @p1 .LBB2_5-.Ltmp1, $4  }
0x8e: {  	v7 =	vmul.f32 v9, v0;
	v1 =	vld [tilespmem:s19+$0x4160];
	[tilespmem:s11+$0x4530] =	vst v2;
	s11 =	smov.u32 s19  }
0x8f: {  	[tilespmem:s11+$0x4100] =	vst v6;
	v6 =	vmul.f32 v4, v0;
	v2 =	vld [tilespmem:s11+$0x4170]  }
0x90: {  	[tilespmem:s11+$0x4110] =	vst v7;
	v7 =	vmul.f32 v5, v0;
	v4 =	vld [tilespmem:s11+$0x4500]  }
0x91: {  	s13 =	sadd.s32 $0x80, s13;
	s16 =	sadd.s32 $0x100, s16;
	[tilespmem:s11+$0x4120] =	vst v6;
	v6 =	vmul.f32 v10, v0;
	v5 =	vld [tilespmem:s11+$0x4510]  }
0x92: {  	[tilespmem:s11+$0x4130] =	vst v7;
	v3 =	vmul.f32 v3, v0;
	v7 =	vld [tilespmem:s11+$0x4520]  }
0x93: {  	[tilespmem:s11+$0x4140] =	vst v6;
	v1 =	vmul.f32 v1, v0;
	v6 =	vld [tilespmem:s11+$0x4530]  }
0x94: {  	[tilespmem:s11+$0x4150] =	vst v3;
	v2 =	vmul.f32 v2, v0  }
0x95: {  	[tilespmem:s11+$0x4160] =	vst v1;
	v1 =	vmul.f32 v4, v0  }
0x96: {  	[tilespmem:s11+$0x4170] =	vst v2;
	v2 =	vmul.f32 v5, v0  }
0x97: {  	s12 =	sadd.s32 s5, s12;
	[tilespmem:s11+$0x4500] =	vst v1;
	v1 =	vmul.f32 v7, v0  }
0x98: {  	s12 =	sshll.u32 s12, $0xB;
	[tilespmem:s11+$0x4510] =	vst v2;
	v0 =	vmul.f32 v6, v0  }
0x99: {  	s12 =	sand.u32 $0x1FFFF800, s12;
	[tilespmem:s11+$0x4520] =	vst v1  }
0x9a: {  	s16 =	simm.s32 $0x4100;
	s13 =	sadd.s32 s3, s12;
	[tilespmem:s11+$0x4530] =	vst v0;
	s11 =	simm.s32 @!p0 $0xE  }
0x9b: {  	[hbm4b:s13+s4] =	stream.linear.scatter [tilespmem:s16], [sflag:$0x9], $0x4000, $0x38;
	[tilespmem:$0x1C100] =	vst v63  }
0x9c: {  	_ =	swait.ge @!p0 [sflag:s11], $0x4000  }
0x9d: {  	[sflag:s11] =	ssyncset.done @!p0 $0x0  }
0x9e: {  	[sflag:s11] =	ssyncadd.s32 @!p0 $0xFFFFC000  }
0x9f: {  	v0 =	vld [tilespmem:s15+$0x6];
	_ =	sdelay $0x4  }
0xa0: {  	(v2sf) =	vpush v0, $0x0;
	_ =	sdelay $0xe  }
0xa1: {  	s19 =	spop (v2sf)  }
0xa2: {  	s11 =	sadd.s32 s6, s19  }
0xa3: {  	s11 =	sshll.u32 s11, $0xB  }
0xa4: {  	s11 =	sand.u32 $0x1FFFF800, s11  }
0xa5: {  	s20 =	simm.s32 $0x0;
	s11 =	sadd.s32 s2, s11  }
0xa6: {  	[tilespmem:s28], [sflag:$0x7] =	stream.linear.gather [hbm4b:s11+s20], $0x4000, $0x38;
	[tilespmem:$0x1C100] =	vst v63  }
0xa7: {  	_ =	swait.ge [sflag:s29], $0x4000  }
0xa8: {  	[sflag:s29] =	ssyncset.done $0x0  }
0xa9: {  	s21 =	sand.u32 $0x3800, s20;
	s12 =	sand.u32 $0x380, s20;
	[sflag:s29] =	ssyncadd.s32 $0xFFFFC000  }
0xaa: {  	s11 =	sor.u32 s12, s21;
	v0 =	vld.msk [tilespmem:s15+$0x82 ss:$0x0], $0xffff  }
0xab: {  	v1 =	vld [tilespmem:s11+$0x8100]  }
0xac: {  	v2 =	vld [tilespmem:s11+$0x8110]  }
0xad: {  	v4 =	vld [tilespmem:s11+$0x8120]  }
0xae: {  	v5 =	vld [tilespmem:s11+$0x8130]  }
0xaf: {  	v6 =	vld [tilespmem:s11+$0x8140]  }
0xb0: {  	v3 =	vld [tilespmem:s11+$0x8150];
	v7 =	vmul.f32 v1, v0  }
0xb1: {  	v8 =	vmul.f32 v2, v0;
	v1 =	vld [tilespmem:s11+$0x8160]  }
0xb2: {  	v9 =	vmul.f32 v4, v0;
	v2 =	vld [tilespmem:s11+$0x8170];
	[tilespmem:s11+$0x8100] =	vst v7  }
0xb3: {  	s16 =	sadd.s32 $0x6, s15;
	v4 =	vld [tilespmem:s11+$0x8500];
	[tilespmem:s11+$0x8110] =	vst v8;
	v7 =	vmul.f32 v5, v0  }
0xb4: {  	s13 =	simm.s32 $0x80;
	s19 =	simm.s32 $0x100;
	s12 =	sadd.s32 $0x2, s15;
	v6 =	vmul.f32 v6, v0;
	[tilespmem:s11+$0x8120] =	vst v9;
	v5 =	vld [tilespmem:s11+$0x8510]  }
.LBB2_7:
0xb5: {  	s20 =	sand.u32 $0x3800, s19;
	s21 =	sand.u32 $0x380, s13;
	p0 =	sne.s32 s19, $0x3F00;
	[tilespmem:s11+$0x8130] =	vst v7;
	v3 =	vmul.f32 v3, v0;
	v7 =	vld [tilespmem:s11+$0x8520]  }
0xb6: {  	s20 =	sor.u32 s21, s20;
	[tilespmem:s11+$0x8140] =	vst v6;
	v1 =	vmul.f32 v1, v0;
	v6 =	vld [tilespmem:s11+$0x8530]  }
0xb7: {  	v8 =	vld [tilespmem:s20+$0x8100];
	[tilespmem:s11+$0x8150] =	vst v3;
	v2 =	vmul.f32 v2, v0  }
0xb8: {  	v9 =	vld [tilespmem:s20+$0x8110];
	[tilespmem:s11+$0x8160] =	vst v1;
	v1 =	vmul.f32 v4, v0  }
0xb9: {  	v4 =	vld [tilespmem:s20+$0x8120];
	[tilespmem:s11+$0x8170] =	vst v2;
	v2 =	vmul.f32 v5, v0  }
0xba: {  	v5 =	vld [tilespmem:s20+$0x8130];
	[tilespmem:s11+$0x8500] =	vst v1;
	v1 =	vmul.f32 v7, v0  }
0xbb: {  	v10 =	vld [tilespmem:s20+$0x8140];
	[tilespmem:s11+$0x8510] =	vst v2;
	v2 =	vmul.f32 v6, v0  }
.Ltmp2:
0xbc: {  	v6 =	vmul.f32 v8, v0;
	v3 =	vld [tilespmem:s20+$0x8150];
	[tilespmem:s11+$0x8520] =	vst v1;
	(pc) =	sbr.rel @p0 .LBB2_7-.Ltmp2, $4  }
0xbd: {  	v7 =	vmul.f32 v9, v0;
	v1 =	vld [tilespmem:s20+$0x8160];
	[tilespmem:s11+$0x8530] =	vst v2;
	s11 =	smov.u32 s20  }
0xbe: {  	[tilespmem:s11+$0x8100] =	vst v6;
	v6 =	vmul.f32 v4, v0;
	v2 =	vld [tilespmem:s11+$0x8170]  }
0xbf: {  	[tilespmem:s11+$0x8110] =	vst v7;
	v7 =	vmul.f32 v5, v0;
	v4 =	vld [tilespmem:s11+$0x8500]  }
0xc0: {  	s13 =	sadd.s32 $0x80, s13;
	s19 =	sadd.s32 $0x100, s19;
	[tilespmem:s11+$0x8120] =	vst v6;
	v6 =	vmul.f32 v10, v0;
	v5 =	vld [tilespmem:s11+$0x8510]  }
0xc1: {  	[tilespmem:s11+$0x8130] =	vst v7;
	v3 =	vmul.f32 v3, v0;
	v7 =	vld [tilespmem:s11+$0x8520]  }
0xc2: {  	[tilespmem:s11+$0x8140] =	vst v6;
	v1 =	vmul.f32 v1, v0;
	v6 =	vld [tilespmem:s11+$0x8530]  }
0xc3: {  	[tilespmem:s11+$0x8150] =	vst v3;
	v2 =	vmul.f32 v2, v0  }
0xc4: {  	[tilespmem:s11+$0x8160] =	vst v1;
	v1 =	vmul.f32 v4, v0  }
0xc5: {  	[tilespmem:s11+$0x8170] =	vst v2;
	v2 =	vmul.f32 v5, v0  }
0xc6: {  	s12 =	sadd.s32 s5, s12;
	[tilespmem:s11+$0x8500] =	vst v1;
	v1 =	vmul.f32 v7, v0  }
0xc7: {  	s12 =	sshll.u32 s12, $0xB;
	[tilespmem:s11+$0x8510] =	vst v2;
	v0 =	vmul.f32 v6, v0  }
0xc8: {  	s12 =	sand.u32 $0x1FFFF800, s12;
	[tilespmem:s11+$0x8520] =	vst v1  }
0xc9: {  	s20 =	simm.s32 $0x0;
	s13 =	simm.s32 $0x8100;
	s19 =	sadd.s32 s3, s12;
	[tilespmem:s11+$0x8530] =	vst v0  }
0xca: {  	[hbm4b:s19+s20] =	stream.linear.scatter [tilespmem:s13], [sflag:$0xA], $0x4000, $0x38;
	[tilespmem:$0x1C100] =	vst v63  }
0xcb: {  	_ =	swait.ge [sflag:s30], $0x4000  }
0xcc: {  	[sflag:s30] =	ssyncset.done $0x0  }
0xcd: {  	[sflag:s30] =	ssyncadd.s32 $0xFFFFC000  }
0xce: {  	v0 =	vld [tilespmem:s15+$0x7];
	_ =	sdelay $0x4  }
0xcf: {  	(v2sf) =	vpush v0, $0x0;
	_ =	sdelay $0xe  }
0xd0: {  	s21 =	spop (v2sf)  }
0xd1: {  	s11 =	sadd.s32 s6, s21  }
0xd2: {  	s11 =	sshll.u32 s11, $0xB  }
0xd3: {  	s11 =	sand.u32 $0x1FFFF800, s11  }
0xd4: {  	s11 =	sadd.s32 s2, s11  }
0xd5: {  	[tilespmem:s22], [sflag:$0x1] =	stream.linear.gather [hbm4b:s11+s20], $0x4000, $0x38;
	[tilespmem:$0x1C100] =	vst v63  }
0xd6: {  	_ =	swait.ge [sflag:s31], $0x4000  }
0xd7: {  	[sflag:s31] =	ssyncset.done $0x0  }
0xd8: {  	s12 =	sand.u32 $0x380, s20;
	s22 =	sand.u32 $0x3800, s20;
	[sflag:s31] =	ssyncadd.s32 $0xFFFFC000  }
0xd9: {  	s11 =	sor.u32 s12, s22;
	v0 =	vld.msk [tilespmem:s15+$0x83 ss:$0x0], $0xffff  }
0xda: {  	v1 =	vld [tilespmem:s11+$0xC100]  }
0xdb: {  	v2 =	vld [tilespmem:s11+$0xC110]  }
0xdc: {  	v3 =	vld [tilespmem:s11+$0xC120]  }
0xdd: {  	v5 =	vld [tilespmem:s11+$0xC130]  }
0xde: {  	v6 =	vld [tilespmem:s11+$0xC140]  }
0xdf: {  	v4 =	vld [tilespmem:s11+$0xC150];
	v7 =	vmul.f32 v1, v0  }
0xe0: {  	v8 =	vmul.f32 v2, v0;
	v1 =	vld [tilespmem:s11+$0xC160]  }
0xe1: {  	v9 =	vmul.f32 v3, v0;
	v2 =	vld [tilespmem:s11+$0xC170];
	[tilespmem:s11+$0xC100] =	vst v7  }
0xe2: {  	v3 =	vld [tilespmem:s11+$0xC500];
	[tilespmem:s11+$0xC110] =	vst v8;
	v7 =	vmul.f32 v5, v0  }
0xe3: {  	s13 =	simm.s32 $0x80;
	s19 =	simm.s32 $0x100;
	s12 =	sadd.s32 $0x3, s15;
	v6 =	vmul.f32 v6, v0;
	[tilespmem:s11+$0xC120] =	vst v9;
	v5 =	vld [tilespmem:s11+$0xC510]  }
.LBB2_9:
0xe4: {  	s20 =	sand.u32 $0x3800, s19;
	s21 =	sand.u32 $0x380, s13;
	p0 =	sne.s32 s19, $0x3F00;
	[tilespmem:s11+$0xC130] =	vst v7;
	v4 =	vmul.f32 v4, v0;
	v7 =	vld [tilespmem:s11+$0xC520]  }
0xe5: {  	s20 =	sor.u32 s21, s20;
	[tilespmem:s11+$0xC140] =	vst v6;
	v1 =	vmul.f32 v1, v0;
	v6 =	vld [tilespmem:s11+$0xC530]  }
0xe6: {  	v8 =	vld [tilespmem:s20+$0xC100];
	[tilespmem:s11+$0xC150] =	vst v4;
	v2 =	vmul.f32 v2, v0  }
0xe7: {  	v9 =	vld [tilespmem:s20+$0xC110];
	[tilespmem:s11+$0xC160] =	vst v1;
	v1 =	vmul.f32 v3, v0  }
0xe8: {  	v3 =	vld [tilespmem:s20+$0xC120];
	[tilespmem:s11+$0xC170] =	vst v2;
	v2 =	vmul.f32 v5, v0  }
0xe9: {  	v5 =	vld [tilespmem:s20+$0xC130];
	[tilespmem:s11+$0xC500] =	vst v1;
	v1 =	vmul.f32 v7, v0  }
0xea: {  	v10 =	vld [tilespmem:s20+$0xC140];
	[tilespmem:s11+$0xC510] =	vst v2;
	v2 =	vmul.f32 v6, v0  }
.Ltmp3:
0xeb: {  	v6 =	vmul.f32 v8, v0;
	v4 =	vld [tilespmem:s20+$0xC150];
	[tilespmem:s11+$0xC520] =	vst v1;
	(pc) =	sbr.rel @p0 .LBB2_9-.Ltmp3, $4  }
0xec: {  	v7 =	vmul.f32 v9, v0;
	v1 =	vld [tilespmem:s20+$0xC160];
	[tilespmem:s11+$0xC530] =	vst v2;
	s11 =	smov.u32 s20  }
0xed: {  	[tilespmem:s11+$0xC100] =	vst v6;
	v6 =	vmul.f32 v3, v0;
	v2 =	vld [tilespmem:s11+$0xC170]  }
0xee: {  	[tilespmem:s11+$0xC110] =	vst v7;
	v7 =	vmul.f32 v5, v0;
	v3 =	vld [tilespmem:s11+$0xC500]  }
0xef: {  	s13 =	sadd.s32 $0x80, s13;
	s19 =	sadd.s32 $0x100, s19;
	[tilespmem:s11+$0xC120] =	vst v6;
	v6 =	vmul.f32 v10, v0;
	v5 =	vld [tilespmem:s11+$0xC510]  }
0xf0: {  	[tilespmem:s11+$0xC130] =	vst v7;
	v4 =	vmul.f32 v4, v0;
	v7 =	vld [tilespmem:s11+$0xC520]  }
0xf1: {  	[tilespmem:s11+$0xC140] =	vst v6;
	v1 =	vmul.f32 v1, v0;
	v6 =	vld [tilespmem:s11+$0xC530]  }
0xf2: {  	[tilespmem:s11+$0xC150] =	vst v4;
	v2 =	vmul.f32 v2, v0  }
0xf3: {  	[tilespmem:s11+$0xC160] =	vst v1;
	v1 =	vmul.f32 v3, v0  }
0xf4: {  	[tilespmem:s11+$0xC170] =	vst v2;
	v2 =	vmul.f32 v5, v0  }
0xf5: {  	s12 =	sadd.s32 s5, s12;
	[tilespmem:s11+$0xC500] =	vst v1;
	v1 =	vmul.f32 v7, v0  }
0xf6: {  	s12 =	sshll.u32 s12, $0xB;
	[tilespmem:s11+$0xC510] =	vst v2;
	v0 =	vmul.f32 v6, v0  }
0xf7: {  	s12 =	sand.u32 $0x1FFFF800, s12;
	[tilespmem:s11+$0xC520] =	vst v1  }
0xf8: {  	s13 =	simm.s32 $0xC100;
	s22 =	sadd.s32 s3, s12;
	s12 =	simm.s32 $0x0;
	[tilespmem:s11+$0xC530] =	vst v0  }
0xf9: {  	[hbm4b:s22+s12] =	stream.linear.scatter [tilespmem:s13], [sflag:$0xB], $0x4000, $0x38;
	[tilespmem:$0x1C100] =	vst v63  }
0xfa: {  	_ =	swait.ge [sflag:s0], $0x4000  }
0xfb: {  	[sflag:s0] =	ssyncset.done $0x0  }
0xfc: {  	[sflag:s0] =	ssyncadd.s32 $0xFFFFC000  }
0xfd: {  	v0 =	vld [tilespmem:s15+$0x8];
	_ =	sdelay $0x4  }
0xfe: {  	(v2sf) =	vpush v0, $0x0;
	_ =	sdelay $0xe  }
0xff: {  	s19 =	spop (v2sf)  }
0x100: {  	s11 =	sadd.s32 s6, s19  }
0x101: {  	s11 =	sshll.u32 s11, $0xB  }
0x102: {  	s11 =	sand.u32 $0x1FFFF800, s11  }
0x103: {  	s20 =	simm.s32 $0x4100;
	s11 =	sadd.s32 s2, s11  }
0x104: {  	[tilespmem:s20], [sflag:$0x2] =	stream.linear.gather [hbm4b:s11+s12], $0x4000, $0x38;
	[tilespmem:$0x1C100] =	vst v63  }
0x105: {  	_ =	swait.ge [sflag:s1], $0x4000  }
0x106: {  	s21 =	sand.u32 $0x3800, s12;
	s22 =	sand.u32 $0x380, s12;
	[sflag:s1] =	ssyncset.done $0x0  }
0x107: {  	s19 =	sor.u32 s22, s21;
	[sflag:s1] =	ssyncadd.s32 $0xFFFFC000  }
0x108: {  	s11 =	sadd.s32 $0x10100, s19;
	v0 =	vld.msk [tilespmem:s15+$0x84 ss:$0x0], $0xffff  }
0x109: {  	v1 =	vld [tilespmem:s11+$0x40]  }
0x10a: {  	v2 =	vld [tilespmem:s11+$0x60]  }
0x10b: {  	v7 =	vld [tilespmem:s11+$0x430]  }
0x10c: {  	v6 =	vld [tilespmem:s19+$0x10100]  }
0x10d: {  	v5 =	vld [tilespmem:s11+$0x420]  }
0x10e: {  	v4 =	vld [tilespmem:s11+$0x400]  }
0x10f: {  	s13 =	sadd.s32 $0x4, s15;
	s20 =	simm.s32 $0x100;
	v3 =	vld [tilespmem:s11+$0x410]  }
.LBB2_11:
0x110: {  	p0 =	sne.s32 s20, $0x3F00  }
0x111: {  	v8 =	vld [tilespmem:s11+$0x70];
	v7 =	vmul.f32 v7, v0;
	s12 =	sadd.s32 $0x80, s12;
	s21 =	smov.u32 s20;
	s20 =	sadd.s32 $0x100, s20  }
0x112: {  	v2 =	vmul.f32 v2, v0;
	s21 =	sand.u32 $0x3800, s21;
	s22 =	sand.u32 $0x380, s12;
	v6 =	vmul.f32 v6, v0  }
0x113: {  	s21 =	sor.u32 s22, s21;
	v5 =	vmul.f32 v5, v0;
	[tilespmem:s11+$0x430] =	vst v7  }
0x114: {  	[tilespmem:s19+$0x10100] =	vst v6;
	v6 =	vld [tilespmem:s11+$0x50];
	v4 =	vmul.f32 v4, v0;
	s19 =	smov.u32 s21  }
0x115: {  	v1 =	vmul.f32 v1, v0;
	v7 =	vld [tilespmem:s11+$0x30];
	[tilespmem:s11+$0x420] =	vst v5  }
0x116: {  	v3 =	vmul.f32 v3, v0;
	v5 =	vld [tilespmem:s11+$0x10];
	v8 =	vmul.f32 v8, v0;
	[tilespmem:s11+$0x400] =	vst v4  }
0x117: {  	v4 =	vld [tilespmem:s11+$0x20];
	[tilespmem:s11+$0x40] =	vst v1  }
0x118: {  	[tilespmem:s11+$0x70] =	vst v8  }
0x119: {  	v1 =	vmul.f32 v6, v0;
	[tilespmem:s11+$0x410] =	vst v3  }
0x11a: {  	v3 =	vmul.f32 v7, v0;
	[tilespmem:s11+$0x60] =	vst v2  }
0x11b: {  	s21 =	sadd.s32 $0x10100, s19;
	v5 =	vmul.f32 v5, v0;
	[tilespmem:s11+$0x50] =	vst v1  }
0x11c: {  	v1 =	vld [tilespmem:s21+$0x40];
	v4 =	vmul.f32 v4, v0;
	[tilespmem:s11+$0x30] =	vst v3  }
0x11d: {  	v2 =	vld [tilespmem:s21+$0x60];
	[tilespmem:s11+$0x10] =	vst v5  }
.Ltmp4:
0x11e: {  	v7 =	vld [tilespmem:s21+$0x430];
	[tilespmem:s11+$0x20] =	vst v4;
	s11 =	smov.u32 s21;
	(pc) =	sbr.rel @p0 .LBB2_11-.Ltmp4, $4  }
0x11f: {  	v6 =	vld [tilespmem:s19+$0x10100]  }
0x120: {  	v5 =	vld [tilespmem:s11+$0x420]  }
0x121: {  	v4 =	vld [tilespmem:s11+$0x400]  }
0x122: {  	v3 =	vld [tilespmem:s11+$0x410]  }
0x123: {  	v7 =	vmul.f32 v7, v0  }
0x124: {  	v6 =	vmul.f32 v6, v0  }
0x125: {  	v8 =	vld [tilespmem:s11+$0x70];
	v1 =	vmul.f32 v1, v0;
	[tilespmem:s11+$0x430] =	vst v7  }
0x126: {  	v5 =	vmul.f32 v5, v0;
	[tilespmem:s19+$0x10100] =	vst v6;
	v6 =	vld [tilespmem:s11+$0x50]  }
0x127: {  	[tilespmem:s11+$0x40] =	vst v1;
	v4 =	vmul.f32 v4, v0;
	v7 =	vld [tilespmem:s11+$0x30]  }
0x128: {  	v1 =	vmul.f32 v2, v0;
	[tilespmem:s11+$0x420] =	vst v5;
	v5 =	vld [tilespmem:s11+$0x10]  }
0x129: {  	v3 =	vmul.f32 v3, v0;
	[tilespmem:s11+$0x400] =	vst v4;
	v4 =	vld [tilespmem:s11+$0x20]  }
0x12a: {  	[tilespmem:s11+$0x60] =	vst v1;
	v8 =	vmul.f32 v8, v0  }
0x12b: {  	[tilespmem:s11+$0x410] =	vst v3;
	v2 =	vmul.f32 v6, v0  }
0x12c: {  	[tilespmem:s11+$0x70] =	vst v8;
	v3 =	vmul.f32 v7, v0  }
0x12d: {  	s12 =	sadd.s32 s5, s13;
	v1 =	vmul.f32 v5, v0;
	[tilespmem:s11+$0x50] =	vst v2  }
0x12e: {  	s12 =	sshll.u32 s12, $0xB;
	v0 =	vmul.f32 v4, v0;
	[tilespmem:s11+$0x30] =	vst v3  }
0x12f: {  	s12 =	sand.u32 $0x1FFFF800, s12;
	[tilespmem:s11+$0x10] =	vst v1  }
0x130: {  	s13 =	sadd.s32 s3, s12;
	s12 =	simm.s32 $0x0;
	[tilespmem:s11+$0x20] =	vst v0  }
0x131: {  	[hbm4b:s13+s12] =	stream.linear.scatter [tilespmem:s23], [sflag:$0xC], $0x4000, $0x38;
	[tilespmem:$0x1C100] =	vst v63  }
0x132: {  	_ =	swait.ge [sflag:s18], $0x4000  }
0x133: {  	[sflag:s18] =	ssyncset.done $0x0  }
0x134: {  	[sflag:s18] =	ssyncadd.s32 $0xFFFFC000  }
0x135: {  	v0 =	vld [tilespmem:s15+$0x9];
	_ =	sdelay $0x4  }
0x136: {  	(v2sf) =	vpush v0, $0x0;
	_ =	sdelay $0xe  }
0x137: {  	s19 =	spop (v2sf)  }
0x138: {  	s11 =	sadd.s32 s6, s19  }
0x139: {  	s11 =	sshll.u32 s11, $0xB  }
0x13a: {  	s11 =	sand.u32 $0x1FFFF800, s11  }
0x13b: {  	s20 =	simm.s32 $0x8100;
	s11 =	sadd.s32 s2, s11  }
0x13c: {  	[tilespmem:s20], [sflag:$0x3] =	stream.linear.gather [hbm4b:s11+s12], $0x4000, $0x38;
	[tilespmem:$0x1C100] =	vst v63  }
0x13d: {  	_ =	swait.ge [sflag:s7], $0x4000  }
0x13e: {  	s21 =	sand.u32 $0x3800, s12;
	s22 =	sand.u32 $0x380, s12;
	[sflag:s7] =	ssyncset.done $0x0  }
0x13f: {  	s13 =	sor.u32 s22, s21;
	[sflag:s7] =	ssyncadd.s32 $0xFFFFC000  }
0x140: {  	s11 =	sadd.s32 $0x14100, s13;
	v0 =	vld.msk [tilespmem:s17+$0x80 ss:$0x0], $0xffff  }
0x141: {  	v1 =	vld [tilespmem:s11+$0x40]  }
0x142: {  	v2 =	vld [tilespmem:s11+$0x60]  }
0x143: {  	v7 =	vld [tilespmem:s11+$0x430]  }
0x144: {  	v6 =	vld [tilespmem:s13+$0x14100]  }
0x145: {  	v5 =	vld [tilespmem:s11+$0x420]  }
0x146: {  	v4 =	vld [tilespmem:s11+$0x400]  }
0x147: {  	s19 =	simm.s32 $0x100;
	v3 =	vld [tilespmem:s11+$0x410]  }
.LBB2_13:
0x148: {  	p0 =	sne.s32 s19, $0x3F00  }
0x149: {  	v8 =	vld [tilespmem:s11+$0x70];
	v7 =	vmul.f32 v7, v0;
	s12 =	sadd.s32 $0x80, s12;
	s20 =	smov.u32 s19;
	s19 =	sadd.s32 $0x100, s19  }
0x14a: {  	v2 =	vmul.f32 v2, v0;
	s20 =	sand.u32 $0x3800, s20;
	s21 =	sand.u32 $0x380, s12;
	v6 =	vmul.f32 v6, v0  }
0x14b: {  	s20 =	sor.u32 s21, s20;
	v5 =	vmul.f32 v5, v0;
	[tilespmem:s11+$0x430] =	vst v7  }
0x14c: {  	[tilespmem:s13+$0x14100] =	vst v6;
	v6 =	vld [tilespmem:s11+$0x50];
	v4 =	vmul.f32 v4, v0;
	s13 =	smov.u32 s20  }
0x14d: {  	v1 =	vmul.f32 v1, v0;
	v7 =	vld [tilespmem:s11+$0x30];
	[tilespmem:s11+$0x420] =	vst v5  }
0x14e: {  	v3 =	vmul.f32 v3, v0;
	v5 =	vld [tilespmem:s11+$0x10];
	v8 =	vmul.f32 v8, v0;
	[tilespmem:s11+$0x400] =	vst v4  }
0x14f: {  	v4 =	vld [tilespmem:s11+$0x20];
	[tilespmem:s11+$0x40] =	vst v1  }
0x150: {  	[tilespmem:s11+$0x70] =	vst v8  }
0x151: {  	v1 =	vmul.f32 v6, v0;
	[tilespmem:s11+$0x410] =	vst v3  }
0x152: {  	v3 =	vmul.f32 v7, v0;
	[tilespmem:s11+$0x60] =	vst v2  }
0x153: {  	s20 =	sadd.s32 $0x14100, s13;
	v5 =	vmul.f32 v5, v0;
	[tilespmem:s11+$0x50] =	vst v1  }
0x154: {  	v1 =	vld [tilespmem:s20+$0x40];
	v4 =	vmul.f32 v4, v0;
	[tilespmem:s11+$0x30] =	vst v3  }
0x155: {  	v2 =	vld [tilespmem:s20+$0x60];
	[tilespmem:s11+$0x10] =	vst v5  }
.Ltmp5:
0x156: {  	v7 =	vld [tilespmem:s20+$0x430];
	[tilespmem:s11+$0x20] =	vst v4;
	s11 =	smov.u32 s20;
	(pc) =	sbr.rel @p0 .LBB2_13-.Ltmp5, $4  }
0x157: {  	v6 =	vld [tilespmem:s13+$0x14100]  }
0x158: {  	v5 =	vld [tilespmem:s11+$0x420]  }
0x159: {  	v4 =	vld [tilespmem:s11+$0x400]  }
0x15a: {  	v3 =	vld [tilespmem:s11+$0x410]  }
0x15b: {  	v7 =	vmul.f32 v7, v0  }
0x15c: {  	v6 =	vmul.f32 v6, v0  }
0x15d: {  	v8 =	vld [tilespmem:s11+$0x70];
	v1 =	vmul.f32 v1, v0;
	[tilespmem:s11+$0x430] =	vst v7  }
0x15e: {  	v5 =	vmul.f32 v5, v0;
	[tilespmem:s13+$0x14100] =	vst v6;
	v6 =	vld [tilespmem:s11+$0x50]  }
0x15f: {  	[tilespmem:s11+$0x40] =	vst v1;
	v4 =	vmul.f32 v4, v0;
	v7 =	vld [tilespmem:s11+$0x30]  }
0x160: {  	v1 =	vmul.f32 v2, v0;
	[tilespmem:s11+$0x420] =	vst v5;
	v5 =	vld [tilespmem:s11+$0x10]  }
0x161: {  	v3 =	vmul.f32 v3, v0;
	[tilespmem:s11+$0x400] =	vst v4;
	v4 =	vld [tilespmem:s11+$0x20]  }
0x162: {  	[tilespmem:s11+$0x60] =	vst v1;
	v8 =	vmul.f32 v8, v0  }
0x163: {  	[tilespmem:s11+$0x410] =	vst v3;
	v2 =	vmul.f32 v6, v0  }
0x164: {  	[tilespmem:s11+$0x70] =	vst v8;
	v3 =	vmul.f32 v7, v0  }
0x165: {  	s12 =	sadd.s32 s5, s17;
	v1 =	vmul.f32 v5, v0;
	[tilespmem:s11+$0x50] =	vst v2  }
0x166: {  	s12 =	sshll.u32 s12, $0xB;
	v0 =	vmul.f32 v4, v0;
	[tilespmem:s11+$0x30] =	vst v3  }
0x167: {  	s12 =	sand.u32 $0x1FFFF800, s12;
	[tilespmem:s11+$0x10] =	vst v1  }
0x168: {  	s17 =	sadd.s32 s3, s12;
	s12 =	simm.s32 $0x0;
	[tilespmem:s11+$0x20] =	vst v0  }
0x169: {  	[hbm4b:s17+s12] =	stream.linear.scatter [tilespmem:s25], [sflag:$0xD], $0x4000, $0x38;
	[tilespmem:$0x1C100] =	vst v63  }
0x16a: {  	_ =	swait.ge [sflag:s8], $0x4000  }
0x16b: {  	[sflag:s8] =	ssyncset.done $0x0  }
0x16c: {  	[sflag:s8] =	ssyncadd.s32 $0xFFFFC000  }
0x16d: {  	v0 =	vld [tilespmem:s15+$0xA];
	_ =	sdelay $0x4  }
0x16e: {  	(v2sf) =	vpush v0, $0x0;
	_ =	sdelay $0xe  }
0x16f: {  	s19 =	spop (v2sf)  }
0x170: {  	s11 =	sadd.s32 s6, s19  }
0x171: {  	s11 =	sshll.u32 s11, $0xB  }
0x172: {  	s11 =	sand.u32 $0x1FFFF800, s11  }
0x173: {  	s20 =	simm.s32 $0xC100;
	s11 =	sadd.s32 s2, s11  }
0x174: {  	[tilespmem:s20], [sflag:$0x4] =	stream.linear.gather [hbm4b:s11+s12], $0x4000, $0x38;
	[tilespmem:$0x1C100] =	vst v63  }
0x175: {  	_ =	swait.ge [sflag:s9], $0x4000  }
0x176: {  	s21 =	sand.u32 $0x3800, s12;
	s22 =	sand.u32 $0x380, s12;
	[sflag:s9] =	ssyncset.done $0x0  }
0x177: {  	s13 =	sor.u32 s22, s21;
	[sflag:s9] =	ssyncadd.s32 $0xFFFFC000  }
0x178: {  	s11 =	sadd.s32 $0x18100, s13;
	v0 =	vld.msk [tilespmem:s16+$0x80 ss:$0x0], $0xffff  }
0x179: {  	v1 =	vld [tilespmem:s11+$0x40]  }
0x17a: {  	v2 =	vld [tilespmem:s11+$0x60]  }
0x17b: {  	v7 =	vld [tilespmem:s11+$0x430]  }
0x17c: {  	v6 =	vld [tilespmem:s13+$0x18100]  }
0x17d: {  	v5 =	vld [tilespmem:s11+$0x420]  }
0x17e: {  	v4 =	vld [tilespmem:s11+$0x400]  }
0x17f: {  	s22 =	simm.s32 $0x100;
	s17 =	simm.s32 $0x100;
	v3 =	vld [tilespmem:s11+$0x410]  }
.LBB2_15:
0x180: {  	p0 =	sne.s32 s17, $0x3F00  }
0x181: {  	v8 =	vld [tilespmem:s11+$0x70];
	v7 =	vmul.f32 v7, v0;
	s12 =	sadd.s32 $0x80, s12;
	s19 =	smov.u32 s17;
	s17 =	sadd.s32 $0x100, s17  }
0x182: {  	v2 =	vmul.f32 v2, v0;
	s19 =	sand.u32 $0x3800, s19;
	s20 =	sand.u32 $0x380, s12;
	v6 =	vmul.f32 v6, v0  }
0x183: {  	s19 =	sor.u32 s20, s19;
	v5 =	vmul.f32 v5, v0;
	[tilespmem:s11+$0x430] =	vst v7  }
0x184: {  	[tilespmem:s13+$0x18100] =	vst v6;
	v6 =	vld [tilespmem:s11+$0x50];
	v4 =	vmul.f32 v4, v0;
	s13 =	smov.u32 s19  }
0x185: {  	v1 =	vmul.f32 v1, v0;
	v7 =	vld [tilespmem:s11+$0x30];
	[tilespmem:s11+$0x420] =	vst v5  }
0x186: {  	v3 =	vmul.f32 v3, v0;
	v5 =	vld [tilespmem:s11+$0x10];
	v8 =	vmul.f32 v8, v0;
	[tilespmem:s11+$0x400] =	vst v4  }
0x187: {  	v4 =	vld [tilespmem:s11+$0x20];
	[tilespmem:s11+$0x40] =	vst v1  }
0x188: {  	[tilespmem:s11+$0x70] =	vst v8  }
0x189: {  	v1 =	vmul.f32 v6, v0;
	[tilespmem:s11+$0x410] =	vst v3  }
0x18a: {  	v3 =	vmul.f32 v7, v0;
	[tilespmem:s11+$0x60] =	vst v2  }
0x18b: {  	s19 =	sadd.s32 $0x18100, s13;
	v5 =	vmul.f32 v5, v0;
	[tilespmem:s11+$0x50] =	vst v1  }
0x18c: {  	v1 =	vld [tilespmem:s19+$0x40];
	v4 =	vmul.f32 v4, v0;
	[tilespmem:s11+$0x30] =	vst v3  }
0x18d: {  	v2 =	vld [tilespmem:s19+$0x60];
	[tilespmem:s11+$0x10] =	vst v5  }
.Ltmp6:
0x18e: {  	v7 =	vld [tilespmem:s19+$0x430];
	[tilespmem:s11+$0x20] =	vst v4;
	s11 =	smov.u32 s19;
	(pc) =	sbr.rel @p0 .LBB2_15-.Ltmp6, $4  }
0x18f: {  	v6 =	vld [tilespmem:s13+$0x18100]  }
0x190: {  	v5 =	vld [tilespmem:s11+$0x420]  }
0x191: {  	v4 =	vld [tilespmem:s11+$0x400]  }
0x192: {  	v3 =	vld [tilespmem:s11+$0x410]  }
0x193: {  	v7 =	vmul.f32 v7, v0  }
0x194: {  	v6 =	vmul.f32 v6, v0  }
0x195: {  	v8 =	vld [tilespmem:s11+$0x70];
	v1 =	vmul.f32 v1, v0;
	[tilespmem:s11+$0x430] =	vst v7  }
0x196: {  	v54 =	vld [tilespmem:s11+$0x50];
	v58 =	vmul.f32 v2, v0;
	[tilespmem:s13+$0x18100] =	vst v6  }
0x197: {  	v5 =	vmul.f32 v5, v0;
	[tilespmem:s11+$0x40] =	vst v1;
	v55 =	vld [tilespmem:s11+$0x30]  }
0x198: {  	[tilespmem:s11+$0x60] =	vst v58;
	v4 =	vmul.f32 v4, v0;
	v56 =	vld [tilespmem:s11+$0x10]  }
0x199: {  	[tilespmem:s11+$0x420] =	vst v5;
	v57 =	vld [tilespmem:s11+$0x20];
	v3 =	vmul.f32 v3, v0  }
0x19a: {  	v8 =	vmul.f32 v8, v0;
	[tilespmem:s11+$0x400] =	vst v4  }
0x19b: {  	v59 =	vmul.f32 v54, v0;
	[tilespmem:s11+$0x410] =	vst v3  }
0x19c: {  	[tilespmem:s11+$0x70] =	vst v8;
	v60 =	vmul.f32 v55, v0  }
0x19d: {  	s12 =	sadd.s32 s5, s16;
	[tilespmem:s11+$0x50] =	vst v59;
	v61 =	vmul.f32 v56, v0  }
0x19e: {  	s12 =	sshll.u32 s12, $0xB;
	v62 =	vmul.f32 v57, v0;
	[tilespmem:s11+$0x30] =	vst v60  }
0x19f: {  	s12 =	sand.u32 $0x1FFFF800, s12;
	[tilespmem:s11+$0x10] =	vst v61  }
0x1a0: {  	s20 =	sadd.s32 s3, s12;
	[tilespmem:s11+$0x20] =	vst v62  }
0x1a1: {  	[hbm4b:s20+s4] =	stream.linear.scatter [tilespmem:s28], [sflag:$0xE], $0x4000, $0x38;
	[tilespmem:$0x1C100] =	vst v63  }
0x1a2: {  	_ =	swait.ge [sflag:s10], $0x4000  }
0x1a3: {  	[sflag:s10] =	ssyncset.done $0x0  }
0x1a4: {  	[sflag:s10] =	ssyncadd.s32 $0xFFFFC000  }
0x1a5: {  	v63 =	vld [tilespmem:s15+$0xB];
	_ =	sdelay $0x4  }
0x1a6: {  	(v2sf) =	vpush v63, $0x0;
	_ =	sdelay $0xd  }
0x1a7: {  	s14 =	sadd.s32 $0x1, s14  }
0x1a8: {  	p0 =	sne.s32 s14, $0xD;
	s21 =	spop (v2sf)  }
.Ltmp7:
0x1a9: {  	s11 =	sadd.s32 s6, s21;
	(pc) =	sbr.rel @p0 .LBB2_2-.Ltmp7, $4  }
0x1aa: {  	s11 =	sshll.u32 s11, $0xB  }
0x1ab: {  	s11 =	sand.u32 $0x1FFFF800, s11  }
0x1ac: {  	s11 =	sadd.s32 s2, s11  }
0x1ad: {  	[tilespmem:s23], [sflag:$0x5] =	stream.linear.gather [hbm4b:s11+s4], $0x4000, $0x38;
	[tilespmem:$0x1C100] =	vst v63  }
0x1ae: {  	_ =	swait.ge [sflag:s24], $0x4000  }
0x1af: {  	s11 =	simm.s32 $0x0;
	[sflag:s24] =	ssyncset.done $0x0  }
0x1b0: {  	s12 =	sand.u32 $0x3800, s11;
	s11 =	sand.u32 $0x380, s11;
	[sflag:s24] =	ssyncadd.s32 $0xFFFFC000  }
0x1b1: {  	s11 =	sor.u32 s11, s12;
	v0 =	vld.msk [tilespmem:$0xDB ss:$0x0], $0xffff  }
0x1b2: {  	v1 =	vld [tilespmem:s11+$0x100]  }
0x1b3: {  	v2 =	vld [tilespmem:s11+$0x110]  }
0x1b4: {  	v3 =	vld [tilespmem:s11+$0x120]  }
0x1b5: {  	v5 =	vld [tilespmem:s11+$0x130]  }
0x1b6: {  	v6 =	vld [tilespmem:s11+$0x140]  }
0x1b7: {  	v4 =	vld [tilespmem:s11+$0x150];
	v7 =	vmul.f32 v1, v0  }
0x1b8: {  	v8 =	vmul.f32 v2, v0;
	v1 =	vld [tilespmem:s11+$0x160]  }
0x1b9: {  	v9 =	vmul.f32 v3, v0;
	v2 =	vld [tilespmem:s11+$0x170];
	[tilespmem:s11+$0x100] =	vst v7  }
0x1ba: {  	v3 =	vld [tilespmem:s11+$0x500];
	[tilespmem:s11+$0x110] =	vst v8;
	v7 =	vmul.f32 v5, v0  }
0x1bb: {  	s13 =	simm.s32 $0x100;
	s12 =	simm.s32 $0x80;
	v6 =	vmul.f32 v6, v0;
	[tilespmem:s11+$0x120] =	vst v9;
	v5 =	vld [tilespmem:s11+$0x510]  }
.LBB2_18:
0x1bc: {  	s14 =	sand.u32 $0x3800, s13;
	s15 =	sand.u32 $0x380, s12;
	p0 =	sne.s32 s13, $0x3F00;
	[tilespmem:s11+$0x130] =	vst v7;
	v4 =	vmul.f32 v4, v0;
	v7 =	vld [tilespmem:s11+$0x520]  }
0x1bd: {  	s14 =	sor.u32 s15, s14;
	[tilespmem:s11+$0x140] =	vst v6;
	v1 =	vmul.f32 v1, v0;
	v6 =	vld [tilespmem:s11+$0x530]  }
0x1be: {  	v8 =	vld [tilespmem:s14+$0x100];
	[tilespmem:s11+$0x150] =	vst v4;
	v2 =	vmul.f32 v2, v0  }
0x1bf: {  	v9 =	vld [tilespmem:s14+$0x110];
	[tilespmem:s11+$0x160] =	vst v1;
	v1 =	vmul.f32 v3, v0  }
0x1c0: {  	v3 =	vld [tilespmem:s14+$0x120];
	[tilespmem:s11+$0x170] =	vst v2;
	v2 =	vmul.f32 v5, v0  }
0x1c1: {  	v5 =	vld [tilespmem:s14+$0x130];
	[tilespmem:s11+$0x500] =	vst v1;
	v1 =	vmul.f32 v7, v0  }
0x1c2: {  	v10 =	vld [tilespmem:s14+$0x140];
	[tilespmem:s11+$0x510] =	vst v2;
	v2 =	vmul.f32 v6, v0  }
.Ltmp8:
0x1c3: {  	v6 =	vmul.f32 v8, v0;
	v4 =	vld [tilespmem:s14+$0x150];
	[tilespmem:s11+$0x520] =	vst v1;
	(pc) =	sbr.rel @p0 .LBB2_18-.Ltmp8, $4  }
0x1c4: {  	v7 =	vmul.f32 v9, v0;
	v1 =	vld [tilespmem:s14+$0x160];
	[tilespmem:s11+$0x530] =	vst v2;
	s11 =	smov.u32 s14  }
0x1c5: {  	[tilespmem:s11+$0x100] =	vst v6;
	v6 =	vmul.f32 v3, v0;
	v2 =	vld [tilespmem:s11+$0x170]  }
0x1c6: {  	[tilespmem:s11+$0x110] =	vst v7;
	v7 =	vmul.f32 v5, v0;
	v3 =	vld [tilespmem:s11+$0x500]  }
0x1c7: {  	s12 =	sadd.s32 $0x80, s12;
	s13 =	sadd.s32 $0x100, s13;
	[tilespmem:s11+$0x120] =	vst v6;
	v6 =	vmul.f32 v10, v0;
	v5 =	vld [tilespmem:s11+$0x510]  }
0x1c8: {  	[tilespmem:s11+$0x130] =	vst v7;
	v4 =	vmul.f32 v4, v0;
	v7 =	vld [tilespmem:s11+$0x520]  }
0x1c9: {  	[tilespmem:s11+$0x140] =	vst v6;
	v1 =	vmul.f32 v1, v0;
	v6 =	vld [tilespmem:s11+$0x530]  }
0x1ca: {  	[tilespmem:s11+$0x150] =	vst v4;
	v2 =	vmul.f32 v2, v0  }
0x1cb: {  	[tilespmem:s11+$0x160] =	vst v1;
	v1 =	vmul.f32 v3, v0  }
0x1cc: {  	[tilespmem:s11+$0x170] =	vst v2;
	v2 =	vmul.f32 v5, v0  }
0x1cd: {  	[tilespmem:s11+$0x500] =	vst v1;
	v1 =	vmul.f32 v7, v0  }
0x1ce: {  	[tilespmem:s11+$0x510] =	vst v2;
	v0 =	vmul.f32 v6, v0  }
0x1cf: {  	[tilespmem:s11+$0x520] =	vst v1  }
0x1d0: {  	s19 =	simm.s32 $0x0;
	s12 =	rddreg [dreg:$0x6];
	s17 =	simm.s32 $0xD;
	[tilespmem:s11+$0x530] =	vst v0  }
0x1d1: {  	[hbm4b:s12+s19] =	stream.linear.scatter [tilespmem:s22], [sflag:$0x8], $0x4000, $0x38;
	[tilespmem:$0x1C100] =	vst v63  }
0x1d2: {  	_ =	swait.ge [sflag:s17], $0x4000  }
0x1d3: {  	[sflag:s17] =	ssyncset.done $0x0  }
0x1d4: {  	[sflag:s17] =	ssyncadd.s32 $0xFFFFC000  }
0x1d5: {  	v0 =	vld [tilespmem:$0x60];
	_ =	sdelay $0x4  }
0x1d6: {  	(v2sf) =	vpush v0, $0x0;
	_ =	sdelay $0xe  }
0x1d7: {  	s20 =	spop (v2sf)  }
0x1d8: {  	s12 =	sadd.s32 s6, s20  }
0x1d9: {  	s12 =	sshll.u32 s12, $0xB  }
0x1da: {  	s12 =	sand.u32 $0x1FFFF800, s12  }
0x1db: {  	s12 =	sadd.s32 s2, s12  }
0x1dc: {  	[tilespmem:s25], [sflag:$0x6] =	stream.linear.gather [hbm4b:s12+s19], $0x4000, $0x38;
	[tilespmem:$0x1C100] =	vst v63  }
0x1dd: {  	_ =	swait.ge [sflag:s26], $0x4000  }
0x1de: {  	[sflag:s26] =	ssyncset.done $0x0  }
0x1df: {  	s21 =	sand.u32 $0x3800, s19;
	s11 =	sand.u32 $0x380, s19;
	[sflag:s26] =	ssyncadd.s32 $0xFFFFC000  }
0x1e0: {  	s11 =	sor.u32 s11, s21;
	v0 =	vld.msk [tilespmem:$0xDC ss:$0x0], $0xffff  }
0x1e1: {  	v1 =	vld [tilespmem:s11+$0x4100]  }
0x1e2: {  	v2 =	vld [tilespmem:s11+$0x4110]  }
0x1e3: {  	v3 =	vld [tilespmem:s11+$0x4120]  }
0x1e4: {  	v5 =	vld [tilespmem:s11+$0x4130]  }
0x1e5: {  	v6 =	vld [tilespmem:s11+$0x4140]  }
0x1e6: {  	v4 =	vld [tilespmem:s11+$0x4150];
	v7 =	vmul.f32 v1, v0  }
0x1e7: {  	v8 =	vmul.f32 v2, v0;
	v1 =	vld [tilespmem:s11+$0x4160]  }
0x1e8: {  	v9 =	vmul.f32 v3, v0;
	v2 =	vld [tilespmem:s11+$0x4170];
	[tilespmem:s11+$0x4100] =	vst v7  }
0x1e9: {  	v3 =	vld [tilespmem:s11+$0x4500];
	[tilespmem:s11+$0x4110] =	vst v8;
	v7 =	vmul.f32 v5, v0  }
0x1ea: {  	s13 =	simm.s32 $0x100;
	s12 =	simm.s32 $0x80;
	s19 =	simm.s32 $0xE;
	v6 =	vmul.f32 v6, v0;
	[tilespmem:s11+$0x4120] =	vst v9;
	v5 =	vld [tilespmem:s11+$0x4510]  }
.LBB2_20:
0x1eb: {  	s14 =	sand.u32 $0x3800, s13;
	s15 =	sand.u32 $0x380, s12;
	p0 =	sne.s32 s13, $0x3F00;
	[tilespmem:s11+$0x4130] =	vst v7;
	v4 =	vmul.f32 v4, v0;
	v7 =	vld [tilespmem:s11+$0x4520]  }
0x1ec: {  	s14 =	sor.u32 s15, s14;
	[tilespmem:s11+$0x4140] =	vst v6;
	v1 =	vmul.f32 v1, v0;
	v6 =	vld [tilespmem:s11+$0x4530]  }
0x1ed: {  	v8 =	vld [tilespmem:s14+$0x4100];
	[tilespmem:s11+$0x4150] =	vst v4;
	v2 =	vmul.f32 v2, v0  }
0x1ee: {  	v9 =	vld [tilespmem:s14+$0x4110];
	[tilespmem:s11+$0x4160] =	vst v1;
	v1 =	vmul.f32 v3, v0  }
0x1ef: {  	v3 =	vld [tilespmem:s14+$0x4120];
	[tilespmem:s11+$0x4170] =	vst v2;
	v2 =	vmul.f32 v5, v0  }
0x1f0: {  	v5 =	vld [tilespmem:s14+$0x4130];
	[tilespmem:s11+$0x4500] =	vst v1;
	v1 =	vmul.f32 v7, v0  }
0x1f1: {  	v10 =	vld [tilespmem:s14+$0x4140];
	[tilespmem:s11+$0x4510] =	vst v2;
	v2 =	vmul.f32 v6, v0  }
.Ltmp9:
0x1f2: {  	v6 =	vmul.f32 v8, v0;
	v4 =	vld [tilespmem:s14+$0x4150];
	[tilespmem:s11+$0x4520] =	vst v1;
	(pc) =	sbr.rel @p0 .LBB2_20-.Ltmp9, $4  }
0x1f3: {  	v7 =	vmul.f32 v9, v0;
	v1 =	vld [tilespmem:s14+$0x4160];
	[tilespmem:s11+$0x4530] =	vst v2;
	s11 =	smov.u32 s14  }
0x1f4: {  	[tilespmem:s11+$0x4100] =	vst v6;
	v6 =	vmul.f32 v3, v0;
	v2 =	vld [tilespmem:s11+$0x4170]  }
0x1f5: {  	[tilespmem:s11+$0x4110] =	vst v7;
	v7 =	vmul.f32 v5, v0;
	v3 =	vld [tilespmem:s11+$0x4500]  }
0x1f6: {  	s12 =	sadd.s32 $0x80, s12;
	s13 =	sadd.s32 $0x100, s13;
	[tilespmem:s11+$0x4120] =	vst v6;
	v6 =	vmul.f32 v10, v0;
	v5 =	vld [tilespmem:s11+$0x4510]  }
0x1f7: {  	[tilespmem:s11+$0x4130] =	vst v7;
	v4 =	vmul.f32 v4, v0;
	v7 =	vld [tilespmem:s11+$0x4520]  }
0x1f8: {  	[tilespmem:s11+$0x4140] =	vst v6;
	v1 =	vmul.f32 v1, v0;
	v6 =	vld [tilespmem:s11+$0x4530]  }
0x1f9: {  	[tilespmem:s11+$0x4150] =	vst v4;
	v2 =	vmul.f32 v2, v0  }
0x1fa: {  	[tilespmem:s11+$0x4160] =	vst v1;
	v1 =	vmul.f32 v3, v0  }
0x1fb: {  	[tilespmem:s11+$0x4170] =	vst v2;
	v2 =	vmul.f32 v5, v0  }
0x1fc: {  	[tilespmem:s11+$0x4500] =	vst v1;
	v1 =	vmul.f32 v7, v0  }
0x1fd: {  	[tilespmem:s11+$0x4510] =	vst v2;
	v0 =	vmul.f32 v6, v0  }
0x1fe: {  	[tilespmem:s11+$0x4520] =	vst v1  }
0x1ff: {  	s16 =	simm.s32 $0x0;
	s12 =	rddreg [dreg:$0x7];
	s13 =	simm.s32 $0x4100;
	[tilespmem:s11+$0x4530] =	vst v0  }
0x200: {  	[hbm4b:s12+s16] =	stream.linear.scatter [tilespmem:s13], [sflag:$0x9], $0x4000, $0x38;
	[tilespmem:$0x1C100] =	vst v63  }
0x201: {  	_ =	swait.ge [sflag:s19], $0x4000  }
0x202: {  	[sflag:s19] =	ssyncset.done $0x0  }
0x203: {  	[sflag:s19] =	ssyncadd.s32 $0xFFFFC000  }
0x204: {  	v0 =	vld [tilespmem:$0x61];
	_ =	sdelay $0x4  }
0x205: {  	(v2sf) =	vpush v0, $0x0;
	_ =	sdelay $0xe  }
0x206: {  	s20 =	spop (v2sf)  }
0x207: {  	s12 =	sadd.s32 s6, s20  }
0x208: {  	s12 =	sshll.u32 s12, $0xB  }
0x209: {  	s12 =	sand.u32 $0x1FFFF800, s12  }
0x20a: {  	s12 =	sadd.s32 s2, s12  }
0x20b: {  	[tilespmem:s28], [sflag:$0x7] =	stream.linear.gather [hbm4b:s12+s16], $0x4000, $0x38;
	[tilespmem:$0x1C100] =	vst v63  }
0x20c: {  	_ =	swait.ge [sflag:s29], $0x4000  }
0x20d: {  	[sflag:s29] =	ssyncset.done $0x0  }
0x20e: {  	s21 =	sand.u32 $0x3800, s16;
	s11 =	sand.u32 $0x380, s16;
	[sflag:s29] =	ssyncadd.s32 $0xFFFFC000  }
0x20f: {  	s11 =	sor.u32 s11, s21;
	v0 =	vld.msk [tilespmem:$0xDD ss:$0x0], $0xffff  }
0x210: {  	v1 =	vld [tilespmem:s11+$0x8100]  }
0x211: {  	v2 =	vld [tilespmem:s11+$0x8110]  }
0x212: {  	v3 =	vld [tilespmem:s11+$0x8120]  }
0x213: {  	v5 =	vld [tilespmem:s11+$0x8130]  }
0x214: {  	v6 =	vld [tilespmem:s11+$0x8140]  }
0x215: {  	v4 =	vld [tilespmem:s11+$0x8150];
	v7 =	vmul.f32 v1, v0  }
0x216: {  	v8 =	vmul.f32 v2, v0;
	v1 =	vld [tilespmem:s11+$0x8160]  }
0x217: {  	v9 =	vmul.f32 v3, v0;
	v2 =	vld [tilespmem:s11+$0x8170];
	[tilespmem:s11+$0x8100] =	vst v7  }
0x218: {  	v3 =	vld [tilespmem:s11+$0x8500];
	[tilespmem:s11+$0x8110] =	vst v8;
	v7 =	vmul.f32 v5, v0  }
0x219: {  	s13 =	simm.s32 $0x100;
	s12 =	simm.s32 $0x80;
	v6 =	vmul.f32 v6, v0;
	[tilespmem:s11+$0x8120] =	vst v9;
	v5 =	vld [tilespmem:s11+$0x8510]  }
.LBB2_22:
0x21a: {  	s14 =	sand.u32 $0x3800, s13;
	s15 =	sand.u32 $0x380, s12;
	p0 =	sne.s32 s13, $0x3F00;
	[tilespmem:s11+$0x8130] =	vst v7;
	v4 =	vmul.f32 v4, v0;
	v7 =	vld [tilespmem:s11+$0x8520]  }
0x21b: {  	s14 =	sor.u32 s15, s14;
	[tilespmem:s11+$0x8140] =	vst v6;
	v1 =	vmul.f32 v1, v0;
	v6 =	vld [tilespmem:s11+$0x8530]  }
0x21c: {  	v8 =	vld [tilespmem:s14+$0x8100];
	[tilespmem:s11+$0x8150] =	vst v4;
	v2 =	vmul.f32 v2, v0  }
0x21d: {  	v9 =	vld [tilespmem:s14+$0x8110];
	[tilespmem:s11+$0x8160] =	vst v1;
	v1 =	vmul.f32 v3, v0  }
0x21e: {  	v3 =	vld [tilespmem:s14+$0x8120];
	[tilespmem:s11+$0x8170] =	vst v2;
	v2 =	vmul.f32 v5, v0  }
0x21f: {  	v5 =	vld [tilespmem:s14+$0x8130];
	[tilespmem:s11+$0x8500] =	vst v1;
	v1 =	vmul.f32 v7, v0  }
0x220: {  	v10 =	vld [tilespmem:s14+$0x8140];
	[tilespmem:s11+$0x8510] =	vst v2;
	v2 =	vmul.f32 v6, v0  }
.Ltmp10:
0x221: {  	v6 =	vmul.f32 v8, v0;
	v4 =	vld [tilespmem:s14+$0x8150];
	[tilespmem:s11+$0x8520] =	vst v1;
	(pc) =	sbr.rel @p0 .LBB2_22-.Ltmp10, $4  }
0x222: {  	v7 =	vmul.f32 v9, v0;
	v1 =	vld [tilespmem:s14+$0x8160];
	[tilespmem:s11+$0x8530] =	vst v2;
	s11 =	smov.u32 s14  }
0x223: {  	[tilespmem:s11+$0x8100] =	vst v6;
	v6 =	vmul.f32 v3, v0;
	v2 =	vld [tilespmem:s11+$0x8170]  }
0x224: {  	[tilespmem:s11+$0x8110] =	vst v7;
	v7 =	vmul.f32 v5, v0;
	v3 =	vld [tilespmem:s11+$0x8500]  }
0x225: {  	s12 =	sadd.s32 $0x80, s12;
	s13 =	sadd.s32 $0x100, s13;
	[tilespmem:s11+$0x8120] =	vst v6;
	v6 =	vmul.f32 v10, v0;
	v5 =	vld [tilespmem:s11+$0x8510]  }
0x226: {  	[tilespmem:s11+$0x8130] =	vst v7;
	v4 =	vmul.f32 v4, v0;
	v7 =	vld [tilespmem:s11+$0x8520]  }
0x227: {  	[tilespmem:s11+$0x8140] =	vst v6;
	v1 =	vmul.f32 v1, v0;
	v6 =	vld [tilespmem:s11+$0x8530]  }
0x228: {  	[tilespmem:s11+$0x8150] =	vst v4;
	v2 =	vmul.f32 v2, v0  }
0x229: {  	[tilespmem:s11+$0x8160] =	vst v1;
	v1 =	vmul.f32 v3, v0  }
0x22a: {  	[tilespmem:s11+$0x8170] =	vst v2;
	v2 =	vmul.f32 v5, v0  }
0x22b: {  	[tilespmem:s11+$0x8500] =	vst v1;
	v1 =	vmul.f32 v7, v0  }
0x22c: {  	[tilespmem:s11+$0x8510] =	vst v2;
	v0 =	vmul.f32 v6, v0  }
0x22d: {  	[tilespmem:s11+$0x8520] =	vst v1  }
0x22e: {  	s20 =	simm.s32 $0x0;
	s12 =	rddreg [dreg:$0x8];
	s13 =	simm.s32 $0x8100;
	[tilespmem:s11+$0x8530] =	vst v0  }
0x22f: {  	[hbm4b:s12+s20] =	stream.linear.scatter [tilespmem:s13], [sflag:$0xA], $0x4000, $0x38;
	[tilespmem:$0x1C100] =	vst v63  }
0x230: {  	_ =	swait.ge [sflag:s31], $0x4000  }
0x231: {  	[sflag:s31] =	ssyncset.done $0x0  }
0x232: {  	s21 =	sand.u32 $0x3800, s20;
	s11 =	sand.u32 $0x380, s20;
	[sflag:s31] =	ssyncadd.s32 $0xFFFFC000  }
0x233: {  	s11 =	sor.u32 s11, s21;
	v0 =	vld.msk [tilespmem:$0xDE ss:$0x0], $0xffff  }
0x234: {  	v1 =	vld [tilespmem:s11+$0xC100]  }
0x235: {  	v2 =	vld [tilespmem:s11+$0xC110]  }
0x236: {  	v3 =	vld [tilespmem:s11+$0xC120]  }
0x237: {  	v5 =	vld [tilespmem:s11+$0xC130]  }
0x238: {  	v6 =	vld [tilespmem:s11+$0xC140]  }
0x239: {  	v4 =	vld [tilespmem:s11+$0xC150];
	v7 =	vmul.f32 v1, v0  }
0x23a: {  	v8 =	vmul.f32 v2, v0;
	v1 =	vld [tilespmem:s11+$0xC160]  }
0x23b: {  	v9 =	vmul.f32 v3, v0;
	v2 =	vld [tilespmem:s11+$0xC170];
	[tilespmem:s11+$0xC100] =	vst v7  }
0x23c: {  	v3 =	vld [tilespmem:s11+$0xC500];
	[tilespmem:s11+$0xC110] =	vst v8;
	v7 =	vmul.f32 v5, v0  }
0x23d: {  	s12 =	simm.s32 $0x80;
	s13 =	simm.s32 $0x100;
	v6 =	vmul.f32 v6, v0;
	[tilespmem:s11+$0xC120] =	vst v9;
	v5 =	vld [tilespmem:s11+$0xC510]  }
.LBB2_24:
0x23e: {  	s14 =	sand.u32 $0x3800, s13;
	s15 =	sand.u32 $0x380, s12;
	p0 =	sne.s32 s13, $0x3F00;
	[tilespmem:s11+$0xC130] =	vst v7;
	v4 =	vmul.f32 v4, v0;
	v7 =	vld [tilespmem:s11+$0xC520]  }
0x23f: {  	s14 =	sor.u32 s15, s14;
	[tilespmem:s11+$0xC140] =	vst v6;
	v1 =	vmul.f32 v1, v0;
	v6 =	vld [tilespmem:s11+$0xC530]  }
0x240: {  	v8 =	vld [tilespmem:s14+$0xC100];
	[tilespmem:s11+$0xC150] =	vst v4;
	v2 =	vmul.f32 v2, v0  }
0x241: {  	v9 =	vld [tilespmem:s14+$0xC110];
	[tilespmem:s11+$0xC160] =	vst v1;
	v1 =	vmul.f32 v3, v0  }
0x242: {  	v3 =	vld [tilespmem:s14+$0xC120];
	[tilespmem:s11+$0xC170] =	vst v2;
	v2 =	vmul.f32 v5, v0  }
0x243: {  	v5 =	vld [tilespmem:s14+$0xC130];
	[tilespmem:s11+$0xC500] =	vst v1;
	v1 =	vmul.f32 v7, v0  }
0x244: {  	v10 =	vld [tilespmem:s14+$0xC140];
	[tilespmem:s11+$0xC510] =	vst v2;
	v2 =	vmul.f32 v6, v0  }
.Ltmp11:
0x245: {  	v6 =	vmul.f32 v8, v0;
	v4 =	vld [tilespmem:s14+$0xC150];
	[tilespmem:s11+$0xC520] =	vst v1;
	(pc) =	sbr.rel @p0 .LBB2_24-.Ltmp11, $4  }
0x246: {  	v7 =	vmul.f32 v9, v0;
	v1 =	vld [tilespmem:s14+$0xC160];
	[tilespmem:s11+$0xC530] =	vst v2;
	s11 =	smov.u32 s14  }
0x247: {  	[tilespmem:s11+$0xC100] =	vst v6;
	v6 =	vmul.f32 v3, v0;
	v2 =	vld [tilespmem:s11+$0xC170]  }
0x248: {  	[tilespmem:s11+$0xC110] =	vst v7;
	v7 =	vmul.f32 v5, v0;
	v3 =	vld [tilespmem:s11+$0xC500]  }
0x249: {  	s12 =	sadd.s32 $0x80, s12;
	s13 =	sadd.s32 $0x100, s13;
	[tilespmem:s11+$0xC120] =	vst v6;
	v6 =	vmul.f32 v10, v0;
	v5 =	vld [tilespmem:s11+$0xC510]  }
0x24a: {  	[tilespmem:s11+$0xC130] =	vst v7;
	v4 =	vmul.f32 v4, v0;
	v7 =	vld [tilespmem:s11+$0xC520]  }
0x24b: {  	[tilespmem:s11+$0xC140] =	vst v6;
	v1 =	vmul.f32 v1, v0;
	v6 =	vld [tilespmem:s11+$0xC530]  }
0x24c: {  	[tilespmem:s11+$0xC150] =	vst v4;
	v2 =	vmul.f32 v2, v0  }
0x24d: {  	[tilespmem:s11+$0xC160] =	vst v1;
	v1 =	vmul.f32 v3, v0  }
0x24e: {  	[tilespmem:s11+$0xC170] =	vst v2;
	v2 =	vmul.f32 v5, v0  }
0x24f: {  	[tilespmem:s11+$0xC500] =	vst v1;
	v1 =	vmul.f32 v7, v0  }
0x250: {  	[tilespmem:s11+$0xC510] =	vst v2;
	v0 =	vmul.f32 v6, v0  }
0x251: {  	[tilespmem:s11+$0xC520] =	vst v1  }
0x252: {  	s12 =	simm.s32 $0x0;
	s16 =	rddreg [dreg:$0x9];
	s13 =	simm.s32 $0xC100;
	[tilespmem:s11+$0xC530] =	vst v0  }
0x253: {  	[hbm4b:s16+s12] =	stream.linear.scatter [tilespmem:s13], [sflag:$0xB], $0x4000, $0x38;
	[tilespmem:$0x1C100] =	vst v63  }
0x254: {  	_ =	swait.ge [sflag:s1], $0x4000  }
0x255: {  	s20 =	sand.u32 $0x3800, s12;
	s21 =	sand.u32 $0x380, s12;
	[sflag:s1] =	ssyncset.done $0x0  }
0x256: {  	s13 =	sor.u32 s21, s20;
	[sflag:s1] =	ssyncadd.s32 $0xFFFFC000  }
0x257: {  	s11 =	sadd.s32 $0x10100, s13;
	v0 =	vld.msk [tilespmem:$0xDF ss:$0x0], $0xffff  }
0x258: {  	v1 =	vld [tilespmem:s11+$0x40]  }
0x259: {  	v2 =	vld [tilespmem:s11+$0x60]  }
0x25a: {  	v7 =	vld [tilespmem:s11+$0x430]  }
0x25b: {  	v6 =	vld [tilespmem:s13+$0x10100]  }
0x25c: {  	v5 =	vld [tilespmem:s11+$0x420]  }
0x25d: {  	v4 =	vld [tilespmem:s11+$0x400]  }
0x25e: {  	s14 =	simm.s32 $0x100;
	v3 =	vld [tilespmem:s11+$0x410]  }
.LBB2_26:
0x25f: {  	p0 =	sne.s32 s14, $0x3F00  }
0x260: {  	v8 =	vld [tilespmem:s11+$0x70];
	v7 =	vmul.f32 v7, v0;
	s12 =	sadd.s32 $0x80, s12;
	s15 =	smov.u32 s14;
	s14 =	sadd.s32 $0x100, s14  }
0x261: {  	v2 =	vmul.f32 v2, v0;
	s15 =	sand.u32 $0x3800, s15;
	s16 =	sand.u32 $0x380, s12;
	v6 =	vmul.f32 v6, v0  }
0x262: {  	s15 =	sor.u32 s16, s15;
	v5 =	vmul.f32 v5, v0;
	[tilespmem:s11+$0x430] =	vst v7  }
0x263: {  	[tilespmem:s13+$0x10100] =	vst v6;
	v6 =	vld [tilespmem:s11+$0x50];
	v4 =	vmul.f32 v4, v0;
	s13 =	smov.u32 s15  }
0x264: {  	v1 =	vmul.f32 v1, v0;
	v7 =	vld [tilespmem:s11+$0x30];
	[tilespmem:s11+$0x420] =	vst v5  }
0x265: {  	v3 =	vmul.f32 v3, v0;
	v5 =	vld [tilespmem:s11+$0x10];
	v8 =	vmul.f32 v8, v0;
	[tilespmem:s11+$0x400] =	vst v4  }
0x266: {  	v4 =	vld [tilespmem:s11+$0x20];
	[tilespmem:s11+$0x40] =	vst v1  }
0x267: {  	[tilespmem:s11+$0x70] =	vst v8  }
0x268: {  	v1 =	vmul.f32 v6, v0;
	[tilespmem:s11+$0x410] =	vst v3  }
0x269: {  	v3 =	vmul.f32 v7, v0;
	[tilespmem:s11+$0x60] =	vst v2  }
0x26a: {  	s15 =	sadd.s32 $0x10100, s13;
	v5 =	vmul.f32 v5, v0;
	[tilespmem:s11+$0x50] =	vst v1  }
0x26b: {  	v1 =	vld [tilespmem:s15+$0x40];
	v4 =	vmul.f32 v4, v0;
	[tilespmem:s11+$0x30] =	vst v3  }
0x26c: {  	v2 =	vld [tilespmem:s15+$0x60];
	[tilespmem:s11+$0x10] =	vst v5  }
.Ltmp12:
0x26d: {  	v7 =	vld [tilespmem:s15+$0x430];
	[tilespmem:s11+$0x20] =	vst v4;
	s11 =	smov.u32 s15;
	(pc) =	sbr.rel @p0 .LBB2_26-.Ltmp12, $4  }
0x26e: {  	v6 =	vld [tilespmem:s13+$0x10100]  }
0x26f: {  	v5 =	vld [tilespmem:s11+$0x420]  }
0x270: {  	v4 =	vld [tilespmem:s11+$0x400]  }
0x271: {  	v3 =	vld [tilespmem:s11+$0x410]  }
0x272: {  	v7 =	vmul.f32 v7, v0  }
0x273: {  	v6 =	vmul.f32 v6, v0  }
0x274: {  	v8 =	vld [tilespmem:s11+$0x70];
	v1 =	vmul.f32 v1, v0;
	[tilespmem:s11+$0x430] =	vst v7  }
0x275: {  	v5 =	vmul.f32 v5, v0;
	[tilespmem:s13+$0x10100] =	vst v6;
	v6 =	vld [tilespmem:s11+$0x50]  }
0x276: {  	[tilespmem:s11+$0x40] =	vst v1;
	v4 =	vmul.f32 v4, v0;
	v7 =	vld [tilespmem:s11+$0x30]  }
0x277: {  	v1 =	vmul.f32 v2, v0;
	[tilespmem:s11+$0x420] =	vst v5;
	v5 =	vld [tilespmem:s11+$0x10]  }
0x278: {  	v3 =	vmul.f32 v3, v0;
	[tilespmem:s11+$0x400] =	vst v4;
	v4 =	vld [tilespmem:s11+$0x20]  }
0x279: {  	[tilespmem:s11+$0x60] =	vst v1;
	v8 =	vmul.f32 v8, v0  }
0x27a: {  	[tilespmem:s11+$0x410] =	vst v3;
	v2 =	vmul.f32 v6, v0  }
0x27b: {  	[tilespmem:s11+$0x70] =	vst v8;
	v3 =	vmul.f32 v7, v0  }
0x27c: {  	v1 =	vmul.f32 v5, v0;
	[tilespmem:s11+$0x50] =	vst v2  }
0x27d: {  	v0 =	vmul.f32 v4, v0;
	[tilespmem:s11+$0x30] =	vst v3  }
0x27e: {  	[tilespmem:s11+$0x10] =	vst v1  }
0x27f: {  	s12 =	simm.s32 $0x0;
	s16 =	rddreg [dreg:$0xa];
	[tilespmem:s11+$0x20] =	vst v0  }
0x280: {  	[hbm4b:s16+s12] =	stream.linear.scatter [tilespmem:s23], [sflag:$0xC], $0x4000, $0x38;
	[tilespmem:$0x1C100] =	vst v63  }
0x281: {  	_ =	swait.ge [sflag:s7], $0x4000  }
0x282: {  	s20 =	sand.u32 $0x3800, s12;
	s21 =	sand.u32 $0x380, s12;
	[sflag:s7] =	ssyncset.done $0x0  }
0x283: {  	s13 =	sor.u32 s21, s20;
	[sflag:s7] =	ssyncadd.s32 $0xFFFFC000  }
0x284: {  	s11 =	sadd.s32 $0x14100, s13;
	v0 =	vld.msk [tilespmem:$0xE0 ss:$0x0], $0xffff  }
0x285: {  	v1 =	vld [tilespmem:s11+$0x40]  }
0x286: {  	v2 =	vld [tilespmem:s11+$0x60]  }
0x287: {  	v7 =	vld [tilespmem:s11+$0x430]  }
0x288: {  	v6 =	vld [tilespmem:s13+$0x14100]  }
0x289: {  	v5 =	vld [tilespmem:s11+$0x420]  }
0x28a: {  	v4 =	vld [tilespmem:s11+$0x400]  }
0x28b: {  	s14 =	simm.s32 $0x100;
	v3 =	vld [tilespmem:s11+$0x410]  }
.LBB2_28:
0x28c: {  	p0 =	sne.s32 s14, $0x3F00  }
0x28d: {  	v8 =	vld [tilespmem:s11+$0x70];
	v7 =	vmul.f32 v7, v0;
	s12 =	sadd.s32 $0x80, s12;
	s15 =	smov.u32 s14;
	s14 =	sadd.s32 $0x100, s14  }
0x28e: {  	v2 =	vmul.f32 v2, v0;
	s15 =	sand.u32 $0x3800, s15;
	s16 =	sand.u32 $0x380, s12;
	v6 =	vmul.f32 v6, v0  }
0x28f: {  	s15 =	sor.u32 s16, s15;
	v5 =	vmul.f32 v5, v0;
	[tilespmem:s11+$0x430] =	vst v7  }
0x290: {  	[tilespmem:s13+$0x14100] =	vst v6;
	v6 =	vld [tilespmem:s11+$0x50];
	v4 =	vmul.f32 v4, v0;
	s13 =	smov.u32 s15  }
0x291: {  	v1 =	vmul.f32 v1, v0;
	v7 =	vld [tilespmem:s11+$0x30];
	[tilespmem:s11+$0x420] =	vst v5  }
0x292: {  	v3 =	vmul.f32 v3, v0;
	v5 =	vld [tilespmem:s11+$0x10];
	v8 =	vmul.f32 v8, v0;
	[tilespmem:s11+$0x400] =	vst v4  }
0x293: {  	v4 =	vld [tilespmem:s11+$0x20];
	[tilespmem:s11+$0x40] =	vst v1  }
0x294: {  	[tilespmem:s11+$0x70] =	vst v8  }
0x295: {  	v1 =	vmul.f32 v6, v0;
	[tilespmem:s11+$0x410] =	vst v3  }
0x296: {  	v3 =	vmul.f32 v7, v0;
	[tilespmem:s11+$0x60] =	vst v2  }
0x297: {  	s15 =	sadd.s32 $0x14100, s13;
	v5 =	vmul.f32 v5, v0;
	[tilespmem:s11+$0x50] =	vst v1  }
0x298: {  	v1 =	vld [tilespmem:s15+$0x40];
	v4 =	vmul.f32 v4, v0;
	[tilespmem:s11+$0x30] =	vst v3  }
0x299: {  	v2 =	vld [tilespmem:s15+$0x60];
	[tilespmem:s11+$0x10] =	vst v5  }
.Ltmp13:
0x29a: {  	v7 =	vld [tilespmem:s15+$0x430];
	[tilespmem:s11+$0x20] =	vst v4;
	s11 =	smov.u32 s15;
	(pc) =	sbr.rel @p0 .LBB2_28-.Ltmp13, $4  }
0x29b: {  	v6 =	vld [tilespmem:s13+$0x14100]  }
0x29c: {  	v5 =	vld [tilespmem:s11+$0x420]  }
0x29d: {  	v4 =	vld [tilespmem:s11+$0x400]  }
0x29e: {  	v3 =	vld [tilespmem:s11+$0x410]  }
0x29f: {  	v7 =	vmul.f32 v7, v0  }
0x2a0: {  	v6 =	vmul.f32 v6, v0  }
0x2a1: {  	v8 =	vld [tilespmem:s11+$0x70];
	v1 =	vmul.f32 v1, v0;
	[tilespmem:s11+$0x430] =	vst v7  }
0x2a2: {  	v5 =	vmul.f32 v5, v0;
	[tilespmem:s13+$0x14100] =	vst v6;
	v6 =	vld [tilespmem:s11+$0x50]  }
0x2a3: {  	[tilespmem:s11+$0x40] =	vst v1;
	v4 =	vmul.f32 v4, v0;
	v7 =	vld [tilespmem:s11+$0x30]  }
0x2a4: {  	v1 =	vmul.f32 v2, v0;
	[tilespmem:s11+$0x420] =	vst v5;
	v5 =	vld [tilespmem:s11+$0x10]  }
0x2a5: {  	v3 =	vmul.f32 v3, v0;
	[tilespmem:s11+$0x400] =	vst v4;
	v4 =	vld [tilespmem:s11+$0x20]  }
0x2a6: {  	[tilespmem:s11+$0x60] =	vst v1;
	v8 =	vmul.f32 v8, v0  }
0x2a7: {  	[tilespmem:s11+$0x410] =	vst v3;
	v2 =	vmul.f32 v6, v0  }
0x2a8: {  	[tilespmem:s11+$0x70] =	vst v8;
	v3 =	vmul.f32 v7, v0  }
0x2a9: {  	v1 =	vmul.f32 v5, v0;
	[tilespmem:s11+$0x50] =	vst v2  }
0x2aa: {  	v0 =	vmul.f32 v4, v0;
	[tilespmem:s11+$0x30] =	vst v3  }
0x2ab: {  	[tilespmem:s11+$0x10] =	vst v1  }
0x2ac: {  	s12 =	simm.s32 $0x0;
	s16 =	rddreg [dreg:$0xb];
	[tilespmem:s11+$0x20] =	vst v0  }
0x2ad: {  	[hbm4b:s16+s12] =	stream.linear.scatter [tilespmem:s25], [sflag:$0xD], $0x4000, $0x38;
	[tilespmem:$0x1C100] =	vst v63  }
0x2ae: {  	_ =	swait.ge [sflag:s9], $0x4000  }
0x2af: {  	s20 =	sand.u32 $0x3800, s12;
	s21 =	sand.u32 $0x380, s12;
	[sflag:s9] =	ssyncset.done $0x0  }
0x2b0: {  	s13 =	sor.u32 s21, s20;
	[sflag:s9] =	ssyncadd.s32 $0xFFFFC000  }
0x2b1: {  	s11 =	sadd.s32 $0x18100, s13;
	v0 =	vld.msk [tilespmem:$0xE1 ss:$0x0], $0xffff  }
0x2b2: {  	v1 =	vld [tilespmem:s11+$0x40]  }
0x2b3: {  	v2 =	vld [tilespmem:s11+$0x60]  }
0x2b4: {  	v7 =	vld [tilespmem:s11+$0x430]  }
0x2b5: {  	v6 =	vld [tilespmem:s13+$0x18100]  }
0x2b6: {  	v5 =	vld [tilespmem:s11+$0x420]  }
0x2b7: {  	v4 =	vld [tilespmem:s11+$0x400]  }
0x2b8: {  	s14 =	simm.s32 $0x100;
	v3 =	vld [tilespmem:s11+$0x410]  }
.LBB2_30:
0x2b9: {  	p0 =	sne.s32 s14, $0x3F00  }
0x2ba: {  	v8 =	vld [tilespmem:s11+$0x70];
	v7 =	vmul.f32 v7, v0;
	s12 =	sadd.s32 $0x80, s12;
	s15 =	smov.u32 s14;
	s14 =	sadd.s32 $0x100, s14  }
0x2bb: {  	v2 =	vmul.f32 v2, v0;
	s15 =	sand.u32 $0x3800, s15;
	s16 =	sand.u32 $0x380, s12;
	v6 =	vmul.f32 v6, v0  }
0x2bc: {  	s15 =	sor.u32 s16, s15;
	v5 =	vmul.f32 v5, v0;
	[tilespmem:s11+$0x430] =	vst v7  }
0x2bd: {  	[tilespmem:s13+$0x18100] =	vst v6;
	v6 =	vld [tilespmem:s11+$0x50];
	v4 =	vmul.f32 v4, v0;
	s13 =	smov.u32 s15  }
0x2be: {  	v1 =	vmul.f32 v1, v0;
	v7 =	vld [tilespmem:s11+$0x30];
	[tilespmem:s11+$0x420] =	vst v5  }
0x2bf: {  	v3 =	vmul.f32 v3, v0;
	v5 =	vld [tilespmem:s11+$0x10];
	v8 =	vmul.f32 v8, v0;
	[tilespmem:s11+$0x400] =	vst v4  }
0x2c0: {  	v4 =	vld [tilespmem:s11+$0x20];
	[tilespmem:s11+$0x40] =	vst v1  }
0x2c1: {  	[tilespmem:s11+$0x70] =	vst v8  }
0x2c2: {  	v1 =	vmul.f32 v6, v0;
	[tilespmem:s11+$0x410] =	vst v3  }
0x2c3: {  	v3 =	vmul.f32 v7, v0;
	[tilespmem:s11+$0x60] =	vst v2  }
0x2c4: {  	s15 =	sadd.s32 $0x18100, s13;
	v5 =	vmul.f32 v5, v0;
	[tilespmem:s11+$0x50] =	vst v1  }
0x2c5: {  	v1 =	vld [tilespmem:s15+$0x40];
	v4 =	vmul.f32 v4, v0;
	[tilespmem:s11+$0x30] =	vst v3  }
0x2c6: {  	v2 =	vld [tilespmem:s15+$0x60];
	[tilespmem:s11+$0x10] =	vst v5  }
.Ltmp14:
0x2c7: {  	v7 =	vld [tilespmem:s15+$0x430];
	[tilespmem:s11+$0x20] =	vst v4;
	s11 =	smov.u32 s15;
	(pc) =	sbr.rel @p0 .LBB2_30-.Ltmp14, $4  }
0x2c8: {  	v6 =	vld [tilespmem:s13+$0x18100]  }
0x2c9: {  	v5 =	vld [tilespmem:s11+$0x420]  }
0x2ca: {  	v4 =	vld [tilespmem:s11+$0x400]  }
0x2cb: {  	v3 =	vld [tilespmem:s11+$0x410]  }
0x2cc: {  	v7 =	vmul.f32 v7, v0  }
0x2cd: {  	v6 =	vmul.f32 v6, v0  }
0x2ce: {  	v8 =	vld [tilespmem:s11+$0x70];
	v1 =	vmul.f32 v1, v0;
	[tilespmem:s11+$0x430] =	vst v7  }
0x2cf: {  	v55 =	vld [tilespmem:s11+$0x50];
	v59 =	vmul.f32 v2, v0;
	[tilespmem:s13+$0x18100] =	vst v6  }
0x2d0: {  	v5 =	vmul.f32 v5, v0;
	[tilespmem:s11+$0x40] =	vst v1;
	v56 =	vld [tilespmem:s11+$0x30]  }
0x2d1: {  	[tilespmem:s11+$0x60] =	vst v59;
	v4 =	vmul.f32 v4, v0;
	v57 =	vld [tilespmem:s11+$0x10]  }
0x2d2: {  	[tilespmem:s11+$0x420] =	vst v5;
	v58 =	vld [tilespmem:s11+$0x20];
	v3 =	vmul.f32 v3, v0  }
0x2d3: {  	v8 =	vmul.f32 v8, v0;
	[tilespmem:s11+$0x400] =	vst v4  }
0x2d4: {  	v60 =	vmul.f32 v55, v0;
	[tilespmem:s11+$0x410] =	vst v3  }
0x2d5: {  	[tilespmem:s11+$0x70] =	vst v8;
	v61 =	vmul.f32 v56, v0  }
0x2d6: {  	[tilespmem:s11+$0x50] =	vst v60;
	v62 =	vmul.f32 v57, v0  }
0x2d7: {  	v63 =	vmul.f32 v58, v0;
	[tilespmem:s11+$0x30] =	vst v61  }
0x2d8: {  	[tilespmem:s11+$0x10] =	vst v62  }
0x2d9: {  	s20 =	rddreg [dreg:$0xc];
	[tilespmem:s11+$0x20] =	vst v63  }
0x2da: {  	[hbm4b:s20+s4] =	stream.linear.scatter [tilespmem:s28], [sflag:$0xE], $0x4000, $0x38;
	[tilespmem:$0x1C100] =	vst v63  }
0x2db: {  	_ =	swait.ge [sflag:s30], $0x4000  }
0x2dc: {  	[sflag:s30] =	ssyncset.done $0x0  }
0x2dd: {  	[sflag:s30] =	ssyncadd.s32 $0xFFFFC000  }
0x2de: {  	_ =	swait.ge [sflag:s0], $0x4000  }
0x2df: {  	[sflag:s0] =	ssyncset.done $0x0  }
0x2e0: {  	[sflag:s0] =	ssyncadd.s32 $0xFFFFC000  }
0x2e1: {  	_ =	swait.ge [sflag:s18], $0x4000  }
0x2e2: {  	[sflag:s18] =	ssyncset.done $0x0  }
0x2e3: {  	[sflag:s18] =	ssyncadd.s32 $0xFFFFC000  }
0x2e4: {  	_ =	swait.ge [sflag:s8], $0x4000  }
0x2e5: {  	[sflag:s8] =	ssyncset.done $0x0  }
0x2e6: {  	[sflag:s8] =	ssyncadd.s32 $0xFFFFC000  }
0x2e7: {  	_ =	swait.ge [sflag:s10], $0x4000  }
0x2e8: {  	[sflag:s10] =	ssyncset.done $0x0  }
0x2e9: {  	[sflag:s10] =	ssyncadd.s32 $0xFFFFC000  }
0x2ea: {  	_ =	swait.ge [sflag:s17], $0x4000  }
0x2eb: {  	[sflag:s17] =	ssyncset.done $0x0  }
0x2ec: {  	[sflag:s17] =	ssyncadd.s32 $0xFFFFC000  }
0x2ed: {  	_ =	swait.ge [sflag:s19], $0x4000  }
0x2ee: {  	s12 =	rddreg [dreg:$0xe]  }
0x2ef: {  	s21 =	rddreg [dreg:$0xd];
	s12 =	sadd.s32 $0x1, s12  }
0x2f0: {  	p0 =	sne.s32 s12, s21  }
.Ltmp15:
0x2f1: {  	_ = 	snop;
	(pc) =	sbr.rel @p0 .LBB2_1-.Ltmp15, $3  }
0x2f2: {  	_ =	sdelay $0x1  }
0x2f3: {  	[sflag:s19] =	ssyncset.done $0x0  }
0x2f4: {  	[sflag:s19] =	ssyncadd.s32 $0xFFFFC000  }
0x2f5: {  	_ =	sfence.sel $0x180000  }
0x2f6: {  	[bflag:$0x0] =	sbarrier.arrive $0xFFFF  }
0x2f7: {  	_ =	strace $0x90000047  }
0x2f8: {  	s0 =	stileid.u32;
	[bflag:$0x2] =	sbarrier.arrive $0xFFFF  }
0x2f9: {  	p0 =	sne.s32 s0, $0x0;
	s0 =	rddreg [dreg:$0x3]  }
0x2fa: {  	s0 =	sadd.s32 @!p0 $0x100000, s0  }
0x2fb: {  	[sflag:s0] =	ssyncadd.tile.s32 @!p0 $0x1;
	_ =	shalt  }
.Lfunc_end2:
_tile_overlayer_lowered:
.L_overlay_start_2:
0x2fc: {  	(tag) =	ssettag $0x2  }
0x2fd: {  	s0 =	rddreg [dreg:$0x0];
	s2 =	stileid.u32  }
0x2fe: {  	s1 =	rddreg [dreg:$0x1];
	p0 =	sne.s32 s2, $0x0  }
0x2ff: {  	s3 =	rddreg [dreg:$0x2];
	[bflag:$0x3] =	sbarrier.arrive $0xFFFF;
	s2 =	simm.s32 @!p0 $0x1C0F  }
0x300: {  	[timem:s3], [sflag:s2] =	dma.local @!p0 [hbm:s0], s1  }
0x301: {  	s0 =	simm.s32 @!p0 $0xF  }
0x302: {  	_ =	swait.ge @!p0 [sflag:s0], s1  }
0x303: {  	s1 =	ssub.s32 @!p0 $0x0, s1;
	[sflag:s0] =	ssyncset.done @!p0 $0x0  }
0x304: {  	[sflag:s0] =	ssyncadd.s32 @!p0 s1  }
0x305: {  	[bflag:$0x3] =	sbarrier.arrive $0xFFFF  }
0x306: {  	_ =	shalt  }

</sc_bundles>
